<compile_context>
chip_gen: v7x
topology: tpu7x:2x2x1
jax: 0.10.2.dev20260603
libtpu: 0.0.44.dev20260713+nightly
codegen_flags: <defaults>
</compile_context>

<pallas_src>
import functools

import jax
import jax.numpy as jnp
from jax import lax
from jax.experimental import pallas as pl
from jax.experimental.pallas import tpu as pltpu
from jax.experimental.pallas import tpu_sc as plsc

N = 10000
E = 160000
D_IN = 128
H1 = 640
H2 = 320
D_OUT = 128

N_PAD = 10240
E_PAD = 163840
CHUNK = 128
CH_PER_TILE = 40
EPT = CHUNK * CH_PER_TILE
ROWS_PER_TILE = N_PAD // 16
NBUF = 2

_MESH = plsc.VectorSubcoreMesh(core_axis_name="c", subcore_axis_name="s")


def _elu(v):
    return jnp.where(v > 0, v, jnp.exp(v) - 1.0)


@functools.partial(
    pl.kernel,
    out_type=jax.ShapeDtypeStruct((2, 2, N_PAD, 16), jnp.float32),
    mesh=_MESH,
    compiler_params=pltpu.CompilerParams(use_tc_tiling_on_sc=False),
    scratch_types=[
        pltpu.VMEM((CH_PER_TILE, CHUNK), jnp.int32),
        pltpu.VMEM((CH_PER_TILE, CHUNK), jnp.int32),
        pltpu.VMEM((CHUNK, 16), jnp.float32),
        pltpu.VMEM_SHARED((N_PAD, 16), jnp.float32),
        pltpu.VMEM_SHARED((N_PAD, 16), jnp.float32),
    ],
)
def _sc_degrees(src_hbm, dst_hbm, out_hbm,
                src_v, dst_v, fill_v, ds_sh, dd_sh):
    c = lax.axis_index("c")
    s = lax.axis_index("s")
    wid = c * 16 + s

    pltpu.sync_copy(src_hbm.at[pl.ds(wid * CH_PER_TILE, CH_PER_TILE)], src_v)
    pltpu.sync_copy(dst_hbm.at[pl.ds(wid * CH_PER_TILE, CH_PER_TILE)], dst_v)

    def _fill(val):
        vec = jnp.full((16,), val, jnp.float32)

        def _frow(r, _):
            fill_v[r, pl.ds(0, 16)] = vec
            return 0

        lax.fori_loop(0, CHUNK, _frow, 0)

    _fill(0.0)
    for z in range(ROWS_PER_TILE // CHUNK):
        r0 = s * ROWS_PER_TILE + z * CHUNK
        pltpu.sync_copy(fill_v, ds_sh.at[pl.ds(r0, CHUNK)])
        pltpu.sync_copy(fill_v, dd_sh.at[pl.ds(r0, CHUNK)])
    _fill(1.0)
    plsc.subcore_barrier()

    def _edge_chunk(j, _):
        pltpu.sync_copy(fill_v, ds_sh.at[src_v.at[j]], add=True)
        pltpu.sync_copy(fill_v, dd_sh.at[dst_v.at[j]], add=True)
        return 0

    lax.fori_loop(0, CH_PER_TILE, _edge_chunk, 0)
    plsc.subcore_barrier()

    rows = pl.ds(s * ROWS_PER_TILE, ROWS_PER_TILE)
    pltpu.sync_copy(ds_sh.at[rows], out_hbm.at[c, 0, rows])
    pltpu.sync_copy(dd_sh.at[rows], out_hbm.at[c, 1, rows])


def _make_sc_agg(n_tab, w=128, tiled=True):
    params = (pltpu.CompilerParams() if tiled
              else pltpu.CompilerParams(use_tc_tiling_on_sc=False))

    @functools.partial(
        pl.kernel,
        out_type=jax.ShapeDtypeStruct((n_tab, 2, N_PAD, w), jnp.float32),
        mesh=_MESH,
        compiler_params=params,
        scratch_types=[
            pltpu.VMEM((CH_PER_TILE, CHUNK), jnp.int32),
            pltpu.VMEM((CH_PER_TILE, CHUNK), jnp.int32),
            pltpu.VMEM((NBUF, CHUNK, w), jnp.float32),
            pltpu.VMEM_SHARED((N_PAD, w), jnp.float32),
            pltpu.SemaphoreType.DMA((NBUF,)),
            pltpu.SemaphoreType.DMA((NBUF,)),
        ],
    )
    def _sc_agg(h_hbm, src_hbm, dst_hbm, out_hbm,
                src_v, dst_v, rows_v, acc_sh, gsems, ssems):
        c = lax.axis_index("c")
        s = lax.axis_index("s")
        wid = c * 16 + s

        pltpu.sync_copy(src_hbm.at[pl.ds(wid * CH_PER_TILE, CH_PER_TILE)],
                        src_v)
        pltpu.sync_copy(dst_hbm.at[pl.ds(wid * CH_PER_TILE, CH_PER_TILE)],
                        dst_v)

        zero16 = jnp.zeros((16,), jnp.float32)

        def _zrow(r, _):
            def _zcol(q, _):
                rows_v[0, r, pl.ds(q * 16, 16)] = zero16
                return 0
            lax.fori_loop(0, w // 16, _zcol, 0)
            return 0

        lax.fori_loop(0, CHUNK, _zrow, 0)

        my_rows = pl.ds(s * ROWS_PER_TILE, ROWS_PER_TILE)

        for t in range(n_tab):
            for z in range(ROWS_PER_TILE // CHUNK):
                r0 = s * ROWS_PER_TILE + z * CHUNK
                pltpu.sync_copy(rows_v.at[0], acc_sh.at[pl.ds(r0, CHUNK)])
            plsc.subcore_barrier()

            def _burst(base, nb):
                gd = [pltpu.async_copy(h_hbm.at[t].at[src_v.at[base + b]],
                                       rows_v.at[b], gsems.at[b])
                      for b in range(nb)]
                sd = []
                for b in range(nb):
                    gd[b].wait()
                    sd.append(pltpu.async_copy(
                        rows_v.at[b], acc_sh.at[dst_v.at[base + b]],
                        ssems.at[b], add=True))
                for b in range(nb):
                    sd[b].wait()

            def _step(st, _):
                _burst(st * NBUF, NBUF)
                return 0

            n_steps = CH_PER_TILE // NBUF
            lax.fori_loop(0, n_steps, _step, 0)
            if CH_PER_TILE % NBUF:
                _burst(n_steps * NBUF, CH_PER_TILE % NBUF)
            plsc.subcore_barrier()

            pltpu.sync_copy(acc_sh.at[my_rows], out_hbm.at[t, c, my_rows])
            if t + 1 < n_tab:
                plsc.subcore_barrier()

            if t + 1 < n_tab:
                lax.fori_loop(0, CHUNK, _zrow, 0)

    return _sc_agg


_sc_agg1 = _make_sc_agg(1)
_sc_agg2 = _make_sc_agg(2)
_sc_agg64 = _make_sc_agg(1, w=64, tiled=False)


BN = 1000
GRID = N // BN

_row_spec = lambda wdt: pl.BlockSpec((BN, wdt), lambda i: (i, 0))
_vec_spec = pl.BlockSpec((BN, 1), lambda i: (i, 0))
_h1_spec = pl.BlockSpec((1, BN, D_IN), lambda i: (0, i, 0))
_y2_spec = pl.BlockSpec((2, BN, 128), lambda i: (0, i, 0))
_p2_spec = pl.BlockSpec((2, BN, 128), lambda i: (0, i, 0))
_p22_spec = pl.BlockSpec((2, 2, BN, 128), lambda i: (0, 0, i, 0))
_pc_spec = pl.BlockSpec((2, BN, 64), lambda i: (0, i, 0))
_deg_spec = pl.BlockSpec((2, BN, 1), lambda i: (0, i, 0))


def _full(shape):
    nd = len(shape)
    return pl.BlockSpec(shape, lambda i: (0,) * nd)


def _tc0_body(f_ref, od_ref, id_ref, wres_ref, bres_ref,
              ns_ref, nd_ref, h1_ref, res_ref):
    od = od_ref[0] + od_ref[1]
    ig = id_ref[0] + id_ref[1]
    ns = lax.rsqrt(jnp.where(od > 0, od, 1.0))
    nd = lax.rsqrt(jnp.where(ig > 0, ig, 1.0))
    ns_ref[...] = ns
    nd_ref[...] = nd
    f = f_ref[...]
    h1_ref[0] = f * ns
    r = jnp.dot(f, wres_ref[...], preferred_element_type=jnp.float32)
    res_ref[...] = _elu(r + bres_ref[...][None, :])


def _tc0(f, od2, id2, Wres, bres):
    return pl.pallas_call(
        _tc0_body,
        grid=(GRID,),
        in_specs=[_row_spec(D_IN), _deg_spec, _deg_spec,
                  _full((D_IN, D_OUT)), _full((D_OUT,))],
        out_specs=[_vec_spec, _vec_spec, _h1_spec, _row_spec(D_OUT)],
        out_shape=[
            jax.ShapeDtypeStruct((N, 1), jnp.float32),
            jax.ShapeDtypeStruct((N, 1), jnp.float32),
            jax.ShapeDtypeStruct((1, N, D_IN), jnp.float32),
            jax.ShapeDtypeStruct((N, D_OUT), jnp.float32),
        ],
    )(f, od2, id2, Wres, bres)


def _tc1_body(p_ref, nd_ref, ns_ref, w1_ref, b1_ref, w2s_ref, w2c_ref,
              y2_ref, y2c_ref):
    a1 = (p_ref[0] + p_ref[1]) * nd_ref[...]
    x1 = _elu(jnp.dot(a1, w1_ref[...], preferred_element_type=jnp.float32)
              + b1_ref[...][None, :])
    x1n = x1 * ns_ref[...]
    for t in range(2):
        y2_ref[t] = jnp.dot(x1n, w2s_ref[t],
                            preferred_element_type=jnp.float32)
    y2c_ref[0] = jnp.dot(x1n, w2c_ref[...],
                         preferred_element_type=jnp.float32)


def _tc1(p1, nd, ns, W1, b1, W2s, W2c):
    return pl.pallas_call(
        _tc1_body,
        grid=(GRID,),
        in_specs=[_p2_spec, _vec_spec, _vec_spec,
                  _full((D_IN, H1)), _full((H1,)), _full((2, H1, 128)),
                  _full((H1, 64))],
        out_specs=[_y2_spec, pl.BlockSpec((1, BN, 64), lambda i: (0, i, 0))],
        out_shape=[jax.ShapeDtypeStruct((2, N, 128), jnp.float32),
                   jax.ShapeDtypeStruct((1, N, 64), jnp.float32)],
    )(p1, nd, ns, W1, b1, W2s, W2c)


def _tc2_body(p_ref, pc_ref, nd_ref, ns_ref, b2s_ref, b2c_ref,
              w3s_ref, w3c_ref, y3_ref):
    nd = nd_ref[...]
    ns = ns_ref[...]
    acc = None
    for t in range(2):
        x2 = _elu((p_ref[t, 0] + p_ref[t, 1]) * nd + b2s_ref[t][None, :])
        d = jnp.dot(x2 * ns, w3s_ref[t], preferred_element_type=jnp.float32)
        acc = d if acc is None else acc + d
    x2c = _elu((pc_ref[0] + pc_ref[1]) * nd + b2c_ref[...][None, :])
    y3_ref[0] = acc + jnp.dot(x2c * ns, w3c_ref[...],
                              preferred_element_type=jnp.float32)


def _tc2(p2, p2c, nd, ns, b2s, b2c, W3s, W3c):
    return pl.pallas_call(
        _tc2_body,
        grid=(GRID,),
        in_specs=[_p22_spec, _pc_spec, _vec_spec, _vec_spec,
                  _full((2, 128)), _full((64,)),
                  _full((2, 128, D_OUT)), _full((64, D_OUT))],
        out_specs=[_h1_spec],
        out_shape=[jax.ShapeDtypeStruct((1, N, D_OUT), jnp.float32)],
    )(p2, p2c, nd, ns, b2s, b2c, W3s, W3c)[0]


def _tc3_body(p_ref, nd_ref, b3_ref, out_ref):
    out_ref[...] = ((p_ref[0] + p_ref[1]) * nd_ref[...]
                    + b3_ref[...][None, :])


def _tc3(p3, nd, b3):
    return pl.pallas_call(
        _tc3_body,
        grid=(GRID,),
        in_specs=[_p2_spec, _vec_spec, _full((D_OUT,))],
        out_specs=[_row_spec(D_OUT)],
        out_shape=[jax.ShapeDtypeStruct((N, D_OUT), jnp.float32)],
    )(p3, nd, b3)[0]


def kernel(features, edge_index, W1, b1, W2, b2, W3, b3, Wres, bres):
    pad_e = E_PAD - E
    dummy = N + (jnp.arange(pad_e, dtype=jnp.int32) % (N_PAD - N))
    src_r = edge_index[0].astype(jnp.int32)
    dst_r = edge_index[1].astype(jnp.int32)
    shape2 = (E_PAD // CHUNK, CHUNK)
    src_deg = jnp.concatenate([src_r, dummy]).reshape(shape2)
    src_agg = jnp.concatenate(
        [src_r, jnp.arange(pad_e, dtype=jnp.int32) % N]).reshape(shape2)
    dst = jnp.concatenate([dst_r, dummy]).reshape(shape2)

    deg = _sc_degrees(src_deg, dst)
    od2 = deg[:, 0, :, :1]
    id2 = deg[:, 1, :, :1]

    ns, nd, h1, res = _tc0(features, od2, id2, Wres, bres)

    p1 = _sc_agg1(h1, src_agg, dst)
    W2s = jnp.stack([W2[:, :128], W2[:, 128:256]])
    y2, y2c = _tc1(p1[0], nd, ns, W1, b1, W2s, W2[:, 256:])

    p2 = _sc_agg2(y2, src_agg, dst)
    p2c = _sc_agg64(y2c, src_agg, dst)
    b2s = jnp.stack([b2[:128], b2[128:256]])
    W3s = jnp.stack([W3[:128], W3[128:256]])
    y3 = _tc2(p2, p2c[0], nd, ns, b2s, b2[256:], W3s, W3[256:])

    p3 = _sc_agg1(y3, src_agg, dst)
    x = _tc3(p3[0], nd, b3)
    return (x, res)

# --- scband reference (transcript-rebuilt; emitter-appended) ---
"""Pipeline reference for scband-mgcnexpert-70531952935575 (READ-ONLY COPY).

The authoritative reference and input builder live on the scoring server;
editing this copy changes nothing except your own understanding.
"""

import jax, jax.numpy as jnp
import numpy as np

N = 10000
E = 160000
D_IN = 128
H1 = 640
H2 = 320
D_OUT = 128


def setup_inputs(seed: int = 0) -> dict:
    key = jax.random.key(seed)
    ks = jax.random.split(key, 12)
    features = jax.random.normal(ks[0], (N, D_IN), dtype=jnp.float32)
    edge_index = jax.random.randint(ks[1], (2, E), 0, N)
    s = 0.05
    W1 = jax.random.normal(ks[2], (D_IN, H1), dtype=jnp.float32) * s
    b1 = jnp.zeros((H1,), dtype=jnp.float32)
    W2 = jax.random.normal(ks[3], (H1, H2), dtype=jnp.float32) * s
    b2 = jnp.zeros((H2,), dtype=jnp.float32)
    W3 = jax.random.normal(ks[4], (H2, D_OUT), dtype=jnp.float32) * s
    b3 = jnp.zeros((D_OUT,), dtype=jnp.float32)
    Wres = jax.random.normal(ks[5], (D_IN, D_OUT), dtype=jnp.float32) * s
    bres = jnp.zeros((D_OUT,), dtype=jnp.float32)
    return {"features": features, "edge_index": edge_index,
            "W1": W1, "b1": b1, "W2": W2, "b2": b2, "W3": W3, "b3": b3,
            "Wres": Wres, "bres": bres}


def _graph_conv(x, src, dst, W, b, n):
    # DGL GraphConv with norm='both', allow_zero_in_degree=True
    out_deg = jnp.zeros((n,), x.dtype).at[src].add(1.0)
    norm_src = jnp.where(out_deg > 0, out_deg, 1.0) ** -0.5
    h = x * norm_src[:, None]
    msg = jnp.take(h, src, axis=0)
    agg = jnp.zeros((n, x.shape[1]), x.dtype).at[dst].add(msg)
    in_deg = jnp.zeros((n,), x.dtype).at[dst].add(1.0)
    norm_dst = jnp.where(in_deg > 0, in_deg, 1.0) ** -0.5
    agg = agg * norm_dst[:, None]
    return agg @ W + b


def reference(features, edge_index, W1, b1, W2, b2, W3, b3, Wres, bres):
    src = edge_index[0]
    dst = edge_index[1]
    elu = jax.nn.elu
    # dropout in eval mode -> identity
    res = elu(features @ Wres + bres)
    x = elu(_graph_conv(features, src, dst, W1, b1, N))
    x = elu(_graph_conv(x, src, dst, W2, b2, N))
    x = _graph_conv(x, src, dst, W3, b3, N)
    return (x, res)

if __name__ == "__main__":
    import jax
    _d = setup_inputs()
    print(jax.jit(kernel)(*tuple(_d.values())))

</pallas_src>

<mosaic_0001>
#map = affine_map<(d0, d1) -> (0, 0, 0)>
#map1 = affine_map<(d0, d1) -> (0, 0)>
#map2 = affine_map<(d0, d1) -> (0, 0, 0, 0)>
module attributes {stable_mosaic.version = 14 : i64} {
  func.func @_sc_agg(%arg0: i32, %arg1: i32, %arg2: memref<2x10000x128xf32, #tpu.memory_space<hbm>>, %arg3: memref<1280x128xi32, #tpu.memory_space<hbm>>, %arg4: memref<1280x128xi32, #tpu.memory_space<hbm>>, %arg5: memref<2x2x10240x128xf32, #tpu.memory_space<hbm>>, %arg6: memref<40x128xi32, #tpu.memory_space<vmem>>, %arg7: memref<40x128xi32, #tpu.memory_space<vmem>>, %arg8: memref<2x128x128xf32, #tpu.memory_space<vmem>>, %arg9: memref<10240x128xf32, #tpu.memory_space<vmem_shared>>, %arg10: memref<2x!tpu.dma_semaphore, #tpu.memory_space<semaphore_mem>>, %arg11: memref<2x!tpu.dma_semaphore, #tpu.memory_space<semaphore_mem>>) attributes {dimension_semantics = [#tpu.dimension_semantics<core_parallel>, #tpu.dimension_semantics<subcore_parallel>], iteration_bounds = array<i64: 2, 16>, scalar_prefetch = 0 : i64, scratch_operands = 6 : i64, tpu.core_type = #tpu.core_type<sc_vector_subcore>, window_params = [{transform_indices = #map}, {transform_indices = #map1}, {transform_indices = #map1}, {transform_indices = #map2}]} {
    %mul3A = arith.constant 16 : i32
    %mul3A_0 = arith.muli %arg0, %mul3A : i32
    %add3A = arith.addi %mul3A_0, %arg1 : i32
    %mul3A_1 = arith.constant 40 : i32
    %mul3A_2 = arith.muli %add3A, %mul3A_1 : i32
    "tpu.region"() ({
      %run_scoped3A_90 = tpu.sem_alloc : memref<!tpu.dma_semaphore, #tpu.memory_space<semaphore_mem>>
      %dma_start3A = arith.constant 0 : i32
      %dma_start3A_91 = tpu.memref_slice %arg3[%mul3A_2, %dma_start3A] : memref<1280x128xi32, #tpu.memory_space<hbm>> -> memref<40x128xi32, #tpu.memory_space<hbm>>
      %dma_start3A_92 = arith.constant 0 : i32
      %dma_start3A_93 = tpu.memref_slice %arg3[%mul3A_2, %dma_start3A_92] : memref<1280x128xi32, #tpu.memory_space<hbm>> -> memref<40x128xi32, #tpu.memory_space<hbm>>
      tpu.enqueue_dma source(%dma_start3A_93 : memref<40x128xi32, #tpu.memory_space<hbm>>) target(%arg6 : memref<40x128xi32, #tpu.memory_space<vmem>>) target_semaphore(%run_scoped3A_90 : memref<!tpu.dma_semaphore, #tpu.memory_space<semaphore_mem>>)
      %dma_wait3A = arith.constant 0 : i32
      %dma_wait3A_94 = tpu.memref_slice %arg3[%mul3A_2, %dma_wait3A] : memref<1280x128xi32, #tpu.memory_space<hbm>> -> memref<40x128xi32, #tpu.memory_space<hbm>>
      %dma_wait3A_95 = arith.constant 0 : i32
      %dma_wait3A_96 = tpu.memref_slice %arg3[%mul3A_2, %dma_wait3A_95] : memref<1280x128xi32, #tpu.memory_space<hbm>> -> memref<40x128xi32, #tpu.memory_space<hbm>>
      tpu.wait_dma2 semaphore(%run_scoped3A_90 : memref<!tpu.dma_semaphore, #tpu.memory_space<semaphore_mem>>) src(%dma_wait3A_96 : memref<40x128xi32, #tpu.memory_space<hbm>>) dst(%arg6 : memref<40x128xi32, #tpu.memory_space<vmem>>)
      tpu.yield
    }) : () -> ()
    %mul3A_3 = arith.constant 40 : i32
    %mul3A_4 = arith.muli %add3A, %mul3A_3 : i32
    "tpu.region"() ({
      %run_scoped3A_90 = tpu.sem_alloc : memref<!tpu.dma_semaphore, #tpu.memory_space<semaphore_mem>>
      %dma_start3A = arith.constant 0 : i32
      %dma_start3A_91 = tpu.memref_slice %arg4[%mul3A_4, %dma_start3A] : memref<1280x128xi32, #tpu.memory_space<hbm>> -> memref<40x128xi32, #tpu.memory_space<hbm>>
      %dma_start3A_92 = arith.constant 0 : i32
      %dma_start3A_93 = tpu.memref_slice %arg4[%mul3A_4, %dma_start3A_92] : memref<1280x128xi32, #tpu.memory_space<hbm>> -> memref<40x128xi32, #tpu.memory_space<hbm>>
      tpu.enqueue_dma source(%dma_start3A_93 : memref<40x128xi32, #tpu.memory_space<hbm>>) target(%arg7 : memref<40x128xi32, #tpu.memory_space<vmem>>) target_semaphore(%run_scoped3A_90 : memref<!tpu.dma_semaphore, #tpu.memory_space<semaphore_mem>>)
      %dma_wait3A = arith.constant 0 : i32
      %dma_wait3A_94 = tpu.memref_slice %arg4[%mul3A_4, %dma_wait3A] : memref<1280x128xi32, #tpu.memory_space<hbm>> -> memref<40x128xi32, #tpu.memory_space<hbm>>
      %dma_wait3A_95 = arith.constant 0 : i32
      %dma_wait3A_96 = tpu.memref_slice %arg4[%mul3A_4, %dma_wait3A_95] : memref<1280x128xi32, #tpu.memory_space<hbm>> -> memref<40x128xi32, #tpu.memory_space<hbm>>
      tpu.wait_dma2 semaphore(%run_scoped3A_90 : memref<!tpu.dma_semaphore, #tpu.memory_space<semaphore_mem>>) src(%dma_wait3A_96 : memref<40x128xi32, #tpu.memory_space<hbm>>) dst(%arg7 : memref<40x128xi32, #tpu.memory_space<vmem>>)
      tpu.yield
    }) : () -> ()
    %broadcast_in_dim3A = arith.constant 0.000000e+00 : f32
    %broadcast_in_dim3A_5 = vector.broadcast %broadcast_in_dim3A : f32 to vector<16xf32>
    %scan3A = arith.constant 0 : i32
    %scan3A_6 = arith.constant 0 : i32
    %scan3A_7 = arith.constant 128 : i32
    %scan3A_8 = arith.addi %scan3A_6, %scan3A_7 : i32
    %scan3A_9 = arith.constant 1 : i32
    %scan3A_10 = scf.for %scan3A_90 = %scan3A_6 to %scan3A_8 step %scan3A_9 iter_args(%scan3A_91 = %scan3A) -> (i32)  : i32 {
      %scan3A_92 = arith.constant 0 : i32
      %scan3A_93 = arith.constant 0 : i32
      %scan3A_94 = arith.constant 8 : i32
      %scan3A_95 = arith.addi %scan3A_93, %scan3A_94 : i32
      %scan3A_96 = arith.constant 1 : i32
      %scan3A_97 = scf.for %scan3A_100 = %scan3A_93 to %scan3A_95 step %scan3A_96 iter_args(%scan3A_101 = %scan3A_92) -> (i32)  : i32 {
        %mul3A_102 = arith.constant 16 : i32
        %mul3A_103 = arith.muli %scan3A_100, %mul3A_102 : i32
        %swap3A = arith.constant 0 : i32
        %swap3A_104 = arith.index_cast %swap3A : i32 to index
        %swap3A_105 = arith.index_cast %scan3A_90 : i32 to index
        %swap3A_106 = arith.index_cast %mul3A_103 : i32 to index
        %swap3A_107 = tpu.vector_load %arg8[%swap3A_104, %swap3A_105, %swap3A_106] {strides = array<i32>} : memref<2x128x128xf32, #tpu.memory_space<vmem>>, vector<1x1x16xf32>,
        %swap3A_108 = vector.shape_cast %swap3A_107 : vector<1x1x16xf32> to vector<16xf32>
        %swap3A_109 = vector.shape_cast %broadcast_in_dim3A_5 : vector<16xf32> to vector<1x1x16xf32>
        tpu.vector_store %arg8[%swap3A_104, %swap3A_105, %swap3A_106], %swap3A_109 {strides = array<i32>} : memref<2x128x128xf32, #tpu.memory_space<vmem>>, vector<1x1x16xf32>,
        %scan3A_110 = arith.constant 0 : i32
        scf.yield %scan3A_110 : i32
      }
      %scan3A_98 = arith.constant 8 : i32
      %scan3A_99 = arith.constant 0 : i32
      scf.yield %scan3A_99 : i32
    }
    %scan3A_11 = arith.constant 128 : i32
    %mul3A_12 = arith.constant 640 : i32
    %mul3A_13 = arith.muli %arg1, %mul3A_12 : i32
    %mul3A_14 = arith.constant 640 : i32
    %mul3A_15 = arith.muli %arg1, %mul3A_14 : i32
    %add3A_16 = arith.constant 0 : i32
    %add3A_17 = arith.addi %mul3A_15, %add3A_16 : i32
    %run_scoped3A = arith.constant 0 : i32
    "tpu.region"() ({
      %run_scoped3A_90 = tpu.sem_alloc : memref<!tpu.dma_semaphore, #tpu.memory_space<semaphore_mem>>
      %dma_start3A = arith.constant 0 : i32
      %dma_start3A_91 = arith.constant 0 : i32
      %dma_start3A_92 = tpu.memref_slice %arg8[%run_scoped3A, %dma_start3A, %dma_start3A_91] : memref<2x128x128xf32, #tpu.memory_space<vmem>> -> memref<1x128x128xf32, #tpu.memory_space<vmem>>
      %dma_start3A_93 = tpu.memref_squeeze %dma_start3A_92 : memref<1x128x128xf32, #tpu.memory_space<vmem>> -> memref<128x128xf32, #tpu.memory_space<vmem>>
      %dma_start3A_94 = arith.constant 0 : i32
      %dma_start3A_95 = tpu.memref_slice %arg9[%add3A_17, %dma_start3A_94] : memref<10240x128xf32, #tpu.memory_space<vmem_shared>> -> memref<128x128xf32, #tpu.memory_space<vmem_shared>>
      %dma_start3A_96 = arith.constant 0 : i32
      %dma_start3A_97 = tpu.memref_slice %arg9[%add3A_17, %dma_start3A_96] : memref<10240x128xf32, #tpu.memory_space<vmem_shared>> -> memref<128x128xf32, #tpu.memory_space<vmem_shared>>
      %dma_start3A_98 = arith.constant 0 : i32
      %dma_start3A_99 = arith.constant 0 : i32
      %dma_start3A_100 = tpu.memref_slice %arg8[%run_scoped3A, %dma_start3A_98, %dma_start3A_99] : memref<2x128x128xf32, #tpu.memory_space<vmem>> -> memref<1x128x128xf32, #tpu.memory_space<vmem>>
      %dma_start3A_101 = tpu.memref_squeeze %dma_start3A_100 : memref<1x128x128xf32, #tpu.memory_space<vmem>> -> memref<128x128xf32, #tpu.memory_space<vmem>>
      tpu.enqueue_dma source(%dma_start3A_101 : memref<128x128xf32, #tpu.memory_space<vmem>>) target(%dma_start3A_97 : memref<128x128xf32, #tpu.memory_space<vmem_shared>>) target_semaphore(%run_scoped3A_90 : memref<!tpu.dma_semaphore, #tpu.memory_space<semaphore_mem>>)
      %dma_wait3A = arith.constant 0 : i32
      %dma_wait3A_102 = arith.constant 0 : i32
      %dma_wait3A_103 = tpu.memref_slice %arg8[%run_scoped3A, %dma_wait3A, %dma_wait3A_102] : memref<2x128x128xf32, #tpu.memory_space<vmem>> -> memref<1x128x128xf32, #tpu.memory_space<vmem>>
      %dma_wait3A_104 = tpu.memref_squeeze %dma_wait3A_103 : memref<1x128x128xf32, #tpu.memory_space<vmem>> -> memref<128x128xf32, #tpu.memory_space<vmem>>
      %dma_wait3A_105 = arith.constant 0 : i32
      %dma_wait3A_106 = tpu.memref_slice %arg9[%add3A_17, %dma_wait3A_105] : memref<10240x128xf32, #tpu.memory_space<vmem_shared>> -> memref<128x128xf32, #tpu.memory_space<vmem_shared>>
      %dma_wait3A_107 = arith.constant 0 : i32
      %dma_wait3A_108 = tpu.memref_slice %arg9[%add3A_17, %dma_wait3A_107] : memref<10240x128xf32, #tpu.memory_space<vmem_shared>> -> memref<128x128xf32, #tpu.memory_space<vmem_shared>>
      %dma_wait3A_109 = arith.constant 0 : i32
      %dma_wait3A_110 = arith.constant 0 : i32
      %dma_wait3A_111 = tpu.memref_slice %arg8[%run_scoped3A, %dma_wait3A_109, %dma_wait3A_110] : memref<2x128x128xf32, #tpu.memory_space<vmem>> -> memref<1x128x128xf32, #tpu.memory_space<vmem>>
      %dma_wait3A_112 = tpu.memref_squeeze %dma_wait3A_111 : memref<1x128x128xf32, #tpu.memory_space<vmem>> -> memref<128x128xf32, #tpu.memory_space<vmem>>
      tpu.wait_dma2 semaphore(%run_scoped3A_90 : memref<!tpu.dma_semaphore, #tpu.memory_space<semaphore_mem>>) src(%dma_wait3A_112 : memref<128x128xf32, #tpu.memory_space<vmem>>) dst(%dma_wait3A_108 : memref<128x128xf32, #tpu.memory_space<vmem_shared>>)
      tpu.yield
    }) : () -> ()
    %mul3A_18 = arith.constant 640 : i32
    %mul3A_19 = arith.muli %arg1, %mul3A_18 : i32
    %add3A_20 = arith.constant 128 : i32
    %add3A_21 = arith.addi %mul3A_19, %add3A_20 : i32
    %run_scoped3A_22 = arith.constant 0 : i32
    "tpu.region"() ({
      %run_scoped3A_90 = tpu.sem_alloc : memref<!tpu.dma_semaphore, #tpu.memory_space<semaphore_mem>>
      %dma_start3A = arith.constant 0 : i32
      %dma_start3A_91 = arith.constant 0 : i32
      %dma_start3A_92 = tpu.memref_slice %arg8[%run_scoped3A_22, %dma_start3A, %dma_start3A_91] : memref<2x128x128xf32, #tpu.memory_space<vmem>> -> memref<1x128x128xf32, #tpu.memory_space<vmem>>
      %dma_start3A_93 = tpu.memref_squeeze %dma_start3A_92 : memref<1x128x128xf32, #tpu.memory_space<vmem>> -> memref<128x128xf32, #tpu.memory_space<vmem>>
      %dma_start3A_94 = arith.constant 0 : i32
      %dma_start3A_95 = tpu.memref_slice %arg9[%add3A_21, %dma_start3A_94] : memref<10240x128xf32, #tpu.memory_space<vmem_shared>> -> memref<128x128xf32, #tpu.memory_space<vmem_shared>>
      %dma_start3A_96 = arith.constant 0 : i32
      %dma_start3A_97 = tpu.memref_slice %arg9[%add3A_21, %dma_start3A_96] : memref<10240x128xf32, #tpu.memory_space<vmem_shared>> -> memref<128x128xf32, #tpu.memory_space<vmem_shared>>
      %dma_start3A_98 = arith.constant 0 : i32
      %dma_start3A_99 = arith.constant 0 : i32
      %dma_start3A_100 = tpu.memref_slice %arg8[%run_scoped3A_22, %dma_start3A_98, %dma_start3A_99] : memref<2x128x128xf32, #tpu.memory_space<vmem>> -> memref<1x128x128xf32, #tpu.memory_space<vmem>>
      %dma_start3A_101 = tpu.memref_squeeze %dma_start3A_100 : memref<1x128x128xf32, #tpu.memory_space<vmem>> -> memref<128x128xf32, #tpu.memory_space<vmem>>
      tpu.enqueue_dma source(%dma_start3A_101 : memref<128x128xf32, #tpu.memory_space<vmem>>) target(%dma_start3A_97 : memref<128x128xf32, #tpu.memory_space<vmem_shared>>) target_semaphore(%run_scoped3A_90 : memref<!tpu.dma_semaphore, #tpu.memory_space<semaphore_mem>>)
      %dma_wait3A = arith.constant 0 : i32
      %dma_wait3A_102 = arith.constant 0 : i32
      %dma_wait3A_103 = tpu.memref_slice %arg8[%run_scoped3A_22, %dma_wait3A, %dma_wait3A_102] : memref<2x128x128xf32, #tpu.memory_space<vmem>> -> memref<1x128x128xf32, #tpu.memory_space<vmem>>
      %dma_wait3A_104 = tpu.memref_squeeze %dma_wait3A_103 : memref<1x128x128xf32, #tpu.memory_space<vmem>> -> memref<128x128xf32, #tpu.memory_space<vmem>>
      %dma_wait3A_105 = arith.constant 0 : i32
      %dma_wait3A_106 = tpu.memref_slice %arg9[%add3A_21, %dma_wait3A_105] : memref<10240x128xf32, #tpu.memory_space<vmem_shared>> -> memref<128x128xf32, #tpu.memory_space<vmem_shared>>
      %dma_wait3A_107 = arith.constant 0 : i32
      %dma_wait3A_108 = tpu.memref_slice %arg9[%add3A_21, %dma_wait3A_107] : memref<10240x128xf32, #tpu.memory_space<vmem_shared>> -> memref<128x128xf32, #tpu.memory_space<vmem_shared>>
      %dma_wait3A_109 = arith.constant 0 : i32
      %dma_wait3A_110 = arith.constant 0 : i32
      %dma_wait3A_111 = tpu.memref_slice %arg8[%run_scoped3A_22, %dma_wait3A_109, %dma_wait3A_110] : memref<2x128x128xf32, #tpu.memory_space<vmem>> -> memref<1x128x128xf32, #tpu.memory_space<vmem>>
      %dma_wait3A_112 = tpu.memref_squeeze %dma_wait3A_111 : memref<1x128x128xf32, #tpu.memory_space<vmem>> -> memref<128x128xf32, #tpu.memory_space<vmem>>
      tpu.wait_dma2 semaphore(%run_scoped3A_90 : memref<!tpu.dma_semaphore, #tpu.memory_space<semaphore_mem>>) src(%dma_wait3A_112 : memref<128x128xf32, #tpu.memory_space<vmem>>) dst(%dma_wait3A_108 : memref<128x128xf32, #tpu.memory_space<vmem_shared>>)
      tpu.yield
    }) : () -> ()
    %mul3A_23 = arith.constant 640 : i32
    %mul3A_24 = arith.muli %arg1, %mul3A_23 : i32
    %add3A_25 = arith.constant 256 : i32
    %add3A_26 = arith.addi %mul3A_24, %add3A_25 : i32
    %run_scoped3A_27 = arith.constant 0 : i32
    "tpu.region"() ({
      %run_scoped3A_90 = tpu.sem_alloc : memref<!tpu.dma_semaphore, #tpu.memory_space<semaphore_mem>>
      %dma_start3A = arith.constant 0 : i32
      %dma_start3A_91 = arith.constant 0 : i32
      %dma_start3A_92 = tpu.memref_slice %arg8[%run_scoped3A_27, %dma_start3A, %dma_start3A_91] : memref<2x128x128xf32, #tpu.memory_space<vmem>> -> memref<1x128x128xf32, #tpu.memory_space<vmem>>
      %dma_start3A_93 = tpu.memref_squeeze %dma_start3A_92 : memref<1x128x128xf32, #tpu.memory_space<vmem>> -> memref<128x128xf32, #tpu.memory_space<vmem>>
      %dma_start3A_94 = arith.constant 0 : i32
      %dma_start3A_95 = tpu.memref_slice %arg9[%add3A_26, %dma_start3A_94] : memref<10240x128xf32, #tpu.memory_space<vmem_shared>> -> memref<128x128xf32, #tpu.memory_space<vmem_shared>>
      %dma_start3A_96 = arith.constant 0 : i32
      %dma_start3A_97 = tpu.memref_slice %arg9[%add3A_26, %dma_start3A_96] : memref<10240x128xf32, #tpu.memory_space<vmem_shared>> -> memref<128x128xf32, #tpu.memory_space<vmem_shared>>
      %dma_start3A_98 = arith.constant 0 : i32
      %dma_start3A_99 = arith.constant 0 : i32
      %dma_start3A_100 = tpu.memref_slice %arg8[%run_scoped3A_27, %dma_start3A_98, %dma_start3A_99] : memref<2x128x128xf32, #tpu.memory_space<vmem>> -> memref<1x128x128xf32, #tpu.memory_space<vmem>>
      %dma_start3A_101 = tpu.memref_squeeze %dma_start3A_100 : memref<1x128x128xf32, #tpu.memory_space<vmem>> -> memref<128x128xf32, #tpu.memory_space<vmem>>
      tpu.enqueue_dma source(%dma_start3A_101 : memref<128x128xf32, #tpu.memory_space<vmem>>) target(%dma_start3A_97 : memref<128x128xf32, #tpu.memory_space<vmem_shared>>) target_semaphore(%run_scoped3A_90 : memref<!tpu.dma_semaphore, #tpu.memory_space<semaphore_mem>>)
      %dma_wait3A = arith.constant 0 : i32
      %dma_wait3A_102 = arith.constant 0 : i32
      %dma_wait3A_103 = tpu.memref_slice %arg8[%run_scoped3A_27, %dma_wait3A, %dma_wait3A_102] : memref<2x128x128xf32, #tpu.memory_space<vmem>> -> memref<1x128x128xf32, #tpu.memory_space<vmem>>
      %dma_wait3A_104 = tpu.memref_squeeze %dma_wait3A_103 : memref<1x128x128xf32, #tpu.memory_space<vmem>> -> memref<128x128xf32, #tpu.memory_space<vmem>>
      %dma_wait3A_105 = arith.constant 0 : i32
      %dma_wait3A_106 = tpu.memref_slice %arg9[%add3A_26, %dma_wait3A_105] : memref<10240x128xf32, #tpu.memory_space<vmem_shared>> -> memref<128x128xf32, #tpu.memory_space<vmem_shared>>
      %dma_wait3A_107 = arith.constant 0 : i32
      %dma_wait3A_108 = tpu.memref_slice %arg9[%add3A_26, %dma_wait3A_107] : memref<10240x128xf32, #tpu.memory_space<vmem_shared>> -> memref<128x128xf32, #tpu.memory_space<vmem_shared>>
      %dma_wait3A_109 = arith.constant 0 : i32
      %dma_wait3A_110 = arith.constant 0 : i32
      %dma_wait3A_111 = tpu.memref_slice %arg8[%run_scoped3A_27, %dma_wait3A_109, %dma_wait3A_110] : memref<2x128x128xf32, #tpu.memory_space<vmem>> -> memref<1x128x128xf32, #tpu.memory_space<vmem>>
      %dma_wait3A_112 = tpu.memref_squeeze %dma_wait3A_111 : memref<1x128x128xf32, #tpu.memory_space<vmem>> -> memref<128x128xf32, #tpu.memory_space<vmem>>
      tpu.wait_dma2 semaphore(%run_scoped3A_90 : memref<!tpu.dma_semaphore, #tpu.memory_space<semaphore_mem>>) src(%dma_wait3A_112 : memref<128x128xf32, #tpu.memory_space<vmem>>) dst(%dma_wait3A_108 : memref<128x128xf32, #tpu.memory_space<vmem_shared>>)
      tpu.yield
    }) : () -> ()
    %mul3A_28 = arith.constant 640 : i32
    %mul3A_29 = arith.muli %arg1, %mul3A_28 : i32
    %add3A_30 = arith.constant 384 : i32
    %add3A_31 = arith.addi %mul3A_29, %add3A_30 : i32
    %run_scoped3A_32 = arith.constant 0 : i32
    "tpu.region"() ({
      %run_scoped3A_90 = tpu.sem_alloc : memref<!tpu.dma_semaphore, #tpu.memory_space<semaphore_mem>>
      %dma_start3A = arith.constant 0 : i32
      %dma_start3A_91 = arith.constant 0 : i32
      %dma_start3A_92 = tpu.memref_slice %arg8[%run_scoped3A_32, %dma_start3A, %dma_start3A_91] : memref<2x128x128xf32, #tpu.memory_space<vmem>> -> memref<1x128x128xf32, #tpu.memory_space<vmem>>
      %dma_start3A_93 = tpu.memref_squeeze %dma_start3A_92 : memref<1x128x128xf32, #tpu.memory_space<vmem>> -> memref<128x128xf32, #tpu.memory_space<vmem>>
      %dma_start3A_94 = arith.constant 0 : i32
      %dma_start3A_95 = tpu.memref_slice %arg9[%add3A_31, %dma_start3A_94] : memref<10240x128xf32, #tpu.memory_space<vmem_shared>> -> memref<128x128xf32, #tpu.memory_space<vmem_shared>>
      %dma_start3A_96 = arith.constant 0 : i32
      %dma_start3A_97 = tpu.memref_slice %arg9[%add3A_31, %dma_start3A_96] : memref<10240x128xf32, #tpu.memory_space<vmem_shared>> -> memref<128x128xf32, #tpu.memory_space<vmem_shared>>
      %dma_start3A_98 = arith.constant 0 : i32
      %dma_start3A_99 = arith.constant 0 : i32
      %dma_start3A_100 = tpu.memref_slice %arg8[%run_scoped3A_32, %dma_start3A_98, %dma_start3A_99] : memref<2x128x128xf32, #tpu.memory_space<vmem>> -> memref<1x128x128xf32, #tpu.memory_space<vmem>>
      %dma_start3A_101 = tpu.memref_squeeze %dma_start3A_100 : memref<1x128x128xf32, #tpu.memory_space<vmem>> -> memref<128x128xf32, #tpu.memory_space<vmem>>
      tpu.enqueue_dma source(%dma_start3A_101 : memref<128x128xf32, #tpu.memory_space<vmem>>) target(%dma_start3A_97 : memref<128x128xf32, #tpu.memory_space<vmem_shared>>) target_semaphore(%run_scoped3A_90 : memref<!tpu.dma_semaphore, #tpu.memory_space<semaphore_mem>>)
      %dma_wait3A = arith.constant 0 : i32
      %dma_wait3A_102 = arith.constant 0 : i32
      %dma_wait3A_103 = tpu.memref_slice %arg8[%run_scoped3A_32, %dma_wait3A, %dma_wait3A_102] : memref<2x128x128xf32, #tpu.memory_space<vmem>> -> memref<1x128x128xf32, #tpu.memory_space<vmem>>
      %dma_wait3A_104 = tpu.memref_squeeze %dma_wait3A_103 : memref<1x128x128xf32, #tpu.memory_space<vmem>> -> memref<128x128xf32, #tpu.memory_space<vmem>>
      %dma_wait3A_105 = arith.constant 0 : i32
      %dma_wait3A_106 = tpu.memref_slice %arg9[%add3A_31, %dma_wait3A_105] : memref<10240x128xf32, #tpu.memory_space<vmem_shared>> -> memref<128x128xf32, #tpu.memory_space<vmem_shared>>
      %dma_wait3A_107 = arith.constant 0 : i32
      %dma_wait3A_108 = tpu.memref_slice %arg9[%add3A_31, %dma_wait3A_107] : memref<10240x128xf32, #tpu.memory_space<vmem_shared>> -> memref<128x128xf32, #tpu.memory_space<vmem_shared>>
      %dma_wait3A_109 = arith.constant 0 : i32
      %dma_wait3A_110 = arith.constant 0 : i32
      %dma_wait3A_111 = tpu.memref_slice %arg8[%run_scoped3A_32, %dma_wait3A_109, %dma_wait3A_110] : memref<2x128x128xf32, #tpu.memory_space<vmem>> -> memref<1x128x128xf32, #tpu.memory_space<vmem>>
      %dma_wait3A_112 = tpu.memref_squeeze %dma_wait3A_111 : memref<1x128x128xf32, #tpu.memory_space<vmem>> -> memref<128x128xf32, #tpu.memory_space<vmem>>
      tpu.wait_dma2 semaphore(%run_scoped3A_90 : memref<!tpu.dma_semaphore, #tpu.memory_space<semaphore_mem>>) src(%dma_wait3A_112 : memref<128x128xf32, #tpu.memory_space<vmem>>) dst(%dma_wait3A_108 : memref<128x128xf32, #tpu.memory_space<vmem_shared>>)
      tpu.yield
    }) : () -> ()
    %mul3A_33 = arith.constant 640 : i32
    %mul3A_34 = arith.muli %arg1, %mul3A_33 : i32
    %add3A_35 = arith.constant 512 : i32
    %add3A_36 = arith.addi %mul3A_34, %add3A_35 : i32
    %run_scoped3A_37 = arith.constant 0 : i32
    "tpu.region"() ({
      %run_scoped3A_90 = tpu.sem_alloc : memref<!tpu.dma_semaphore, #tpu.memory_space<semaphore_mem>>
      %dma_start3A = arith.constant 0 : i32
      %dma_start3A_91 = arith.constant 0 : i32
      %dma_start3A_92 = tpu.memref_slice %arg8[%run_scoped3A_37, %dma_start3A, %dma_start3A_91] : memref<2x128x128xf32, #tpu.memory_space<vmem>> -> memref<1x128x128xf32, #tpu.memory_space<vmem>>
      %dma_start3A_93 = tpu.memref_squeeze %dma_start3A_92 : memref<1x128x128xf32, #tpu.memory_space<vmem>> -> memref<128x128xf32, #tpu.memory_space<vmem>>
      %dma_start3A_94 = arith.constant 0 : i32
      %dma_start3A_95 = tpu.memref_slice %arg9[%add3A_36, %dma_start3A_94] : memref<10240x128xf32, #tpu.memory_space<vmem_shared>> -> memref<128x128xf32, #tpu.memory_space<vmem_shared>>
      %dma_start3A_96 = arith.constant 0 : i32
      %dma_start3A_97 = tpu.memref_slice %arg9[%add3A_36, %dma_start3A_96] : memref<10240x128xf32, #tpu.memory_space<vmem_shared>> -> memref<128x128xf32, #tpu.memory_space<vmem_shared>>
      %dma_start3A_98 = arith.constant 0 : i32
      %dma_start3A_99 = arith.constant 0 : i32
      %dma_start3A_100 = tpu.memref_slice %arg8[%run_scoped3A_37, %dma_start3A_98, %dma_start3A_99] : memref<2x128x128xf32, #tpu.memory_space<vmem>> -> memref<1x128x128xf32, #tpu.memory_space<vmem>>
      %dma_start3A_101 = tpu.memref_squeeze %dma_start3A_100 : memref<1x128x128xf32, #tpu.memory_space<vmem>> -> memref<128x128xf32, #tpu.memory_space<vmem>>
      tpu.enqueue_dma source(%dma_start3A_101 : memref<128x128xf32, #tpu.memory_space<vmem>>) target(%dma_start3A_97 : memref<128x128xf32, #tpu.memory_space<vmem_shared>>) target_semaphore(%run_scoped3A_90 : memref<!tpu.dma_semaphore, #tpu.memory_space<semaphore_mem>>)
      %dma_wait3A = arith.constant 0 : i32
      %dma_wait3A_102 = arith.constant 0 : i32
      %dma_wait3A_103 = tpu.memref_slice %arg8[%run_scoped3A_37, %dma_wait3A, %dma_wait3A_102] : memref<2x128x128xf32, #tpu.memory_space<vmem>> -> memref<1x128x128xf32, #tpu.memory_space<vmem>>
      %dma_wait3A_104 = tpu.memref_squeeze %dma_wait3A_103 : memref<1x128x128xf32, #tpu.memory_space<vmem>> -> memref<128x128xf32, #tpu.memory_space<vmem>>
      %dma_wait3A_105 = arith.constant 0 : i32
      %dma_wait3A_106 = tpu.memref_slice %arg9[%add3A_36, %dma_wait3A_105] : memref<10240x128xf32, #tpu.memory_space<vmem_shared>> -> memref<128x128xf32, #tpu.memory_space<vmem_shared>>
      %dma_wait3A_107 = arith.constant 0 : i32
      %dma_wait3A_108 = tpu.memref_slice %arg9[%add3A_36, %dma_wait3A_107] : memref<10240x128xf32, #tpu.memory_space<vmem_shared>> -> memref<128x128xf32, #tpu.memory_space<vmem_shared>>
      %dma_wait3A_109 = arith.constant 0 : i32
      %dma_wait3A_110 = arith.constant 0 : i32
      %dma_wait3A_111 = tpu.memref_slice %arg8[%run_scoped3A_37, %dma_wait3A_109, %dma_wait3A_110] : memref<2x128x128xf32, #tpu.memory_space<vmem>> -> memref<1x128x128xf32, #tpu.memory_space<vmem>>
      %dma_wait3A_112 = tpu.memref_squeeze %dma_wait3A_111 : memref<1x128x128xf32, #tpu.memory_space<vmem>> -> memref<128x128xf32, #tpu.memory_space<vmem>>
      tpu.wait_dma2 semaphore(%run_scoped3A_90 : memref<!tpu.dma_semaphore, #tpu.memory_space<semaphore_mem>>) src(%dma_wait3A_112 : memref<128x128xf32, #tpu.memory_space<vmem>>) dst(%dma_wait3A_108 : memref<128x128xf32, #tpu.memory_space<vmem_shared>>)
      tpu.yield
    }) : () -> ()
    %barrier3A = arith.constant 0 : index
    tpu.barrier barrier_id(%barrier3A)
    %scan3A_38 = arith.constant 0 : i32
    %scan3A_39 = arith.constant 0 : i32
    %scan3A_40 = arith.constant 20 : i32
    %scan3A_41 = arith.addi %scan3A_39, %scan3A_40 : i32
    %scan3A_42 = arith.constant 1 : i32
    %scan3A_43 = scf.for %scan3A_90 = %scan3A_39 to %scan3A_41 step %scan3A_42 iter_args(%scan3A_91 = %scan3A_38) -> (i32)  : i32 {
      %mul3A_92 = arith.constant 2 : i32
      %mul3A_93 = arith.muli %scan3A_90, %mul3A_92 : i32
      %add3A_94 = arith.constant 0 : i32
      %add3A_95 = arith.addi %mul3A_93, %add3A_94 : i32
      %dma_start3A = arith.constant 0 : i32
      %dma_start3A_96 = arith.constant 0 : i32
      %dma_start3A_97 = arith.constant 0 : i32
      %dma_start3A_98 = arith.constant 0 : i32
      %dma_start3A_99 = arith.constant 0 : i32
      %dma_start3A_100 = tpu.memref_slice %arg8[%dma_start3A_96, %dma_start3A_98, %dma_start3A_99] : memref<2x128x128xf32, #tpu.memory_space<vmem>> -> memref<1x128x128xf32, #tpu.memory_space<vmem>>
      %dma_start3A_101 = tpu.memref_squeeze %dma_start3A_100 : memref<1x128x128xf32, #tpu.memory_space<vmem>> -> memref<128x128xf32, #tpu.memory_space<vmem>>
      %dma_start3A_102 = arith.constant 0 : i32
      %dma_start3A_103 = tpu.memref_slice %arg6[%add3A_95, %dma_start3A_102] : memref<40x128xi32, #tpu.memory_space<vmem>> -> memref<1x128xi32, #tpu.memory_space<vmem>>
      %dma_start3A_104 = tpu.memref_squeeze %dma_start3A_103 : memref<1x128xi32, #tpu.memory_space<vmem>> -> memref<128xi32, #tpu.memory_space<vmem>>
      %dma_start3A_105 = arith.constant 0 : i32
      %dma_start3A_106 = arith.constant 0 : i32
      %dma_start3A_107 = tpu.memref_slice %arg2[%dma_start3A, %dma_start3A_105, %dma_start3A_106] : memref<2x10000x128xf32, #tpu.memory_space<hbm>> -> memref<1x10000x128xf32, #tpu.memory_space<hbm>>
      %dma_start3A_108 = tpu.memref_squeeze %dma_start3A_107 : memref<1x10000x128xf32, #tpu.memory_space<hbm>> -> memref<10000x128xf32, #tpu.memory_space<hbm>>
      %dma_start3A_109 = arith.constant 0 : i32
      %dma_start3A_110 = arith.constant 0 : i32
      %dma_start3A_111 = tpu.memref_slice %dma_start3A_108[%dma_start3A_109, %dma_start3A_110] : memref<10000x128xf32, #tpu.memory_space<hbm>> -> memref<10000x128xf32, #tpu.memory_space<hbm>>
      %dma_start3A_112 = tpu.memref_slice %arg10[%dma_start3A_97] : memref<2x!tpu.dma_semaphore, #tpu.memory_space<semaphore_mem>> -> memref<1x!tpu.dma_semaphore, #tpu.memory_space<semaphore_mem>>
      %dma_start3A_113 = tpu.memref_squeeze %dma_start3A_112 : memref<1x!tpu.dma_semaphore, #tpu.memory_space<semaphore_mem>> -> memref<!tpu.dma_semaphore, #tpu.memory_space<semaphore_mem>>
      tpu.enqueue_indirect_dma source(%dma_start3A_111 : memref<10000x128xf32, #tpu.memory_space<hbm>>) target(%dma_start3A_101 : memref<128x128xf32, #tpu.memory_space<vmem>>) offsets(%dma_start3A_104 : memref<128xi32, #tpu.memory_space<vmem>>) semaphore(%dma_start3A_113 : memref<!tpu.dma_semaphore, #tpu.memory_space<semaphore_mem>>)
      %add3A_114 = arith.constant 1 : i32
      %add3A_115 = arith.addi %mul3A_93, %add3A_114 : i32
      %dma_start3A_116 = arith.constant 0 : i32
      %dma_start3A_117 = arith.constant 1 : i32
      %dma_start3A_118 = arith.constant 1 : i32
      %dma_start3A_119 = arith.constant 0 : i32
      %dma_start3A_120 = arith.constant 0 : i32
      %dma_start3A_121 = tpu.memref_slice %arg8[%dma_start3A_117, %dma_start3A_119, %dma_start3A_120] : memref<2x128x128xf32, #tpu.memory_space<vmem>> -> memref<1x128x128xf32, #tpu.memory_space<vmem>>
      %dma_start3A_122 = tpu.memref_squeeze %dma_start3A_121 : memref<1x128x128xf32, #tpu.memory_space<vmem>> -> memref<128x128xf32, #tpu.memory_space<vmem>>
      %dma_start3A_123 = arith.constant 0 : i32
      %dma_start3A_124 = tpu.memref_slice %arg6[%add3A_115, %dma_start3A_123] : memref<40x128xi32, #tpu.memory_space<vmem>> -> memref<1x128xi32, #tpu.memory_space<vmem>>
      %dma_start3A_125 = tpu.memref_squeeze %dma_start3A_124 : memref<1x128xi32, #tpu.memory_space<vmem>> -> memref<128xi32, #tpu.memory_space<vmem>>
      %dma_start3A_126 = arith.constant 0 : i32
      %dma_start3A_127 = arith.constant 0 : i32
      %dma_start3A_128 = tpu.memref_slice %arg2[%dma_start3A_116, %dma_start3A_126, %dma_start3A_127] : memref<2x10000x128xf32, #tpu.memory_space<hbm>> -> memref<1x10000x128xf32, #tpu.memory_space<hbm>>
      %dma_start3A_129 = tpu.memref_squeeze %dma_start3A_128 : memref<1x10000x128xf32, #tpu.memory_space<hbm>> -> memref<10000x128xf32, #tpu.memory_space<hbm>>
      %dma_start3A_130 = arith.constant 0 : i32
      %dma_start3A_131 = arith.constant 0 : i32
      %dma_start3A_132 = tpu.memref_slice %dma_start3A_129[%dma_start3A_130, %dma_start3A_131] : memref<10000x128xf32, #tpu.memory_space<hbm>> -> memref<10000x128xf32, #tpu.memory_space<hbm>>
      %dma_start3A_133 = tpu.memref_slice %arg10[%dma_start3A_118] : memref<2x!tpu.dma_semaphore, #tpu.memory_space<semaphore_mem>> -> memref<1x!tpu.dma_semaphore, #tpu.memory_space<semaphore_mem>>
      %dma_start3A_134 = tpu.memref_squeeze %dma_start3A_133 : memref<1x!tpu.dma_semaphore, #tpu.memory_space<semaphore_mem>> -> memref<!tpu.dma_semaphore, #tpu.memory_space<semaphore_mem>>
      tpu.enqueue_indirect_dma source(%dma_start3A_132 : memref<10000x128xf32, #tpu.memory_space<hbm>>) target(%dma_start3A_122 : memref<128x128xf32, #tpu.memory_space<vmem>>) offsets(%dma_start3A_125 : memref<128xi32, #tpu.memory_space<vmem>>) semaphore(%dma_start3A_134 : memref<!tpu.dma_semaphore, #tpu.memory_space<semaphore_mem>>)
      %dma_wait3A = arith.constant 0 : i32
      %dma_wait3A_135 = arith.constant 0 : i32
      %dma_wait3A_136 = arith.constant 0 : i32
      %dma_wait3A_137 = arith.constant 0 : i32
      %dma_wait3A_138 = arith.constant 0 : i32
      %dma_wait3A_139 = tpu.memref_slice %arg8[%dma_wait3A_135, %dma_wait3A_137, %dma_wait3A_138] : memref<2x128x128xf32, #tpu.memory_space<vmem>> -> memref<1x128x128xf32, #tpu.memory_space<vmem>>
      %dma_wait3A_140 = tpu.memref_squeeze %dma_wait3A_139 : memref<1x128x128xf32, #tpu.memory_space<vmem>> -> memref<128x128xf32, #tpu.memory_space<vmem>>
      %dma_wait3A_141 = arith.constant 0 : i32
      %dma_wait3A_142 = tpu.memref_slice %arg6[%add3A_95, %dma_wait3A_141] : memref<40x128xi32, #tpu.memory_space<vmem>> -> memref<1x128xi32, #tpu.memory_space<vmem>>
      %dma_wait3A_143 = tpu.memref_squeeze %dma_wait3A_142 : memref<1x128xi32, #tpu.memory_space<vmem>> -> memref<128xi32, #tpu.memory_space<vmem>>
      %dma_wait3A_144 = arith.constant 0 : i32
      %dma_wait3A_145 = arith.constant 0 : i32
      %dma_wait3A_146 = tpu.memref_slice %arg2[%dma_wait3A, %dma_wait3A_144, %dma_wait3A_145] : memref<2x10000x128xf32, #tpu.memory_space<hbm>> -> memref<1x10000x128xf32, #tpu.memory_space<hbm>>
      %dma_wait3A_147 = tpu.memref_squeeze %dma_wait3A_146 : memref<1x10000x128xf32, #tpu.memory_space<hbm>> -> memref<10000x128xf32, #tpu.memory_space<hbm>>
      %dma_wait3A_148 = arith.constant 0 : i32
      %dma_wait3A_149 = arith.constant 0 : i32
      %dma_wait3A_150 = tpu.memref_slice %dma_wait3A_147[%dma_wait3A_148, %dma_wait3A_149] : memref<10000x128xf32, #tpu.memory_space<hbm>> -> memref<10000x128xf32, #tpu.memory_space<hbm>>
      %dma_wait3A_151 = tpu.memref_slice %arg10[%dma_wait3A_136] : memref<2x!tpu.dma_semaphore, #tpu.memory_space<semaphore_mem>> -> memref<1x!tpu.dma_semaphore, #tpu.memory_space<semaphore_mem>>
      %dma_wait3A_152 = tpu.memref_squeeze %dma_wait3A_151 : memref<1x!tpu.dma_semaphore, #tpu.memory_space<semaphore_mem>> -> memref<!tpu.dma_semaphore, #tpu.memory_space<semaphore_mem>>
      tpu.wait_indirect_dma semaphore(%dma_wait3A_152 : memref<!tpu.dma_semaphore, #tpu.memory_space<semaphore_mem>>) src(%dma_wait3A_150 : memref<10000x128xf32, #tpu.memory_space<hbm>>) dst(%dma_wait3A_140 : memref<128x128xf32, #tpu.memory_space<vmem>>)
      %add3A_153 = arith.constant 0 : i32
      %add3A_154 = arith.addi %mul3A_93, %add3A_153 : i32
      %dma_start3A_155 = arith.constant 0 : i32
      %dma_start3A_156 = arith.constant 0 : i32
      %dma_start3A_157 = arith.constant 0 : i32
      %dma_start3A_158 = arith.constant 0 : i32
      %dma_start3A_159 = tpu.memref_slice %arg8[%dma_start3A_155, %dma_start3A_157, %dma_start3A_158] : memref<2x128x128xf32, #tpu.memory_space<vmem>> -> memref<1x128x128xf32, #tpu.memory_space<vmem>>
      %dma_start3A_160 = tpu.memref_squeeze %dma_start3A_159 : memref<1x128x128xf32, #tpu.memory_space<vmem>> -> memref<128x128xf32, #tpu.memory_space<vmem>>
      %dma_start3A_161 = arith.constant 0 : i32
      %dma_start3A_162 = tpu.memref_slice %arg7[%add3A_154, %dma_start3A_161] : memref<40x128xi32, #tpu.memory_space<vmem>> -> memref<1x128xi32, #tpu.memory_space<vmem>>
      %dma_start3A_163 = tpu.memref_squeeze %dma_start3A_162 : memref<1x128xi32, #tpu.memory_space<vmem>> -> memref<128xi32, #tpu.memory_space<vmem>>
      %dma_start3A_164 = arith.constant 0 : i32
      %dma_start3A_165 = arith.constant 0 : i32
      %dma_start3A_166 = tpu.memref_slice %arg9[%dma_start3A_164, %dma_start3A_165] : memref<10240x128xf32, #tpu.memory_space<vmem_shared>> -> memref<10240x128xf32, #tpu.memory_space<vmem_shared>>
      %dma_start3A_167 = tpu.memref_slice %arg11[%dma_start3A_156] : memref<2x!tpu.dma_semaphore, #tpu.memory_space<semaphore_mem>> -> memref<1x!tpu.dma_semaphore, #tpu.memory_space<semaphore_mem>>
      %dma_start3A_168 = tpu.memref_squeeze %dma_start3A_167 : memref<1x!tpu.dma_semaphore, #tpu.memory_space<semaphore_mem>> -> memref<!tpu.dma_semaphore, #tpu.memory_space<semaphore_mem>>
      tpu.enqueue_indirect_dma source(%dma_start3A_160 : memref<128x128xf32, #tpu.memory_space<vmem>>) target(%dma_start3A_166 : memref<10240x128xf32, #tpu.memory_space<vmem_shared>>) offsets(%dma_start3A_163 : memref<128xi32, #tpu.memory_space<vmem>>) semaphore(%dma_start3A_168 : memref<!tpu.dma_semaphore, #tpu.memory_space<semaphore_mem>>) {add = true}
      %dma_wait3A_169 = arith.constant 0 : i32
      %dma_wait3A_170 = arith.constant 1 : i32
      %dma_wait3A_171 = arith.constant 1 : i32
      %dma_wait3A_172 = arith.constant 0 : i32
      %dma_wait3A_173 = arith.constant 0 : i32
      %dma_wait3A_174 = tpu.memref_slice %arg8[%dma_wait3A_170, %dma_wait3A_172, %dma_wait3A_173] : memref<2x128x128xf32, #tpu.memory_space<vmem>> -> memref<1x128x128xf32, #tpu.memory_space<vmem>>
      %dma_wait3A_175 = tpu.memref_squeeze %dma_wait3A_174 : memref<1x128x128xf32, #tpu.memory_space<vmem>> -> memref<128x128xf32, #tpu.memory_space<vmem>>
      %dma_wait3A_176 = arith.constant 0 : i32
      %dma_wait3A_177 = tpu.memref_slice %arg6[%add3A_115, %dma_wait3A_176] : memref<40x128xi32, #tpu.memory_space<vmem>> -> memref<1x128xi32, #tpu.memory_space<vmem>>
      %dma_wait3A_178 = tpu.memref_squeeze %dma_wait3A_177 : memref<1x128xi32, #tpu.memory_space<vmem>> -> memref<128xi32, #tpu.memory_space<vmem>>
      %dma_wait3A_179 = arith.constant 0 : i32
      %dma_wait3A_180 = arith.constant 0 : i32
      %dma_wait3A_181 = tpu.memref_slice %arg2[%dma_wait3A_169, %dma_wait3A_179, %dma_wait3A_180] : memref<2x10000x128xf32, #tpu.memory_space<hbm>> -> memref<1x10000x128xf32, #tpu.memory_space<hbm>>
      %dma_wait3A_182 = tpu.memref_squeeze %dma_wait3A_181 : memref<1x10000x128xf32, #tpu.memory_space<hbm>> -> memref<10000x128xf32, #tpu.memory_space<hbm>>
      %dma_wait3A_183 = arith.constant 0 : i32
      %dma_wait3A_184 = arith.constant 0 : i32
      %dma_wait3A_185 = tpu.memref_slice %dma_wait3A_182[%dma_wait3A_183, %dma_wait3A_184] : memref<10000x128xf32, #tpu.memory_space<hbm>> -> memref<10000x128xf32, #tpu.memory_space<hbm>>
      %dma_wait3A_186 = tpu.memref_slice %arg10[%dma_wait3A_171] : memref<2x!tpu.dma_semaphore, #tpu.memory_space<semaphore_mem>> -> memref<1x!tpu.dma_semaphore, #tpu.memory_space<semaphore_mem>>
      %dma_wait3A_187 = tpu.memref_squeeze %dma_wait3A_186 : memref<1x!tpu.dma_semaphore, #tpu.memory_space<semaphore_mem>> -> memref<!tpu.dma_semaphore, #tpu.memory_space<semaphore_mem>>
      tpu.wait_indirect_dma semaphore(%dma_wait3A_187 : memref<!tpu.dma_semaphore, #tpu.memory_space<semaphore_mem>>) src(%dma_wait3A_185 : memref<10000x128xf32, #tpu.memory_space<hbm>>) dst(%dma_wait3A_175 : memref<128x128xf32, #tpu.memory_space<vmem>>)
      %add3A_188 = arith.constant 1 : i32
      %add3A_189 = arith.addi %mul3A_93, %add3A_188 : i32
      %dma_start3A_190 = arith.constant 1 : i32
      %dma_start3A_191 = arith.constant 1 : i32
      %dma_start3A_192 = arith.constant 0 : i32
      %dma_start3A_193 = arith.constant 0 : i32
      %dma_start3A_194 = tpu.memref_slice %arg8[%dma_start3A_190, %dma_start3A_192, %dma_start3A_193] : memref<2x128x128xf32, #tpu.memory_space<vmem>> -> memref<1x128x128xf32, #tpu.memory_space<vmem>>
      %dma_start3A_195 = tpu.memref_squeeze %dma_start3A_194 : memref<1x128x128xf32, #tpu.memory_space<vmem>> -> memref<128x128xf32, #tpu.memory_space<vmem>>
      %dma_start3A_196 = arith.constant 0 : i32
      %dma_start3A_197 = tpu.memref_slice %arg7[%add3A_189, %dma_start3A_196] : memref<40x128xi32, #tpu.memory_space<vmem>> -> memref<1x128xi32, #tpu.memory_space<vmem>>
      %dma_start3A_198 = tpu.memref_squeeze %dma_start3A_197 : memref<1x128xi32, #tpu.memory_space<vmem>> -> memref<128xi32, #tpu.memory_space<vmem>>
      %dma_start3A_199 = arith.constant 0 : i32
      %dma_start3A_200 = arith.constant 0 : i32
      %dma_start3A_201 = tpu.memref_slice %arg9[%dma_start3A_199, %dma_start3A_200] : memref<10240x128xf32, #tpu.memory_space<vmem_shared>> -> memref<10240x128xf32, #tpu.memory_space<vmem_shared>>
      %dma_start3A_202 = tpu.memref_slice %arg11[%dma_start3A_191] : memref<2x!tpu.dma_semaphore, #tpu.memory_space<semaphore_mem>> -> memref<1x!tpu.dma_semaphore, #tpu.memory_space<semaphore_mem>>
      %dma_start3A_203 = tpu.memref_squeeze %dma_start3A_202 : memref<1x!tpu.dma_semaphore, #tpu.memory_space<semaphore_mem>> -> memref<!tpu.dma_semaphore, #tpu.memory_space<semaphore_mem>>
      tpu.enqueue_indirect_dma source(%dma_start3A_195 : memref<128x128xf32, #tpu.memory_space<vmem>>) target(%dma_start3A_201 : memref<10240x128xf32, #tpu.memory_space<vmem_shared>>) offsets(%dma_start3A_198 : memref<128xi32, #tpu.memory_space<vmem>>) semaphore(%dma_start3A_203 : memref<!tpu.dma_semaphore, #tpu.memory_space<semaphore_mem>>) {add = true}
      %dma_wait3A_204 = arith.constant 0 : i32
      %dma_wait3A_205 = arith.constant 0 : i32
      %dma_wait3A_206 = arith.constant 0 : i32
      %dma_wait3A_207 = arith.constant 0 : i32
      %dma_wait3A_208 = tpu.memref_slice %arg8[%dma_wait3A_204, %dma_wait3A_206, %dma_wait3A_207] : memref<2x128x128xf32, #tpu.memory_space<vmem>> -> memref<1x128x128xf32, #tpu.memory_space<vmem>>
      %dma_wait3A_209 = tpu.memref_squeeze %dma_wait3A_208 : memref<1x128x128xf32, #tpu.memory_space<vmem>> -> memref<128x128xf32, #tpu.memory_space<vmem>>
      %dma_wait3A_210 = arith.constant 0 : i32
      %dma_wait3A_211 = tpu.memref_slice %arg7[%add3A_154, %dma_wait3A_210] : memref<40x128xi32, #tpu.memory_space<vmem>> -> memref<1x128xi32, #tpu.memory_space<vmem>>
      %dma_wait3A_212 = tpu.memref_squeeze %dma_wait3A_211 : memref<1x128xi32, #tpu.memory_space<vmem>> -> memref<128xi32, #tpu.memory_space<vmem>>
      %dma_wait3A_213 = arith.constant 0 : i32
      %dma_wait3A_214 = arith.constant 0 : i32
      %dma_wait3A_215 = tpu.memref_slice %arg9[%dma_wait3A_213, %dma_wait3A_214] : memref<10240x128xf32, #tpu.memory_space<vmem_shared>> -> memref<10240x128xf32, #tpu.memory_space<vmem_shared>>
      %dma_wait3A_216 = tpu.memref_slice %arg11[%dma_wait3A_205] : memref<2x!tpu.dma_semaphore, #tpu.memory_space<semaphore_mem>> -> memref<1x!tpu.dma_semaphore, #tpu.memory_space<semaphore_mem>>
      %dma_wait3A_217 = tpu.memref_squeeze %dma_wait3A_216 : memref<1x!tpu.dma_semaphore, #tpu.memory_space<semaphore_mem>> -> memref<!tpu.dma_semaphore, #tpu.memory_space<semaphore_mem>>
      tpu.wait_indirect_dma semaphore(%dma_wait3A_217 : memref<!tpu.dma_semaphore, #tpu.memory_space<semaphore_mem>>) src(%dma_wait3A_209 : memref<128x128xf32, #tpu.memory_space<vmem>>) dst(%dma_wait3A_215 : memref<10240x128xf32, #tpu.memory_space<vmem_shared>>)
      %dma_wait3A_218 = arith.constant 1 : i32
      %dma_wait3A_219 = arith.constant 1 : i32
      %dma_wait3A_220 = arith.constant 0 : i32
      %dma_wait3A_221 = arith.constant 0 : i32
      %dma_wait3A_222 = tpu.memref_slice %arg8[%dma_wait3A_218, %dma_wait3A_220, %dma_wait3A_221] : memref<2x128x128xf32, #tpu.memory_space<vmem>> -> memref<1x128x128xf32, #tpu.memory_space<vmem>>
      %dma_wait3A_223 = tpu.memref_squeeze %dma_wait3A_222 : memref<1x128x128xf32, #tpu.memory_space<vmem>> -> memref<128x128xf32, #tpu.memory_space<vmem>>
      %dma_wait3A_224 = arith.constant 0 : i32
      %dma_wait3A_225 = tpu.memref_slice %arg7[%add3A_189, %dma_wait3A_224] : memref<40x128xi32, #tpu.memory_space<vmem>> -> memref<1x128xi32, #tpu.memory_space<vmem>>
      %dma_wait3A_226 = tpu.memref_squeeze %dma_wait3A_225 : memref<1x128xi32, #tpu.memory_space<vmem>> -> memref<128xi32, #tpu.memory_space<vmem>>
      %dma_wait3A_227 = arith.constant 0 : i32
      %dma_wait3A_228 = arith.constant 0 : i32
      %dma_wait3A_229 = tpu.memref_slice %arg9[%dma_wait3A_227, %dma_wait3A_228] : memref<10240x128xf32, #tpu.memory_space<vmem_shared>> -> memref<10240x128xf32, #tpu.memory_space<vmem_shared>>
      %dma_wait3A_230 = tpu.memref_slice %arg11[%dma_wait3A_219] : memref<2x!tpu.dma_semaphore, #tpu.memory_space<semaphore_mem>> -> memref<1x!tpu.dma_semaphore, #tpu.memory_space<semaphore_mem>>
      %dma_wait3A_231 = tpu.memref_squeeze %dma_wait3A_230 : memref<1x!tpu.dma_semaphore, #tpu.memory_space<semaphore_mem>> -> memref<!tpu.dma_semaphore, #tpu.memory_space<semaphore_mem>>
      tpu.wait_indirect_dma semaphore(%dma_wait3A_231 : memref<!tpu.dma_semaphore, #tpu.memory_space<semaphore_mem>>) src(%dma_wait3A_223 : memref<128x128xf32, #tpu.memory_space<vmem>>) dst(%dma_wait3A_229 : memref<10240x128xf32, #tpu.memory_space<vmem_shared>>)
      %scan3A_232 = arith.constant 0 : i32
      scf.yield %scan3A_232 : i32
    }
    %scan3A_44 = arith.constant 20 : i32
    %barrier3A_45 = arith.constant 0 : index
    tpu.barrier barrier_id(%barrier3A_45)
    %run_scoped3A_46 = arith.constant 0 : i32
    "tpu.region"() ({
      %run_scoped3A_90 = tpu.sem_alloc : memref<!tpu.dma_semaphore, #tpu.memory_space<semaphore_mem>>
      %dma_start3A = arith.constant 0 : i32
      %dma_start3A_91 = tpu.memref_slice %arg5[%run_scoped3A_46, %arg0, %mul3A_13, %dma_start3A] : memref<2x2x10240x128xf32, #tpu.memory_space<hbm>> -> memref<1x1x640x128xf32, #tpu.memory_space<hbm>>
      %dma_start3A_92 = tpu.memref_squeeze %dma_start3A_91 : memref<1x1x640x128xf32, #tpu.memory_space<hbm>> -> memref<640x128xf32, #tpu.memory_space<hbm>>
      %dma_start3A_93 = arith.constant 0 : i32
      %dma_start3A_94 = tpu.memref_slice %arg9[%mul3A_13, %dma_start3A_93] : memref<10240x128xf32, #tpu.memory_space<vmem_shared>> -> memref<640x128xf32, #tpu.memory_space<vmem_shared>>
      tpu.enqueue_dma source(%dma_start3A_94 : memref<640x128xf32, #tpu.memory_space<vmem_shared>>) target(%dma_start3A_92 : memref<640x128xf32, #tpu.memory_space<hbm>>) target_semaphore(%run_scoped3A_90 : memref<!tpu.dma_semaphore, #tpu.memory_space<semaphore_mem>>)
      %dma_wait3A = arith.constant 0 : i32
      %dma_wait3A_95 = tpu.memref_slice %arg5[%run_scoped3A_46, %arg0, %mul3A_13, %dma_wait3A] : memref<2x2x10240x128xf32, #tpu.memory_space<hbm>> -> memref<1x1x640x128xf32, #tpu.memory_space<hbm>>
      %dma_wait3A_96 = tpu.memref_squeeze %dma_wait3A_95 : memref<1x1x640x128xf32, #tpu.memory_space<hbm>> -> memref<640x128xf32, #tpu.memory_space<hbm>>
      %dma_wait3A_97 = arith.constant 0 : i32
      %dma_wait3A_98 = tpu.memref_slice %arg9[%mul3A_13, %dma_wait3A_97] : memref<10240x128xf32, #tpu.memory_space<vmem_shared>> -> memref<640x128xf32, #tpu.memory_space<vmem_shared>>
      tpu.wait_dma2 semaphore(%run_scoped3A_90 : memref<!tpu.dma_semaphore, #tpu.memory_space<semaphore_mem>>) src(%dma_wait3A_98 : memref<640x128xf32, #tpu.memory_space<vmem_shared>>) dst(%dma_wait3A_96 : memref<640x128xf32, #tpu.memory_space<hbm>>)
      tpu.yield
    }) : () -> ()
    %barrier3A_47 = arith.constant 0 : index
    tpu.barrier barrier_id(%barrier3A_47)
    %scan3A_48 = arith.constant 0 : i32
    %scan3A_49 = arith.constant 0 : i32
    %scan3A_50 = arith.constant 128 : i32
    %scan3A_51 = arith.addi %scan3A_49, %scan3A_50 : i32
    %scan3A_52 = arith.constant 1 : i32
    %scan3A_53 = scf.for %scan3A_90 = %scan3A_49 to %scan3A_51 step %scan3A_52 iter_args(%scan3A_91 = %scan3A_48) -> (i32)  : i32 {
      %scan3A_92 = arith.constant 0 : i32
      %scan3A_93 = arith.constant 0 : i32
      %scan3A_94 = arith.constant 8 : i32
      %scan3A_95 = arith.addi %scan3A_93, %scan3A_94 : i32
      %scan3A_96 = arith.constant 1 : i32
      %scan3A_97 = scf.for %scan3A_100 = %scan3A_93 to %scan3A_95 step %scan3A_96 iter_args(%scan3A_101 = %scan3A_92) -> (i32)  : i32 {
        %mul3A_102 = arith.constant 16 : i32
        %mul3A_103 = arith.muli %scan3A_100, %mul3A_102 : i32
        %swap3A = arith.constant 0 : i32
        %swap3A_104 = arith.index_cast %swap3A : i32 to index
        %swap3A_105 = arith.index_cast %scan3A_90 : i32 to index
        %swap3A_106 = arith.index_cast %mul3A_103 : i32 to index
        %swap3A_107 = tpu.vector_load %arg8[%swap3A_104, %swap3A_105, %swap3A_106] {strides = array<i32>} : memref<2x128x128xf32, #tpu.memory_space<vmem>>, vector<1x1x16xf32>,
        %swap3A_108 = vector.shape_cast %swap3A_107 : vector<1x1x16xf32> to vector<16xf32>
        %swap3A_109 = vector.shape_cast %broadcast_in_dim3A_5 : vector<16xf32> to vector<1x1x16xf32>
        tpu.vector_store %arg8[%swap3A_104, %swap3A_105, %swap3A_106], %swap3A_109 {strides = array<i32>} : memref<2x128x128xf32, #tpu.memory_space<vmem>>, vector<1x1x16xf32>,
        %scan3A_110 = arith.constant 0 : i32
        scf.yield %scan3A_110 : i32
      }
      %scan3A_98 = arith.constant 8 : i32
      %scan3A_99 = arith.constant 0 : i32
      scf.yield %scan3A_99 : i32
    }
    %scan3A_54 = arith.constant 128 : i32
    %mul3A_55 = arith.constant 640 : i32
    %mul3A_56 = arith.muli %arg1, %mul3A_55 : i32
    %add3A_57 = arith.constant 0 : i32
    %add3A_58 = arith.addi %mul3A_56, %add3A_57 : i32
    %run_scoped3A_59 = arith.constant 0 : i32
    "tpu.region"() ({
      %run_scoped3A_90 = tpu.sem_alloc : memref<!tpu.dma_semaphore, #tpu.memory_space<semaphore_mem>>
      %dma_start3A = arith.constant 0 : i32
      %dma_start3A_91 = arith.constant 0 : i32
      %dma_start3A_92 = tpu.memref_slice %arg8[%run_scoped3A_59, %dma_start3A, %dma_start3A_91] : memref<2x128x128xf32, #tpu.memory_space<vmem>> -> memref<1x128x128xf32, #tpu.memory_space<vmem>>
      %dma_start3A_93 = tpu.memref_squeeze %dma_start3A_92 : memref<1x128x128xf32, #tpu.memory_space<vmem>> -> memref<128x128xf32, #tpu.memory_space<vmem>>
      %dma_start3A_94 = arith.constant 0 : i32
      %dma_start3A_95 = tpu.memref_slice %arg9[%add3A_58, %dma_start3A_94] : memref<10240x128xf32, #tpu.memory_space<vmem_shared>> -> memref<128x128xf32, #tpu.memory_space<vmem_shared>>
      %dma_start3A_96 = arith.constant 0 : i32
      %dma_start3A_97 = tpu.memref_slice %arg9[%add3A_58, %dma_start3A_96] : memref<10240x128xf32, #tpu.memory_space<vmem_shared>> -> memref<128x128xf32, #tpu.memory_space<vmem_shared>>
      %dma_start3A_98 = arith.constant 0 : i32
      %dma_start3A_99 = arith.constant 0 : i32
      %dma_start3A_100 = tpu.memref_slice %arg8[%run_scoped3A_59, %dma_start3A_98, %dma_start3A_99] : memref<2x128x128xf32, #tpu.memory_space<vmem>> -> memref<1x128x128xf32, #tpu.memory_space<vmem>>
      %dma_start3A_101 = tpu.memref_squeeze %dma_start3A_100 : memref<1x128x128xf32, #tpu.memory_space<vmem>> -> memref<128x128xf32, #tpu.memory_space<vmem>>
      tpu.enqueue_dma source(%dma_start3A_101 : memref<128x128xf32, #tpu.memory_space<vmem>>) target(%dma_start3A_97 : memref<128x128xf32, #tpu.memory_space<vmem_shared>>) target_semaphore(%run_scoped3A_90 : memref<!tpu.dma_semaphore, #tpu.memory_space<semaphore_mem>>)
      %dma_wait3A = arith.constant 0 : i32
      %dma_wait3A_102 = arith.constant 0 : i32
      %dma_wait3A_103 = tpu.memref_slice %arg8[%run_scoped3A_59, %dma_wait3A, %dma_wait3A_102] : memref<2x128x128xf32, #tpu.memory_space<vmem>> -> memref<1x128x128xf32, #tpu.memory_space<vmem>>
      %dma_wait3A_104 = tpu.memref_squeeze %dma_wait3A_103 : memref<1x128x128xf32, #tpu.memory_space<vmem>> -> memref<128x128xf32, #tpu.memory_space<vmem>>
      %dma_wait3A_105 = arith.constant 0 : i32
      %dma_wait3A_106 = tpu.memref_slice %arg9[%add3A_58, %dma_wait3A_105] : memref<10240x128xf32, #tpu.memory_space<vmem_shared>> -> memref<128x128xf32, #tpu.memory_space<vmem_shared>>
      %dma_wait3A_107 = arith.constant 0 : i32
      %dma_wait3A_108 = tpu.memref_slice %arg9[%add3A_58, %dma_wait3A_107] : memref<10240x128xf32, #tpu.memory_space<vmem_shared>> -> memref<128x128xf32, #tpu.memory_space<vmem_shared>>
      %dma_wait3A_109 = arith.constant 0 : i32
      %dma_wait3A_110 = arith.constant 0 : i32
      %dma_wait3A_111 = tpu.memref_slice %arg8[%run_scoped3A_59, %dma_wait3A_109, %dma_wait3A_110] : memref<2x128x128xf32, #tpu.memory_space<vmem>> -> memref<1x128x128xf32, #tpu.memory_space<vmem>>
      %dma_wait3A_112 = tpu.memref_squeeze %dma_wait3A_111 : memref<1x128x128xf32, #tpu.memory_space<vmem>> -> memref<128x128xf32, #tpu.memory_space<vmem>>
      tpu.wait_dma2 semaphore(%run_scoped3A_90 : memref<!tpu.dma_semaphore, #tpu.memory_space<semaphore_mem>>) src(%dma_wait3A_112 : memref<128x128xf32, #tpu.memory_space<vmem>>) dst(%dma_wait3A_108 : memref<128x128xf32, #tpu.memory_space<vmem_shared>>)
      tpu.yield
    }) : () -> ()
    %mul3A_60 = arith.constant 640 : i32
    %mul3A_61 = arith.muli %arg1, %mul3A_60 : i32
    %add3A_62 = arith.constant 128 : i32
    %add3A_63 = arith.addi %mul3A_61, %add3A_62 : i32
    %run_scoped3A_64 = arith.constant 0 : i32
    "tpu.region"() ({
      %run_scoped3A_90 = tpu.sem_alloc : memref<!tpu.dma_semaphore, #tpu.memory_space<semaphore_mem>>
      %dma_start3A = arith.constant 0 : i32
      %dma_start3A_91 = arith.constant 0 : i32
      %dma_start3A_92 = tpu.memref_slice %arg8[%run_scoped3A_64, %dma_start3A, %dma_start3A_91] : memref<2x128x128xf32, #tpu.memory_space<vmem>> -> memref<1x128x128xf32, #tpu.memory_space<vmem>>
      %dma_start3A_93 = tpu.memref_squeeze %dma_start3A_92 : memref<1x128x128xf32, #tpu.memory_space<vmem>> -> memref<128x128xf32, #tpu.memory_space<vmem>>
      %dma_start3A_94 = arith.constant 0 : i32
      %dma_start3A_95 = tpu.memref_slice %arg9[%add3A_63, %dma_start3A_94] : memref<10240x128xf32, #tpu.memory_space<vmem_shared>> -> memref<128x128xf32, #tpu.memory_space<vmem_shared>>
      %dma_start3A_96 = arith.constant 0 : i32
      %dma_start3A_97 = tpu.memref_slice %arg9[%add3A_63, %dma_start3A_96] : memref<10240x128xf32, #tpu.memory_space<vmem_shared>> -> memref<128x128xf32, #tpu.memory_space<vmem_shared>>
      %dma_start3A_98 = arith.constant 0 : i32
      %dma_start3A_99 = arith.constant 0 : i32
      %dma_start3A_100 = tpu.memref_slice %arg8[%run_scoped3A_64, %dma_start3A_98, %dma_start3A_99] : memref<2x128x128xf32, #tpu.memory_space<vmem>> -> memref<1x128x128xf32, #tpu.memory_space<vmem>>
      %dma_start3A_101 = tpu.memref_squeeze %dma_start3A_100 : memref<1x128x128xf32, #tpu.memory_space<vmem>> -> memref<128x128xf32, #tpu.memory_space<vmem>>
      tpu.enqueue_dma source(%dma_start3A_101 : memref<128x128xf32, #tpu.memory_space<vmem>>) target(%dma_start3A_97 : memref<128x128xf32, #tpu.memory_space<vmem_shared>>) target_semaphore(%run_scoped3A_90 : memref<!tpu.dma_semaphore, #tpu.memory_space<semaphore_mem>>)
      %dma_wait3A = arith.constant 0 : i32
      %dma_wait3A_102 = arith.constant 0 : i32
      %dma_wait3A_103 = tpu.memref_slice %arg8[%run_scoped3A_64, %dma_wait3A, %dma_wait3A_102] : memref<2x128x128xf32, #tpu.memory_space<vmem>> -> memref<1x128x128xf32, #tpu.memory_space<vmem>>
      %dma_wait3A_104 = tpu.memref_squeeze %dma_wait3A_103 : memref<1x128x128xf32, #tpu.memory_space<vmem>> -> memref<128x128xf32, #tpu.memory_space<vmem>>
      %dma_wait3A_105 = arith.constant 0 : i32
      %dma_wait3A_106 = tpu.memref_slice %arg9[%add3A_63, %dma_wait3A_105] : memref<10240x128xf32, #tpu.memory_space<vmem_shared>> -> memref<128x128xf32, #tpu.memory_space<vmem_shared>>
      %dma_wait3A_107 = arith.constant 0 : i32
      %dma_wait3A_108 = tpu.memref_slice %arg9[%add3A_63, %dma_wait3A_107] : memref<10240x128xf32, #tpu.memory_space<vmem_shared>> -> memref<128x128xf32, #tpu.memory_space<vmem_shared>>
      %dma_wait3A_109 = arith.constant 0 : i32
      %dma_wait3A_110 = arith.constant 0 : i32
      %dma_wait3A_111 = tpu.memref_slice %arg8[%run_scoped3A_64, %dma_wait3A_109, %dma_wait3A_110] : memref<2x128x128xf32, #tpu.memory_space<vmem>> -> memref<1x128x128xf32, #tpu.memory_space<vmem>>
      %dma_wait3A_112 = tpu.memref_squeeze %dma_wait3A_111 : memref<1x128x128xf32, #tpu.memory_space<vmem>> -> memref<128x128xf32, #tpu.memory_space<vmem>>
      tpu.wait_dma2 semaphore(%run_scoped3A_90 : memref<!tpu.dma_semaphore, #tpu.memory_space<semaphore_mem>>) src(%dma_wait3A_112 : memref<128x128xf32, #tpu.memory_space<vmem>>) dst(%dma_wait3A_108 : memref<128x128xf32, #tpu.memory_space<vmem_shared>>)
      tpu.yield
    }) : () -> ()
    %mul3A_65 = arith.constant 640 : i32
    %mul3A_66 = arith.muli %arg1, %mul3A_65 : i32
    %add3A_67 = arith.constant 256 : i32
    %add3A_68 = arith.addi %mul3A_66, %add3A_67 : i32
    %run_scoped3A_69 = arith.constant 0 : i32
    "tpu.region"() ({
      %run_scoped3A_90 = tpu.sem_alloc : memref<!tpu.dma_semaphore, #tpu.memory_space<semaphore_mem>>
      %dma_start3A = arith.constant 0 : i32
      %dma_start3A_91 = arith.constant 0 : i32
      %dma_start3A_92 = tpu.memref_slice %arg8[%run_scoped3A_69, %dma_start3A, %dma_start3A_91] : memref<2x128x128xf32, #tpu.memory_space<vmem>> -> memref<1x128x128xf32, #tpu.memory_space<vmem>>
      %dma_start3A_93 = tpu.memref_squeeze %dma_start3A_92 : memref<1x128x128xf32, #tpu.memory_space<vmem>> -> memref<128x128xf32, #tpu.memory_space<vmem>>
      %dma_start3A_94 = arith.constant 0 : i32
      %dma_start3A_95 = tpu.memref_slice %arg9[%add3A_68, %dma_start3A_94] : memref<10240x128xf32, #tpu.memory_space<vmem_shared>> -> memref<128x128xf32, #tpu.memory_space<vmem_shared>>
      %dma_start3A_96 = arith.constant 0 : i32
      %dma_start3A_97 = tpu.memref_slice %arg9[%add3A_68, %dma_start3A_96] : memref<10240x128xf32, #tpu.memory_space<vmem_shared>> -> memref<128x128xf32, #tpu.memory_space<vmem_shared>>
      %dma_start3A_98 = arith.constant 0 : i32
      %dma_start3A_99 = arith.constant 0 : i32
      %dma_start3A_100 = tpu.memref_slice %arg8[%run_scoped3A_69, %dma_start3A_98, %dma_start3A_99] : memref<2x128x128xf32, #tpu.memory_space<vmem>> -> memref<1x128x128xf32, #tpu.memory_space<vmem>>
      %dma_start3A_101 = tpu.memref_squeeze %dma_start3A_100 : memref<1x128x128xf32, #tpu.memory_space<vmem>> -> memref<128x128xf32, #tpu.memory_space<vmem>>
      tpu.enqueue_dma source(%dma_start3A_101 : memref<128x128xf32, #tpu.memory_space<vmem>>) target(%dma_start3A_97 : memref<128x128xf32, #tpu.memory_space<vmem_shared>>) target_semaphore(%run_scoped3A_90 : memref<!tpu.dma_semaphore, #tpu.memory_space<semaphore_mem>>)
      %dma_wait3A = arith.constant 0 : i32
      %dma_wait3A_102 = arith.constant 0 : i32
      %dma_wait3A_103 = tpu.memref_slice %arg8[%run_scoped3A_69, %dma_wait3A, %dma_wait3A_102] : memref<2x128x128xf32, #tpu.memory_space<vmem>> -> memref<1x128x128xf32, #tpu.memory_space<vmem>>
      %dma_wait3A_104 = tpu.memref_squeeze %dma_wait3A_103 : memref<1x128x128xf32, #tpu.memory_space<vmem>> -> memref<128x128xf32, #tpu.memory_space<vmem>>
      %dma_wait3A_105 = arith.constant 0 : i32
      %dma_wait3A_106 = tpu.memref_slice %arg9[%add3A_68, %dma_wait3A_105] : memref<10240x128xf32, #tpu.memory_space<vmem_shared>> -> memref<128x128xf32, #tpu.memory_space<vmem_shared>>
      %dma_wait3A_107 = arith.constant 0 : i32
      %dma_wait3A_108 = tpu.memref_slice %arg9[%add3A_68, %dma_wait3A_107] : memref<10240x128xf32, #tpu.memory_space<vmem_shared>> -> memref<128x128xf32, #tpu.memory_space<vmem_shared>>
      %dma_wait3A_109 = arith.constant 0 : i32
      %dma_wait3A_110 = arith.constant 0 : i32
      %dma_wait3A_111 = tpu.memref_slice %arg8[%run_scoped3A_69, %dma_wait3A_109, %dma_wait3A_110] : memref<2x128x128xf32, #tpu.memory_space<vmem>> -> memref<1x128x128xf32, #tpu.memory_space<vmem>>
      %dma_wait3A_112 = tpu.memref_squeeze %dma_wait3A_111 : memref<1x128x128xf32, #tpu.memory_space<vmem>> -> memref<128x128xf32, #tpu.memory_space<vmem>>
      tpu.wait_dma2 semaphore(%run_scoped3A_90 : memref<!tpu.dma_semaphore, #tpu.memory_space<semaphore_mem>>) src(%dma_wait3A_112 : memref<128x128xf32, #tpu.memory_space<vmem>>) dst(%dma_wait3A_108 : memref<128x128xf32, #tpu.memory_space<vmem_shared>>)
      tpu.yield
    }) : () -> ()
    %mul3A_70 = arith.constant 640 : i32
    %mul3A_71 = arith.muli %arg1, %mul3A_70 : i32
    %add3A_72 = arith.constant 384 : i32
    %add3A_73 = arith.addi %mul3A_71, %add3A_72 : i32
    %run_scoped3A_74 = arith.constant 0 : i32
    "tpu.region"() ({
      %run_scoped3A_90 = tpu.sem_alloc : memref<!tpu.dma_semaphore, #tpu.memory_space<semaphore_mem>>
      %dma_start3A = arith.constant 0 : i32
      %dma_start3A_91 = arith.constant 0 : i32
      %dma_start3A_92 = tpu.memref_slice %arg8[%run_scoped3A_74, %dma_start3A, %dma_start3A_91] : memref<2x128x128xf32, #tpu.memory_space<vmem>> -> memref<1x128x128xf32, #tpu.memory_space<vmem>>
      %dma_start3A_93 = tpu.memref_squeeze %dma_start3A_92 : memref<1x128x128xf32, #tpu.memory_space<vmem>> -> memref<128x128xf32, #tpu.memory_space<vmem>>
      %dma_start3A_94 = arith.constant 0 : i32
      %dma_start3A_95 = tpu.memref_slice %arg9[%add3A_73, %dma_start3A_94] : memref<10240x128xf32, #tpu.memory_space<vmem_shared>> -> memref<128x128xf32, #tpu.memory_space<vmem_shared>>
      %dma_start3A_96 = arith.constant 0 : i32
      %dma_start3A_97 = tpu.memref_slice %arg9[%add3A_73, %dma_start3A_96] : memref<10240x128xf32, #tpu.memory_space<vmem_shared>> -> memref<128x128xf32, #tpu.memory_space<vmem_shared>>
      %dma_start3A_98 = arith.constant 0 : i32
      %dma_start3A_99 = arith.constant 0 : i32
      %dma_start3A_100 = tpu.memref_slice %arg8[%run_scoped3A_74, %dma_start3A_98, %dma_start3A_99] : memref<2x128x128xf32, #tpu.memory_space<vmem>> -> memref<1x128x128xf32, #tpu.memory_space<vmem>>
      %dma_start3A_101 = tpu.memref_squeeze %dma_start3A_100 : memref<1x128x128xf32, #tpu.memory_space<vmem>> -> memref<128x128xf32, #tpu.memory_space<vmem>>
      tpu.enqueue_dma source(%dma_start3A_101 : memref<128x128xf32, #tpu.memory_space<vmem>>) target(%dma_start3A_97 : memref<128x128xf32, #tpu.memory_space<vmem_shared>>) target_semaphore(%run_scoped3A_90 : memref<!tpu.dma_semaphore, #tpu.memory_space<semaphore_mem>>)
      %dma_wait3A = arith.constant 0 : i32
      %dma_wait3A_102 = arith.constant 0 : i32
      %dma_wait3A_103 = tpu.memref_slice %arg8[%run_scoped3A_74, %dma_wait3A, %dma_wait3A_102] : memref<2x128x128xf32, #tpu.memory_space<vmem>> -> memref<1x128x128xf32, #tpu.memory_space<vmem>>
      %dma_wait3A_104 = tpu.memref_squeeze %dma_wait3A_103 : memref<1x128x128xf32, #tpu.memory_space<vmem>> -> memref<128x128xf32, #tpu.memory_space<vmem>>
      %dma_wait3A_105 = arith.constant 0 : i32
      %dma_wait3A_106 = tpu.memref_slice %arg9[%add3A_73, %dma_wait3A_105] : memref<10240x128xf32, #tpu.memory_space<vmem_shared>> -> memref<128x128xf32, #tpu.memory_space<vmem_shared>>
      %dma_wait3A_107 = arith.constant 0 : i32
      %dma_wait3A_108 = tpu.memref_slice %arg9[%add3A_73, %dma_wait3A_107] : memref<10240x128xf32, #tpu.memory_space<vmem_shared>> -> memref<128x128xf32, #tpu.memory_space<vmem_shared>>
      %dma_wait3A_109 = arith.constant 0 : i32
      %dma_wait3A_110 = arith.constant 0 : i32
      %dma_wait3A_111 = tpu.memref_slice %arg8[%run_scoped3A_74, %dma_wait3A_109, %dma_wait3A_110] : memref<2x128x128xf32, #tpu.memory_space<vmem>> -> memref<1x128x128xf32, #tpu.memory_space<vmem>>
      %dma_wait3A_112 = tpu.memref_squeeze %dma_wait3A_111 : memref<1x128x128xf32, #tpu.memory_space<vmem>> -> memref<128x128xf32, #tpu.memory_space<vmem>>
      tpu.wait_dma2 semaphore(%run_scoped3A_90 : memref<!tpu.dma_semaphore, #tpu.memory_space<semaphore_mem>>) src(%dma_wait3A_112 : memref<128x128xf32, #tpu.memory_space<vmem>>) dst(%dma_wait3A_108 : memref<128x128xf32, #tpu.memory_space<vmem_shared>>)
      tpu.yield
    }) : () -> ()
    %mul3A_75 = arith.constant 640 : i32
    %mul3A_76 = arith.muli %arg1, %mul3A_75 : i32
    %add3A_77 = arith.constant 512 : i32
    %add3A_78 = arith.addi %mul3A_76, %add3A_77 : i32
    %run_scoped3A_79 = arith.constant 0 : i32
    "tpu.region"() ({
      %run_scoped3A_90 = tpu.sem_alloc : memref<!tpu.dma_semaphore, #tpu.memory_space<semaphore_mem>>
      %dma_start3A = arith.constant 0 : i32
      %dma_start3A_91 = arith.constant 0 : i32
      %dma_start3A_92 = tpu.memref_slice %arg8[%run_scoped3A_79, %dma_start3A, %dma_start3A_91] : memref<2x128x128xf32, #tpu.memory_space<vmem>> -> memref<1x128x128xf32, #tpu.memory_space<vmem>>
      %dma_start3A_93 = tpu.memref_squeeze %dma_start3A_92 : memref<1x128x128xf32, #tpu.memory_space<vmem>> -> memref<128x128xf32, #tpu.memory_space<vmem>>
      %dma_start3A_94 = arith.constant 0 : i32
      %dma_start3A_95 = tpu.memref_slice %arg9[%add3A_78, %dma_start3A_94] : memref<10240x128xf32, #tpu.memory_space<vmem_shared>> -> memref<128x128xf32, #tpu.memory_space<vmem_shared>>
      %dma_start3A_96 = arith.constant 0 : i32
      %dma_start3A_97 = tpu.memref_slice %arg9[%add3A_78, %dma_start3A_96] : memref<10240x128xf32, #tpu.memory_space<vmem_shared>> -> memref<128x128xf32, #tpu.memory_space<vmem_shared>>
      %dma_start3A_98 = arith.constant 0 : i32
      %dma_start3A_99 = arith.constant 0 : i32
      %dma_start3A_100 = tpu.memref_slice %arg8[%run_scoped3A_79, %dma_start3A_98, %dma_start3A_99] : memref<2x128x128xf32, #tpu.memory_space<vmem>> -> memref<1x128x128xf32, #tpu.memory_space<vmem>>
      %dma_start3A_101 = tpu.memref_squeeze %dma_start3A_100 : memref<1x128x128xf32, #tpu.memory_space<vmem>> -> memref<128x128xf32, #tpu.memory_space<vmem>>
      tpu.enqueue_dma source(%dma_start3A_101 : memref<128x128xf32, #tpu.memory_space<vmem>>) target(%dma_start3A_97 : memref<128x128xf32, #tpu.memory_space<vmem_shared>>) target_semaphore(%run_scoped3A_90 : memref<!tpu.dma_semaphore, #tpu.memory_space<semaphore_mem>>)
      %dma_wait3A = arith.constant 0 : i32
      %dma_wait3A_102 = arith.constant 0 : i32
      %dma_wait3A_103 = tpu.memref_slice %arg8[%run_scoped3A_79, %dma_wait3A, %dma_wait3A_102] : memref<2x128x128xf32, #tpu.memory_space<vmem>> -> memref<1x128x128xf32, #tpu.memory_space<vmem>>
      %dma_wait3A_104 = tpu.memref_squeeze %dma_wait3A_103 : memref<1x128x128xf32, #tpu.memory_space<vmem>> -> memref<128x128xf32, #tpu.memory_space<vmem>>
      %dma_wait3A_105 = arith.constant 0 : i32
      %dma_wait3A_106 = tpu.memref_slice %arg9[%add3A_78, %dma_wait3A_105] : memref<10240x128xf32, #tpu.memory_space<vmem_shared>> -> memref<128x128xf32, #tpu.memory_space<vmem_shared>>
      %dma_wait3A_107 = arith.constant 0 : i32
      %dma_wait3A_108 = tpu.memref_slice %arg9[%add3A_78, %dma_wait3A_107] : memref<10240x128xf32, #tpu.memory_space<vmem_shared>> -> memref<128x128xf32, #tpu.memory_space<vmem_shared>>
      %dma_wait3A_109 = arith.constant 0 : i32
      %dma_wait3A_110 = arith.constant 0 : i32
      %dma_wait3A_111 = tpu.memref_slice %arg8[%run_scoped3A_79, %dma_wait3A_109, %dma_wait3A_110] : memref<2x128x128xf32, #tpu.memory_space<vmem>> -> memref<1x128x128xf32, #tpu.memory_space<vmem>>
      %dma_wait3A_112 = tpu.memref_squeeze %dma_wait3A_111 : memref<1x128x128xf32, #tpu.memory_space<vmem>> -> memref<128x128xf32, #tpu.memory_space<vmem>>
      tpu.wait_dma2 semaphore(%run_scoped3A_90 : memref<!tpu.dma_semaphore, #tpu.memory_space<semaphore_mem>>) src(%dma_wait3A_112 : memref<128x128xf32, #tpu.memory_space<vmem>>) dst(%dma_wait3A_108 : memref<128x128xf32, #tpu.memory_space<vmem_shared>>)
      tpu.yield
    }) : () -> ()
    %barrier3A_80 = arith.constant 0 : index
    tpu.barrier barrier_id(%barrier3A_80)
    %scan3A_81 = arith.constant 0 : i32
    %scan3A_82 = arith.constant 0 : i32
    %scan3A_83 = arith.constant 20 : i32
    %scan3A_84 = arith.addi %scan3A_82, %scan3A_83 : i32
    %scan3A_85 = arith.constant 1 : i32
    %scan3A_86 = scf.for %scan3A_90 = %scan3A_82 to %scan3A_84 step %scan3A_85 iter_args(%scan3A_91 = %scan3A_81) -> (i32)  : i32 {
      %mul3A_92 = arith.constant 2 : i32
      %mul3A_93 = arith.muli %scan3A_90, %mul3A_92 : i32
      %add3A_94 = arith.constant 0 : i32
      %add3A_95 = arith.addi %mul3A_93, %add3A_94 : i32
      %dma_start3A = arith.constant 1 : i32
      %dma_start3A_96 = arith.constant 0 : i32
      %dma_start3A_97 = arith.constant 0 : i32
      %dma_start3A_98 = arith.constant 0 : i32
      %dma_start3A_99 = arith.constant 0 : i32
      %dma_start3A_100 = tpu.memref_slice %arg8[%dma_start3A_96, %dma_start3A_98, %dma_start3A_99] : memref<2x128x128xf32, #tpu.memory_space<vmem>> -> memref<1x128x128xf32, #tpu.memory_space<vmem>>
      %dma_start3A_101 = tpu.memref_squeeze %dma_start3A_100 : memref<1x128x128xf32, #tpu.memory_space<vmem>> -> memref<128x128xf32, #tpu.memory_space<vmem>>
      %dma_start3A_102 = arith.constant 0 : i32
      %dma_start3A_103 = tpu.memref_slice %arg6[%add3A_95, %dma_start3A_102] : memref<40x128xi32, #tpu.memory_space<vmem>> -> memref<1x128xi32, #tpu.memory_space<vmem>>
      %dma_start3A_104 = tpu.memref_squeeze %dma_start3A_103 : memref<1x128xi32, #tpu.memory_space<vmem>> -> memref<128xi32, #tpu.memory_space<vmem>>
      %dma_start3A_105 = arith.constant 0 : i32
      %dma_start3A_106 = arith.constant 0 : i32
      %dma_start3A_107 = tpu.memref_slice %arg2[%dma_start3A, %dma_start3A_105, %dma_start3A_106] : memref<2x10000x128xf32, #tpu.memory_space<hbm>> -> memref<1x10000x128xf32, #tpu.memory_space<hbm>>
      %dma_start3A_108 = tpu.memref_squeeze %dma_start3A_107 : memref<1x10000x128xf32, #tpu.memory_space<hbm>> -> memref<10000x128xf32, #tpu.memory_space<hbm>>
      %dma_start3A_109 = arith.constant 0 : i32
      %dma_start3A_110 = arith.constant 0 : i32
      %dma_start3A_111 = tpu.memref_slice %dma_start3A_108[%dma_start3A_109, %dma_start3A_110] : memref<10000x128xf32, #tpu.memory_space<hbm>> -> memref<10000x128xf32, #tpu.memory_space<hbm>>
      %dma_start3A_112 = tpu.memref_slice %arg10[%dma_start3A_97] : memref<2x!tpu.dma_semaphore, #tpu.memory_space<semaphore_mem>> -> memref<1x!tpu.dma_semaphore, #tpu.memory_space<semaphore_mem>>
      %dma_start3A_113 = tpu.memref_squeeze %dma_start3A_112 : memref<1x!tpu.dma_semaphore, #tpu.memory_space<semaphore_mem>> -> memref<!tpu.dma_semaphore, #tpu.memory_space<semaphore_mem>>
      tpu.enqueue_indirect_dma source(%dma_start3A_111 : memref<10000x128xf32, #tpu.memory_space<hbm>>) target(%dma_start3A_101 : memref<128x128xf32, #tpu.memory_space<vmem>>) offsets(%dma_start3A_104 : memref<128xi32, #tpu.memory_space<vmem>>) semaphore(%dma_start3A_113 : memref<!tpu.dma_semaphore, #tpu.memory_space<semaphore_mem>>)
      %add3A_114 = arith.constant 1 : i32
      %add3A_115 = arith.addi %mul3A_93, %add3A_114 : i32
      %dma_start3A_116 = arith.constant 1 : i32
      %dma_start3A_117 = arith.constant 1 : i32
      %dma_start3A_118 = arith.constant 1 : i32
      %dma_start3A_119 = arith.constant 0 : i32
      %dma_start3A_120 = arith.constant 0 : i32
      %dma_start3A_121 = tpu.memref_slice %arg8[%dma_start3A_117, %dma_start3A_119, %dma_start3A_120] : memref<2x128x128xf32, #tpu.memory_space<vmem>> -> memref<1x128x128xf32, #tpu.memory_space<vmem>>
      %dma_start3A_122 = tpu.memref_squeeze %dma_start3A_121 : memref<1x128x128xf32, #tpu.memory_space<vmem>> -> memref<128x128xf32, #tpu.memory_space<vmem>>
      %dma_start3A_123 = arith.constant 0 : i32
      %dma_start3A_124 = tpu.memref_slice %arg6[%add3A_115, %dma_start3A_123] : memref<40x128xi32, #tpu.memory_space<vmem>> -> memref<1x128xi32, #tpu.memory_space<vmem>>
      %dma_start3A_125 = tpu.memref_squeeze %dma_start3A_124 : memref<1x128xi32, #tpu.memory_space<vmem>> -> memref<128xi32, #tpu.memory_space<vmem>>
      %dma_start3A_126 = arith.constant 0 : i32
      %dma_start3A_127 = arith.constant 0 : i32
      %dma_start3A_128 = tpu.memref_slice %arg2[%dma_start3A_116, %dma_start3A_126, %dma_start3A_127] : memref<2x10000x128xf32, #tpu.memory_space<hbm>> -> memref<1x10000x128xf32, #tpu.memory_space<hbm>>
      %dma_start3A_129 = tpu.memref_squeeze %dma_start3A_128 : memref<1x10000x128xf32, #tpu.memory_space<hbm>> -> memref<10000x128xf32, #tpu.memory_space<hbm>>
      %dma_start3A_130 = arith.constant 0 : i32
      %dma_start3A_131 = arith.constant 0 : i32
      %dma_start3A_132 = tpu.memref_slice %dma_start3A_129[%dma_start3A_130, %dma_start3A_131] : memref<10000x128xf32, #tpu.memory_space<hbm>> -> memref<10000x128xf32, #tpu.memory_space<hbm>>
      %dma_start3A_133 = tpu.memref_slice %arg10[%dma_start3A_118] : memref<2x!tpu.dma_semaphore, #tpu.memory_space<semaphore_mem>> -> memref<1x!tpu.dma_semaphore, #tpu.memory_space<semaphore_mem>>
      %dma_start3A_134 = tpu.memref_squeeze %dma_start3A_133 : memref<1x!tpu.dma_semaphore, #tpu.memory_space<semaphore_mem>> -> memref<!tpu.dma_semaphore, #tpu.memory_space<semaphore_mem>>
      tpu.enqueue_indirect_dma source(%dma_start3A_132 : memref<10000x128xf32, #tpu.memory_space<hbm>>) target(%dma_start3A_122 : memref<128x128xf32, #tpu.memory_space<vmem>>) offsets(%dma_start3A_125 : memref<128xi32, #tpu.memory_space<vmem>>) semaphore(%dma_start3A_134 : memref<!tpu.dma_semaphore, #tpu.memory_space<semaphore_mem>>)
      %dma_wait3A = arith.constant 1 : i32
      %dma_wait3A_135 = arith.constant 0 : i32
      %dma_wait3A_136 = arith.constant 0 : i32
      %dma_wait3A_137 = arith.constant 0 : i32
      %dma_wait3A_138 = arith.constant 0 : i32
      %dma_wait3A_139 = tpu.memref_slice %arg8[%dma_wait3A_135, %dma_wait3A_137, %dma_wait3A_138] : memref<2x128x128xf32, #tpu.memory_space<vmem>> -> memref<1x128x128xf32, #tpu.memory_space<vmem>>
      %dma_wait3A_140 = tpu.memref_squeeze %dma_wait3A_139 : memref<1x128x128xf32, #tpu.memory_space<vmem>> -> memref<128x128xf32, #tpu.memory_space<vmem>>
      %dma_wait3A_141 = arith.constant 0 : i32
      %dma_wait3A_142 = tpu.memref_slice %arg6[%add3A_95, %dma_wait3A_141] : memref<40x128xi32, #tpu.memory_space<vmem>> -> memref<1x128xi32, #tpu.memory_space<vmem>>
      %dma_wait3A_143 = tpu.memref_squeeze %dma_wait3A_142 : memref<1x128xi32, #tpu.memory_space<vmem>> -> memref<128xi32, #tpu.memory_space<vmem>>
      %dma_wait3A_144 = arith.constant 0 : i32
      %dma_wait3A_145 = arith.constant 0 : i32
      %dma_wait3A_146 = tpu.memref_slice %arg2[%dma_wait3A, %dma_wait3A_144, %dma_wait3A_145] : memref<2x10000x128xf32, #tpu.memory_space<hbm>> -> memref<1x10000x128xf32, #tpu.memory_space<hbm>>
      %dma_wait3A_147 = tpu.memref_squeeze %dma_wait3A_146 : memref<1x10000x128xf32, #tpu.memory_space<hbm>> -> memref<10000x128xf32, #tpu.memory_space<hbm>>
      %dma_wait3A_148 = arith.constant 0 : i32
      %dma_wait3A_149 = arith.constant 0 : i32
      %dma_wait3A_150 = tpu.memref_slice %dma_wait3A_147[%dma_wait3A_148, %dma_wait3A_149] : memref<10000x128xf32, #tpu.memory_space<hbm>> -> memref<10000x128xf32, #tpu.memory_space<hbm>>
      %dma_wait3A_151 = tpu.memref_slice %arg10[%dma_wait3A_136] : memref<2x!tpu.dma_semaphore, #tpu.memory_space<semaphore_mem>> -> memref<1x!tpu.dma_semaphore, #tpu.memory_space<semaphore_mem>>
      %dma_wait3A_152 = tpu.memref_squeeze %dma_wait3A_151 : memref<1x!tpu.dma_semaphore, #tpu.memory_space<semaphore_mem>> -> memref<!tpu.dma_semaphore, #tpu.memory_space<semaphore_mem>>
      tpu.wait_indirect_dma semaphore(%dma_wait3A_152 : memref<!tpu.dma_semaphore, #tpu.memory_space<semaphore_mem>>) src(%dma_wait3A_150 : memref<10000x128xf32, #tpu.memory_space<hbm>>) dst(%dma_wait3A_140 : memref<128x128xf32, #tpu.memory_space<vmem>>)
      %add3A_153 = arith.constant 0 : i32
      %add3A_154 = arith.addi %mul3A_93, %add3A_153 : i32
      %dma_start3A_155 = arith.constant 0 : i32
      %dma_start3A_156 = arith.constant 0 : i32
      %dma_start3A_157 = arith.constant 0 : i32
      %dma_start3A_158 = arith.constant 0 : i32
      %dma_start3A_159 = tpu.memref_slice %arg8[%dma_start3A_155, %dma_start3A_157, %dma_start3A_158] : memref<2x128x128xf32, #tpu.memory_space<vmem>> -> memref<1x128x128xf32, #tpu.memory_space<vmem>>
      %dma_start3A_160 = tpu.memref_squeeze %dma_start3A_159 : memref<1x128x128xf32, #tpu.memory_space<vmem>> -> memref<128x128xf32, #tpu.memory_space<vmem>>
      %dma_start3A_161 = arith.constant 0 : i32
      %dma_start3A_162 = tpu.memref_slice %arg7[%add3A_154, %dma_start3A_161] : memref<40x128xi32, #tpu.memory_space<vmem>> -> memref<1x128xi32, #tpu.memory_space<vmem>>
      %dma_start3A_163 = tpu.memref_squeeze %dma_start3A_162 : memref<1x128xi32, #tpu.memory_space<vmem>> -> memref<128xi32, #tpu.memory_space<vmem>>
      %dma_start3A_164 = arith.constant 0 : i32
      %dma_start3A_165 = arith.constant 0 : i32
      %dma_start3A_166 = tpu.memref_slice %arg9[%dma_start3A_164, %dma_start3A_165] : memref<10240x128xf32, #tpu.memory_space<vmem_shared>> -> memref<10240x128xf32, #tpu.memory_space<vmem_shared>>
      %dma_start3A_167 = tpu.memref_slice %arg11[%dma_start3A_156] : memref<2x!tpu.dma_semaphore, #tpu.memory_space<semaphore_mem>> -> memref<1x!tpu.dma_semaphore, #tpu.memory_space<semaphore_mem>>
      %dma_start3A_168 = tpu.memref_squeeze %dma_start3A_167 : memref<1x!tpu.dma_semaphore, #tpu.memory_space<semaphore_mem>> -> memref<!tpu.dma_semaphore, #tpu.memory_space<semaphore_mem>>
      tpu.enqueue_indirect_dma source(%dma_start3A_160 : memref<128x128xf32, #tpu.memory_space<vmem>>) target(%dma_start3A_166 : memref<10240x128xf32, #tpu.memory_space<vmem_shared>>) offsets(%dma_start3A_163 : memref<128xi32, #tpu.memory_space<vmem>>) semaphore(%dma_start3A_168 : memref<!tpu.dma_semaphore, #tpu.memory_space<semaphore_mem>>) {add = true}
      %dma_wait3A_169 = arith.constant 1 : i32
      %dma_wait3A_170 = arith.constant 1 : i32
      %dma_wait3A_171 = arith.constant 1 : i32
      %dma_wait3A_172 = arith.constant 0 : i32
      %dma_wait3A_173 = arith.constant 0 : i32
      %dma_wait3A_174 = tpu.memref_slice %arg8[%dma_wait3A_170, %dma_wait3A_172, %dma_wait3A_173] : memref<2x128x128xf32, #tpu.memory_space<vmem>> -> memref<1x128x128xf32, #tpu.memory_space<vmem>>
      %dma_wait3A_175 = tpu.memref_squeeze %dma_wait3A_174 : memref<1x128x128xf32, #tpu.memory_space<vmem>> -> memref<128x128xf32, #tpu.memory_space<vmem>>
      %dma_wait3A_176 = arith.constant 0 : i32
      %dma_wait3A_177 = tpu.memref_slice %arg6[%add3A_115, %dma_wait3A_176] : memref<40x128xi32, #tpu.memory_space<vmem>> -> memref<1x128xi32, #tpu.memory_space<vmem>>
      %dma_wait3A_178 = tpu.memref_squeeze %dma_wait3A_177 : memref<1x128xi32, #tpu.memory_space<vmem>> -> memref<128xi32, #tpu.memory_space<vmem>>
      %dma_wait3A_179 = arith.constant 0 : i32
      %dma_wait3A_180 = arith.constant 0 : i32
      %dma_wait3A_181 = tpu.memref_slice %arg2[%dma_wait3A_169, %dma_wait3A_179, %dma_wait3A_180] : memref<2x10000x128xf32, #tpu.memory_space<hbm>> -> memref<1x10000x128xf32, #tpu.memory_space<hbm>>
      %dma_wait3A_182 = tpu.memref_squeeze %dma_wait3A_181 : memref<1x10000x128xf32, #tpu.memory_space<hbm>> -> memref<10000x128xf32, #tpu.memory_space<hbm>>
      %dma_wait3A_183 = arith.constant 0 : i32
      %dma_wait3A_184 = arith.constant 0 : i32
      %dma_wait3A_185 = tpu.memref_slice %dma_wait3A_182[%dma_wait3A_183, %dma_wait3A_184] : memref<10000x128xf32, #tpu.memory_space<hbm>> -> memref<10000x128xf32, #tpu.memory_space<hbm>>
      %dma_wait3A_186 = tpu.memref_slice %arg10[%dma_wait3A_171] : memref<2x!tpu.dma_semaphore, #tpu.memory_space<semaphore_mem>> -> memref<1x!tpu.dma_semaphore, #tpu.memory_space<semaphore_mem>>
      %dma_wait3A_187 = tpu.memref_squeeze %dma_wait3A_186 : memref<1x!tpu.dma_semaphore, #tpu.memory_space<semaphore_mem>> -> memref<!tpu.dma_semaphore, #tpu.memory_space<semaphore_mem>>
      tpu.wait_indirect_dma semaphore(%dma_wait3A_187 : memref<!tpu.dma_semaphore, #tpu.memory_space<semaphore_mem>>) src(%dma_wait3A_185 : memref<10000x128xf32, #tpu.memory_space<hbm>>) dst(%dma_wait3A_175 : memref<128x128xf32, #tpu.memory_space<vmem>>)
      %add3A_188 = arith.constant 1 : i32
      %add3A_189 = arith.addi %mul3A_93, %add3A_188 : i32
      %dma_start3A_190 = arith.constant 1 : i32
      %dma_start3A_191 = arith.constant 1 : i32
      %dma_start3A_192 = arith.constant 0 : i32
      %dma_start3A_193 = arith.constant 0 : i32
      %dma_start3A_194 = tpu.memref_slice %arg8[%dma_start3A_190, %dma_start3A_192, %dma_start3A_193] : memref<2x128x128xf32, #tpu.memory_space<vmem>> -> memref<1x128x128xf32, #tpu.memory_space<vmem>>
      %dma_start3A_195 = tpu.memref_squeeze %dma_start3A_194 : memref<1x128x128xf32, #tpu.memory_space<vmem>> -> memref<128x128xf32, #tpu.memory_space<vmem>>
      %dma_start3A_196 = arith.constant 0 : i32
      %dma_start3A_197 = tpu.memref_slice %arg7[%add3A_189, %dma_start3A_196] : memref<40x128xi32, #tpu.memory_space<vmem>> -> memref<1x128xi32, #tpu.memory_space<vmem>>
      %dma_start3A_198 = tpu.memref_squeeze %dma_start3A_197 : memref<1x128xi32, #tpu.memory_space<vmem>> -> memref<128xi32, #tpu.memory_space<vmem>>
      %dma_start3A_199 = arith.constant 0 : i32
      %dma_start3A_200 = arith.constant 0 : i32
      %dma_start3A_201 = tpu.memref_slice %arg9[%dma_start3A_199, %dma_start3A_200] : memref<10240x128xf32, #tpu.memory_space<vmem_shared>> -> memref<10240x128xf32, #tpu.memory_space<vmem_shared>>
      %dma_start3A_202 = tpu.memref_slice %arg11[%dma_start3A_191] : memref<2x!tpu.dma_semaphore, #tpu.memory_space<semaphore_mem>> -> memref<1x!tpu.dma_semaphore, #tpu.memory_space<semaphore_mem>>
      %dma_start3A_203 = tpu.memref_squeeze %dma_start3A_202 : memref<1x!tpu.dma_semaphore, #tpu.memory_space<semaphore_mem>> -> memref<!tpu.dma_semaphore, #tpu.memory_space<semaphore_mem>>
      tpu.enqueue_indirect_dma source(%dma_start3A_195 : memref<128x128xf32, #tpu.memory_space<vmem>>) target(%dma_start3A_201 : memref<10240x128xf32, #tpu.memory_space<vmem_shared>>) offsets(%dma_start3A_198 : memref<128xi32, #tpu.memory_space<vmem>>) semaphore(%dma_start3A_203 : memref<!tpu.dma_semaphore, #tpu.memory_space<semaphore_mem>>) {add = true}
      %dma_wait3A_204 = arith.constant 0 : i32
      %dma_wait3A_205 = arith.constant 0 : i32
      %dma_wait3A_206 = arith.constant 0 : i32
      %dma_wait3A_207 = arith.constant 0 : i32
      %dma_wait3A_208 = tpu.memref_slice %arg8[%dma_wait3A_204, %dma_wait3A_206, %dma_wait3A_207] : memref<2x128x128xf32, #tpu.memory_space<vmem>> -> memref<1x128x128xf32, #tpu.memory_space<vmem>>
      %dma_wait3A_209 = tpu.memref_squeeze %dma_wait3A_208 : memref<1x128x128xf32, #tpu.memory_space<vmem>> -> memref<128x128xf32, #tpu.memory_space<vmem>>
      %dma_wait3A_210 = arith.constant 0 : i32
      %dma_wait3A_211 = tpu.memref_slice %arg7[%add3A_154, %dma_wait3A_210] : memref<40x128xi32, #tpu.memory_space<vmem>> -> memref<1x128xi32, #tpu.memory_space<vmem>>
      %dma_wait3A_212 = tpu.memref_squeeze %dma_wait3A_211 : memref<1x128xi32, #tpu.memory_space<vmem>> -> memref<128xi32, #tpu.memory_space<vmem>>
      %dma_wait3A_213 = arith.constant 0 : i32
      %dma_wait3A_214 = arith.constant 0 : i32
      %dma_wait3A_215 = tpu.memref_slice %arg9[%dma_wait3A_213, %dma_wait3A_214] : memref<10240x128xf32, #tpu.memory_space<vmem_shared>> -> memref<10240x128xf32, #tpu.memory_space<vmem_shared>>
      %dma_wait3A_216 = tpu.memref_slice %arg11[%dma_wait3A_205] : memref<2x!tpu.dma_semaphore, #tpu.memory_space<semaphore_mem>> -> memref<1x!tpu.dma_semaphore, #tpu.memory_space<semaphore_mem>>
      %dma_wait3A_217 = tpu.memref_squeeze %dma_wait3A_216 : memref<1x!tpu.dma_semaphore, #tpu.memory_space<semaphore_mem>> -> memref<!tpu.dma_semaphore, #tpu.memory_space<semaphore_mem>>
      tpu.wait_indirect_dma semaphore(%dma_wait3A_217 : memref<!tpu.dma_semaphore, #tpu.memory_space<semaphore_mem>>) src(%dma_wait3A_209 : memref<128x128xf32, #tpu.memory_space<vmem>>) dst(%dma_wait3A_215 : memref<10240x128xf32, #tpu.memory_space<vmem_shared>>)
      %dma_wait3A_218 = arith.constant 1 : i32
      %dma_wait3A_219 = arith.constant 1 : i32
      %dma_wait3A_220 = arith.constant 0 : i32
      %dma_wait3A_221 = arith.constant 0 : i32
      %dma_wait3A_222 = tpu.memref_slice %arg8[%dma_wait3A_218, %dma_wait3A_220, %dma_wait3A_221] : memref<2x128x128xf32, #tpu.memory_space<vmem>> -> memref<1x128x128xf32, #tpu.memory_space<vmem>>
      %dma_wait3A_223 = tpu.memref_squeeze %dma_wait3A_222 : memref<1x128x128xf32, #tpu.memory_space<vmem>> -> memref<128x128xf32, #tpu.memory_space<vmem>>
      %dma_wait3A_224 = arith.constant 0 : i32
      %dma_wait3A_225 = tpu.memref_slice %arg7[%add3A_189, %dma_wait3A_224] : memref<40x128xi32, #tpu.memory_space<vmem>> -> memref<1x128xi32, #tpu.memory_space<vmem>>
      %dma_wait3A_226 = tpu.memref_squeeze %dma_wait3A_225 : memref<1x128xi32, #tpu.memory_space<vmem>> -> memref<128xi32, #tpu.memory_space<vmem>>
      %dma_wait3A_227 = arith.constant 0 : i32
      %dma_wait3A_228 = arith.constant 0 : i32
      %dma_wait3A_229 = tpu.memref_slice %arg9[%dma_wait3A_227, %dma_wait3A_228] : memref<10240x128xf32, #tpu.memory_space<vmem_shared>> -> memref<10240x128xf32, #tpu.memory_space<vmem_shared>>
      %dma_wait3A_230 = tpu.memref_slice %arg11[%dma_wait3A_219] : memref<2x!tpu.dma_semaphore, #tpu.memory_space<semaphore_mem>> -> memref<1x!tpu.dma_semaphore, #tpu.memory_space<semaphore_mem>>
      %dma_wait3A_231 = tpu.memref_squeeze %dma_wait3A_230 : memref<1x!tpu.dma_semaphore, #tpu.memory_space<semaphore_mem>> -> memref<!tpu.dma_semaphore, #tpu.memory_space<semaphore_mem>>
      tpu.wait_indirect_dma semaphore(%dma_wait3A_231 : memref<!tpu.dma_semaphore, #tpu.memory_space<semaphore_mem>>) src(%dma_wait3A_223 : memref<128x128xf32, #tpu.memory_space<vmem>>) dst(%dma_wait3A_229 : memref<10240x128xf32, #tpu.memory_space<vmem_shared>>)
      %scan3A_232 = arith.constant 0 : i32
      scf.yield %scan3A_232 : i32
    }
    %scan3A_87 = arith.constant 20 : i32
    %barrier3A_88 = arith.constant 0 : index
    tpu.barrier barrier_id(%barrier3A_88)
    %run_scoped3A_89 = arith.constant 1 : i32
    "tpu.region"() ({
      %run_scoped3A_90 = tpu.sem_alloc : memref<!tpu.dma_semaphore, #tpu.memory_space<semaphore_mem>>
      %dma_start3A = arith.constant 0 : i32
      %dma_start3A_91 = tpu.memref_slice %arg5[%run_scoped3A_89, %arg0, %mul3A_13, %dma_start3A] : memref<2x2x10240x128xf32, #tpu.memory_space<hbm>> -> memref<1x1x640x128xf32, #tpu.memory_space<hbm>>
      %dma_start3A_92 = tpu.memref_squeeze %dma_start3A_91 : memref<1x1x640x128xf32, #tpu.memory_space<hbm>> -> memref<640x128xf32, #tpu.memory_space<hbm>>
      %dma_start3A_93 = arith.constant 0 : i32
      %dma_start3A_94 = tpu.memref_slice %arg9[%mul3A_13, %dma_start3A_93] : memref<10240x128xf32, #tpu.memory_space<vmem_shared>> -> memref<640x128xf32, #tpu.memory_space<vmem_shared>>
      tpu.enqueue_dma source(%dma_start3A_94 : memref<640x128xf32, #tpu.memory_space<vmem_shared>>) target(%dma_start3A_92 : memref<640x128xf32, #tpu.memory_space<hbm>>) target_semaphore(%run_scoped3A_90 : memref<!tpu.dma_semaphore, #tpu.memory_space<semaphore_mem>>)
      %dma_wait3A = arith.constant 0 : i32
      %dma_wait3A_95 = tpu.memref_slice %arg5[%run_scoped3A_89, %arg0, %mul3A_13, %dma_wait3A] : memref<2x2x10240x128xf32, #tpu.memory_space<hbm>> -> memref<1x1x640x128xf32, #tpu.memory_space<hbm>>
      %dma_wait3A_96 = tpu.memref_squeeze %dma_wait3A_95 : memref<1x1x640x128xf32, #tpu.memory_space<hbm>> -> memref<640x128xf32, #tpu.memory_space<hbm>>
      %dma_wait3A_97 = arith.constant 0 : i32
      %dma_wait3A_98 = tpu.memref_slice %arg9[%mul3A_13, %dma_wait3A_97] : memref<10240x128xf32, #tpu.memory_space<vmem_shared>> -> memref<640x128xf32, #tpu.memory_space<vmem_shared>>
      tpu.wait_dma2 semaphore(%run_scoped3A_90 : memref<!tpu.dma_semaphore, #tpu.memory_space<semaphore_mem>>) src(%dma_wait3A_98 : memref<640x128xf32, #tpu.memory_space<vmem_shared>>) dst(%dma_wait3A_96 : memref<640x128xf32, #tpu.memory_space<hbm>>)
      tpu.yield
    }) : () -> ()
    return
  }
}

#map = affine_map<(d0, d1) -> (0, 0)>
#map1 = affine_map<(d0, d1) -> (0, 0, 0, 0)>
module attributes {stable_mosaic.version = 14 : i64} {
  func.func @_sc_degrees(%arg0: i32, %arg1: i32, %arg2: memref<1280x128xi32, #tpu.memory_space<hbm>>, %arg3: memref<1280x128xi32, #tpu.memory_space<hbm>>, %arg4: memref<2x2x10240x16xf32, #tpu.memory_space<hbm>>, %arg5: memref<40x128xi32, #tpu.memory_space<vmem>>, %arg6: memref<40x128xi32, #tpu.memory_space<vmem>>, %arg7: memref<128x16xf32, #tpu.memory_space<vmem>>, %arg8: memref<10240x16xf32, #tpu.memory_space<vmem_shared>>, %arg9: memref<10240x16xf32, #tpu.memory_space<vmem_shared>>) attributes {dimension_semantics = [#tpu.dimension_semantics<core_parallel>, #tpu.dimension_semantics<subcore_parallel>], iteration_bounds = array<i64: 2, 16>, scalar_prefetch = 0 : i64, scratch_operands = 5 : i64, tpu.core_type = #tpu.core_type<sc_vector_subcore>, window_params = [{transform_indices = #map}, {transform_indices = #map}, {transform_indices = #map1}]} {
    %mul3A = arith.constant 16 : i32
    %mul3A_0 = arith.muli %arg0, %mul3A : i32
    %add3A = arith.addi %mul3A_0, %arg1 : i32
    %mul3A_1 = arith.constant 40 : i32
    %mul3A_2 = arith.muli %add3A, %mul3A_1 : i32
    "tpu.region"() ({
      %run_scoped3A_52 = tpu.sem_alloc : memref<!tpu.dma_semaphore, #tpu.memory_space<semaphore_mem>>
      %dma_start3A = arith.constant 0 : i32
      %dma_start3A_53 = tpu.memref_slice %arg2[%mul3A_2, %dma_start3A] : memref<1280x128xi32, #tpu.memory_space<hbm>> -> memref<40x128xi32, #tpu.memory_space<hbm>>
      %dma_start3A_54 = arith.constant 0 : i32
      %dma_start3A_55 = tpu.memref_slice %arg2[%mul3A_2, %dma_start3A_54] : memref<1280x128xi32, #tpu.memory_space<hbm>> -> memref<40x128xi32, #tpu.memory_space<hbm>>
      tpu.enqueue_dma source(%dma_start3A_55 : memref<40x128xi32, #tpu.memory_space<hbm>>) target(%arg5 : memref<40x128xi32, #tpu.memory_space<vmem>>) target_semaphore(%run_scoped3A_52 : memref<!tpu.dma_semaphore, #tpu.memory_space<semaphore_mem>>)
      %dma_wait3A = arith.constant 0 : i32
      %dma_wait3A_56 = tpu.memref_slice %arg2[%mul3A_2, %dma_wait3A] : memref<1280x128xi32, #tpu.memory_space<hbm>> -> memref<40x128xi32, #tpu.memory_space<hbm>>
      %dma_wait3A_57 = arith.constant 0 : i32
      %dma_wait3A_58 = tpu.memref_slice %arg2[%mul3A_2, %dma_wait3A_57] : memref<1280x128xi32, #tpu.memory_space<hbm>> -> memref<40x128xi32, #tpu.memory_space<hbm>>
      tpu.wait_dma2 semaphore(%run_scoped3A_52 : memref<!tpu.dma_semaphore, #tpu.memory_space<semaphore_mem>>) src(%dma_wait3A_58 : memref<40x128xi32, #tpu.memory_space<hbm>>) dst(%arg5 : memref<40x128xi32, #tpu.memory_space<vmem>>)
      tpu.yield
    }) : () -> ()
    %mul3A_3 = arith.constant 40 : i32
    %mul3A_4 = arith.muli %add3A, %mul3A_3 : i32
    "tpu.region"() ({
      %run_scoped3A_52 = tpu.sem_alloc : memref<!tpu.dma_semaphore, #tpu.memory_space<semaphore_mem>>
      %dma_start3A = arith.constant 0 : i32
      %dma_start3A_53 = tpu.memref_slice %arg3[%mul3A_4, %dma_start3A] : memref<1280x128xi32, #tpu.memory_space<hbm>> -> memref<40x128xi32, #tpu.memory_space<hbm>>
      %dma_start3A_54 = arith.constant 0 : i32
      %dma_start3A_55 = tpu.memref_slice %arg3[%mul3A_4, %dma_start3A_54] : memref<1280x128xi32, #tpu.memory_space<hbm>> -> memref<40x128xi32, #tpu.memory_space<hbm>>
      tpu.enqueue_dma source(%dma_start3A_55 : memref<40x128xi32, #tpu.memory_space<hbm>>) target(%arg6 : memref<40x128xi32, #tpu.memory_space<vmem>>) target_semaphore(%run_scoped3A_52 : memref<!tpu.dma_semaphore, #tpu.memory_space<semaphore_mem>>)
      %dma_wait3A = arith.constant 0 : i32
      %dma_wait3A_56 = tpu.memref_slice %arg3[%mul3A_4, %dma_wait3A] : memref<1280x128xi32, #tpu.memory_space<hbm>> -> memref<40x128xi32, #tpu.memory_space<hbm>>
      %dma_wait3A_57 = arith.constant 0 : i32
      %dma_wait3A_58 = tpu.memref_slice %arg3[%mul3A_4, %dma_wait3A_57] : memref<1280x128xi32, #tpu.memory_space<hbm>> -> memref<40x128xi32, #tpu.memory_space<hbm>>
      tpu.wait_dma2 semaphore(%run_scoped3A_52 : memref<!tpu.dma_semaphore, #tpu.memory_space<semaphore_mem>>) src(%dma_wait3A_58 : memref<40x128xi32, #tpu.memory_space<hbm>>) dst(%arg6 : memref<40x128xi32, #tpu.memory_space<vmem>>)
      tpu.yield
    }) : () -> ()
    %broadcast_in_dim3A = arith.constant 0.000000e+00 : f32
    %broadcast_in_dim3A_5 = vector.broadcast %broadcast_in_dim3A : f32 to vector<16xf32>
    %scan3A = arith.constant 0 : i32
    %scan3A_6 = arith.constant 0 : i32
    %scan3A_7 = arith.constant 128 : i32
    %scan3A_8 = arith.addi %scan3A_6, %scan3A_7 : i32
    %scan3A_9 = arith.constant 1 : i32
    %scan3A_10 = scf.for %scan3A_52 = %scan3A_6 to %scan3A_8 step %scan3A_9 iter_args(%scan3A_53 = %scan3A) -> (i32)  : i32 {
      %swap3A = arith.index_cast %scan3A_52 : i32 to index
      %swap3A_54 = arith.constant 0 : index
      %swap3A_55 = tpu.vector_load %arg7[%swap3A, %swap3A_54] {strides = array<i32>} : memref<128x16xf32, #tpu.memory_space<vmem>>, vector<1x16xf32>,
      %swap3A_56 = vector.shape_cast %swap3A_55 : vector<1x16xf32> to vector<16xf32>
      %swap3A_57 = vector.shape_cast %broadcast_in_dim3A_5 : vector<16xf32> to vector<1x16xf32>
      tpu.vector_store %arg7[%swap3A, %swap3A_54], %swap3A_57 {strides = array<i32>} : memref<128x16xf32, #tpu.memory_space<vmem>>, vector<1x16xf32>,
      %scan3A_58 = arith.constant 0 : i32
      scf.yield %scan3A_58 : i32
    }
    %scan3A_11 = arith.constant 128 : i32
    %mul3A_12 = arith.constant 640 : i32
    %mul3A_13 = arith.muli %arg1, %mul3A_12 : i32
    %add3A_14 = arith.constant 0 : i32
    %add3A_15 = arith.addi %mul3A_13, %add3A_14 : i32
    "tpu.region"() ({
      %run_scoped3A_52 = tpu.sem_alloc : memref<!tpu.dma_semaphore, #tpu.memory_space<semaphore_mem>>
      %dma_start3A = arith.constant 0 : i32
      %dma_start3A_53 = tpu.memref_slice %arg8[%add3A_15, %dma_start3A] : memref<10240x16xf32, #tpu.memory_space<vmem_shared>> -> memref<128x16xf32, #tpu.memory_space<vmem_shared>>
      %dma_start3A_54 = arith.constant 0 : i32
      %dma_start3A_55 = tpu.memref_slice %arg8[%add3A_15, %dma_start3A_54] : memref<10240x16xf32, #tpu.memory_space<vmem_shared>> -> memref<128x16xf32, #tpu.memory_space<vmem_shared>>
      tpu.enqueue_dma source(%arg7 : memref<128x16xf32, #tpu.memory_space<vmem>>) target(%dma_start3A_55 : memref<128x16xf32, #tpu.memory_space<vmem_shared>>) target_semaphore(%run_scoped3A_52 : memref<!tpu.dma_semaphore, #tpu.memory_space<semaphore_mem>>)
      %dma_wait3A = arith.constant 0 : i32
      %dma_wait3A_56 = tpu.memref_slice %arg8[%add3A_15, %dma_wait3A] : memref<10240x16xf32, #tpu.memory_space<vmem_shared>> -> memref<128x16xf32, #tpu.memory_space<vmem_shared>>
      %dma_wait3A_57 = arith.constant 0 : i32
      %dma_wait3A_58 = tpu.memref_slice %arg8[%add3A_15, %dma_wait3A_57] : memref<10240x16xf32, #tpu.memory_space<vmem_shared>> -> memref<128x16xf32, #tpu.memory_space<vmem_shared>>
      tpu.wait_dma2 semaphore(%run_scoped3A_52 : memref<!tpu.dma_semaphore, #tpu.memory_space<semaphore_mem>>) src(%arg7 : memref<128x16xf32, #tpu.memory_space<vmem>>) dst(%dma_wait3A_58 : memref<128x16xf32, #tpu.memory_space<vmem_shared>>)
      tpu.yield
    }) : () -> ()
    "tpu.region"() ({
      %run_scoped3A_52 = tpu.sem_alloc : memref<!tpu.dma_semaphore, #tpu.memory_space<semaphore_mem>>
      %dma_start3A = arith.constant 0 : i32
      %dma_start3A_53 = tpu.memref_slice %arg9[%add3A_15, %dma_start3A] : memref<10240x16xf32, #tpu.memory_space<vmem_shared>> -> memref<128x16xf32, #tpu.memory_space<vmem_shared>>
      %dma_start3A_54 = arith.constant 0 : i32
      %dma_start3A_55 = tpu.memref_slice %arg9[%add3A_15, %dma_start3A_54] : memref<10240x16xf32, #tpu.memory_space<vmem_shared>> -> memref<128x16xf32, #tpu.memory_space<vmem_shared>>
      tpu.enqueue_dma source(%arg7 : memref<128x16xf32, #tpu.memory_space<vmem>>) target(%dma_start3A_55 : memref<128x16xf32, #tpu.memory_space<vmem_shared>>) target_semaphore(%run_scoped3A_52 : memref<!tpu.dma_semaphore, #tpu.memory_space<semaphore_mem>>)
      %dma_wait3A = arith.constant 0 : i32
      %dma_wait3A_56 = tpu.memref_slice %arg9[%add3A_15, %dma_wait3A] : memref<10240x16xf32, #tpu.memory_space<vmem_shared>> -> memref<128x16xf32, #tpu.memory_space<vmem_shared>>
      %dma_wait3A_57 = arith.constant 0 : i32
      %dma_wait3A_58 = tpu.memref_slice %arg9[%add3A_15, %dma_wait3A_57] : memref<10240x16xf32, #tpu.memory_space<vmem_shared>> -> memref<128x16xf32, #tpu.memory_space<vmem_shared>>
      tpu.wait_dma2 semaphore(%run_scoped3A_52 : memref<!tpu.dma_semaphore, #tpu.memory_space<semaphore_mem>>) src(%arg7 : memref<128x16xf32, #tpu.memory_space<vmem>>) dst(%dma_wait3A_58 : memref<128x16xf32, #tpu.memory_space<vmem_shared>>)
      tpu.yield
    }) : () -> ()
    %mul3A_16 = arith.constant 640 : i32
    %mul3A_17 = arith.muli %arg1, %mul3A_16 : i32
    %add3A_18 = arith.constant 128 : i32
    %add3A_19 = arith.addi %mul3A_17, %add3A_18 : i32
    "tpu.region"() ({
      %run_scoped3A_52 = tpu.sem_alloc : memref<!tpu.dma_semaphore, #tpu.memory_space<semaphore_mem>>
      %dma_start3A = arith.constant 0 : i32
      %dma_start3A_53 = tpu.memref_slice %arg8[%add3A_19, %dma_start3A] : memref<10240x16xf32, #tpu.memory_space<vmem_shared>> -> memref<128x16xf32, #tpu.memory_space<vmem_shared>>
      %dma_start3A_54 = arith.constant 0 : i32
      %dma_start3A_55 = tpu.memref_slice %arg8[%add3A_19, %dma_start3A_54] : memref<10240x16xf32, #tpu.memory_space<vmem_shared>> -> memref<128x16xf32, #tpu.memory_space<vmem_shared>>
      tpu.enqueue_dma source(%arg7 : memref<128x16xf32, #tpu.memory_space<vmem>>) target(%dma_start3A_55 : memref<128x16xf32, #tpu.memory_space<vmem_shared>>) target_semaphore(%run_scoped3A_52 : memref<!tpu.dma_semaphore, #tpu.memory_space<semaphore_mem>>)
      %dma_wait3A = arith.constant 0 : i32
      %dma_wait3A_56 = tpu.memref_slice %arg8[%add3A_19, %dma_wait3A] : memref<10240x16xf32, #tpu.memory_space<vmem_shared>> -> memref<128x16xf32, #tpu.memory_space<vmem_shared>>
      %dma_wait3A_57 = arith.constant 0 : i32
      %dma_wait3A_58 = tpu.memref_slice %arg8[%add3A_19, %dma_wait3A_57] : memref<10240x16xf32, #tpu.memory_space<vmem_shared>> -> memref<128x16xf32, #tpu.memory_space<vmem_shared>>
      tpu.wait_dma2 semaphore(%run_scoped3A_52 : memref<!tpu.dma_semaphore, #tpu.memory_space<semaphore_mem>>) src(%arg7 : memref<128x16xf32, #tpu.memory_space<vmem>>) dst(%dma_wait3A_58 : memref<128x16xf32, #tpu.memory_space<vmem_shared>>)
      tpu.yield
    }) : () -> ()
    "tpu.region"() ({
      %run_scoped3A_52 = tpu.sem_alloc : memref<!tpu.dma_semaphore, #tpu.memory_space<semaphore_mem>>
      %dma_start3A = arith.constant 0 : i32
      %dma_start3A_53 = tpu.memref_slice %arg9[%add3A_19, %dma_start3A] : memref<10240x16xf32, #tpu.memory_space<vmem_shared>> -> memref<128x16xf32, #tpu.memory_space<vmem_shared>>
      %dma_start3A_54 = arith.constant 0 : i32
      %dma_start3A_55 = tpu.memref_slice %arg9[%add3A_19, %dma_start3A_54] : memref<10240x16xf32, #tpu.memory_space<vmem_shared>> -> memref<128x16xf32, #tpu.memory_space<vmem_shared>>
      tpu.enqueue_dma source(%arg7 : memref<128x16xf32, #tpu.memory_space<vmem>>) target(%dma_start3A_55 : memref<128x16xf32, #tpu.memory_space<vmem_shared>>) target_semaphore(%run_scoped3A_52 : memref<!tpu.dma_semaphore, #tpu.memory_space<semaphore_mem>>)
      %dma_wait3A = arith.constant 0 : i32
      %dma_wait3A_56 = tpu.memref_slice %arg9[%add3A_19, %dma_wait3A] : memref<10240x16xf32, #tpu.memory_space<vmem_shared>> -> memref<128x16xf32, #tpu.memory_space<vmem_shared>>
      %dma_wait3A_57 = arith.constant 0 : i32
      %dma_wait3A_58 = tpu.memref_slice %arg9[%add3A_19, %dma_wait3A_57] : memref<10240x16xf32, #tpu.memory_space<vmem_shared>> -> memref<128x16xf32, #tpu.memory_space<vmem_shared>>
      tpu.wait_dma2 semaphore(%run_scoped3A_52 : memref<!tpu.dma_semaphore, #tpu.memory_space<semaphore_mem>>) src(%arg7 : memref<128x16xf32, #tpu.memory_space<vmem>>) dst(%dma_wait3A_58 : memref<128x16xf32, #tpu.memory_space<vmem_shared>>)
      tpu.yield
    }) : () -> ()
    %mul3A_20 = arith.constant 640 : i32
    %mul3A_21 = arith.muli %arg1, %mul3A_20 : i32
    %add3A_22 = arith.constant 256 : i32
    %add3A_23 = arith.addi %mul3A_21, %add3A_22 : i32
    "tpu.region"() ({
      %run_scoped3A_52 = tpu.sem_alloc : memref<!tpu.dma_semaphore, #tpu.memory_space<semaphore_mem>>
      %dma_start3A = arith.constant 0 : i32
      %dma_start3A_53 = tpu.memref_slice %arg8[%add3A_23, %dma_start3A] : memref<10240x16xf32, #tpu.memory_space<vmem_shared>> -> memref<128x16xf32, #tpu.memory_space<vmem_shared>>
      %dma_start3A_54 = arith.constant 0 : i32
      %dma_start3A_55 = tpu.memref_slice %arg8[%add3A_23, %dma_start3A_54] : memref<10240x16xf32, #tpu.memory_space<vmem_shared>> -> memref<128x16xf32, #tpu.memory_space<vmem_shared>>
      tpu.enqueue_dma source(%arg7 : memref<128x16xf32, #tpu.memory_space<vmem>>) target(%dma_start3A_55 : memref<128x16xf32, #tpu.memory_space<vmem_shared>>) target_semaphore(%run_scoped3A_52 : memref<!tpu.dma_semaphore, #tpu.memory_space<semaphore_mem>>)
      %dma_wait3A = arith.constant 0 : i32
      %dma_wait3A_56 = tpu.memref_slice %arg8[%add3A_23, %dma_wait3A] : memref<10240x16xf32, #tpu.memory_space<vmem_shared>> -> memref<128x16xf32, #tpu.memory_space<vmem_shared>>
      %dma_wait3A_57 = arith.constant 0 : i32
      %dma_wait3A_58 = tpu.memref_slice %arg8[%add3A_23, %dma_wait3A_57] : memref<10240x16xf32, #tpu.memory_space<vmem_shared>> -> memref<128x16xf32, #tpu.memory_space<vmem_shared>>
      tpu.wait_dma2 semaphore(%run_scoped3A_52 : memref<!tpu.dma_semaphore, #tpu.memory_space<semaphore_mem>>) src(%arg7 : memref<128x16xf32, #tpu.memory_space<vmem>>) dst(%dma_wait3A_58 : memref<128x16xf32, #tpu.memory_space<vmem_shared>>)
      tpu.yield
    }) : () -> ()
    "tpu.region"() ({
      %run_scoped3A_52 = tpu.sem_alloc : memref<!tpu.dma_semaphore, #tpu.memory_space<semaphore_mem>>
      %dma_start3A = arith.constant 0 : i32
      %dma_start3A_53 = tpu.memref_slice %arg9[%add3A_23, %dma_start3A] : memref<10240x16xf32, #tpu.memory_space<vmem_shared>> -> memref<128x16xf32, #tpu.memory_space<vmem_shared>>
      %dma_start3A_54 = arith.constant 0 : i32
      %dma_start3A_55 = tpu.memref_slice %arg9[%add3A_23, %dma_start3A_54] : memref<10240x16xf32, #tpu.memory_space<vmem_shared>> -> memref<128x16xf32, #tpu.memory_space<vmem_shared>>
      tpu.enqueue_dma source(%arg7 : memref<128x16xf32, #tpu.memory_space<vmem>>) target(%dma_start3A_55 : memref<128x16xf32, #tpu.memory_space<vmem_shared>>) target_semaphore(%run_scoped3A_52 : memref<!tpu.dma_semaphore, #tpu.memory_space<semaphore_mem>>)
      %dma_wait3A = arith.constant 0 : i32
      %dma_wait3A_56 = tpu.memref_slice %arg9[%add3A_23, %dma_wait3A] : memref<10240x16xf32, #tpu.memory_space<vmem_shared>> -> memref<128x16xf32, #tpu.memory_space<vmem_shared>>
      %dma_wait3A_57 = arith.constant 0 : i32
      %dma_wait3A_58 = tpu.memref_slice %arg9[%add3A_23, %dma_wait3A_57] : memref<10240x16xf32, #tpu.memory_space<vmem_shared>> -> memref<128x16xf32, #tpu.memory_space<vmem_shared>>
      tpu.wait_dma2 semaphore(%run_scoped3A_52 : memref<!tpu.dma_semaphore, #tpu.memory_space<semaphore_mem>>) src(%arg7 : memref<128x16xf32, #tpu.memory_space<vmem>>) dst(%dma_wait3A_58 : memref<128x16xf32, #tpu.memory_space<vmem_shared>>)
      tpu.yield
    }) : () -> ()
    %mul3A_24 = arith.constant 640 : i32
    %mul3A_25 = arith.muli %arg1, %mul3A_24 : i32
    %add3A_26 = arith.constant 384 : i32
    %add3A_27 = arith.addi %mul3A_25, %add3A_26 : i32
    "tpu.region"() ({
      %run_scoped3A_52 = tpu.sem_alloc : memref<!tpu.dma_semaphore, #tpu.memory_space<semaphore_mem>>
      %dma_start3A = arith.constant 0 : i32
      %dma_start3A_53 = tpu.memref_slice %arg8[%add3A_27, %dma_start3A] : memref<10240x16xf32, #tpu.memory_space<vmem_shared>> -> memref<128x16xf32, #tpu.memory_space<vmem_shared>>
      %dma_start3A_54 = arith.constant 0 : i32
      %dma_start3A_55 = tpu.memref_slice %arg8[%add3A_27, %dma_start3A_54] : memref<10240x16xf32, #tpu.memory_space<vmem_shared>> -> memref<128x16xf32, #tpu.memory_space<vmem_shared>>
      tpu.enqueue_dma source(%arg7 : memref<128x16xf32, #tpu.memory_space<vmem>>) target(%dma_start3A_55 : memref<128x16xf32, #tpu.memory_space<vmem_shared>>) target_semaphore(%run_scoped3A_52 : memref<!tpu.dma_semaphore, #tpu.memory_space<semaphore_mem>>)
      %dma_wait3A = arith.constant 0 : i32
      %dma_wait3A_56 = tpu.memref_slice %arg8[%add3A_27, %dma_wait3A] : memref<10240x16xf32, #tpu.memory_space<vmem_shared>> -> memref<128x16xf32, #tpu.memory_space<vmem_shared>>
      %dma_wait3A_57 = arith.constant 0 : i32
      %dma_wait3A_58 = tpu.memref_slice %arg8[%add3A_27, %dma_wait3A_57] : memref<10240x16xf32, #tpu.memory_space<vmem_shared>> -> memref<128x16xf32, #tpu.memory_space<vmem_shared>>
      tpu.wait_dma2 semaphore(%run_scoped3A_52 : memref<!tpu.dma_semaphore, #tpu.memory_space<semaphore_mem>>) src(%arg7 : memref<128x16xf32, #tpu.memory_space<vmem>>) dst(%dma_wait3A_58 : memref<128x16xf32, #tpu.memory_space<vmem_shared>>)
      tpu.yield
    }) : () -> ()
    "tpu.region"() ({
      %run_scoped3A_52 = tpu.sem_alloc : memref<!tpu.dma_semaphore, #tpu.memory_space<semaphore_mem>>
      %dma_start3A = arith.constant 0 : i32
      %dma_start3A_53 = tpu.memref_slice %arg9[%add3A_27, %dma_start3A] : memref<10240x16xf32, #tpu.memory_space<vmem_shared>> -> memref<128x16xf32, #tpu.memory_space<vmem_shared>>
      %dma_start3A_54 = arith.constant 0 : i32
      %dma_start3A_55 = tpu.memref_slice %arg9[%add3A_27, %dma_start3A_54] : memref<10240x16xf32, #tpu.memory_space<vmem_shared>> -> memref<128x16xf32, #tpu.memory_space<vmem_shared>>
      tpu.enqueue_dma source(%arg7 : memref<128x16xf32, #tpu.memory_space<vmem>>) target(%dma_start3A_55 : memref<128x16xf32, #tpu.memory_space<vmem_shared>>) target_semaphore(%run_scoped3A_52 : memref<!tpu.dma_semaphore, #tpu.memory_space<semaphore_mem>>)
      %dma_wait3A = arith.constant 0 : i32
      %dma_wait3A_56 = tpu.memref_slice %arg9[%add3A_27, %dma_wait3A] : memref<10240x16xf32, #tpu.memory_space<vmem_shared>> -> memref<128x16xf32, #tpu.memory_space<vmem_shared>>
      %dma_wait3A_57 = arith.constant 0 : i32
      %dma_wait3A_58 = tpu.memref_slice %arg9[%add3A_27, %dma_wait3A_57] : memref<10240x16xf32, #tpu.memory_space<vmem_shared>> -> memref<128x16xf32, #tpu.memory_space<vmem_shared>>
      tpu.wait_dma2 semaphore(%run_scoped3A_52 : memref<!tpu.dma_semaphore, #tpu.memory_space<semaphore_mem>>) src(%arg7 : memref<128x16xf32, #tpu.memory_space<vmem>>) dst(%dma_wait3A_58 : memref<128x16xf32, #tpu.memory_space<vmem_shared>>)
      tpu.yield
    }) : () -> ()
    %mul3A_28 = arith.constant 640 : i32
    %mul3A_29 = arith.muli %arg1, %mul3A_28 : i32
    %add3A_30 = arith.constant 512 : i32
    %add3A_31 = arith.addi %mul3A_29, %add3A_30 : i32
    "tpu.region"() ({
      %run_scoped3A_52 = tpu.sem_alloc : memref<!tpu.dma_semaphore, #tpu.memory_space<semaphore_mem>>
      %dma_start3A = arith.constant 0 : i32
      %dma_start3A_53 = tpu.memref_slice %arg8[%add3A_31, %dma_start3A] : memref<10240x16xf32, #tpu.memory_space<vmem_shared>> -> memref<128x16xf32, #tpu.memory_space<vmem_shared>>
      %dma_start3A_54 = arith.constant 0 : i32
      %dma_start3A_55 = tpu.memref_slice %arg8[%add3A_31, %dma_start3A_54] : memref<10240x16xf32, #tpu.memory_space<vmem_shared>> -> memref<128x16xf32, #tpu.memory_space<vmem_shared>>
      tpu.enqueue_dma source(%arg7 : memref<128x16xf32, #tpu.memory_space<vmem>>) target(%dma_start3A_55 : memref<128x16xf32, #tpu.memory_space<vmem_shared>>) target_semaphore(%run_scoped3A_52 : memref<!tpu.dma_semaphore, #tpu.memory_space<semaphore_mem>>)
      %dma_wait3A = arith.constant 0 : i32
      %dma_wait3A_56 = tpu.memref_slice %arg8[%add3A_31, %dma_wait3A] : memref<10240x16xf32, #tpu.memory_space<vmem_shared>> -> memref<128x16xf32, #tpu.memory_space<vmem_shared>>
      %dma_wait3A_57 = arith.constant 0 : i32
      %dma_wait3A_58 = tpu.memref_slice %arg8[%add3A_31, %dma_wait3A_57] : memref<10240x16xf32, #tpu.memory_space<vmem_shared>> -> memref<128x16xf32, #tpu.memory_space<vmem_shared>>
      tpu.wait_dma2 semaphore(%run_scoped3A_52 : memref<!tpu.dma_semaphore, #tpu.memory_space<semaphore_mem>>) src(%arg7 : memref<128x16xf32, #tpu.memory_space<vmem>>) dst(%dma_wait3A_58 : memref<128x16xf32, #tpu.memory_space<vmem_shared>>)
      tpu.yield
    }) : () -> ()
    "tpu.region"() ({
      %run_scoped3A_52 = tpu.sem_alloc : memref<!tpu.dma_semaphore, #tpu.memory_space<semaphore_mem>>
      %dma_start3A = arith.constant 0 : i32
      %dma_start3A_53 = tpu.memref_slice %arg9[%add3A_31, %dma_start3A] : memref<10240x16xf32, #tpu.memory_space<vmem_shared>> -> memref<128x16xf32, #tpu.memory_space<vmem_shared>>
      %dma_start3A_54 = arith.constant 0 : i32
      %dma_start3A_55 = tpu.memref_slice %arg9[%add3A_31, %dma_start3A_54] : memref<10240x16xf32, #tpu.memory_space<vmem_shared>> -> memref<128x16xf32, #tpu.memory_space<vmem_shared>>
      tpu.enqueue_dma source(%arg7 : memref<128x16xf32, #tpu.memory_space<vmem>>) target(%dma_start3A_55 : memref<128x16xf32, #tpu.memory_space<vmem_shared>>) target_semaphore(%run_scoped3A_52 : memref<!tpu.dma_semaphore, #tpu.memory_space<semaphore_mem>>)
      %dma_wait3A = arith.constant 0 : i32
      %dma_wait3A_56 = tpu.memref_slice %arg9[%add3A_31, %dma_wait3A] : memref<10240x16xf32, #tpu.memory_space<vmem_shared>> -> memref<128x16xf32, #tpu.memory_space<vmem_shared>>
      %dma_wait3A_57 = arith.constant 0 : i32
      %dma_wait3A_58 = tpu.memref_slice %arg9[%add3A_31, %dma_wait3A_57] : memref<10240x16xf32, #tpu.memory_space<vmem_shared>> -> memref<128x16xf32, #tpu.memory_space<vmem_shared>>
      tpu.wait_dma2 semaphore(%run_scoped3A_52 : memref<!tpu.dma_semaphore, #tpu.memory_space<semaphore_mem>>) src(%arg7 : memref<128x16xf32, #tpu.memory_space<vmem>>) dst(%dma_wait3A_58 : memref<128x16xf32, #tpu.memory_space<vmem_shared>>)
      tpu.yield
    }) : () -> ()
    %broadcast_in_dim3A_32 = arith.constant 1.000000e+00 : f32
    %broadcast_in_dim3A_33 = vector.broadcast %broadcast_in_dim3A_32 : f32 to vector<16xf32>
    %scan3A_34 = arith.constant 0 : i32
    %scan3A_35 = arith.constant 0 : i32
    %scan3A_36 = arith.constant 128 : i32
    %scan3A_37 = arith.addi %scan3A_35, %scan3A_36 : i32
    %scan3A_38 = arith.constant 1 : i32
    %scan3A_39 = scf.for %scan3A_52 = %scan3A_35 to %scan3A_37 step %scan3A_38 iter_args(%scan3A_53 = %scan3A_34) -> (i32)  : i32 {
      %swap3A = arith.index_cast %scan3A_52 : i32 to index
      %swap3A_54 = arith.constant 0 : index
      %swap3A_55 = tpu.vector_load %arg7[%swap3A, %swap3A_54] {strides = array<i32>} : memref<128x16xf32, #tpu.memory_space<vmem>>, vector<1x16xf32>,
      %swap3A_56 = vector.shape_cast %swap3A_55 : vector<1x16xf32> to vector<16xf32>
      %swap3A_57 = vector.shape_cast %broadcast_in_dim3A_33 : vector<16xf32> to vector<1x16xf32>
      tpu.vector_store %arg7[%swap3A, %swap3A_54], %swap3A_57 {strides = array<i32>} : memref<128x16xf32, #tpu.memory_space<vmem>>, vector<1x16xf32>,
      %scan3A_58 = arith.constant 0 : i32
      scf.yield %scan3A_58 : i32
    }
    %scan3A_40 = arith.constant 128 : i32
    %barrier3A = arith.constant 0 : index
    tpu.barrier barrier_id(%barrier3A)
    %scan3A_41 = arith.constant 0 : i32
    %scan3A_42 = arith.constant 0 : i32
    %scan3A_43 = arith.constant 40 : i32
    %scan3A_44 = arith.addi %scan3A_42, %scan3A_43 : i32
    %scan3A_45 = arith.constant 1 : i32
    %scan3A_46 = scf.for %scan3A_52 = %scan3A_42 to %scan3A_44 step %scan3A_45 iter_args(%scan3A_53 = %scan3A_41) -> (i32)  : i32 {
      "tpu.region"() ({
        %run_scoped3A_55 = tpu.sem_alloc : memref<!tpu.dma_semaphore, #tpu.memory_space<semaphore_mem>>
        %dma_start3A = arith.constant 0 : i32
        %dma_start3A_56 = tpu.memref_slice %arg5[%scan3A_52, %dma_start3A] : memref<40x128xi32, #tpu.memory_space<vmem>> -> memref<1x128xi32, #tpu.memory_space<vmem>>
        %dma_start3A_57 = tpu.memref_squeeze %dma_start3A_56 : memref<1x128xi32, #tpu.memory_space<vmem>> -> memref<128xi32, #tpu.memory_space<vmem>>
        %dma_start3A_58 = arith.constant 0 : i32
        %dma_start3A_59 = arith.constant 0 : i32
        %dma_start3A_60 = tpu.memref_slice %arg8[%dma_start3A_58, %dma_start3A_59] : memref<10240x16xf32, #tpu.memory_space<vmem_shared>> -> memref<10240x16xf32, #tpu.memory_space<vmem_shared>>
        tpu.enqueue_indirect_dma source(%arg7 : memref<128x16xf32, #tpu.memory_space<vmem>>) target(%dma_start3A_60 : memref<10240x16xf32, #tpu.memory_space<vmem_shared>>) offsets(%dma_start3A_57 : memref<128xi32, #tpu.memory_space<vmem>>) semaphore(%run_scoped3A_55 : memref<!tpu.dma_semaphore, #tpu.memory_space<semaphore_mem>>) {add = true}
        %dma_wait3A = arith.constant 0 : i32
        %dma_wait3A_61 = tpu.memref_slice %arg5[%scan3A_52, %dma_wait3A] : memref<40x128xi32, #tpu.memory_space<vmem>> -> memref<1x128xi32, #tpu.memory_space<vmem>>
        %dma_wait3A_62 = tpu.memref_squeeze %dma_wait3A_61 : memref<1x128xi32, #tpu.memory_space<vmem>> -> memref<128xi32, #tpu.memory_space<vmem>>
        %dma_wait3A_63 = arith.constant 0 : i32
        %dma_wait3A_64 = arith.constant 0 : i32
        %dma_wait3A_65 = tpu.memref_slice %arg8[%dma_wait3A_63, %dma_wait3A_64] : memref<10240x16xf32, #tpu.memory_space<vmem_shared>> -> memref<10240x16xf32, #tpu.memory_space<vmem_shared>>
        tpu.wait_indirect_dma semaphore(%run_scoped3A_55 : memref<!tpu.dma_semaphore, #tpu.memory_space<semaphore_mem>>) src(%arg7 : memref<128x16xf32, #tpu.memory_space<vmem>>) dst(%dma_wait3A_65 : memref<10240x16xf32, #tpu.memory_space<vmem_shared>>)
        tpu.yield
      }) : () -> ()
      "tpu.region"() ({
        %run_scoped3A_55 = tpu.sem_alloc : memref<!tpu.dma_semaphore, #tpu.memory_space<semaphore_mem>>
        %dma_start3A = arith.constant 0 : i32
        %dma_start3A_56 = tpu.memref_slice %arg6[%scan3A_52, %dma_start3A] : memref<40x128xi32, #tpu.memory_space<vmem>> -> memref<1x128xi32, #tpu.memory_space<vmem>>
        %dma_start3A_57 = tpu.memref_squeeze %dma_start3A_56 : memref<1x128xi32, #tpu.memory_space<vmem>> -> memref<128xi32, #tpu.memory_space<vmem>>
        %dma_start3A_58 = arith.constant 0 : i32
        %dma_start3A_59 = arith.constant 0 : i32
        %dma_start3A_60 = tpu.memref_slice %arg9[%dma_start3A_58, %dma_start3A_59] : memref<10240x16xf32, #tpu.memory_space<vmem_shared>> -> memref<10240x16xf32, #tpu.memory_space<vmem_shared>>
        tpu.enqueue_indirect_dma source(%arg7 : memref<128x16xf32, #tpu.memory_space<vmem>>) target(%dma_start3A_60 : memref<10240x16xf32, #tpu.memory_space<vmem_shared>>) offsets(%dma_start3A_57 : memref<128xi32, #tpu.memory_space<vmem>>) semaphore(%run_scoped3A_55 : memref<!tpu.dma_semaphore, #tpu.memory_space<semaphore_mem>>) {add = true}
        %dma_wait3A = arith.constant 0 : i32
        %dma_wait3A_61 = tpu.memref_slice %arg6[%scan3A_52, %dma_wait3A] : memref<40x128xi32, #tpu.memory_space<vmem>> -> memref<1x128xi32, #tpu.memory_space<vmem>>
        %dma_wait3A_62 = tpu.memref_squeeze %dma_wait3A_61 : memref<1x128xi32, #tpu.memory_space<vmem>> -> memref<128xi32, #tpu.memory_space<vmem>>
        %dma_wait3A_63 = arith.constant 0 : i32
        %dma_wait3A_64 = arith.constant 0 : i32
        %dma_wait3A_65 = tpu.memref_slice %arg9[%dma_wait3A_63, %dma_wait3A_64] : memref<10240x16xf32, #tpu.memory_space<vmem_shared>> -> memref<10240x16xf32, #tpu.memory_space<vmem_shared>>
        tpu.wait_indirect_dma semaphore(%run_scoped3A_55 : memref<!tpu.dma_semaphore, #tpu.memory_space<semaphore_mem>>) src(%arg7 : memref<128x16xf32, #tpu.memory_space<vmem>>) dst(%dma_wait3A_65 : memref<10240x16xf32, #tpu.memory_space<vmem_shared>>)
        tpu.yield
      }) : () -> ()
      %scan3A_54 = arith.constant 0 : i32
      scf.yield %scan3A_54 : i32
    }
    %scan3A_47 = arith.constant 40 : i32
    %barrier3A_48 = arith.constant 0 : index
    tpu.barrier barrier_id(%barrier3A_48)
    %mul3A_49 = arith.constant 640 : i32
    %mul3A_50 = arith.muli %arg1, %mul3A_49 : i32
    %run_scoped3A = arith.constant 0 : i32
    "tpu.region"() ({
      %run_scoped3A_52 = tpu.sem_alloc : memref<!tpu.dma_semaphore, #tpu.memory_space<semaphore_mem>>
      %dma_start3A = arith.constant 0 : i32
      %dma_start3A_53 = tpu.memref_slice %arg4[%arg0, %run_scoped3A, %mul3A_50, %dma_start3A] : memref<2x2x10240x16xf32, #tpu.memory_space<hbm>> -> memref<1x1x640x16xf32, #tpu.memory_space<hbm>>
      %dma_start3A_54 = tpu.memref_squeeze %dma_start3A_53 : memref<1x1x640x16xf32, #tpu.memory_space<hbm>> -> memref<640x16xf32, #tpu.memory_space<hbm>>
      %dma_start3A_55 = arith.constant 0 : i32
      %dma_start3A_56 = tpu.memref_slice %arg8[%mul3A_50, %dma_start3A_55] : memref<10240x16xf32, #tpu.memory_space<vmem_shared>> -> memref<640x16xf32, #tpu.memory_space<vmem_shared>>
      tpu.enqueue_dma source(%dma_start3A_56 : memref<640x16xf32, #tpu.memory_space<vmem_shared>>) target(%dma_start3A_54 : memref<640x16xf32, #tpu.memory_space<hbm>>) target_semaphore(%run_scoped3A_52 : memref<!tpu.dma_semaphore, #tpu.memory_space<semaphore_mem>>)
      %dma_wait3A = arith.constant 0 : i32
      %dma_wait3A_57 = tpu.memref_slice %arg4[%arg0, %run_scoped3A, %mul3A_50, %dma_wait3A] : memref<2x2x10240x16xf32, #tpu.memory_space<hbm>> -> memref<1x1x640x16xf32, #tpu.memory_space<hbm>>
      %dma_wait3A_58 = tpu.memref_squeeze %dma_wait3A_57 : memref<1x1x640x16xf32, #tpu.memory_space<hbm>> -> memref<640x16xf32, #tpu.memory_space<hbm>>
      %dma_wait3A_59 = arith.constant 0 : i32
      %dma_wait3A_60 = tpu.memref_slice %arg8[%mul3A_50, %dma_wait3A_59] : memref<10240x16xf32, #tpu.memory_space<vmem_shared>> -> memref<640x16xf32, #tpu.memory_space<vmem_shared>>
      tpu.wait_dma2 semaphore(%run_scoped3A_52 : memref<!tpu.dma_semaphore, #tpu.memory_space<semaphore_mem>>) src(%dma_wait3A_60 : memref<640x16xf32, #tpu.memory_space<vmem_shared>>) dst(%dma_wait3A_58 : memref<640x16xf32, #tpu.memory_space<hbm>>)
      tpu.yield
    }) : () -> ()
    %run_scoped3A_51 = arith.constant 1 : i32
    "tpu.region"() ({
      %run_scoped3A_52 = tpu.sem_alloc : memref<!tpu.dma_semaphore, #tpu.memory_space<semaphore_mem>>
      %dma_start3A = arith.constant 0 : i32
      %dma_start3A_53 = tpu.memref_slice %arg4[%arg0, %run_scoped3A_51, %mul3A_50, %dma_start3A] : memref<2x2x10240x16xf32, #tpu.memory_space<hbm>> -> memref<1x1x640x16xf32, #tpu.memory_space<hbm>>
      %dma_start3A_54 = tpu.memref_squeeze %dma_start3A_53 : memref<1x1x640x16xf32, #tpu.memory_space<hbm>> -> memref<640x16xf32, #tpu.memory_space<hbm>>
      %dma_start3A_55 = arith.constant 0 : i32
      %dma_start3A_56 = tpu.memref_slice %arg9[%mul3A_50, %dma_start3A_55] : memref<10240x16xf32, #tpu.memory_space<vmem_shared>> -> memref<640x16xf32, #tpu.memory_space<vmem_shared>>
      tpu.enqueue_dma source(%dma_start3A_56 : memref<640x16xf32, #tpu.memory_space<vmem_shared>>) target(%dma_start3A_54 : memref<640x16xf32, #tpu.memory_space<hbm>>) target_semaphore(%run_scoped3A_52 : memref<!tpu.dma_semaphore, #tpu.memory_space<semaphore_mem>>)
      %dma_wait3A = arith.constant 0 : i32
      %dma_wait3A_57 = tpu.memref_slice %arg4[%arg0, %run_scoped3A_51, %mul3A_50, %dma_wait3A] : memref<2x2x10240x16xf32, #tpu.memory_space<hbm>> -> memref<1x1x640x16xf32, #tpu.memory_space<hbm>>
      %dma_wait3A_58 = tpu.memref_squeeze %dma_wait3A_57 : memref<1x1x640x16xf32, #tpu.memory_space<hbm>> -> memref<640x16xf32, #tpu.memory_space<hbm>>
      %dma_wait3A_59 = arith.constant 0 : i32
      %dma_wait3A_60 = tpu.memref_slice %arg9[%mul3A_50, %dma_wait3A_59] : memref<10240x16xf32, #tpu.memory_space<vmem_shared>> -> memref<640x16xf32, #tpu.memory_space<vmem_shared>>
      tpu.wait_dma2 semaphore(%run_scoped3A_52 : memref<!tpu.dma_semaphore, #tpu.memory_space<semaphore_mem>>) src(%dma_wait3A_60 : memref<640x16xf32, #tpu.memory_space<vmem_shared>>) dst(%dma_wait3A_58 : memref<640x16xf32, #tpu.memory_space<hbm>>)
      tpu.yield
    }) : () -> ()
    return
  }
}

#map = affine_map<(d0, d1) -> (0, 0, 0)>
#map1 = affine_map<(d0, d1) -> (0, 0)>
#map2 = affine_map<(d0, d1) -> (0, 0, 0, 0)>
module attributes {stable_mosaic.version = 14 : i64} {
  func.func @_sc_agg(%arg0: i32, %arg1: i32, %arg2: memref<1x10000x64xf32, #tpu.memory_space<hbm>>, %arg3: memref<1280x128xi32, #tpu.memory_space<hbm>>, %arg4: memref<1280x128xi32, #tpu.memory_space<hbm>>, %arg5: memref<1x2x10240x64xf32, #tpu.memory_space<hbm>>, %arg6: memref<40x128xi32, #tpu.memory_space<vmem>>, %arg7: memref<40x128xi32, #tpu.memory_space<vmem>>, %arg8: memref<2x128x64xf32, #tpu.memory_space<vmem>>, %arg9: memref<10240x64xf32, #tpu.memory_space<vmem_shared>>, %arg10: memref<2x!tpu.dma_semaphore, #tpu.memory_space<semaphore_mem>>, %arg11: memref<2x!tpu.dma_semaphore, #tpu.memory_space<semaphore_mem>>) attributes {dimension_semantics = [#tpu.dimension_semantics<core_parallel>, #tpu.dimension_semantics<subcore_parallel>], iteration_bounds = array<i64: 2, 16>, scalar_prefetch = 0 : i64, scratch_operands = 6 : i64, tpu.core_type = #tpu.core_type<sc_vector_subcore>, window_params = [{transform_indices = #map}, {transform_indices = #map1}, {transform_indices = #map1}, {transform_indices = #map2}]} {
    %mul3A = arith.constant 16 : i32
    %mul3A_0 = arith.muli %arg0, %mul3A : i32
    %add3A = arith.addi %mul3A_0, %arg1 : i32
    %mul3A_1 = arith.constant 40 : i32
    %mul3A_2 = arith.muli %add3A, %mul3A_1 : i32
    "tpu.region"() ({
      %run_scoped3A_47 = tpu.sem_alloc : memref<!tpu.dma_semaphore, #tpu.memory_space<semaphore_mem>>
      %dma_start3A = arith.constant 0 : i32
      %dma_start3A_48 = tpu.memref_slice %arg3[%mul3A_2, %dma_start3A] : memref<1280x128xi32, #tpu.memory_space<hbm>> -> memref<40x128xi32, #tpu.memory_space<hbm>>
      %dma_start3A_49 = arith.constant 0 : i32
      %dma_start3A_50 = tpu.memref_slice %arg3[%mul3A_2, %dma_start3A_49] : memref<1280x128xi32, #tpu.memory_space<hbm>> -> memref<40x128xi32, #tpu.memory_space<hbm>>
      tpu.enqueue_dma source(%dma_start3A_50 : memref<40x128xi32, #tpu.memory_space<hbm>>) target(%arg6 : memref<40x128xi32, #tpu.memory_space<vmem>>) target_semaphore(%run_scoped3A_47 : memref<!tpu.dma_semaphore, #tpu.memory_space<semaphore_mem>>)
      %dma_wait3A = arith.constant 0 : i32
      %dma_wait3A_51 = tpu.memref_slice %arg3[%mul3A_2, %dma_wait3A] : memref<1280x128xi32, #tpu.memory_space<hbm>> -> memref<40x128xi32, #tpu.memory_space<hbm>>
      %dma_wait3A_52 = arith.constant 0 : i32
      %dma_wait3A_53 = tpu.memref_slice %arg3[%mul3A_2, %dma_wait3A_52] : memref<1280x128xi32, #tpu.memory_space<hbm>> -> memref<40x128xi32, #tpu.memory_space<hbm>>
      tpu.wait_dma2 semaphore(%run_scoped3A_47 : memref<!tpu.dma_semaphore, #tpu.memory_space<semaphore_mem>>) src(%dma_wait3A_53 : memref<40x128xi32, #tpu.memory_space<hbm>>) dst(%arg6 : memref<40x128xi32, #tpu.memory_space<vmem>>)
      tpu.yield
    }) : () -> ()
    %mul3A_3 = arith.constant 40 : i32
    %mul3A_4 = arith.muli %add3A, %mul3A_3 : i32
    "tpu.region"() ({
      %run_scoped3A_47 = tpu.sem_alloc : memref<!tpu.dma_semaphore, #tpu.memory_space<semaphore_mem>>
      %dma_start3A = arith.constant 0 : i32
      %dma_start3A_48 = tpu.memref_slice %arg4[%mul3A_4, %dma_start3A] : memref<1280x128xi32, #tpu.memory_space<hbm>> -> memref<40x128xi32, #tpu.memory_space<hbm>>
      %dma_start3A_49 = arith.constant 0 : i32
      %dma_start3A_50 = tpu.memref_slice %arg4[%mul3A_4, %dma_start3A_49] : memref<1280x128xi32, #tpu.memory_space<hbm>> -> memref<40x128xi32, #tpu.memory_space<hbm>>
      tpu.enqueue_dma source(%dma_start3A_50 : memref<40x128xi32, #tpu.memory_space<hbm>>) target(%arg7 : memref<40x128xi32, #tpu.memory_space<vmem>>) target_semaphore(%run_scoped3A_47 : memref<!tpu.dma_semaphore, #tpu.memory_space<semaphore_mem>>)
      %dma_wait3A = arith.constant 0 : i32
      %dma_wait3A_51 = tpu.memref_slice %arg4[%mul3A_4, %dma_wait3A] : memref<1280x128xi32, #tpu.memory_space<hbm>> -> memref<40x128xi32, #tpu.memory_space<hbm>>
      %dma_wait3A_52 = arith.constant 0 : i32
      %dma_wait3A_53 = tpu.memref_slice %arg4[%mul3A_4, %dma_wait3A_52] : memref<1280x128xi32, #tpu.memory_space<hbm>> -> memref<40x128xi32, #tpu.memory_space<hbm>>
      tpu.wait_dma2 semaphore(%run_scoped3A_47 : memref<!tpu.dma_semaphore, #tpu.memory_space<semaphore_mem>>) src(%dma_wait3A_53 : memref<40x128xi32, #tpu.memory_space<hbm>>) dst(%arg7 : memref<40x128xi32, #tpu.memory_space<vmem>>)
      tpu.yield
    }) : () -> ()
    %broadcast_in_dim3A = arith.constant 0.000000e+00 : f32
    %broadcast_in_dim3A_5 = vector.broadcast %broadcast_in_dim3A : f32 to vector<16xf32>
    %scan3A = arith.constant 0 : i32
    %scan3A_6 = arith.constant 0 : i32
    %scan3A_7 = arith.constant 128 : i32
    %scan3A_8 = arith.addi %scan3A_6, %scan3A_7 : i32
    %scan3A_9 = arith.constant 1 : i32
    %scan3A_10 = scf.for %scan3A_47 = %scan3A_6 to %scan3A_8 step %scan3A_9 iter_args(%scan3A_48 = %scan3A) -> (i32)  : i32 {
      %scan3A_49 = arith.constant 0 : i32
      %scan3A_50 = arith.constant 0 : i32
      %scan3A_51 = arith.constant 4 : i32
      %scan3A_52 = arith.addi %scan3A_50, %scan3A_51 : i32
      %scan3A_53 = arith.constant 1 : i32
      %scan3A_54 = scf.for %scan3A_57 = %scan3A_50 to %scan3A_52 step %scan3A_53 iter_args(%scan3A_58 = %scan3A_49) -> (i32)  : i32 {
        %mul3A_59 = arith.constant 16 : i32
        %mul3A_60 = arith.muli %scan3A_57, %mul3A_59 : i32
        %swap3A = arith.constant 0 : i32
        %swap3A_61 = arith.index_cast %swap3A : i32 to index
        %swap3A_62 = arith.index_cast %scan3A_47 : i32 to index
        %swap3A_63 = arith.index_cast %mul3A_60 : i32 to index
        %swap3A_64 = tpu.vector_load %arg8[%swap3A_61, %swap3A_62, %swap3A_63] {strides = array<i32>} : memref<2x128x64xf32, #tpu.memory_space<vmem>>, vector<1x1x16xf32>,
        %swap3A_65 = vector.shape_cast %swap3A_64 : vector<1x1x16xf32> to vector<16xf32>
        %swap3A_66 = vector.shape_cast %broadcast_in_dim3A_5 : vector<16xf32> to vector<1x1x16xf32>
        tpu.vector_store %arg8[%swap3A_61, %swap3A_62, %swap3A_63], %swap3A_66 {strides = array<i32>} : memref<2x128x64xf32, #tpu.memory_space<vmem>>, vector<1x1x16xf32>,
        %scan3A_67 = arith.constant 0 : i32
        scf.yield %scan3A_67 : i32
      }
      %scan3A_55 = arith.constant 4 : i32
      %scan3A_56 = arith.constant 0 : i32
      scf.yield %scan3A_56 : i32
    }
    %scan3A_11 = arith.constant 128 : i32
    %mul3A_12 = arith.constant 640 : i32
    %mul3A_13 = arith.muli %arg1, %mul3A_12 : i32
    %mul3A_14 = arith.constant 640 : i32
    %mul3A_15 = arith.muli %arg1, %mul3A_14 : i32
    %add3A_16 = arith.constant 0 : i32
    %add3A_17 = arith.addi %mul3A_15, %add3A_16 : i32
    %run_scoped3A = arith.constant 0 : i32
    "tpu.region"() ({
      %run_scoped3A_47 = tpu.sem_alloc : memref<!tpu.dma_semaphore, #tpu.memory_space<semaphore_mem>>
      %dma_start3A = arith.constant 0 : i32
      %dma_start3A_48 = arith.constant 0 : i32
      %dma_start3A_49 = tpu.memref_slice %arg8[%run_scoped3A, %dma_start3A, %dma_start3A_48] : memref<2x128x64xf32, #tpu.memory_space<vmem>> -> memref<1x128x64xf32, #tpu.memory_space<vmem>>
      %dma_start3A_50 = tpu.memref_squeeze %dma_start3A_49 : memref<1x128x64xf32, #tpu.memory_space<vmem>> -> memref<128x64xf32, #tpu.memory_space<vmem>>
      %dma_start3A_51 = arith.constant 0 : i32
      %dma_start3A_52 = tpu.memref_slice %arg9[%add3A_17, %dma_start3A_51] : memref<10240x64xf32, #tpu.memory_space<vmem_shared>> -> memref<128x64xf32, #tpu.memory_space<vmem_shared>>
      %dma_start3A_53 = arith.constant 0 : i32
      %dma_start3A_54 = tpu.memref_slice %arg9[%add3A_17, %dma_start3A_53] : memref<10240x64xf32, #tpu.memory_space<vmem_shared>> -> memref<128x64xf32, #tpu.memory_space<vmem_shared>>
      %dma_start3A_55 = arith.constant 0 : i32
      %dma_start3A_56 = arith.constant 0 : i32
      %dma_start3A_57 = tpu.memref_slice %arg8[%run_scoped3A, %dma_start3A_55, %dma_start3A_56] : memref<2x128x64xf32, #tpu.memory_space<vmem>> -> memref<1x128x64xf32, #tpu.memory_space<vmem>>
      %dma_start3A_58 = tpu.memref_squeeze %dma_start3A_57 : memref<1x128x64xf32, #tpu.memory_space<vmem>> -> memref<128x64xf32, #tpu.memory_space<vmem>>
      tpu.enqueue_dma source(%dma_start3A_58 : memref<128x64xf32, #tpu.memory_space<vmem>>) target(%dma_start3A_54 : memref<128x64xf32, #tpu.memory_space<vmem_shared>>) target_semaphore(%run_scoped3A_47 : memref<!tpu.dma_semaphore, #tpu.memory_space<semaphore_mem>>)
      %dma_wait3A = arith.constant 0 : i32
      %dma_wait3A_59 = arith.constant 0 : i32
      %dma_wait3A_60 = tpu.memref_slice %arg8[%run_scoped3A, %dma_wait3A, %dma_wait3A_59] : memref<2x128x64xf32, #tpu.memory_space<vmem>> -> memref<1x128x64xf32, #tpu.memory_space<vmem>>
      %dma_wait3A_61 = tpu.memref_squeeze %dma_wait3A_60 : memref<1x128x64xf32, #tpu.memory_space<vmem>> -> memref<128x64xf32, #tpu.memory_space<vmem>>
      %dma_wait3A_62 = arith.constant 0 : i32
      %dma_wait3A_63 = tpu.memref_slice %arg9[%add3A_17, %dma_wait3A_62] : memref<10240x64xf32, #tpu.memory_space<vmem_shared>> -> memref<128x64xf32, #tpu.memory_space<vmem_shared>>
      %dma_wait3A_64 = arith.constant 0 : i32
      %dma_wait3A_65 = tpu.memref_slice %arg9[%add3A_17, %dma_wait3A_64] : memref<10240x64xf32, #tpu.memory_space<vmem_shared>> -> memref<128x64xf32, #tpu.memory_space<vmem_shared>>
      %dma_wait3A_66 = arith.constant 0 : i32
      %dma_wait3A_67 = arith.constant 0 : i32
      %dma_wait3A_68 = tpu.memref_slice %arg8[%run_scoped3A, %dma_wait3A_66, %dma_wait3A_67] : memref<2x128x64xf32, #tpu.memory_space<vmem>> -> memref<1x128x64xf32, #tpu.memory_space<vmem>>
      %dma_wait3A_69 = tpu.memref_squeeze %dma_wait3A_68 : memref<1x128x64xf32, #tpu.memory_space<vmem>> -> memref<128x64xf32, #tpu.memory_space<vmem>>
      tpu.wait_dma2 semaphore(%run_scoped3A_47 : memref<!tpu.dma_semaphore, #tpu.memory_space<semaphore_mem>>) src(%dma_wait3A_69 : memref<128x64xf32, #tpu.memory_space<vmem>>) dst(%dma_wait3A_65 : memref<128x64xf32, #tpu.memory_space<vmem_shared>>)
      tpu.yield
    }) : () -> ()
    %mul3A_18 = arith.constant 640 : i32
    %mul3A_19 = arith.muli %arg1, %mul3A_18 : i32
    %add3A_20 = arith.constant 128 : i32
    %add3A_21 = arith.addi %mul3A_19, %add3A_20 : i32
    %run_scoped3A_22 = arith.constant 0 : i32
    "tpu.region"() ({
      %run_scoped3A_47 = tpu.sem_alloc : memref<!tpu.dma_semaphore, #tpu.memory_space<semaphore_mem>>
      %dma_start3A = arith.constant 0 : i32
      %dma_start3A_48 = arith.constant 0 : i32
      %dma_start3A_49 = tpu.memref_slice %arg8[%run_scoped3A_22, %dma_start3A, %dma_start3A_48] : memref<2x128x64xf32, #tpu.memory_space<vmem>> -> memref<1x128x64xf32, #tpu.memory_space<vmem>>
      %dma_start3A_50 = tpu.memref_squeeze %dma_start3A_49 : memref<1x128x64xf32, #tpu.memory_space<vmem>> -> memref<128x64xf32, #tpu.memory_space<vmem>>
      %dma_start3A_51 = arith.constant 0 : i32
      %dma_start3A_52 = tpu.memref_slice %arg9[%add3A_21, %dma_start3A_51] : memref<10240x64xf32, #tpu.memory_space<vmem_shared>> -> memref<128x64xf32, #tpu.memory_space<vmem_shared>>
      %dma_start3A_53 = arith.constant 0 : i32
      %dma_start3A_54 = tpu.memref_slice %arg9[%add3A_21, %dma_start3A_53] : memref<10240x64xf32, #tpu.memory_space<vmem_shared>> -> memref<128x64xf32, #tpu.memory_space<vmem_shared>>
      %dma_start3A_55 = arith.constant 0 : i32
      %dma_start3A_56 = arith.constant 0 : i32
      %dma_start3A_57 = tpu.memref_slice %arg8[%run_scoped3A_22, %dma_start3A_55, %dma_start3A_56] : memref<2x128x64xf32, #tpu.memory_space<vmem>> -> memref<1x128x64xf32, #tpu.memory_space<vmem>>
      %dma_start3A_58 = tpu.memref_squeeze %dma_start3A_57 : memref<1x128x64xf32, #tpu.memory_space<vmem>> -> memref<128x64xf32, #tpu.memory_space<vmem>>
      tpu.enqueue_dma source(%dma_start3A_58 : memref<128x64xf32, #tpu.memory_space<vmem>>) target(%dma_start3A_54 : memref<128x64xf32, #tpu.memory_space<vmem_shared>>) target_semaphore(%run_scoped3A_47 : memref<!tpu.dma_semaphore, #tpu.memory_space<semaphore_mem>>)
      %dma_wait3A = arith.constant 0 : i32
      %dma_wait3A_59 = arith.constant 0 : i32
      %dma_wait3A_60 = tpu.memref_slice %arg8[%run_scoped3A_22, %dma_wait3A, %dma_wait3A_59] : memref<2x128x64xf32, #tpu.memory_space<vmem>> -> memref<1x128x64xf32, #tpu.memory_space<vmem>>
      %dma_wait3A_61 = tpu.memref_squeeze %dma_wait3A_60 : memref<1x128x64xf32, #tpu.memory_space<vmem>> -> memref<128x64xf32, #tpu.memory_space<vmem>>
      %dma_wait3A_62 = arith.constant 0 : i32
      %dma_wait3A_63 = tpu.memref_slice %arg9[%add3A_21, %dma_wait3A_62] : memref<10240x64xf32, #tpu.memory_space<vmem_shared>> -> memref<128x64xf32, #tpu.memory_space<vmem_shared>>
      %dma_wait3A_64 = arith.constant 0 : i32
      %dma_wait3A_65 = tpu.memref_slice %arg9[%add3A_21, %dma_wait3A_64] : memref<10240x64xf32, #tpu.memory_space<vmem_shared>> -> memref<128x64xf32, #tpu.memory_space<vmem_shared>>
      %dma_wait3A_66 = arith.constant 0 : i32
      %dma_wait3A_67 = arith.constant 0 : i32
      %dma_wait3A_68 = tpu.memref_slice %arg8[%run_scoped3A_22, %dma_wait3A_66, %dma_wait3A_67] : memref<2x128x64xf32, #tpu.memory_space<vmem>> -> memref<1x128x64xf32, #tpu.memory_space<vmem>>
      %dma_wait3A_69 = tpu.memref_squeeze %dma_wait3A_68 : memref<1x128x64xf32, #tpu.memory_space<vmem>> -> memref<128x64xf32, #tpu.memory_space<vmem>>
      tpu.wait_dma2 semaphore(%run_scoped3A_47 : memref<!tpu.dma_semaphore, #tpu.memory_space<semaphore_mem>>) src(%dma_wait3A_69 : memref<128x64xf32, #tpu.memory_space<vmem>>) dst(%dma_wait3A_65 : memref<128x64xf32, #tpu.memory_space<vmem_shared>>)
      tpu.yield
    }) : () -> ()
    %mul3A_23 = arith.constant 640 : i32
    %mul3A_24 = arith.muli %arg1, %mul3A_23 : i32
    %add3A_25 = arith.constant 256 : i32
    %add3A_26 = arith.addi %mul3A_24, %add3A_25 : i32
    %run_scoped3A_27 = arith.constant 0 : i32
    "tpu.region"() ({
      %run_scoped3A_47 = tpu.sem_alloc : memref<!tpu.dma_semaphore, #tpu.memory_space<semaphore_mem>>
      %dma_start3A = arith.constant 0 : i32
      %dma_start3A_48 = arith.constant 0 : i32
      %dma_start3A_49 = tpu.memref_slice %arg8[%run_scoped3A_27, %dma_start3A, %dma_start3A_48] : memref<2x128x64xf32, #tpu.memory_space<vmem>> -> memref<1x128x64xf32, #tpu.memory_space<vmem>>
      %dma_start3A_50 = tpu.memref_squeeze %dma_start3A_49 : memref<1x128x64xf32, #tpu.memory_space<vmem>> -> memref<128x64xf32, #tpu.memory_space<vmem>>
      %dma_start3A_51 = arith.constant 0 : i32
      %dma_start3A_52 = tpu.memref_slice %arg9[%add3A_26, %dma_start3A_51] : memref<10240x64xf32, #tpu.memory_space<vmem_shared>> -> memref<128x64xf32, #tpu.memory_space<vmem_shared>>
      %dma_start3A_53 = arith.constant 0 : i32
      %dma_start3A_54 = tpu.memref_slice %arg9[%add3A_26, %dma_start3A_53] : memref<10240x64xf32, #tpu.memory_space<vmem_shared>> -> memref<128x64xf32, #tpu.memory_space<vmem_shared>>
      %dma_start3A_55 = arith.constant 0 : i32
      %dma_start3A_56 = arith.constant 0 : i32
      %dma_start3A_57 = tpu.memref_slice %arg8[%run_scoped3A_27, %dma_start3A_55, %dma_start3A_56] : memref<2x128x64xf32, #tpu.memory_space<vmem>> -> memref<1x128x64xf32, #tpu.memory_space<vmem>>
      %dma_start3A_58 = tpu.memref_squeeze %dma_start3A_57 : memref<1x128x64xf32, #tpu.memory_space<vmem>> -> memref<128x64xf32, #tpu.memory_space<vmem>>
      tpu.enqueue_dma source(%dma_start3A_58 : memref<128x64xf32, #tpu.memory_space<vmem>>) target(%dma_start3A_54 : memref<128x64xf32, #tpu.memory_space<vmem_shared>>) target_semaphore(%run_scoped3A_47 : memref<!tpu.dma_semaphore, #tpu.memory_space<semaphore_mem>>)
      %dma_wait3A = arith.constant 0 : i32
      %dma_wait3A_59 = arith.constant 0 : i32
      %dma_wait3A_60 = tpu.memref_slice %arg8[%run_scoped3A_27, %dma_wait3A, %dma_wait3A_59] : memref<2x128x64xf32, #tpu.memory_space<vmem>> -> memref<1x128x64xf32, #tpu.memory_space<vmem>>
      %dma_wait3A_61 = tpu.memref_squeeze %dma_wait3A_60 : memref<1x128x64xf32, #tpu.memory_space<vmem>> -> memref<128x64xf32, #tpu.memory_space<vmem>>
      %dma_wait3A_62 = arith.constant 0 : i32
      %dma_wait3A_63 = tpu.memref_slice %arg9[%add3A_26, %dma_wait3A_62] : memref<10240x64xf32, #tpu.memory_space<vmem_shared>> -> memref<128x64xf32, #tpu.memory_space<vmem_shared>>
      %dma_wait3A_64 = arith.constant 0 : i32
      %dma_wait3A_65 = tpu.memref_slice %arg9[%add3A_26, %dma_wait3A_64] : memref<10240x64xf32, #tpu.memory_space<vmem_shared>> -> memref<128x64xf32, #tpu.memory_space<vmem_shared>>
      %dma_wait3A_66 = arith.constant 0 : i32
      %dma_wait3A_67 = arith.constant 0 : i32
      %dma_wait3A_68 = tpu.memref_slice %arg8[%run_scoped3A_27, %dma_wait3A_66, %dma_wait3A_67] : memref<2x128x64xf32, #tpu.memory_space<vmem>> -> memref<1x128x64xf32, #tpu.memory_space<vmem>>
      %dma_wait3A_69 = tpu.memref_squeeze %dma_wait3A_68 : memref<1x128x64xf32, #tpu.memory_space<vmem>> -> memref<128x64xf32, #tpu.memory_space<vmem>>
      tpu.wait_dma2 semaphore(%run_scoped3A_47 : memref<!tpu.dma_semaphore, #tpu.memory_space<semaphore_mem>>) src(%dma_wait3A_69 : memref<128x64xf32, #tpu.memory_space<vmem>>) dst(%dma_wait3A_65 : memref<128x64xf32, #tpu.memory_space<vmem_shared>>)
      tpu.yield
    }) : () -> ()
    %mul3A_28 = arith.constant 640 : i32
    %mul3A_29 = arith.muli %arg1, %mul3A_28 : i32
    %add3A_30 = arith.constant 384 : i32
    %add3A_31 = arith.addi %mul3A_29, %add3A_30 : i32
    %run_scoped3A_32 = arith.constant 0 : i32
    "tpu.region"() ({
      %run_scoped3A_47 = tpu.sem_alloc : memref<!tpu.dma_semaphore, #tpu.memory_space<semaphore_mem>>
      %dma_start3A = arith.constant 0 : i32
      %dma_start3A_48 = arith.constant 0 : i32
      %dma_start3A_49 = tpu.memref_slice %arg8[%run_scoped3A_32, %dma_start3A, %dma_start3A_48] : memref<2x128x64xf32, #tpu.memory_space<vmem>> -> memref<1x128x64xf32, #tpu.memory_space<vmem>>
      %dma_start3A_50 = tpu.memref_squeeze %dma_start3A_49 : memref<1x128x64xf32, #tpu.memory_space<vmem>> -> memref<128x64xf32, #tpu.memory_space<vmem>>
      %dma_start3A_51 = arith.constant 0 : i32
      %dma_start3A_52 = tpu.memref_slice %arg9[%add3A_31, %dma_start3A_51] : memref<10240x64xf32, #tpu.memory_space<vmem_shared>> -> memref<128x64xf32, #tpu.memory_space<vmem_shared>>
      %dma_start3A_53 = arith.constant 0 : i32
      %dma_start3A_54 = tpu.memref_slice %arg9[%add3A_31, %dma_start3A_53] : memref<10240x64xf32, #tpu.memory_space<vmem_shared>> -> memref<128x64xf32, #tpu.memory_space<vmem_shared>>
      %dma_start3A_55 = arith.constant 0 : i32
      %dma_start3A_56 = arith.constant 0 : i32
      %dma_start3A_57 = tpu.memref_slice %arg8[%run_scoped3A_32, %dma_start3A_55, %dma_start3A_56] : memref<2x128x64xf32, #tpu.memory_space<vmem>> -> memref<1x128x64xf32, #tpu.memory_space<vmem>>
      %dma_start3A_58 = tpu.memref_squeeze %dma_start3A_57 : memref<1x128x64xf32, #tpu.memory_space<vmem>> -> memref<128x64xf32, #tpu.memory_space<vmem>>
      tpu.enqueue_dma source(%dma_start3A_58 : memref<128x64xf32, #tpu.memory_space<vmem>>) target(%dma_start3A_54 : memref<128x64xf32, #tpu.memory_space<vmem_shared>>) target_semaphore(%run_scoped3A_47 : memref<!tpu.dma_semaphore, #tpu.memory_space<semaphore_mem>>)
      %dma_wait3A = arith.constant 0 : i32
      %dma_wait3A_59 = arith.constant 0 : i32
      %dma_wait3A_60 = tpu.memref_slice %arg8[%run_scoped3A_32, %dma_wait3A, %dma_wait3A_59] : memref<2x128x64xf32, #tpu.memory_space<vmem>> -> memref<1x128x64xf32, #tpu.memory_space<vmem>>
      %dma_wait3A_61 = tpu.memref_squeeze %dma_wait3A_60 : memref<1x128x64xf32, #tpu.memory_space<vmem>> -> memref<128x64xf32, #tpu.memory_space<vmem>>
      %dma_wait3A_62 = arith.constant 0 : i32
      %dma_wait3A_63 = tpu.memref_slice %arg9[%add3A_31, %dma_wait3A_62] : memref<10240x64xf32, #tpu.memory_space<vmem_shared>> -> memref<128x64xf32, #tpu.memory_space<vmem_shared>>
      %dma_wait3A_64 = arith.constant 0 : i32
      %dma_wait3A_65 = tpu.memref_slice %arg9[%add3A_31, %dma_wait3A_64] : memref<10240x64xf32, #tpu.memory_space<vmem_shared>> -> memref<128x64xf32, #tpu.memory_space<vmem_shared>>
      %dma_wait3A_66 = arith.constant 0 : i32
      %dma_wait3A_67 = arith.constant 0 : i32
      %dma_wait3A_68 = tpu.memref_slice %arg8[%run_scoped3A_32, %dma_wait3A_66, %dma_wait3A_67] : memref<2x128x64xf32, #tpu.memory_space<vmem>> -> memref<1x128x64xf32, #tpu.memory_space<vmem>>
      %dma_wait3A_69 = tpu.memref_squeeze %dma_wait3A_68 : memref<1x128x64xf32, #tpu.memory_space<vmem>> -> memref<128x64xf32, #tpu.memory_space<vmem>>
      tpu.wait_dma2 semaphore(%run_scoped3A_47 : memref<!tpu.dma_semaphore, #tpu.memory_space<semaphore_mem>>) src(%dma_wait3A_69 : memref<128x64xf32, #tpu.memory_space<vmem>>) dst(%dma_wait3A_65 : memref<128x64xf32, #tpu.memory_space<vmem_shared>>)
      tpu.yield
    }) : () -> ()
    %mul3A_33 = arith.constant 640 : i32
    %mul3A_34 = arith.muli %arg1, %mul3A_33 : i32
    %add3A_35 = arith.constant 512 : i32
    %add3A_36 = arith.addi %mul3A_34, %add3A_35 : i32
    %run_scoped3A_37 = arith.constant 0 : i32
    "tpu.region"() ({
      %run_scoped3A_47 = tpu.sem_alloc : memref<!tpu.dma_semaphore, #tpu.memory_space<semaphore_mem>>
      %dma_start3A = arith.constant 0 : i32
      %dma_start3A_48 = arith.constant 0 : i32
      %dma_start3A_49 = tpu.memref_slice %arg8[%run_scoped3A_37, %dma_start3A, %dma_start3A_48] : memref<2x128x64xf32, #tpu.memory_space<vmem>> -> memref<1x128x64xf32, #tpu.memory_space<vmem>>
      %dma_start3A_50 = tpu.memref_squeeze %dma_start3A_49 : memref<1x128x64xf32, #tpu.memory_space<vmem>> -> memref<128x64xf32, #tpu.memory_space<vmem>>
      %dma_start3A_51 = arith.constant 0 : i32
      %dma_start3A_52 = tpu.memref_slice %arg9[%add3A_36, %dma_start3A_51] : memref<10240x64xf32, #tpu.memory_space<vmem_shared>> -> memref<128x64xf32, #tpu.memory_space<vmem_shared>>
      %dma_start3A_53 = arith.constant 0 : i32
      %dma_start3A_54 = tpu.memref_slice %arg9[%add3A_36, %dma_start3A_53] : memref<10240x64xf32, #tpu.memory_space<vmem_shared>> -> memref<128x64xf32, #tpu.memory_space<vmem_shared>>
      %dma_start3A_55 = arith.constant 0 : i32
      %dma_start3A_56 = arith.constant 0 : i32
      %dma_start3A_57 = tpu.memref_slice %arg8[%run_scoped3A_37, %dma_start3A_55, %dma_start3A_56] : memref<2x128x64xf32, #tpu.memory_space<vmem>> -> memref<1x128x64xf32, #tpu.memory_space<vmem>>
      %dma_start3A_58 = tpu.memref_squeeze %dma_start3A_57 : memref<1x128x64xf32, #tpu.memory_space<vmem>> -> memref<128x64xf32, #tpu.memory_space<vmem>>
      tpu.enqueue_dma source(%dma_start3A_58 : memref<128x64xf32, #tpu.memory_space<vmem>>) target(%dma_start3A_54 : memref<128x64xf32, #tpu.memory_space<vmem_shared>>) target_semaphore(%run_scoped3A_47 : memref<!tpu.dma_semaphore, #tpu.memory_space<semaphore_mem>>)
      %dma_wait3A = arith.constant 0 : i32
      %dma_wait3A_59 = arith.constant 0 : i32
      %dma_wait3A_60 = tpu.memref_slice %arg8[%run_scoped3A_37, %dma_wait3A, %dma_wait3A_59] : memref<2x128x64xf32, #tpu.memory_space<vmem>> -> memref<1x128x64xf32, #tpu.memory_space<vmem>>
      %dma_wait3A_61 = tpu.memref_squeeze %dma_wait3A_60 : memref<1x128x64xf32, #tpu.memory_space<vmem>> -> memref<128x64xf32, #tpu.memory_space<vmem>>
      %dma_wait3A_62 = arith.constant 0 : i32
      %dma_wait3A_63 = tpu.memref_slice %arg9[%add3A_36, %dma_wait3A_62] : memref<10240x64xf32, #tpu.memory_space<vmem_shared>> -> memref<128x64xf32, #tpu.memory_space<vmem_shared>>
      %dma_wait3A_64 = arith.constant 0 : i32
      %dma_wait3A_65 = tpu.memref_slice %arg9[%add3A_36, %dma_wait3A_64] : memref<10240x64xf32, #tpu.memory_space<vmem_shared>> -> memref<128x64xf32, #tpu.memory_space<vmem_shared>>
      %dma_wait3A_66 = arith.constant 0 : i32
      %dma_wait3A_67 = arith.constant 0 : i32
      %dma_wait3A_68 = tpu.memref_slice %arg8[%run_scoped3A_37, %dma_wait3A_66, %dma_wait3A_67] : memref<2x128x64xf32, #tpu.memory_space<vmem>> -> memref<1x128x64xf32, #tpu.memory_space<vmem>>
      %dma_wait3A_69 = tpu.memref_squeeze %dma_wait3A_68 : memref<1x128x64xf32, #tpu.memory_space<vmem>> -> memref<128x64xf32, #tpu.memory_space<vmem>>
      tpu.wait_dma2 semaphore(%run_scoped3A_47 : memref<!tpu.dma_semaphore, #tpu.memory_space<semaphore_mem>>) src(%dma_wait3A_69 : memref<128x64xf32, #tpu.memory_space<vmem>>) dst(%dma_wait3A_65 : memref<128x64xf32, #tpu.memory_space<vmem_shared>>)
      tpu.yield
    }) : () -> ()
    %barrier3A = arith.constant 0 : index
    tpu.barrier barrier_id(%barrier3A)
    %scan3A_38 = arith.constant 0 : i32
    %scan3A_39 = arith.constant 0 : i32
    %scan3A_40 = arith.constant 20 : i32
    %scan3A_41 = arith.addi %scan3A_39, %scan3A_40 : i32
    %scan3A_42 = arith.constant 1 : i32
    %scan3A_43 = scf.for %scan3A_47 = %scan3A_39 to %scan3A_41 step %scan3A_42 iter_args(%scan3A_48 = %scan3A_38) -> (i32)  : i32 {
      %mul3A_49 = arith.constant 2 : i32
      %mul3A_50 = arith.muli %scan3A_47, %mul3A_49 : i32
      %add3A_51 = arith.constant 0 : i32
      %add3A_52 = arith.addi %mul3A_50, %add3A_51 : i32
      %dma_start3A = arith.constant 0 : i32
      %dma_start3A_53 = arith.constant 0 : i32
      %dma_start3A_54 = arith.constant 0 : i32
      %dma_start3A_55 = arith.constant 0 : i32
      %dma_start3A_56 = arith.constant 0 : i32
      %dma_start3A_57 = tpu.memref_slice %arg8[%dma_start3A_53, %dma_start3A_55, %dma_start3A_56] : memref<2x128x64xf32, #tpu.memory_space<vmem>> -> memref<1x128x64xf32, #tpu.memory_space<vmem>>
      %dma_start3A_58 = tpu.memref_squeeze %dma_start3A_57 : memref<1x128x64xf32, #tpu.memory_space<vmem>> -> memref<128x64xf32, #tpu.memory_space<vmem>>
      %dma_start3A_59 = arith.constant 0 : i32
      %dma_start3A_60 = tpu.memref_slice %arg6[%add3A_52, %dma_start3A_59] : memref<40x128xi32, #tpu.memory_space<vmem>> -> memref<1x128xi32, #tpu.memory_space<vmem>>
      %dma_start3A_61 = tpu.memref_squeeze %dma_start3A_60 : memref<1x128xi32, #tpu.memory_space<vmem>> -> memref<128xi32, #tpu.memory_space<vmem>>
      %dma_start3A_62 = arith.constant 0 : i32
      %dma_start3A_63 = arith.constant 0 : i32
      %dma_start3A_64 = tpu.memref_slice %arg2[%dma_start3A, %dma_start3A_62, %dma_start3A_63] : memref<1x10000x64xf32, #tpu.memory_space<hbm>> -> memref<1x10000x64xf32, #tpu.memory_space<hbm>>
      %dma_start3A_65 = tpu.memref_squeeze %dma_start3A_64 : memref<1x10000x64xf32, #tpu.memory_space<hbm>> -> memref<10000x64xf32, #tpu.memory_space<hbm>>
      %dma_start3A_66 = arith.constant 0 : i32
      %dma_start3A_67 = arith.constant 0 : i32
      %dma_start3A_68 = tpu.memref_slice %dma_start3A_65[%dma_start3A_66, %dma_start3A_67] : memref<10000x64xf32, #tpu.memory_space<hbm>> -> memref<10000x64xf32, #tpu.memory_space<hbm>>
      %dma_start3A_69 = tpu.memref_slice %arg10[%dma_start3A_54] : memref<2x!tpu.dma_semaphore, #tpu.memory_space<semaphore_mem>> -> memref<1x!tpu.dma_semaphore, #tpu.memory_space<semaphore_mem>>
      %dma_start3A_70 = tpu.memref_squeeze %dma_start3A_69 : memref<1x!tpu.dma_semaphore, #tpu.memory_space<semaphore_mem>> -> memref<!tpu.dma_semaphore, #tpu.memory_space<semaphore_mem>>
      tpu.enqueue_indirect_dma source(%dma_start3A_68 : memref<10000x64xf32, #tpu.memory_space<hbm>>) target(%dma_start3A_58 : memref<128x64xf32, #tpu.memory_space<vmem>>) offsets(%dma_start3A_61 : memref<128xi32, #tpu.memory_space<vmem>>) semaphore(%dma_start3A_70 : memref<!tpu.dma_semaphore, #tpu.memory_space<semaphore_mem>>)
      %add3A_71 = arith.constant 1 : i32
      %add3A_72 = arith.addi %mul3A_50, %add3A_71 : i32
      %dma_start3A_73 = arith.constant 0 : i32
      %dma_start3A_74 = arith.constant 1 : i32
      %dma_start3A_75 = arith.constant 1 : i32
      %dma_start3A_76 = arith.constant 0 : i32
      %dma_start3A_77 = arith.constant 0 : i32
      %dma_start3A_78 = tpu.memref_slice %arg8[%dma_start3A_74, %dma_start3A_76, %dma_start3A_77] : memref<2x128x64xf32, #tpu.memory_space<vmem>> -> memref<1x128x64xf32, #tpu.memory_space<vmem>>
      %dma_start3A_79 = tpu.memref_squeeze %dma_start3A_78 : memref<1x128x64xf32, #tpu.memory_space<vmem>> -> memref<128x64xf32, #tpu.memory_space<vmem>>
      %dma_start3A_80 = arith.constant 0 : i32
      %dma_start3A_81 = tpu.memref_slice %arg6[%add3A_72, %dma_start3A_80] : memref<40x128xi32, #tpu.memory_space<vmem>> -> memref<1x128xi32, #tpu.memory_space<vmem>>
      %dma_start3A_82 = tpu.memref_squeeze %dma_start3A_81 : memref<1x128xi32, #tpu.memory_space<vmem>> -> memref<128xi32, #tpu.memory_space<vmem>>
      %dma_start3A_83 = arith.constant 0 : i32
      %dma_start3A_84 = arith.constant 0 : i32
      %dma_start3A_85 = tpu.memref_slice %arg2[%dma_start3A_73, %dma_start3A_83, %dma_start3A_84] : memref<1x10000x64xf32, #tpu.memory_space<hbm>> -> memref<1x10000x64xf32, #tpu.memory_space<hbm>>
      %dma_start3A_86 = tpu.memref_squeeze %dma_start3A_85 : memref<1x10000x64xf32, #tpu.memory_space<hbm>> -> memref<10000x64xf32, #tpu.memory_space<hbm>>
      %dma_start3A_87 = arith.constant 0 : i32
      %dma_start3A_88 = arith.constant 0 : i32
      %dma_start3A_89 = tpu.memref_slice %dma_start3A_86[%dma_start3A_87, %dma_start3A_88] : memref<10000x64xf32, #tpu.memory_space<hbm>> -> memref<10000x64xf32, #tpu.memory_space<hbm>>
      %dma_start3A_90 = tpu.memref_slice %arg10[%dma_start3A_75] : memref<2x!tpu.dma_semaphore, #tpu.memory_space<semaphore_mem>> -> memref<1x!tpu.dma_semaphore, #tpu.memory_space<semaphore_mem>>
      %dma_start3A_91 = tpu.memref_squeeze %dma_start3A_90 : memref<1x!tpu.dma_semaphore, #tpu.memory_space<semaphore_mem>> -> memref<!tpu.dma_semaphore, #tpu.memory_space<semaphore_mem>>
      tpu.enqueue_indirect_dma source(%dma_start3A_89 : memref<10000x64xf32, #tpu.memory_space<hbm>>) target(%dma_start3A_79 : memref<128x64xf32, #tpu.memory_space<vmem>>) offsets(%dma_start3A_82 : memref<128xi32, #tpu.memory_space<vmem>>) semaphore(%dma_start3A_91 : memref<!tpu.dma_semaphore, #tpu.memory_space<semaphore_mem>>)
      %dma_wait3A = arith.constant 0 : i32
      %dma_wait3A_92 = arith.constant 0 : i32
      %dma_wait3A_93 = arith.constant 0 : i32
      %dma_wait3A_94 = arith.constant 0 : i32
      %dma_wait3A_95 = arith.constant 0 : i32
      %dma_wait3A_96 = tpu.memref_slice %arg8[%dma_wait3A_92, %dma_wait3A_94, %dma_wait3A_95] : memref<2x128x64xf32, #tpu.memory_space<vmem>> -> memref<1x128x64xf32, #tpu.memory_space<vmem>>
      %dma_wait3A_97 = tpu.memref_squeeze %dma_wait3A_96 : memref<1x128x64xf32, #tpu.memory_space<vmem>> -> memref<128x64xf32, #tpu.memory_space<vmem>>
      %dma_wait3A_98 = arith.constant 0 : i32
      %dma_wait3A_99 = tpu.memref_slice %arg6[%add3A_52, %dma_wait3A_98] : memref<40x128xi32, #tpu.memory_space<vmem>> -> memref<1x128xi32, #tpu.memory_space<vmem>>
      %dma_wait3A_100 = tpu.memref_squeeze %dma_wait3A_99 : memref<1x128xi32, #tpu.memory_space<vmem>> -> memref<128xi32, #tpu.memory_space<vmem>>
      %dma_wait3A_101 = arith.constant 0 : i32
      %dma_wait3A_102 = arith.constant 0 : i32
      %dma_wait3A_103 = tpu.memref_slice %arg2[%dma_wait3A, %dma_wait3A_101, %dma_wait3A_102] : memref<1x10000x64xf32, #tpu.memory_space<hbm>> -> memref<1x10000x64xf32, #tpu.memory_space<hbm>>
      %dma_wait3A_104 = tpu.memref_squeeze %dma_wait3A_103 : memref<1x10000x64xf32, #tpu.memory_space<hbm>> -> memref<10000x64xf32, #tpu.memory_space<hbm>>
      %dma_wait3A_105 = arith.constant 0 : i32
      %dma_wait3A_106 = arith.constant 0 : i32
      %dma_wait3A_107 = tpu.memref_slice %dma_wait3A_104[%dma_wait3A_105, %dma_wait3A_106] : memref<10000x64xf32, #tpu.memory_space<hbm>> -> memref<10000x64xf32, #tpu.memory_space<hbm>>
      %dma_wait3A_108 = tpu.memref_slice %arg10[%dma_wait3A_93] : memref<2x!tpu.dma_semaphore, #tpu.memory_space<semaphore_mem>> -> memref<1x!tpu.dma_semaphore, #tpu.memory_space<semaphore_mem>>
      %dma_wait3A_109 = tpu.memref_squeeze %dma_wait3A_108 : memref<1x!tpu.dma_semaphore, #tpu.memory_space<semaphore_mem>> -> memref<!tpu.dma_semaphore, #tpu.memory_space<semaphore_mem>>
      tpu.wait_indirect_dma semaphore(%dma_wait3A_109 : memref<!tpu.dma_semaphore, #tpu.memory_space<semaphore_mem>>) src(%dma_wait3A_107 : memref<10000x64xf32, #tpu.memory_space<hbm>>) dst(%dma_wait3A_97 : memref<128x64xf32, #tpu.memory_space<vmem>>)
      %add3A_110 = arith.constant 0 : i32
      %add3A_111 = arith.addi %mul3A_50, %add3A_110 : i32
      %dma_start3A_112 = arith.constant 0 : i32
      %dma_start3A_113 = arith.constant 0 : i32
      %dma_start3A_114 = arith.constant 0 : i32
      %dma_start3A_115 = arith.constant 0 : i32
      %dma_start3A_116 = tpu.memref_slice %arg8[%dma_start3A_112, %dma_start3A_114, %dma_start3A_115] : memref<2x128x64xf32, #tpu.memory_space<vmem>> -> memref<1x128x64xf32, #tpu.memory_space<vmem>>
      %dma_start3A_117 = tpu.memref_squeeze %dma_start3A_116 : memref<1x128x64xf32, #tpu.memory_space<vmem>> -> memref<128x64xf32, #tpu.memory_space<vmem>>
      %dma_start3A_118 = arith.constant 0 : i32
      %dma_start3A_119 = tpu.memref_slice %arg7[%add3A_111, %dma_start3A_118] : memref<40x128xi32, #tpu.memory_space<vmem>> -> memref<1x128xi32, #tpu.memory_space<vmem>>
      %dma_start3A_120 = tpu.memref_squeeze %dma_start3A_119 : memref<1x128xi32, #tpu.memory_space<vmem>> -> memref<128xi32, #tpu.memory_space<vmem>>
      %dma_start3A_121 = arith.constant 0 : i32
      %dma_start3A_122 = arith.constant 0 : i32
      %dma_start3A_123 = tpu.memref_slice %arg9[%dma_start3A_121, %dma_start3A_122] : memref<10240x64xf32, #tpu.memory_space<vmem_shared>> -> memref<10240x64xf32, #tpu.memory_space<vmem_shared>>
      %dma_start3A_124 = tpu.memref_slice %arg11[%dma_start3A_113] : memref<2x!tpu.dma_semaphore, #tpu.memory_space<semaphore_mem>> -> memref<1x!tpu.dma_semaphore, #tpu.memory_space<semaphore_mem>>
      %dma_start3A_125 = tpu.memref_squeeze %dma_start3A_124 : memref<1x!tpu.dma_semaphore, #tpu.memory_space<semaphore_mem>> -> memref<!tpu.dma_semaphore, #tpu.memory_space<semaphore_mem>>
      tpu.enqueue_indirect_dma source(%dma_start3A_117 : memref<128x64xf32, #tpu.memory_space<vmem>>) target(%dma_start3A_123 : memref<10240x64xf32, #tpu.memory_space<vmem_shared>>) offsets(%dma_start3A_120 : memref<128xi32, #tpu.memory_space<vmem>>) semaphore(%dma_start3A_125 : memref<!tpu.dma_semaphore, #tpu.memory_space<semaphore_mem>>) {add = true}
      %dma_wait3A_126 = arith.constant 0 : i32
      %dma_wait3A_127 = arith.constant 1 : i32
      %dma_wait3A_128 = arith.constant 1 : i32
      %dma_wait3A_129 = arith.constant 0 : i32
      %dma_wait3A_130 = arith.constant 0 : i32
      %dma_wait3A_131 = tpu.memref_slice %arg8[%dma_wait3A_127, %dma_wait3A_129, %dma_wait3A_130] : memref<2x128x64xf32, #tpu.memory_space<vmem>> -> memref<1x128x64xf32, #tpu.memory_space<vmem>>
      %dma_wait3A_132 = tpu.memref_squeeze %dma_wait3A_131 : memref<1x128x64xf32, #tpu.memory_space<vmem>> -> memref<128x64xf32, #tpu.memory_space<vmem>>
      %dma_wait3A_133 = arith.constant 0 : i32
      %dma_wait3A_134 = tpu.memref_slice %arg6[%add3A_72, %dma_wait3A_133] : memref<40x128xi32, #tpu.memory_space<vmem>> -> memref<1x128xi32, #tpu.memory_space<vmem>>
      %dma_wait3A_135 = tpu.memref_squeeze %dma_wait3A_134 : memref<1x128xi32, #tpu.memory_space<vmem>> -> memref<128xi32, #tpu.memory_space<vmem>>
      %dma_wait3A_136 = arith.constant 0 : i32
      %dma_wait3A_137 = arith.constant 0 : i32
      %dma_wait3A_138 = tpu.memref_slice %arg2[%dma_wait3A_126, %dma_wait3A_136, %dma_wait3A_137] : memref<1x10000x64xf32, #tpu.memory_space<hbm>> -> memref<1x10000x64xf32, #tpu.memory_space<hbm>>
      %dma_wait3A_139 = tpu.memref_squeeze %dma_wait3A_138 : memref<1x10000x64xf32, #tpu.memory_space<hbm>> -> memref<10000x64xf32, #tpu.memory_space<hbm>>
      %dma_wait3A_140 = arith.constant 0 : i32
      %dma_wait3A_141 = arith.constant 0 : i32
      %dma_wait3A_142 = tpu.memref_slice %dma_wait3A_139[%dma_wait3A_140, %dma_wait3A_141] : memref<10000x64xf32, #tpu.memory_space<hbm>> -> memref<10000x64xf32, #tpu.memory_space<hbm>>
      %dma_wait3A_143 = tpu.memref_slice %arg10[%dma_wait3A_128] : memref<2x!tpu.dma_semaphore, #tpu.memory_space<semaphore_mem>> -> memref<1x!tpu.dma_semaphore, #tpu.memory_space<semaphore_mem>>
      %dma_wait3A_144 = tpu.memref_squeeze %dma_wait3A_143 : memref<1x!tpu.dma_semaphore, #tpu.memory_space<semaphore_mem>> -> memref<!tpu.dma_semaphore, #tpu.memory_space<semaphore_mem>>
      tpu.wait_indirect_dma semaphore(%dma_wait3A_144 : memref<!tpu.dma_semaphore, #tpu.memory_space<semaphore_mem>>) src(%dma_wait3A_142 : memref<10000x64xf32, #tpu.memory_space<hbm>>) dst(%dma_wait3A_132 : memref<128x64xf32, #tpu.memory_space<vmem>>)
      %add3A_145 = arith.constant 1 : i32
      %add3A_146 = arith.addi %mul3A_50, %add3A_145 : i32
      %dma_start3A_147 = arith.constant 1 : i32
      %dma_start3A_148 = arith.constant 1 : i32
      %dma_start3A_149 = arith.constant 0 : i32
      %dma_start3A_150 = arith.constant 0 : i32
      %dma_start3A_151 = tpu.memref_slice %arg8[%dma_start3A_147, %dma_start3A_149, %dma_start3A_150] : memref<2x128x64xf32, #tpu.memory_space<vmem>> -> memref<1x128x64xf32, #tpu.memory_space<vmem>>
      %dma_start3A_152 = tpu.memref_squeeze %dma_start3A_151 : memref<1x128x64xf32, #tpu.memory_space<vmem>> -> memref<128x64xf32, #tpu.memory_space<vmem>>
      %dma_start3A_153 = arith.constant 0 : i32
      %dma_start3A_154 = tpu.memref_slice %arg7[%add3A_146, %dma_start3A_153] : memref<40x128xi32, #tpu.memory_space<vmem>> -> memref<1x128xi32, #tpu.memory_space<vmem>>
      %dma_start3A_155 = tpu.memref_squeeze %dma_start3A_154 : memref<1x128xi32, #tpu.memory_space<vmem>> -> memref<128xi32, #tpu.memory_space<vmem>>
      %dma_start3A_156 = arith.constant 0 : i32
      %dma_start3A_157 = arith.constant 0 : i32
      %dma_start3A_158 = tpu.memref_slice %arg9[%dma_start3A_156, %dma_start3A_157] : memref<10240x64xf32, #tpu.memory_space<vmem_shared>> -> memref<10240x64xf32, #tpu.memory_space<vmem_shared>>
      %dma_start3A_159 = tpu.memref_slice %arg11[%dma_start3A_148] : memref<2x!tpu.dma_semaphore, #tpu.memory_space<semaphore_mem>> -> memref<1x!tpu.dma_semaphore, #tpu.memory_space<semaphore_mem>>
      %dma_start3A_160 = tpu.memref_squeeze %dma_start3A_159 : memref<1x!tpu.dma_semaphore, #tpu.memory_space<semaphore_mem>> -> memref<!tpu.dma_semaphore, #tpu.memory_space<semaphore_mem>>
      tpu.enqueue_indirect_dma source(%dma_start3A_152 : memref<128x64xf32, #tpu.memory_space<vmem>>) target(%dma_start3A_158 : memref<10240x64xf32, #tpu.memory_space<vmem_shared>>) offsets(%dma_start3A_155 : memref<128xi32, #tpu.memory_space<vmem>>) semaphore(%dma_start3A_160 : memref<!tpu.dma_semaphore, #tpu.memory_space<semaphore_mem>>) {add = true}
      %dma_wait3A_161 = arith.constant 0 : i32
      %dma_wait3A_162 = arith.constant 0 : i32
      %dma_wait3A_163 = arith.constant 0 : i32
      %dma_wait3A_164 = arith.constant 0 : i32
      %dma_wait3A_165 = tpu.memref_slice %arg8[%dma_wait3A_161, %dma_wait3A_163, %dma_wait3A_164] : memref<2x128x64xf32, #tpu.memory_space<vmem>> -> memref<1x128x64xf32, #tpu.memory_space<vmem>>
      %dma_wait3A_166 = tpu.memref_squeeze %dma_wait3A_165 : memref<1x128x64xf32, #tpu.memory_space<vmem>> -> memref<128x64xf32, #tpu.memory_space<vmem>>
      %dma_wait3A_167 = arith.constant 0 : i32
      %dma_wait3A_168 = tpu.memref_slice %arg7[%add3A_111, %dma_wait3A_167] : memref<40x128xi32, #tpu.memory_space<vmem>> -> memref<1x128xi32, #tpu.memory_space<vmem>>
      %dma_wait3A_169 = tpu.memref_squeeze %dma_wait3A_168 : memref<1x128xi32, #tpu.memory_space<vmem>> -> memref<128xi32, #tpu.memory_space<vmem>>
      %dma_wait3A_170 = arith.constant 0 : i32
      %dma_wait3A_171 = arith.constant 0 : i32
      %dma_wait3A_172 = tpu.memref_slice %arg9[%dma_wait3A_170, %dma_wait3A_171] : memref<10240x64xf32, #tpu.memory_space<vmem_shared>> -> memref<10240x64xf32, #tpu.memory_space<vmem_shared>>
      %dma_wait3A_173 = tpu.memref_slice %arg11[%dma_wait3A_162] : memref<2x!tpu.dma_semaphore, #tpu.memory_space<semaphore_mem>> -> memref<1x!tpu.dma_semaphore, #tpu.memory_space<semaphore_mem>>
      %dma_wait3A_174 = tpu.memref_squeeze %dma_wait3A_173 : memref<1x!tpu.dma_semaphore, #tpu.memory_space<semaphore_mem>> -> memref<!tpu.dma_semaphore, #tpu.memory_space<semaphore_mem>>
      tpu.wait_indirect_dma semaphore(%dma_wait3A_174 : memref<!tpu.dma_semaphore, #tpu.memory_space<semaphore_mem>>) src(%dma_wait3A_166 : memref<128x64xf32, #tpu.memory_space<vmem>>) dst(%dma_wait3A_172 : memref<10240x64xf32, #tpu.memory_space<vmem_shared>>)
      %dma_wait3A_175 = arith.constant 1 : i32
      %dma_wait3A_176 = arith.constant 1 : i32
      %dma_wait3A_177 = arith.constant 0 : i32
      %dma_wait3A_178 = arith.constant 0 : i32
      %dma_wait3A_179 = tpu.memref_slice %arg8[%dma_wait3A_175, %dma_wait3A_177, %dma_wait3A_178] : memref<2x128x64xf32, #tpu.memory_space<vmem>> -> memref<1x128x64xf32, #tpu.memory_space<vmem>>
      %dma_wait3A_180 = tpu.memref_squeeze %dma_wait3A_179 : memref<1x128x64xf32, #tpu.memory_space<vmem>> -> memref<128x64xf32, #tpu.memory_space<vmem>>
      %dma_wait3A_181 = arith.constant 0 : i32
      %dma_wait3A_182 = tpu.memref_slice %arg7[%add3A_146, %dma_wait3A_181] : memref<40x128xi32, #tpu.memory_space<vmem>> -> memref<1x128xi32, #tpu.memory_space<vmem>>
      %dma_wait3A_183 = tpu.memref_squeeze %dma_wait3A_182 : memref<1x128xi32, #tpu.memory_space<vmem>> -> memref<128xi32, #tpu.memory_space<vmem>>
      %dma_wait3A_184 = arith.constant 0 : i32
      %dma_wait3A_185 = arith.constant 0 : i32
      %dma_wait3A_186 = tpu.memref_slice %arg9[%dma_wait3A_184, %dma_wait3A_185] : memref<10240x64xf32, #tpu.memory_space<vmem_shared>> -> memref<10240x64xf32, #tpu.memory_space<vmem_shared>>
      %dma_wait3A_187 = tpu.memref_slice %arg11[%dma_wait3A_176] : memref<2x!tpu.dma_semaphore, #tpu.memory_space<semaphore_mem>> -> memref<1x!tpu.dma_semaphore, #tpu.memory_space<semaphore_mem>>
      %dma_wait3A_188 = tpu.memref_squeeze %dma_wait3A_187 : memref<1x!tpu.dma_semaphore, #tpu.memory_space<semaphore_mem>> -> memref<!tpu.dma_semaphore, #tpu.memory_space<semaphore_mem>>
      tpu.wait_indirect_dma semaphore(%dma_wait3A_188 : memref<!tpu.dma_semaphore, #tpu.memory_space<semaphore_mem>>) src(%dma_wait3A_180 : memref<128x64xf32, #tpu.memory_space<vmem>>) dst(%dma_wait3A_186 : memref<10240x64xf32, #tpu.memory_space<vmem_shared>>)
      %scan3A_189 = arith.constant 0 : i32
      scf.yield %scan3A_189 : i32
    }
    %scan3A_44 = arith.constant 20 : i32
    %barrier3A_45 = arith.constant 0 : index
    tpu.barrier barrier_id(%barrier3A_45)
    %run_scoped3A_46 = arith.constant 0 : i32
    "tpu.region"() ({
      %run_scoped3A_47 = tpu.sem_alloc : memref<!tpu.dma_semaphore, #tpu.memory_space<semaphore_mem>>
      %dma_start3A = arith.constant 0 : i32
      %dma_start3A_48 = tpu.memref_slice %arg5[%run_scoped3A_46, %arg0, %mul3A_13, %dma_start3A] : memref<1x2x10240x64xf32, #tpu.memory_space<hbm>> -> memref<1x1x640x64xf32, #tpu.memory_space<hbm>>
      %dma_start3A_49 = tpu.memref_squeeze %dma_start3A_48 : memref<1x1x640x64xf32, #tpu.memory_space<hbm>> -> memref<640x64xf32, #tpu.memory_space<hbm>>
      %dma_start3A_50 = arith.constant 0 : i32
      %dma_start3A_51 = tpu.memref_slice %arg9[%mul3A_13, %dma_start3A_50] : memref<10240x64xf32, #tpu.memory_space<vmem_shared>> -> memref<640x64xf32, #tpu.memory_space<vmem_shared>>
      tpu.enqueue_dma source(%dma_start3A_51 : memref<640x64xf32, #tpu.memory_space<vmem_shared>>) target(%dma_start3A_49 : memref<640x64xf32, #tpu.memory_space<hbm>>) target_semaphore(%run_scoped3A_47 : memref<!tpu.dma_semaphore, #tpu.memory_space<semaphore_mem>>)
      %dma_wait3A = arith.constant 0 : i32
      %dma_wait3A_52 = tpu.memref_slice %arg5[%run_scoped3A_46, %arg0, %mul3A_13, %dma_wait3A] : memref<1x2x10240x64xf32, #tpu.memory_space<hbm>> -> memref<1x1x640x64xf32, #tpu.memory_space<hbm>>
      %dma_wait3A_53 = tpu.memref_squeeze %dma_wait3A_52 : memref<1x1x640x64xf32, #tpu.memory_space<hbm>> -> memref<640x64xf32, #tpu.memory_space<hbm>>
      %dma_wait3A_54 = arith.constant 0 : i32
      %dma_wait3A_55 = tpu.memref_slice %arg9[%mul3A_13, %dma_wait3A_54] : memref<10240x64xf32, #tpu.memory_space<vmem_shared>> -> memref<640x64xf32, #tpu.memory_space<vmem_shared>>
      tpu.wait_dma2 semaphore(%run_scoped3A_47 : memref<!tpu.dma_semaphore, #tpu.memory_space<semaphore_mem>>) src(%dma_wait3A_55 : memref<640x64xf32, #tpu.memory_space<vmem_shared>>) dst(%dma_wait3A_53 : memref<640x64xf32, #tpu.memory_space<hbm>>)
      tpu.yield
    }) : () -> ()
    return
  }
}

#map = affine_map<(d0, d1) -> (0, 0, 0)>
#map1 = affine_map<(d0, d1) -> (0, 0)>
#map2 = affine_map<(d0, d1) -> (0, 0, 0, 0)>
module attributes {stable_mosaic.version = 14 : i64} {
  func.func @_sc_agg(%arg0: i32, %arg1: i32, %arg2: memref<1x10000x128xf32, #tpu.memory_space<hbm>>, %arg3: memref<1280x128xi32, #tpu.memory_space<hbm>>, %arg4: memref<1280x128xi32, #tpu.memory_space<hbm>>, %arg5: memref<1x2x10240x128xf32, #tpu.memory_space<hbm>>, %arg6: memref<40x128xi32, #tpu.memory_space<vmem>>, %arg7: memref<40x128xi32, #tpu.memory_space<vmem>>, %arg8: memref<2x128x128xf32, #tpu.memory_space<vmem>>, %arg9: memref<10240x128xf32, #tpu.memory_space<vmem_shared>>, %arg10: memref<2x!tpu.dma_semaphore, #tpu.memory_space<semaphore_mem>>, %arg11: memref<2x!tpu.dma_semaphore, #tpu.memory_space<semaphore_mem>>) attributes {dimension_semantics = [#tpu.dimension_semantics<core_parallel>, #tpu.dimension_semantics<subcore_parallel>], iteration_bounds = array<i64: 2, 16>, scalar_prefetch = 0 : i64, scratch_operands = 6 : i64, tpu.core_type = #tpu.core_type<sc_vector_subcore>, window_params = [{transform_indices = #map}, {transform_indices = #map1}, {transform_indices = #map1}, {transform_indices = #map2}]} {
    %mul3A = arith.constant 16 : i32
    %mul3A_0 = arith.muli %arg0, %mul3A : i32
    %add3A = arith.addi %mul3A_0, %arg1 : i32
    %mul3A_1 = arith.constant 40 : i32
    %mul3A_2 = arith.muli %add3A, %mul3A_1 : i32
    "tpu.region"() ({
      %run_scoped3A_47 = tpu.sem_alloc : memref<!tpu.dma_semaphore, #tpu.memory_space<semaphore_mem>>
      %dma_start3A = arith.constant 0 : i32
      %dma_start3A_48 = tpu.memref_slice %arg3[%mul3A_2, %dma_start3A] : memref<1280x128xi32, #tpu.memory_space<hbm>> -> memref<40x128xi32, #tpu.memory_space<hbm>>
      %dma_start3A_49 = arith.constant 0 : i32
      %dma_start3A_50 = tpu.memref_slice %arg3[%mul3A_2, %dma_start3A_49] : memref<1280x128xi32, #tpu.memory_space<hbm>> -> memref<40x128xi32, #tpu.memory_space<hbm>>
      tpu.enqueue_dma source(%dma_start3A_50 : memref<40x128xi32, #tpu.memory_space<hbm>>) target(%arg6 : memref<40x128xi32, #tpu.memory_space<vmem>>) target_semaphore(%run_scoped3A_47 : memref<!tpu.dma_semaphore, #tpu.memory_space<semaphore_mem>>)
      %dma_wait3A = arith.constant 0 : i32
      %dma_wait3A_51 = tpu.memref_slice %arg3[%mul3A_2, %dma_wait3A] : memref<1280x128xi32, #tpu.memory_space<hbm>> -> memref<40x128xi32, #tpu.memory_space<hbm>>
      %dma_wait3A_52 = arith.constant 0 : i32
      %dma_wait3A_53 = tpu.memref_slice %arg3[%mul3A_2, %dma_wait3A_52] : memref<1280x128xi32, #tpu.memory_space<hbm>> -> memref<40x128xi32, #tpu.memory_space<hbm>>
      tpu.wait_dma2 semaphore(%run_scoped3A_47 : memref<!tpu.dma_semaphore, #tpu.memory_space<semaphore_mem>>) src(%dma_wait3A_53 : memref<40x128xi32, #tpu.memory_space<hbm>>) dst(%arg6 : memref<40x128xi32, #tpu.memory_space<vmem>>)
      tpu.yield
    }) : () -> ()
    %mul3A_3 = arith.constant 40 : i32
    %mul3A_4 = arith.muli %add3A, %mul3A_3 : i32
    "tpu.region"() ({
      %run_scoped3A_47 = tpu.sem_alloc : memref<!tpu.dma_semaphore, #tpu.memory_space<semaphore_mem>>
      %dma_start3A = arith.constant 0 : i32
      %dma_start3A_48 = tpu.memref_slice %arg4[%mul3A_4, %dma_start3A] : memref<1280x128xi32, #tpu.memory_space<hbm>> -> memref<40x128xi32, #tpu.memory_space<hbm>>
      %dma_start3A_49 = arith.constant 0 : i32
      %dma_start3A_50 = tpu.memref_slice %arg4[%mul3A_4, %dma_start3A_49] : memref<1280x128xi32, #tpu.memory_space<hbm>> -> memref<40x128xi32, #tpu.memory_space<hbm>>
      tpu.enqueue_dma source(%dma_start3A_50 : memref<40x128xi32, #tpu.memory_space<hbm>>) target(%arg7 : memref<40x128xi32, #tpu.memory_space<vmem>>) target_semaphore(%run_scoped3A_47 : memref<!tpu.dma_semaphore, #tpu.memory_space<semaphore_mem>>)
      %dma_wait3A = arith.constant 0 : i32
      %dma_wait3A_51 = tpu.memref_slice %arg4[%mul3A_4, %dma_wait3A] : memref<1280x128xi32, #tpu.memory_space<hbm>> -> memref<40x128xi32, #tpu.memory_space<hbm>>
      %dma_wait3A_52 = arith.constant 0 : i32
      %dma_wait3A_53 = tpu.memref_slice %arg4[%mul3A_4, %dma_wait3A_52] : memref<1280x128xi32, #tpu.memory_space<hbm>> -> memref<40x128xi32, #tpu.memory_space<hbm>>
      tpu.wait_dma2 semaphore(%run_scoped3A_47 : memref<!tpu.dma_semaphore, #tpu.memory_space<semaphore_mem>>) src(%dma_wait3A_53 : memref<40x128xi32, #tpu.memory_space<hbm>>) dst(%arg7 : memref<40x128xi32, #tpu.memory_space<vmem>>)
      tpu.yield
    }) : () -> ()
    %broadcast_in_dim3A = arith.constant 0.000000e+00 : f32
    %broadcast_in_dim3A_5 = vector.broadcast %broadcast_in_dim3A : f32 to vector<16xf32>
    %scan3A = arith.constant 0 : i32
    %scan3A_6 = arith.constant 0 : i32
    %scan3A_7 = arith.constant 128 : i32
    %scan3A_8 = arith.addi %scan3A_6, %scan3A_7 : i32
    %scan3A_9 = arith.constant 1 : i32
    %scan3A_10 = scf.for %scan3A_47 = %scan3A_6 to %scan3A_8 step %scan3A_9 iter_args(%scan3A_48 = %scan3A) -> (i32)  : i32 {
      %scan3A_49 = arith.constant 0 : i32
      %scan3A_50 = arith.constant 0 : i32
      %scan3A_51 = arith.constant 8 : i32
      %scan3A_52 = arith.addi %scan3A_50, %scan3A_51 : i32
      %scan3A_53 = arith.constant 1 : i32
      %scan3A_54 = scf.for %scan3A_57 = %scan3A_50 to %scan3A_52 step %scan3A_53 iter_args(%scan3A_58 = %scan3A_49) -> (i32)  : i32 {
        %mul3A_59 = arith.constant 16 : i32
        %mul3A_60 = arith.muli %scan3A_57, %mul3A_59 : i32
        %swap3A = arith.constant 0 : i32
        %swap3A_61 = arith.index_cast %swap3A : i32 to index
        %swap3A_62 = arith.index_cast %scan3A_47 : i32 to index
        %swap3A_63 = arith.index_cast %mul3A_60 : i32 to index
        %swap3A_64 = tpu.vector_load %arg8[%swap3A_61, %swap3A_62, %swap3A_63] {strides = array<i32>} : memref<2x128x128xf32, #tpu.memory_space<vmem>>, vector<1x1x16xf32>,
        %swap3A_65 = vector.shape_cast %swap3A_64 : vector<1x1x16xf32> to vector<16xf32>
        %swap3A_66 = vector.shape_cast %broadcast_in_dim3A_5 : vector<16xf32> to vector<1x1x16xf32>
        tpu.vector_store %arg8[%swap3A_61, %swap3A_62, %swap3A_63], %swap3A_66 {strides = array<i32>} : memref<2x128x128xf32, #tpu.memory_space<vmem>>, vector<1x1x16xf32>,
        %scan3A_67 = arith.constant 0 : i32
        scf.yield %scan3A_67 : i32
      }
      %scan3A_55 = arith.constant 8 : i32
      %scan3A_56 = arith.constant 0 : i32
      scf.yield %scan3A_56 : i32
    }
    %scan3A_11 = arith.constant 128 : i32
    %mul3A_12 = arith.constant 640 : i32
    %mul3A_13 = arith.muli %arg1, %mul3A_12 : i32
    %mul3A_14 = arith.constant 640 : i32
    %mul3A_15 = arith.muli %arg1, %mul3A_14 : i32
    %add3A_16 = arith.constant 0 : i32
    %add3A_17 = arith.addi %mul3A_15, %add3A_16 : i32
    %run_scoped3A = arith.constant 0 : i32
    "tpu.region"() ({
      %run_scoped3A_47 = tpu.sem_alloc : memref<!tpu.dma_semaphore, #tpu.memory_space<semaphore_mem>>
      %dma_start3A = arith.constant 0 : i32
      %dma_start3A_48 = arith.constant 0 : i32
      %dma_start3A_49 = tpu.memref_slice %arg8[%run_scoped3A, %dma_start3A, %dma_start3A_48] : memref<2x128x128xf32, #tpu.memory_space<vmem>> -> memref<1x128x128xf32, #tpu.memory_space<vmem>>
      %dma_start3A_50 = tpu.memref_squeeze %dma_start3A_49 : memref<1x128x128xf32, #tpu.memory_space<vmem>> -> memref<128x128xf32, #tpu.memory_space<vmem>>
      %dma_start3A_51 = arith.constant 0 : i32
      %dma_start3A_52 = tpu.memref_slice %arg9[%add3A_17, %dma_start3A_51] : memref<10240x128xf32, #tpu.memory_space<vmem_shared>> -> memref<128x128xf32, #tpu.memory_space<vmem_shared>>
      %dma_start3A_53 = arith.constant 0 : i32
      %dma_start3A_54 = tpu.memref_slice %arg9[%add3A_17, %dma_start3A_53] : memref<10240x128xf32, #tpu.memory_space<vmem_shared>> -> memref<128x128xf32, #tpu.memory_space<vmem_shared>>
      %dma_start3A_55 = arith.constant 0 : i32
      %dma_start3A_56 = arith.constant 0 : i32
      %dma_start3A_57 = tpu.memref_slice %arg8[%run_scoped3A, %dma_start3A_55, %dma_start3A_56] : memref<2x128x128xf32, #tpu.memory_space<vmem>> -> memref<1x128x128xf32, #tpu.memory_space<vmem>>
      %dma_start3A_58 = tpu.memref_squeeze %dma_start3A_57 : memref<1x128x128xf32, #tpu.memory_space<vmem>> -> memref<128x128xf32, #tpu.memory_space<vmem>>
      tpu.enqueue_dma source(%dma_start3A_58 : memref<128x128xf32, #tpu.memory_space<vmem>>) target(%dma_start3A_54 : memref<128x128xf32, #tpu.memory_space<vmem_shared>>) target_semaphore(%run_scoped3A_47 : memref<!tpu.dma_semaphore, #tpu.memory_space<semaphore_mem>>)
      %dma_wait3A = arith.constant 0 : i32
      %dma_wait3A_59 = arith.constant 0 : i32
      %dma_wait3A_60 = tpu.memref_slice %arg8[%run_scoped3A, %dma_wait3A, %dma_wait3A_59] : memref<2x128x128xf32, #tpu.memory_space<vmem>> -> memref<1x128x128xf32, #tpu.memory_space<vmem>>
      %dma_wait3A_61 = tpu.memref_squeeze %dma_wait3A_60 : memref<1x128x128xf32, #tpu.memory_space<vmem>> -> memref<128x128xf32, #tpu.memory_space<vmem>>
      %dma_wait3A_62 = arith.constant 0 : i32
      %dma_wait3A_63 = tpu.memref_slice %arg9[%add3A_17, %dma_wait3A_62] : memref<10240x128xf32, #tpu.memory_space<vmem_shared>> -> memref<128x128xf32, #tpu.memory_space<vmem_shared>>
      %dma_wait3A_64 = arith.constant 0 : i32
      %dma_wait3A_65 = tpu.memref_slice %arg9[%add3A_17, %dma_wait3A_64] : memref<10240x128xf32, #tpu.memory_space<vmem_shared>> -> memref<128x128xf32, #tpu.memory_space<vmem_shared>>
      %dma_wait3A_66 = arith.constant 0 : i32
      %dma_wait3A_67 = arith.constant 0 : i32
      %dma_wait3A_68 = tpu.memref_slice %arg8[%run_scoped3A, %dma_wait3A_66, %dma_wait3A_67] : memref<2x128x128xf32, #tpu.memory_space<vmem>> -> memref<1x128x128xf32, #tpu.memory_space<vmem>>
      %dma_wait3A_69 = tpu.memref_squeeze %dma_wait3A_68 : memref<1x128x128xf32, #tpu.memory_space<vmem>> -> memref<128x128xf32, #tpu.memory_space<vmem>>
      tpu.wait_dma2 semaphore(%run_scoped3A_47 : memref<!tpu.dma_semaphore, #tpu.memory_space<semaphore_mem>>) src(%dma_wait3A_69 : memref<128x128xf32, #tpu.memory_space<vmem>>) dst(%dma_wait3A_65 : memref<128x128xf32, #tpu.memory_space<vmem_shared>>)
      tpu.yield
    }) : () -> ()
    %mul3A_18 = arith.constant 640 : i32
    %mul3A_19 = arith.muli %arg1, %mul3A_18 : i32
    %add3A_20 = arith.constant 128 : i32
    %add3A_21 = arith.addi %mul3A_19, %add3A_20 : i32
    %run_scoped3A_22 = arith.constant 0 : i32
    "tpu.region"() ({
      %run_scoped3A_47 = tpu.sem_alloc : memref<!tpu.dma_semaphore, #tpu.memory_space<semaphore_mem>>
      %dma_start3A = arith.constant 0 : i32
      %dma_start3A_48 = arith.constant 0 : i32
      %dma_start3A_49 = tpu.memref_slice %arg8[%run_scoped3A_22, %dma_start3A, %dma_start3A_48] : memref<2x128x128xf32, #tpu.memory_space<vmem>> -> memref<1x128x128xf32, #tpu.memory_space<vmem>>
      %dma_start3A_50 = tpu.memref_squeeze %dma_start3A_49 : memref<1x128x128xf32, #tpu.memory_space<vmem>> -> memref<128x128xf32, #tpu.memory_space<vmem>>
      %dma_start3A_51 = arith.constant 0 : i32
      %dma_start3A_52 = tpu.memref_slice %arg9[%add3A_21, %dma_start3A_51] : memref<10240x128xf32, #tpu.memory_space<vmem_shared>> -> memref<128x128xf32, #tpu.memory_space<vmem_shared>>
      %dma_start3A_53 = arith.constant 0 : i32
      %dma_start3A_54 = tpu.memref_slice %arg9[%add3A_21, %dma_start3A_53] : memref<10240x128xf32, #tpu.memory_space<vmem_shared>> -> memref<128x128xf32, #tpu.memory_space<vmem_shared>>
      %dma_start3A_55 = arith.constant 0 : i32
      %dma_start3A_56 = arith.constant 0 : i32
      %dma_start3A_57 = tpu.memref_slice %arg8[%run_scoped3A_22, %dma_start3A_55, %dma_start3A_56] : memref<2x128x128xf32, #tpu.memory_space<vmem>> -> memref<1x128x128xf32, #tpu.memory_space<vmem>>
      %dma_start3A_58 = tpu.memref_squeeze %dma_start3A_57 : memref<1x128x128xf32, #tpu.memory_space<vmem>> -> memref<128x128xf32, #tpu.memory_space<vmem>>
      tpu.enqueue_dma source(%dma_start3A_58 : memref<128x128xf32, #tpu.memory_space<vmem>>) target(%dma_start3A_54 : memref<128x128xf32, #tpu.memory_space<vmem_shared>>) target_semaphore(%run_scoped3A_47 : memref<!tpu.dma_semaphore, #tpu.memory_space<semaphore_mem>>)
      %dma_wait3A = arith.constant 0 : i32
      %dma_wait3A_59 = arith.constant 0 : i32
      %dma_wait3A_60 = tpu.memref_slice %arg8[%run_scoped3A_22, %dma_wait3A, %dma_wait3A_59] : memref<2x128x128xf32, #tpu.memory_space<vmem>> -> memref<1x128x128xf32, #tpu.memory_space<vmem>>
      %dma_wait3A_61 = tpu.memref_squeeze %dma_wait3A_60 : memref<1x128x128xf32, #tpu.memory_space<vmem>> -> memref<128x128xf32, #tpu.memory_space<vmem>>
      %dma_wait3A_62 = arith.constant 0 : i32
      %dma_wait3A_63 = tpu.memref_slice %arg9[%add3A_21, %dma_wait3A_62] : memref<10240x128xf32, #tpu.memory_space<vmem_shared>> -> memref<128x128xf32, #tpu.memory_space<vmem_shared>>
      %dma_wait3A_64 = arith.constant 0 : i32
      %dma_wait3A_65 = tpu.memref_slice %arg9[%add3A_21, %dma_wait3A_64] : memref<10240x128xf32, #tpu.memory_space<vmem_shared>> -> memref<128x128xf32, #tpu.memory_space<vmem_shared>>
      %dma_wait3A_66 = arith.constant 0 : i32
      %dma_wait3A_67 = arith.constant 0 : i32
      %dma_wait3A_68 = tpu.memref_slice %arg8[%run_scoped3A_22, %dma_wait3A_66, %dma_wait3A_67] : memref<2x128x128xf32, #tpu.memory_space<vmem>> -> memref<1x128x128xf32, #tpu.memory_space<vmem>>
      %dma_wait3A_69 = tpu.memref_squeeze %dma_wait3A_68 : memref<1x128x128xf32, #tpu.memory_space<vmem>> -> memref<128x128xf32, #tpu.memory_space<vmem>>
      tpu.wait_dma2 semaphore(%run_scoped3A_47 : memref<!tpu.dma_semaphore, #tpu.memory_space<semaphore_mem>>) src(%dma_wait3A_69 : memref<128x128xf32, #tpu.memory_space<vmem>>) dst(%dma_wait3A_65 : memref<128x128xf32, #tpu.memory_space<vmem_shared>>)
      tpu.yield
    }) : () -> ()
    %mul3A_23 = arith.constant 640 : i32
    %mul3A_24 = arith.muli %arg1, %mul3A_23 : i32
    %add3A_25 = arith.constant 256 : i32
    %add3A_26 = arith.addi %mul3A_24, %add3A_25 : i32
    %run_scoped3A_27 = arith.constant 0 : i32
    "tpu.region"() ({
      %run_scoped3A_47 = tpu.sem_alloc : memref<!tpu.dma_semaphore, #tpu.memory_space<semaphore_mem>>
      %dma_start3A = arith.constant 0 : i32
      %dma_start3A_48 = arith.constant 0 : i32
      %dma_start3A_49 = tpu.memref_slice %arg8[%run_scoped3A_27, %dma_start3A, %dma_start3A_48] : memref<2x128x128xf32, #tpu.memory_space<vmem>> -> memref<1x128x128xf32, #tpu.memory_space<vmem>>
      %dma_start3A_50 = tpu.memref_squeeze %dma_start3A_49 : memref<1x128x128xf32, #tpu.memory_space<vmem>> -> memref<128x128xf32, #tpu.memory_space<vmem>>
      %dma_start3A_51 = arith.constant 0 : i32
      %dma_start3A_52 = tpu.memref_slice %arg9[%add3A_26, %dma_start3A_51] : memref<10240x128xf32, #tpu.memory_space<vmem_shared>> -> memref<128x128xf32, #tpu.memory_space<vmem_shared>>
      %dma_start3A_53 = arith.constant 0 : i32
      %dma_start3A_54 = tpu.memref_slice %arg9[%add3A_26, %dma_start3A_53] : memref<10240x128xf32, #tpu.memory_space<vmem_shared>> -> memref<128x128xf32, #tpu.memory_space<vmem_shared>>
      %dma_start3A_55 = arith.constant 0 : i32
      %dma_start3A_56 = arith.constant 0 : i32
      %dma_start3A_57 = tpu.memref_slice %arg8[%run_scoped3A_27, %dma_start3A_55, %dma_start3A_56] : memref<2x128x128xf32, #tpu.memory_space<vmem>> -> memref<1x128x128xf32, #tpu.memory_space<vmem>>
      %dma_start3A_58 = tpu.memref_squeeze %dma_start3A_57 : memref<1x128x128xf32, #tpu.memory_space<vmem>> -> memref<128x128xf32, #tpu.memory_space<vmem>>
      tpu.enqueue_dma source(%dma_start3A_58 : memref<128x128xf32, #tpu.memory_space<vmem>>) target(%dma_start3A_54 : memref<128x128xf32, #tpu.memory_space<vmem_shared>>) target_semaphore(%run_scoped3A_47 : memref<!tpu.dma_semaphore, #tpu.memory_space<semaphore_mem>>)
      %dma_wait3A = arith.constant 0 : i32
      %dma_wait3A_59 = arith.constant 0 : i32
      %dma_wait3A_60 = tpu.memref_slice %arg8[%run_scoped3A_27, %dma_wait3A, %dma_wait3A_59] : memref<2x128x128xf32, #tpu.memory_space<vmem>> -> memref<1x128x128xf32, #tpu.memory_space<vmem>>
      %dma_wait3A_61 = tpu.memref_squeeze %dma_wait3A_60 : memref<1x128x128xf32, #tpu.memory_space<vmem>> -> memref<128x128xf32, #tpu.memory_space<vmem>>
      %dma_wait3A_62 = arith.constant 0 : i32
      %dma_wait3A_63 = tpu.memref_slice %arg9[%add3A_26, %dma_wait3A_62] : memref<10240x128xf32, #tpu.memory_space<vmem_shared>> -> memref<128x128xf32, #tpu.memory_space<vmem_shared>>
      %dma_wait3A_64 = arith.constant 0 : i32
      %dma_wait3A_65 = tpu.memref_slice %arg9[%add3A_26, %dma_wait3A_64] : memref<10240x128xf32, #tpu.memory_space<vmem_shared>> -> memref<128x128xf32, #tpu.memory_space<vmem_shared>>
      %dma_wait3A_66 = arith.constant 0 : i32
      %dma_wait3A_67 = arith.constant 0 : i32
      %dma_wait3A_68 = tpu.memref_slice %arg8[%run_scoped3A_27, %dma_wait3A_66, %dma_wait3A_67] : memref<2x128x128xf32, #tpu.memory_space<vmem>> -> memref<1x128x128xf32, #tpu.memory_space<vmem>>
      %dma_wait3A_69 = tpu.memref_squeeze %dma_wait3A_68 : memref<1x128x128xf32, #tpu.memory_space<vmem>> -> memref<128x128xf32, #tpu.memory_space<vmem>>
      tpu.wait_dma2 semaphore(%run_scoped3A_47 : memref<!tpu.dma_semaphore, #tpu.memory_space<semaphore_mem>>) src(%dma_wait3A_69 : memref<128x128xf32, #tpu.memory_space<vmem>>) dst(%dma_wait3A_65 : memref<128x128xf32, #tpu.memory_space<vmem_shared>>)
      tpu.yield
    }) : () -> ()
    %mul3A_28 = arith.constant 640 : i32
    %mul3A_29 = arith.muli %arg1, %mul3A_28 : i32
    %add3A_30 = arith.constant 384 : i32
    %add3A_31 = arith.addi %mul3A_29, %add3A_30 : i32
    %run_scoped3A_32 = arith.constant 0 : i32
    "tpu.region"() ({
      %run_scoped3A_47 = tpu.sem_alloc : memref<!tpu.dma_semaphore, #tpu.memory_space<semaphore_mem>>
      %dma_start3A = arith.constant 0 : i32
      %dma_start3A_48 = arith.constant 0 : i32
      %dma_start3A_49 = tpu.memref_slice %arg8[%run_scoped3A_32, %dma_start3A, %dma_start3A_48] : memref<2x128x128xf32, #tpu.memory_space<vmem>> -> memref<1x128x128xf32, #tpu.memory_space<vmem>>
      %dma_start3A_50 = tpu.memref_squeeze %dma_start3A_49 : memref<1x128x128xf32, #tpu.memory_space<vmem>> -> memref<128x128xf32, #tpu.memory_space<vmem>>
      %dma_start3A_51 = arith.constant 0 : i32
      %dma_start3A_52 = tpu.memref_slice %arg9[%add3A_31, %dma_start3A_51] : memref<10240x128xf32, #tpu.memory_space<vmem_shared>> -> memref<128x128xf32, #tpu.memory_space<vmem_shared>>
      %dma_start3A_53 = arith.constant 0 : i32
      %dma_start3A_54 = tpu.memref_slice %arg9[%add3A_31, %dma_start3A_53] : memref<10240x128xf32, #tpu.memory_space<vmem_shared>> -> memref<128x128xf32, #tpu.memory_space<vmem_shared>>
      %dma_start3A_55 = arith.constant 0 : i32
      %dma_start3A_56 = arith.constant 0 : i32
      %dma_start3A_57 = tpu.memref_slice %arg8[%run_scoped3A_32, %dma_start3A_55, %dma_start3A_56] : memref<2x128x128xf32, #tpu.memory_space<vmem>> -> memref<1x128x128xf32, #tpu.memory_space<vmem>>
      %dma_start3A_58 = tpu.memref_squeeze %dma_start3A_57 : memref<1x128x128xf32, #tpu.memory_space<vmem>> -> memref<128x128xf32, #tpu.memory_space<vmem>>
      tpu.enqueue_dma source(%dma_start3A_58 : memref<128x128xf32, #tpu.memory_space<vmem>>) target(%dma_start3A_54 : memref<128x128xf32, #tpu.memory_space<vmem_shared>>) target_semaphore(%run_scoped3A_47 : memref<!tpu.dma_semaphore, #tpu.memory_space<semaphore_mem>>)
      %dma_wait3A = arith.constant 0 : i32
      %dma_wait3A_59 = arith.constant 0 : i32
      %dma_wait3A_60 = tpu.memref_slice %arg8[%run_scoped3A_32, %dma_wait3A, %dma_wait3A_59] : memref<2x128x128xf32, #tpu.memory_space<vmem>> -> memref<1x128x128xf32, #tpu.memory_space<vmem>>
      %dma_wait3A_61 = tpu.memref_squeeze %dma_wait3A_60 : memref<1x128x128xf32, #tpu.memory_space<vmem>> -> memref<128x128xf32, #tpu.memory_space<vmem>>
      %dma_wait3A_62 = arith.constant 0 : i32
      %dma_wait3A_63 = tpu.memref_slice %arg9[%add3A_31, %dma_wait3A_62] : memref<10240x128xf32, #tpu.memory_space<vmem_shared>> -> memref<128x128xf32, #tpu.memory_space<vmem_shared>>
      %dma_wait3A_64 = arith.constant 0 : i32
      %dma_wait3A_65 = tpu.memref_slice %arg9[%add3A_31, %dma_wait3A_64] : memref<10240x128xf32, #tpu.memory_space<vmem_shared>> -> memref<128x128xf32, #tpu.memory_space<vmem_shared>>
      %dma_wait3A_66 = arith.constant 0 : i32
      %dma_wait3A_67 = arith.constant 0 : i32
      %dma_wait3A_68 = tpu.memref_slice %arg8[%run_scoped3A_32, %dma_wait3A_66, %dma_wait3A_67] : memref<2x128x128xf32, #tpu.memory_space<vmem>> -> memref<1x128x128xf32, #tpu.memory_space<vmem>>
      %dma_wait3A_69 = tpu.memref_squeeze %dma_wait3A_68 : memref<1x128x128xf32, #tpu.memory_space<vmem>> -> memref<128x128xf32, #tpu.memory_space<vmem>>
      tpu.wait_dma2 semaphore(%run_scoped3A_47 : memref<!tpu.dma_semaphore, #tpu.memory_space<semaphore_mem>>) src(%dma_wait3A_69 : memref<128x128xf32, #tpu.memory_space<vmem>>) dst(%dma_wait3A_65 : memref<128x128xf32, #tpu.memory_space<vmem_shared>>)
      tpu.yield
    }) : () -> ()
    %mul3A_33 = arith.constant 640 : i32
    %mul3A_34 = arith.muli %arg1, %mul3A_33 : i32
    %add3A_35 = arith.constant 512 : i32
    %add3A_36 = arith.addi %mul3A_34, %add3A_35 : i32
    %run_scoped3A_37 = arith.constant 0 : i32
    "tpu.region"() ({
      %run_scoped3A_47 = tpu.sem_alloc : memref<!tpu.dma_semaphore, #tpu.memory_space<semaphore_mem>>
      %dma_start3A = arith.constant 0 : i32
      %dma_start3A_48 = arith.constant 0 : i32
      %dma_start3A_49 = tpu.memref_slice %arg8[%run_scoped3A_37, %dma_start3A, %dma_start3A_48] : memref<2x128x128xf32, #tpu.memory_space<vmem>> -> memref<1x128x128xf32, #tpu.memory_space<vmem>>
      %dma_start3A_50 = tpu.memref_squeeze %dma_start3A_49 : memref<1x128x128xf32, #tpu.memory_space<vmem>> -> memref<128x128xf32, #tpu.memory_space<vmem>>
      %dma_start3A_51 = arith.constant 0 : i32
      %dma_start3A_52 = tpu.memref_slice %arg9[%add3A_36, %dma_start3A_51] : memref<10240x128xf32, #tpu.memory_space<vmem_shared>> -> memref<128x128xf32, #tpu.memory_space<vmem_shared>>
      %dma_start3A_53 = arith.constant 0 : i32
      %dma_start3A_54 = tpu.memref_slice %arg9[%add3A_36, %dma_start3A_53] : memref<10240x128xf32, #tpu.memory_space<vmem_shared>> -> memref<128x128xf32, #tpu.memory_space<vmem_shared>>
      %dma_start3A_55 = arith.constant 0 : i32
      %dma_start3A_56 = arith.constant 0 : i32
      %dma_start3A_57 = tpu.memref_slice %arg8[%run_scoped3A_37, %dma_start3A_55, %dma_start3A_56] : memref<2x128x128xf32, #tpu.memory_space<vmem>> -> memref<1x128x128xf32, #tpu.memory_space<vmem>>
      %dma_start3A_58 = tpu.memref_squeeze %dma_start3A_57 : memref<1x128x128xf32, #tpu.memory_space<vmem>> -> memref<128x128xf32, #tpu.memory_space<vmem>>
      tpu.enqueue_dma source(%dma_start3A_58 : memref<128x128xf32, #tpu.memory_space<vmem>>) target(%dma_start3A_54 : memref<128x128xf32, #tpu.memory_space<vmem_shared>>) target_semaphore(%run_scoped3A_47 : memref<!tpu.dma_semaphore, #tpu.memory_space<semaphore_mem>>)
      %dma_wait3A = arith.constant 0 : i32
      %dma_wait3A_59 = arith.constant 0 : i32
      %dma_wait3A_60 = tpu.memref_slice %arg8[%run_scoped3A_37, %dma_wait3A, %dma_wait3A_59] : memref<2x128x128xf32, #tpu.memory_space<vmem>> -> memref<1x128x128xf32, #tpu.memory_space<vmem>>
      %dma_wait3A_61 = tpu.memref_squeeze %dma_wait3A_60 : memref<1x128x128xf32, #tpu.memory_space<vmem>> -> memref<128x128xf32, #tpu.memory_space<vmem>>
      %dma_wait3A_62 = arith.constant 0 : i32
      %dma_wait3A_63 = tpu.memref_slice %arg9[%add3A_36, %dma_wait3A_62] : memref<10240x128xf32, #tpu.memory_space<vmem_shared>> -> memref<128x128xf32, #tpu.memory_space<vmem_shared>>
      %dma_wait3A_64 = arith.constant 0 : i32
      %dma_wait3A_65 = tpu.memref_slice %arg9[%add3A_36, %dma_wait3A_64] : memref<10240x128xf32, #tpu.memory_space<vmem_shared>> -> memref<128x128xf32, #tpu.memory_space<vmem_shared>>
      %dma_wait3A_66 = arith.constant 0 : i32
      %dma_wait3A_67 = arith.constant 0 : i32
      %dma_wait3A_68 = tpu.memref_slice %arg8[%run_scoped3A_37, %dma_wait3A_66, %dma_wait3A_67] : memref<2x128x128xf32, #tpu.memory_space<vmem>> -> memref<1x128x128xf32, #tpu.memory_space<vmem>>
      %dma_wait3A_69 = tpu.memref_squeeze %dma_wait3A_68 : memref<1x128x128xf32, #tpu.memory_space<vmem>> -> memref<128x128xf32, #tpu.memory_space<vmem>>
      tpu.wait_dma2 semaphore(%run_scoped3A_47 : memref<!tpu.dma_semaphore, #tpu.memory_space<semaphore_mem>>) src(%dma_wait3A_69 : memref<128x128xf32, #tpu.memory_space<vmem>>) dst(%dma_wait3A_65 : memref<128x128xf32, #tpu.memory_space<vmem_shared>>)
      tpu.yield
    }) : () -> ()
    %barrier3A = arith.constant 0 : index
    tpu.barrier barrier_id(%barrier3A)
    %scan3A_38 = arith.constant 0 : i32
    %scan3A_39 = arith.constant 0 : i32
    %scan3A_40 = arith.constant 20 : i32
    %scan3A_41 = arith.addi %scan3A_39, %scan3A_40 : i32
    %scan3A_42 = arith.constant 1 : i32
    %scan3A_43 = scf.for %scan3A_47 = %scan3A_39 to %scan3A_41 step %scan3A_42 iter_args(%scan3A_48 = %scan3A_38) -> (i32)  : i32 {
      %mul3A_49 = arith.constant 2 : i32
      %mul3A_50 = arith.muli %scan3A_47, %mul3A_49 : i32
      %add3A_51 = arith.constant 0 : i32
      %add3A_52 = arith.addi %mul3A_50, %add3A_51 : i32
      %dma_start3A = arith.constant 0 : i32
      %dma_start3A_53 = arith.constant 0 : i32
      %dma_start3A_54 = arith.constant 0 : i32
      %dma_start3A_55 = arith.constant 0 : i32
      %dma_start3A_56 = arith.constant 0 : i32
      %dma_start3A_57 = tpu.memref_slice %arg8[%dma_start3A_53, %dma_start3A_55, %dma_start3A_56] : memref<2x128x128xf32, #tpu.memory_space<vmem>> -> memref<1x128x128xf32, #tpu.memory_space<vmem>>
      %dma_start3A_58 = tpu.memref_squeeze %dma_start3A_57 : memref<1x128x128xf32, #tpu.memory_space<vmem>> -> memref<128x128xf32, #tpu.memory_space<vmem>>
      %dma_start3A_59 = arith.constant 0 : i32
      %dma_start3A_60 = tpu.memref_slice %arg6[%add3A_52, %dma_start3A_59] : memref<40x128xi32, #tpu.memory_space<vmem>> -> memref<1x128xi32, #tpu.memory_space<vmem>>
      %dma_start3A_61 = tpu.memref_squeeze %dma_start3A_60 : memref<1x128xi32, #tpu.memory_space<vmem>> -> memref<128xi32, #tpu.memory_space<vmem>>
      %dma_start3A_62 = arith.constant 0 : i32
      %dma_start3A_63 = arith.constant 0 : i32
      %dma_start3A_64 = tpu.memref_slice %arg2[%dma_start3A, %dma_start3A_62, %dma_start3A_63] : memref<1x10000x128xf32, #tpu.memory_space<hbm>> -> memref<1x10000x128xf32, #tpu.memory_space<hbm>>
      %dma_start3A_65 = tpu.memref_squeeze %dma_start3A_64 : memref<1x10000x128xf32, #tpu.memory_space<hbm>> -> memref<10000x128xf32, #tpu.memory_space<hbm>>
      %dma_start3A_66 = arith.constant 0 : i32
      %dma_start3A_67 = arith.constant 0 : i32
      %dma_start3A_68 = tpu.memref_slice %dma_start3A_65[%dma_start3A_66, %dma_start3A_67] : memref<10000x128xf32, #tpu.memory_space<hbm>> -> memref<10000x128xf32, #tpu.memory_space<hbm>>
      %dma_start3A_69 = tpu.memref_slice %arg10[%dma_start3A_54] : memref<2x!tpu.dma_semaphore, #tpu.memory_space<semaphore_mem>> -> memref<1x!tpu.dma_semaphore, #tpu.memory_space<semaphore_mem>>
      %dma_start3A_70 = tpu.memref_squeeze %dma_start3A_69 : memref<1x!tpu.dma_semaphore, #tpu.memory_space<semaphore_mem>> -> memref<!tpu.dma_semaphore, #tpu.memory_space<semaphore_mem>>
      tpu.enqueue_indirect_dma source(%dma_start3A_68 : memref<10000x128xf32, #tpu.memory_space<hbm>>) target(%dma_start3A_58 : memref<128x128xf32, #tpu.memory_space<vmem>>) offsets(%dma_start3A_61 : memref<128xi32, #tpu.memory_space<vmem>>) semaphore(%dma_start3A_70 : memref<!tpu.dma_semaphore, #tpu.memory_space<semaphore_mem>>)
      %add3A_71 = arith.constant 1 : i32
      %add3A_72 = arith.addi %mul3A_50, %add3A_71 : i32
      %dma_start3A_73 = arith.constant 0 : i32
      %dma_start3A_74 = arith.constant 1 : i32
      %dma_start3A_75 = arith.constant 1 : i32
      %dma_start3A_76 = arith.constant 0 : i32
      %dma_start3A_77 = arith.constant 0 : i32
      %dma_start3A_78 = tpu.memref_slice %arg8[%dma_start3A_74, %dma_start3A_76, %dma_start3A_77] : memref<2x128x128xf32, #tpu.memory_space<vmem>> -> memref<1x128x128xf32, #tpu.memory_space<vmem>>
      %dma_start3A_79 = tpu.memref_squeeze %dma_start3A_78 : memref<1x128x128xf32, #tpu.memory_space<vmem>> -> memref<128x128xf32, #tpu.memory_space<vmem>>
      %dma_start3A_80 = arith.constant 0 : i32
      %dma_start3A_81 = tpu.memref_slice %arg6[%add3A_72, %dma_start3A_80] : memref<40x128xi32, #tpu.memory_space<vmem>> -> memref<1x128xi32, #tpu.memory_space<vmem>>
      %dma_start3A_82 = tpu.memref_squeeze %dma_start3A_81 : memref<1x128xi32, #tpu.memory_space<vmem>> -> memref<128xi32, #tpu.memory_space<vmem>>
      %dma_start3A_83 = arith.constant 0 : i32
      %dma_start3A_84 = arith.constant 0 : i32
      %dma_start3A_85 = tpu.memref_slice %arg2[%dma_start3A_73, %dma_start3A_83, %dma_start3A_84] : memref<1x10000x128xf32, #tpu.memory_space<hbm>> -> memref<1x10000x128xf32, #tpu.memory_space<hbm>>
      %dma_start3A_86 = tpu.memref_squeeze %dma_start3A_85 : memref<1x10000x128xf32, #tpu.memory_space<hbm>> -> memref<10000x128xf32, #tpu.memory_space<hbm>>
      %dma_start3A_87 = arith.constant 0 : i32
      %dma_start3A_88 = arith.constant 0 : i32
      %dma_start3A_89 = tpu.memref_slice %dma_start3A_86[%dma_start3A_87, %dma_start3A_88] : memref<10000x128xf32, #tpu.memory_space<hbm>> -> memref<10000x128xf32, #tpu.memory_space<hbm>>
      %dma_start3A_90 = tpu.memref_slice %arg10[%dma_start3A_75] : memref<2x!tpu.dma_semaphore, #tpu.memory_space<semaphore_mem>> -> memref<1x!tpu.dma_semaphore, #tpu.memory_space<semaphore_mem>>
      %dma_start3A_91 = tpu.memref_squeeze %dma_start3A_90 : memref<1x!tpu.dma_semaphore, #tpu.memory_space<semaphore_mem>> -> memref<!tpu.dma_semaphore, #tpu.memory_space<semaphore_mem>>
      tpu.enqueue_indirect_dma source(%dma_start3A_89 : memref<10000x128xf32, #tpu.memory_space<hbm>>) target(%dma_start3A_79 : memref<128x128xf32, #tpu.memory_space<vmem>>) offsets(%dma_start3A_82 : memref<128xi32, #tpu.memory_space<vmem>>) semaphore(%dma_start3A_91 : memref<!tpu.dma_semaphore, #tpu.memory_space<semaphore_mem>>)
      %dma_wait3A = arith.constant 0 : i32
      %dma_wait3A_92 = arith.constant 0 : i32
      %dma_wait3A_93 = arith.constant 0 : i32
      %dma_wait3A_94 = arith.constant 0 : i32
      %dma_wait3A_95 = arith.constant 0 : i32
      %dma_wait3A_96 = tpu.memref_slice %arg8[%dma_wait3A_92, %dma_wait3A_94, %dma_wait3A_95] : memref<2x128x128xf32, #tpu.memory_space<vmem>> -> memref<1x128x128xf32, #tpu.memory_space<vmem>>
      %dma_wait3A_97 = tpu.memref_squeeze %dma_wait3A_96 : memref<1x128x128xf32, #tpu.memory_space<vmem>> -> memref<128x128xf32, #tpu.memory_space<vmem>>
      %dma_wait3A_98 = arith.constant 0 : i32
      %dma_wait3A_99 = tpu.memref_slice %arg6[%add3A_52, %dma_wait3A_98] : memref<40x128xi32, #tpu.memory_space<vmem>> -> memref<1x128xi32, #tpu.memory_space<vmem>>
      %dma_wait3A_100 = tpu.memref_squeeze %dma_wait3A_99 : memref<1x128xi32, #tpu.memory_space<vmem>> -> memref<128xi32, #tpu.memory_space<vmem>>
      %dma_wait3A_101 = arith.constant 0 : i32
      %dma_wait3A_102 = arith.constant 0 : i32
      %dma_wait3A_103 = tpu.memref_slice %arg2[%dma_wait3A, %dma_wait3A_101, %dma_wait3A_102] : memref<1x10000x128xf32, #tpu.memory_space<hbm>> -> memref<1x10000x128xf32, #tpu.memory_space<hbm>>
      %dma_wait3A_104 = tpu.memref_squeeze %dma_wait3A_103 : memref<1x10000x128xf32, #tpu.memory_space<hbm>> -> memref<10000x128xf32, #tpu.memory_space<hbm>>
      %dma_wait3A_105 = arith.constant 0 : i32
      %dma_wait3A_106 = arith.constant 0 : i32
      %dma_wait3A_107 = tpu.memref_slice %dma_wait3A_104[%dma_wait3A_105, %dma_wait3A_106] : memref<10000x128xf32, #tpu.memory_space<hbm>> -> memref<10000x128xf32, #tpu.memory_space<hbm>>
      %dma_wait3A_108 = tpu.memref_slice %arg10[%dma_wait3A_93] : memref<2x!tpu.dma_semaphore, #tpu.memory_space<semaphore_mem>> -> memref<1x!tpu.dma_semaphore, #tpu.memory_space<semaphore_mem>>
      %dma_wait3A_109 = tpu.memref_squeeze %dma_wait3A_108 : memref<1x!tpu.dma_semaphore, #tpu.memory_space<semaphore_mem>> -> memref<!tpu.dma_semaphore, #tpu.memory_space<semaphore_mem>>
      tpu.wait_indirect_dma semaphore(%dma_wait3A_109 : memref<!tpu.dma_semaphore, #tpu.memory_space<semaphore_mem>>) src(%dma_wait3A_107 : memref<10000x128xf32, #tpu.memory_space<hbm>>) dst(%dma_wait3A_97 : memref<128x128xf32, #tpu.memory_space<vmem>>)
      %add3A_110 = arith.constant 0 : i32
      %add3A_111 = arith.addi %mul3A_50, %add3A_110 : i32
      %dma_start3A_112 = arith.constant 0 : i32
      %dma_start3A_113 = arith.constant 0 : i32
      %dma_start3A_114 = arith.constant 0 : i32
      %dma_start3A_115 = arith.constant 0 : i32
      %dma_start3A_116 = tpu.memref_slice %arg8[%dma_start3A_112, %dma_start3A_114, %dma_start3A_115] : memref<2x128x128xf32, #tpu.memory_space<vmem>> -> memref<1x128x128xf32, #tpu.memory_space<vmem>>
      %dma_start3A_117 = tpu.memref_squeeze %dma_start3A_116 : memref<1x128x128xf32, #tpu.memory_space<vmem>> -> memref<128x128xf32, #tpu.memory_space<vmem>>
      %dma_start3A_118 = arith.constant 0 : i32
      %dma_start3A_119 = tpu.memref_slice %arg7[%add3A_111, %dma_start3A_118] : memref<40x128xi32, #tpu.memory_space<vmem>> -> memref<1x128xi32, #tpu.memory_space<vmem>>
      %dma_start3A_120 = tpu.memref_squeeze %dma_start3A_119 : memref<1x128xi32, #tpu.memory_space<vmem>> -> memref<128xi32, #tpu.memory_space<vmem>>
      %dma_start3A_121 = arith.constant 0 : i32
      %dma_start3A_122 = arith.constant 0 : i32
      %dma_start3A_123 = tpu.memref_slice %arg9[%dma_start3A_121, %dma_start3A_122] : memref<10240x128xf32, #tpu.memory_space<vmem_shared>> -> memref<10240x128xf32, #tpu.memory_space<vmem_shared>>
      %dma_start3A_124 = tpu.memref_slice %arg11[%dma_start3A_113] : memref<2x!tpu.dma_semaphore, #tpu.memory_space<semaphore_mem>> -> memref<1x!tpu.dma_semaphore, #tpu.memory_space<semaphore_mem>>
      %dma_start3A_125 = tpu.memref_squeeze %dma_start3A_124 : memref<1x!tpu.dma_semaphore, #tpu.memory_space<semaphore_mem>> -> memref<!tpu.dma_semaphore, #tpu.memory_space<semaphore_mem>>
      tpu.enqueue_indirect_dma source(%dma_start3A_117 : memref<128x128xf32, #tpu.memory_space<vmem>>) target(%dma_start3A_123 : memref<10240x128xf32, #tpu.memory_space<vmem_shared>>) offsets(%dma_start3A_120 : memref<128xi32, #tpu.memory_space<vmem>>) semaphore(%dma_start3A_125 : memref<!tpu.dma_semaphore, #tpu.memory_space<semaphore_mem>>) {add = true}
      %dma_wait3A_126 = arith.constant 0 : i32
      %dma_wait3A_127 = arith.constant 1 : i32
      %dma_wait3A_128 = arith.constant 1 : i32
      %dma_wait3A_129 = arith.constant 0 : i32
      %dma_wait3A_130 = arith.constant 0 : i32
      %dma_wait3A_131 = tpu.memref_slice %arg8[%dma_wait3A_127, %dma_wait3A_129, %dma_wait3A_130] : memref<2x128x128xf32, #tpu.memory_space<vmem>> -> memref<1x128x128xf32, #tpu.memory_space<vmem>>
      %dma_wait3A_132 = tpu.memref_squeeze %dma_wait3A_131 : memref<1x128x128xf32, #tpu.memory_space<vmem>> -> memref<128x128xf32, #tpu.memory_space<vmem>>
      %dma_wait3A_133 = arith.constant 0 : i32
      %dma_wait3A_134 = tpu.memref_slice %arg6[%add3A_72, %dma_wait3A_133] : memref<40x128xi32, #tpu.memory_space<vmem>> -> memref<1x128xi32, #tpu.memory_space<vmem>>
      %dma_wait3A_135 = tpu.memref_squeeze %dma_wait3A_134 : memref<1x128xi32, #tpu.memory_space<vmem>> -> memref<128xi32, #tpu.memory_space<vmem>>
      %dma_wait3A_136 = arith.constant 0 : i32
      %dma_wait3A_137 = arith.constant 0 : i32
      %dma_wait3A_138 = tpu.memref_slice %arg2[%dma_wait3A_126, %dma_wait3A_136, %dma_wait3A_137] : memref<1x10000x128xf32, #tpu.memory_space<hbm>> -> memref<1x10000x128xf32, #tpu.memory_space<hbm>>
      %dma_wait3A_139 = tpu.memref_squeeze %dma_wait3A_138 : memref<1x10000x128xf32, #tpu.memory_space<hbm>> -> memref<10000x128xf32, #tpu.memory_space<hbm>>
      %dma_wait3A_140 = arith.constant 0 : i32
      %dma_wait3A_141 = arith.constant 0 : i32
      %dma_wait3A_142 = tpu.memref_slice %dma_wait3A_139[%dma_wait3A_140, %dma_wait3A_141] : memref<10000x128xf32, #tpu.memory_space<hbm>> -> memref<10000x128xf32, #tpu.memory_space<hbm>>
      %dma_wait3A_143 = tpu.memref_slice %arg10[%dma_wait3A_128] : memref<2x!tpu.dma_semaphore, #tpu.memory_space<semaphore_mem>> -> memref<1x!tpu.dma_semaphore, #tpu.memory_space<semaphore_mem>>
      %dma_wait3A_144 = tpu.memref_squeeze %dma_wait3A_143 : memref<1x!tpu.dma_semaphore, #tpu.memory_space<semaphore_mem>> -> memref<!tpu.dma_semaphore, #tpu.memory_space<semaphore_mem>>
      tpu.wait_indirect_dma semaphore(%dma_wait3A_144 : memref<!tpu.dma_semaphore, #tpu.memory_space<semaphore_mem>>) src(%dma_wait3A_142 : memref<10000x128xf32, #tpu.memory_space<hbm>>) dst(%dma_wait3A_132 : memref<128x128xf32, #tpu.memory_space<vmem>>)
      %add3A_145 = arith.constant 1 : i32
      %add3A_146 = arith.addi %mul3A_50, %add3A_145 : i32
      %dma_start3A_147 = arith.constant 1 : i32
      %dma_start3A_148 = arith.constant 1 : i32
      %dma_start3A_149 = arith.constant 0 : i32
      %dma_start3A_150 = arith.constant 0 : i32
      %dma_start3A_151 = tpu.memref_slice %arg8[%dma_start3A_147, %dma_start3A_149, %dma_start3A_150] : memref<2x128x128xf32, #tpu.memory_space<vmem>> -> memref<1x128x128xf32, #tpu.memory_space<vmem>>
      %dma_start3A_152 = tpu.memref_squeeze %dma_start3A_151 : memref<1x128x128xf32, #tpu.memory_space<vmem>> -> memref<128x128xf32, #tpu.memory_space<vmem>>
      %dma_start3A_153 = arith.constant 0 : i32
      %dma_start3A_154 = tpu.memref_slice %arg7[%add3A_146, %dma_start3A_153] : memref<40x128xi32, #tpu.memory_space<vmem>> -> memref<1x128xi32, #tpu.memory_space<vmem>>
      %dma_start3A_155 = tpu.memref_squeeze %dma_start3A_154 : memref<1x128xi32, #tpu.memory_space<vmem>> -> memref<128xi32, #tpu.memory_space<vmem>>
      %dma_start3A_156 = arith.constant 0 : i32
      %dma_start3A_157 = arith.constant 0 : i32
      %dma_start3A_158 = tpu.memref_slice %arg9[%dma_start3A_156, %dma_start3A_157] : memref<10240x128xf32, #tpu.memory_space<vmem_shared>> -> memref<10240x128xf32, #tpu.memory_space<vmem_shared>>
      %dma_start3A_159 = tpu.memref_slice %arg11[%dma_start3A_148] : memref<2x!tpu.dma_semaphore, #tpu.memory_space<semaphore_mem>> -> memref<1x!tpu.dma_semaphore, #tpu.memory_space<semaphore_mem>>
      %dma_start3A_160 = tpu.memref_squeeze %dma_start3A_159 : memref<1x!tpu.dma_semaphore, #tpu.memory_space<semaphore_mem>> -> memref<!tpu.dma_semaphore, #tpu.memory_space<semaphore_mem>>
      tpu.enqueue_indirect_dma source(%dma_start3A_152 : memref<128x128xf32, #tpu.memory_space<vmem>>) target(%dma_start3A_158 : memref<10240x128xf32, #tpu.memory_space<vmem_shared>>) offsets(%dma_start3A_155 : memref<128xi32, #tpu.memory_space<vmem>>) semaphore(%dma_start3A_160 : memref<!tpu.dma_semaphore, #tpu.memory_space<semaphore_mem>>) {add = true}
      %dma_wait3A_161 = arith.constant 0 : i32
      %dma_wait3A_162 = arith.constant 0 : i32
      %dma_wait3A_163 = arith.constant 0 : i32
      %dma_wait3A_164 = arith.constant 0 : i32
      %dma_wait3A_165 = tpu.memref_slice %arg8[%dma_wait3A_161, %dma_wait3A_163, %dma_wait3A_164] : memref<2x128x128xf32, #tpu.memory_space<vmem>> -> memref<1x128x128xf32, #tpu.memory_space<vmem>>
      %dma_wait3A_166 = tpu.memref_squeeze %dma_wait3A_165 : memref<1x128x128xf32, #tpu.memory_space<vmem>> -> memref<128x128xf32, #tpu.memory_space<vmem>>
      %dma_wait3A_167 = arith.constant 0 : i32
      %dma_wait3A_168 = tpu.memref_slice %arg7[%add3A_111, %dma_wait3A_167] : memref<40x128xi32, #tpu.memory_space<vmem>> -> memref<1x128xi32, #tpu.memory_space<vmem>>
      %dma_wait3A_169 = tpu.memref_squeeze %dma_wait3A_168 : memref<1x128xi32, #tpu.memory_space<vmem>> -> memref<128xi32, #tpu.memory_space<vmem>>
      %dma_wait3A_170 = arith.constant 0 : i32
      %dma_wait3A_171 = arith.constant 0 : i32
      %dma_wait3A_172 = tpu.memref_slice %arg9[%dma_wait3A_170, %dma_wait3A_171] : memref<10240x128xf32, #tpu.memory_space<vmem_shared>> -> memref<10240x128xf32, #tpu.memory_space<vmem_shared>>
      %dma_wait3A_173 = tpu.memref_slice %arg11[%dma_wait3A_162] : memref<2x!tpu.dma_semaphore, #tpu.memory_space<semaphore_mem>> -> memref<1x!tpu.dma_semaphore, #tpu.memory_space<semaphore_mem>>
      %dma_wait3A_174 = tpu.memref_squeeze %dma_wait3A_173 : memref<1x!tpu.dma_semaphore, #tpu.memory_space<semaphore_mem>> -> memref<!tpu.dma_semaphore, #tpu.memory_space<semaphore_mem>>
      tpu.wait_indirect_dma semaphore(%dma_wait3A_174 : memref<!tpu.dma_semaphore, #tpu.memory_space<semaphore_mem>>) src(%dma_wait3A_166 : memref<128x128xf32, #tpu.memory_space<vmem>>) dst(%dma_wait3A_172 : memref<10240x128xf32, #tpu.memory_space<vmem_shared>>)
      %dma_wait3A_175 = arith.constant 1 : i32
      %dma_wait3A_176 = arith.constant 1 : i32
      %dma_wait3A_177 = arith.constant 0 : i32
      %dma_wait3A_178 = arith.constant 0 : i32
      %dma_wait3A_179 = tpu.memref_slice %arg8[%dma_wait3A_175, %dma_wait3A_177, %dma_wait3A_178] : memref<2x128x128xf32, #tpu.memory_space<vmem>> -> memref<1x128x128xf32, #tpu.memory_space<vmem>>
      %dma_wait3A_180 = tpu.memref_squeeze %dma_wait3A_179 : memref<1x128x128xf32, #tpu.memory_space<vmem>> -> memref<128x128xf32, #tpu.memory_space<vmem>>
      %dma_wait3A_181 = arith.constant 0 : i32
      %dma_wait3A_182 = tpu.memref_slice %arg7[%add3A_146, %dma_wait3A_181] : memref<40x128xi32, #tpu.memory_space<vmem>> -> memref<1x128xi32, #tpu.memory_space<vmem>>
      %dma_wait3A_183 = tpu.memref_squeeze %dma_wait3A_182 : memref<1x128xi32, #tpu.memory_space<vmem>> -> memref<128xi32, #tpu.memory_space<vmem>>
      %dma_wait3A_184 = arith.constant 0 : i32
      %dma_wait3A_185 = arith.constant 0 : i32
      %dma_wait3A_186 = tpu.memref_slice %arg9[%dma_wait3A_184, %dma_wait3A_185] : memref<10240x128xf32, #tpu.memory_space<vmem_shared>> -> memref<10240x128xf32, #tpu.memory_space<vmem_shared>>
      %dma_wait3A_187 = tpu.memref_slice %arg11[%dma_wait3A_176] : memref<2x!tpu.dma_semaphore, #tpu.memory_space<semaphore_mem>> -> memref<1x!tpu.dma_semaphore, #tpu.memory_space<semaphore_mem>>
      %dma_wait3A_188 = tpu.memref_squeeze %dma_wait3A_187 : memref<1x!tpu.dma_semaphore, #tpu.memory_space<semaphore_mem>> -> memref<!tpu.dma_semaphore, #tpu.memory_space<semaphore_mem>>
      tpu.wait_indirect_dma semaphore(%dma_wait3A_188 : memref<!tpu.dma_semaphore, #tpu.memory_space<semaphore_mem>>) src(%dma_wait3A_180 : memref<128x128xf32, #tpu.memory_space<vmem>>) dst(%dma_wait3A_186 : memref<10240x128xf32, #tpu.memory_space<vmem_shared>>)
      %scan3A_189 = arith.constant 0 : i32
      scf.yield %scan3A_189 : i32
    }
    %scan3A_44 = arith.constant 20 : i32
    %barrier3A_45 = arith.constant 0 : index
    tpu.barrier barrier_id(%barrier3A_45)
    %run_scoped3A_46 = arith.constant 0 : i32
    "tpu.region"() ({
      %run_scoped3A_47 = tpu.sem_alloc : memref<!tpu.dma_semaphore, #tpu.memory_space<semaphore_mem>>
      %dma_start3A = arith.constant 0 : i32
      %dma_start3A_48 = tpu.memref_slice %arg5[%run_scoped3A_46, %arg0, %mul3A_13, %dma_start3A] : memref<1x2x10240x128xf32, #tpu.memory_space<hbm>> -> memref<1x1x640x128xf32, #tpu.memory_space<hbm>>
      %dma_start3A_49 = tpu.memref_squeeze %dma_start3A_48 : memref<1x1x640x128xf32, #tpu.memory_space<hbm>> -> memref<640x128xf32, #tpu.memory_space<hbm>>
      %dma_start3A_50 = arith.constant 0 : i32
      %dma_start3A_51 = tpu.memref_slice %arg9[%mul3A_13, %dma_start3A_50] : memref<10240x128xf32, #tpu.memory_space<vmem_shared>> -> memref<640x128xf32, #tpu.memory_space<vmem_shared>>
      tpu.enqueue_dma source(%dma_start3A_51 : memref<640x128xf32, #tpu.memory_space<vmem_shared>>) target(%dma_start3A_49 : memref<640x128xf32, #tpu.memory_space<hbm>>) target_semaphore(%run_scoped3A_47 : memref<!tpu.dma_semaphore, #tpu.memory_space<semaphore_mem>>)
      %dma_wait3A = arith.constant 0 : i32
      %dma_wait3A_52 = tpu.memref_slice %arg5[%run_scoped3A_46, %arg0, %mul3A_13, %dma_wait3A] : memref<1x2x10240x128xf32, #tpu.memory_space<hbm>> -> memref<1x1x640x128xf32, #tpu.memory_space<hbm>>
      %dma_wait3A_53 = tpu.memref_squeeze %dma_wait3A_52 : memref<1x1x640x128xf32, #tpu.memory_space<hbm>> -> memref<640x128xf32, #tpu.memory_space<hbm>>
      %dma_wait3A_54 = arith.constant 0 : i32
      %dma_wait3A_55 = tpu.memref_slice %arg9[%mul3A_13, %dma_wait3A_54] : memref<10240x128xf32, #tpu.memory_space<vmem_shared>> -> memref<640x128xf32, #tpu.memory_space<vmem_shared>>
      tpu.wait_dma2 semaphore(%run_scoped3A_47 : memref<!tpu.dma_semaphore, #tpu.memory_space<semaphore_mem>>) src(%dma_wait3A_55 : memref<640x128xf32, #tpu.memory_space<vmem_shared>>) dst(%dma_wait3A_53 : memref<640x128xf32, #tpu.memory_space<hbm>>)
      tpu.yield
    }) : () -> ()
    return
  }
}

#map = affine_map<(d0, d1) -> (0, 0, 0)>
#map1 = affine_map<(d0, d1) -> (0, 0)>
#map2 = affine_map<(d0, d1) -> (0, 0, 0, 0)>
module attributes {stable_mosaic.version = 14 : i64} {
  func.func @_sc_agg(%arg0: i32, %arg1: i32, %arg2: memref<1x10000x128xf32, #tpu.memory_space<hbm>>, %arg3: memref<1280x128xi32, #tpu.memory_space<hbm>>, %arg4: memref<1280x128xi32, #tpu.memory_space<hbm>>, %arg5: memref<1x2x10240x128xf32, #tpu.memory_space<hbm>>, %arg6: memref<40x128xi32, #tpu.memory_space<vmem>>, %arg7: memref<40x128xi32, #tpu.memory_space<vmem>>, %arg8: memref<2x128x128xf32, #tpu.memory_space<vmem>>, %arg9: memref<10240x128xf32, #tpu.memory_space<vmem_shared>>, %arg10: memref<2x!tpu.dma_semaphore, #tpu.memory_space<semaphore_mem>>, %arg11: memref<2x!tpu.dma_semaphore, #tpu.memory_space<semaphore_mem>>) attributes {dimension_semantics = [#tpu.dimension_semantics<core_parallel>, #tpu.dimension_semantics<subcore_parallel>], iteration_bounds = array<i64: 2, 16>, scalar_prefetch = 0 : i64, scratch_operands = 6 : i64, tpu.core_type = #tpu.core_type<sc_vector_subcore>, window_params = [{transform_indices = #map}, {transform_indices = #map1}, {transform_indices = #map1}, {transform_indices = #map2}]} {
    %mul3A = arith.constant 16 : i32
    %mul3A_0 = arith.muli %arg0, %mul3A : i32
    %add3A = arith.addi %mul3A_0, %arg1 : i32
    %mul3A_1 = arith.constant 40 : i32
    %mul3A_2 = arith.muli %add3A, %mul3A_1 : i32
    "tpu.region"() ({
      %run_scoped3A_47 = tpu.sem_alloc : memref<!tpu.dma_semaphore, #tpu.memory_space<semaphore_mem>>
      %dma_start3A = arith.constant 0 : i32
      %dma_start3A_48 = tpu.memref_slice %arg3[%mul3A_2, %dma_start3A] : memref<1280x128xi32, #tpu.memory_space<hbm>> -> memref<40x128xi32, #tpu.memory_space<hbm>>
      %dma_start3A_49 = arith.constant 0 : i32
      %dma_start3A_50 = tpu.memref_slice %arg3[%mul3A_2, %dma_start3A_49] : memref<1280x128xi32, #tpu.memory_space<hbm>> -> memref<40x128xi32, #tpu.memory_space<hbm>>
      tpu.enqueue_dma source(%dma_start3A_50 : memref<40x128xi32, #tpu.memory_space<hbm>>) target(%arg6 : memref<40x128xi32, #tpu.memory_space<vmem>>) target_semaphore(%run_scoped3A_47 : memref<!tpu.dma_semaphore, #tpu.memory_space<semaphore_mem>>)
      %dma_wait3A = arith.constant 0 : i32
      %dma_wait3A_51 = tpu.memref_slice %arg3[%mul3A_2, %dma_wait3A] : memref<1280x128xi32, #tpu.memory_space<hbm>> -> memref<40x128xi32, #tpu.memory_space<hbm>>
      %dma_wait3A_52 = arith.constant 0 : i32
      %dma_wait3A_53 = tpu.memref_slice %arg3[%mul3A_2, %dma_wait3A_52] : memref<1280x128xi32, #tpu.memory_space<hbm>> -> memref<40x128xi32, #tpu.memory_space<hbm>>
      tpu.wait_dma2 semaphore(%run_scoped3A_47 : memref<!tpu.dma_semaphore, #tpu.memory_space<semaphore_mem>>) src(%dma_wait3A_53 : memref<40x128xi32, #tpu.memory_space<hbm>>) dst(%arg6 : memref<40x128xi32, #tpu.memory_space<vmem>>)
      tpu.yield
    }) : () -> ()
    %mul3A_3 = arith.constant 40 : i32
    %mul3A_4 = arith.muli %add3A, %mul3A_3 : i32
    "tpu.region"() ({
      %run_scoped3A_47 = tpu.sem_alloc : memref<!tpu.dma_semaphore, #tpu.memory_space<semaphore_mem>>
      %dma_start3A = arith.constant 0 : i32
      %dma_start3A_48 = tpu.memref_slice %arg4[%mul3A_4, %dma_start3A] : memref<1280x128xi32, #tpu.memory_space<hbm>> -> memref<40x128xi32, #tpu.memory_space<hbm>>
      %dma_start3A_49 = arith.constant 0 : i32
      %dma_start3A_50 = tpu.memref_slice %arg4[%mul3A_4, %dma_start3A_49] : memref<1280x128xi32, #tpu.memory_space<hbm>> -> memref<40x128xi32, #tpu.memory_space<hbm>>
      tpu.enqueue_dma source(%dma_start3A_50 : memref<40x128xi32, #tpu.memory_space<hbm>>) target(%arg7 : memref<40x128xi32, #tpu.memory_space<vmem>>) target_semaphore(%run_scoped3A_47 : memref<!tpu.dma_semaphore, #tpu.memory_space<semaphore_mem>>)
      %dma_wait3A = arith.constant 0 : i32
      %dma_wait3A_51 = tpu.memref_slice %arg4[%mul3A_4, %dma_wait3A] : memref<1280x128xi32, #tpu.memory_space<hbm>> -> memref<40x128xi32, #tpu.memory_space<hbm>>
      %dma_wait3A_52 = arith.constant 0 : i32
      %dma_wait3A_53 = tpu.memref_slice %arg4[%mul3A_4, %dma_wait3A_52] : memref<1280x128xi32, #tpu.memory_space<hbm>> -> memref<40x128xi32, #tpu.memory_space<hbm>>
      tpu.wait_dma2 semaphore(%run_scoped3A_47 : memref<!tpu.dma_semaphore, #tpu.memory_space<semaphore_mem>>) src(%dma_wait3A_53 : memref<40x128xi32, #tpu.memory_space<hbm>>) dst(%arg7 : memref<40x128xi32, #tpu.memory_space<vmem>>)
      tpu.yield
    }) : () -> ()
    %broadcast_in_dim3A = arith.constant 0.000000e+00 : f32
    %broadcast_in_dim3A_5 = vector.broadcast %broadcast_in_dim3A : f32 to vector<16xf32>
    %scan3A = arith.constant 0 : i32
    %scan3A_6 = arith.constant 0 : i32
    %scan3A_7 = arith.constant 128 : i32
    %scan3A_8 = arith.addi %scan3A_6, %scan3A_7 : i32
    %scan3A_9 = arith.constant 1 : i32
    %scan3A_10 = scf.for %scan3A_47 = %scan3A_6 to %scan3A_8 step %scan3A_9 iter_args(%scan3A_48 = %scan3A) -> (i32)  : i32 {
      %scan3A_49 = arith.constant 0 : i32
      %scan3A_50 = arith.constant 0 : i32
      %scan3A_51 = arith.constant 8 : i32
      %scan3A_52 = arith.addi %scan3A_50, %scan3A_51 : i32
      %scan3A_53 = arith.constant 1 : i32
      %scan3A_54 = scf.for %scan3A_57 = %scan3A_50 to %scan3A_52 step %scan3A_53 iter_args(%scan3A_58 = %scan3A_49) -> (i32)  : i32 {
        %mul3A_59 = arith.constant 16 : i32
        %mul3A_60 = arith.muli %scan3A_57, %mul3A_59 : i32
        %swap3A = arith.constant 0 : i32
        %swap3A_61 = arith.index_cast %swap3A : i32 to index
        %swap3A_62 = arith.index_cast %scan3A_47 : i32 to index
        %swap3A_63 = arith.index_cast %mul3A_60 : i32 to index
        %swap3A_64 = tpu.vector_load %arg8[%swap3A_61, %swap3A_62, %swap3A_63] {strides = array<i32>} : memref<2x128x128xf32, #tpu.memory_space<vmem>>, vector<1x1x16xf32>,
        %swap3A_65 = vector.shape_cast %swap3A_64 : vector<1x1x16xf32> to vector<16xf32>
        %swap3A_66 = vector.shape_cast %broadcast_in_dim3A_5 : vector<16xf32> to vector<1x1x16xf32>
        tpu.vector_store %arg8[%swap3A_61, %swap3A_62, %swap3A_63], %swap3A_66 {strides = array<i32>} : memref<2x128x128xf32, #tpu.memory_space<vmem>>, vector<1x1x16xf32>,
        %scan3A_67 = arith.constant 0 : i32
        scf.yield %scan3A_67 : i32
      }
      %scan3A_55 = arith.constant 8 : i32
      %scan3A_56 = arith.constant 0 : i32
      scf.yield %scan3A_56 : i32
    }
    %scan3A_11 = arith.constant 128 : i32
    %mul3A_12 = arith.constant 640 : i32
    %mul3A_13 = arith.muli %arg1, %mul3A_12 : i32
    %mul3A_14 = arith.constant 640 : i32
    %mul3A_15 = arith.muli %arg1, %mul3A_14 : i32
    %add3A_16 = arith.constant 0 : i32
    %add3A_17 = arith.addi %mul3A_15, %add3A_16 : i32
    %run_scoped3A = arith.constant 0 : i32
    "tpu.region"() ({
      %run_scoped3A_47 = tpu.sem_alloc : memref<!tpu.dma_semaphore, #tpu.memory_space<semaphore_mem>>
      %dma_start3A = arith.constant 0 : i32
      %dma_start3A_48 = arith.constant 0 : i32
      %dma_start3A_49 = tpu.memref_slice %arg8[%run_scoped3A, %dma_start3A, %dma_start3A_48] : memref<2x128x128xf32, #tpu.memory_space<vmem>> -> memref<1x128x128xf32, #tpu.memory_space<vmem>>
      %dma_start3A_50 = tpu.memref_squeeze %dma_start3A_49 : memref<1x128x128xf32, #tpu.memory_space<vmem>> -> memref<128x128xf32, #tpu.memory_space<vmem>>
      %dma_start3A_51 = arith.constant 0 : i32
      %dma_start3A_52 = tpu.memref_slice %arg9[%add3A_17, %dma_start3A_51] : memref<10240x128xf32, #tpu.memory_space<vmem_shared>> -> memref<128x128xf32, #tpu.memory_space<vmem_shared>>
      %dma_start3A_53 = arith.constant 0 : i32
      %dma_start3A_54 = tpu.memref_slice %arg9[%add3A_17, %dma_start3A_53] : memref<10240x128xf32, #tpu.memory_space<vmem_shared>> -> memref<128x128xf32, #tpu.memory_space<vmem_shared>>
      %dma_start3A_55 = arith.constant 0 : i32
      %dma_start3A_56 = arith.constant 0 : i32
      %dma_start3A_57 = tpu.memref_slice %arg8[%run_scoped3A, %dma_start3A_55, %dma_start3A_56] : memref<2x128x128xf32, #tpu.memory_space<vmem>> -> memref<1x128x128xf32, #tpu.memory_space<vmem>>
      %dma_start3A_58 = tpu.memref_squeeze %dma_start3A_57 : memref<1x128x128xf32, #tpu.memory_space<vmem>> -> memref<128x128xf32, #tpu.memory_space<vmem>>
      tpu.enqueue_dma source(%dma_start3A_58 : memref<128x128xf32, #tpu.memory_space<vmem>>) target(%dma_start3A_54 : memref<128x128xf32, #tpu.memory_space<vmem_shared>>) target_semaphore(%run_scoped3A_47 : memref<!tpu.dma_semaphore, #tpu.memory_space<semaphore_mem>>)
      %dma_wait3A = arith.constant 0 : i32
      %dma_wait3A_59 = arith.constant 0 : i32
      %dma_wait3A_60 = tpu.memref_slice %arg8[%run_scoped3A, %dma_wait3A, %dma_wait3A_59] : memref<2x128x128xf32, #tpu.memory_space<vmem>> -> memref<1x128x128xf32, #tpu.memory_space<vmem>>
      %dma_wait3A_61 = tpu.memref_squeeze %dma_wait3A_60 : memref<1x128x128xf32, #tpu.memory_space<vmem>> -> memref<128x128xf32, #tpu.memory_space<vmem>>
      %dma_wait3A_62 = arith.constant 0 : i32
      %dma_wait3A_63 = tpu.memref_slice %arg9[%add3A_17, %dma_wait3A_62] : memref<10240x128xf32, #tpu.memory_space<vmem_shared>> -> memref<128x128xf32, #tpu.memory_space<vmem_shared>>
      %dma_wait3A_64 = arith.constant 0 : i32
      %dma_wait3A_65 = tpu.memref_slice %arg9[%add3A_17, %dma_wait3A_64] : memref<10240x128xf32, #tpu.memory_space<vmem_shared>> -> memref<128x128xf32, #tpu.memory_space<vmem_shared>>
      %dma_wait3A_66 = arith.constant 0 : i32
      %dma_wait3A_67 = arith.constant 0 : i32
      %dma_wait3A_68 = tpu.memref_slice %arg8[%run_scoped3A, %dma_wait3A_66, %dma_wait3A_67] : memref<2x128x128xf32, #tpu.memory_space<vmem>> -> memref<1x128x128xf32, #tpu.memory_space<vmem>>
      %dma_wait3A_69 = tpu.memref_squeeze %dma_wait3A_68 : memref<1x128x128xf32, #tpu.memory_space<vmem>> -> memref<128x128xf32, #tpu.memory_space<vmem>>
      tpu.wait_dma2 semaphore(%run_scoped3A_47 : memref<!tpu.dma_semaphore, #tpu.memory_space<semaphore_mem>>) src(%dma_wait3A_69 : memref<128x128xf32, #tpu.memory_space<vmem>>) dst(%dma_wait3A_65 : memref<128x128xf32, #tpu.memory_space<vmem_shared>>)
      tpu.yield
    }) : () -> ()
    %mul3A_18 = arith.constant 640 : i32
    %mul3A_19 = arith.muli %arg1, %mul3A_18 : i32
    %add3A_20 = arith.constant 128 : i32
    %add3A_21 = arith.addi %mul3A_19, %add3A_20 : i32
    %run_scoped3A_22 = arith.constant 0 : i32
    "tpu.region"() ({
      %run_scoped3A_47 = tpu.sem_alloc : memref<!tpu.dma_semaphore, #tpu.memory_space<semaphore_mem>>
      %dma_start3A = arith.constant 0 : i32
      %dma_start3A_48 = arith.constant 0 : i32
      %dma_start3A_49 = tpu.memref_slice %arg8[%run_scoped3A_22, %dma_start3A, %dma_start3A_48] : memref<2x128x128xf32, #tpu.memory_space<vmem>> -> memref<1x128x128xf32, #tpu.memory_space<vmem>>
      %dma_start3A_50 = tpu.memref_squeeze %dma_start3A_49 : memref<1x128x128xf32, #tpu.memory_space<vmem>> -> memref<128x128xf32, #tpu.memory_space<vmem>>
      %dma_start3A_51 = arith.constant 0 : i32
      %dma_start3A_52 = tpu.memref_slice %arg9[%add3A_21, %dma_start3A_51] : memref<10240x128xf32, #tpu.memory_space<vmem_shared>> -> memref<128x128xf32, #tpu.memory_space<vmem_shared>>
      %dma_start3A_53 = arith.constant 0 : i32
      %dma_start3A_54 = tpu.memref_slice %arg9[%add3A_21, %dma_start3A_53] : memref<10240x128xf32, #tpu.memory_space<vmem_shared>> -> memref<128x128xf32, #tpu.memory_space<vmem_shared>>
      %dma_start3A_55 = arith.constant 0 : i32
      %dma_start3A_56 = arith.constant 0 : i32
      %dma_start3A_57 = tpu.memref_slice %arg8[%run_scoped3A_22, %dma_start3A_55, %dma_start3A_56] : memref<2x128x128xf32, #tpu.memory_space<vmem>> -> memref<1x128x128xf32, #tpu.memory_space<vmem>>
      %dma_start3A_58 = tpu.memref_squeeze %dma_start3A_57 : memref<1x128x128xf32, #tpu.memory_space<vmem>> -> memref<128x128xf32, #tpu.memory_space<vmem>>
      tpu.enqueue_dma source(%dma_start3A_58 : memref<128x128xf32, #tpu.memory_space<vmem>>) target(%dma_start3A_54 : memref<128x128xf32, #tpu.memory_space<vmem_shared>>) target_semaphore(%run_scoped3A_47 : memref<!tpu.dma_semaphore, #tpu.memory_space<semaphore_mem>>)
      %dma_wait3A = arith.constant 0 : i32
      %dma_wait3A_59 = arith.constant 0 : i32
      %dma_wait3A_60 = tpu.memref_slice %arg8[%run_scoped3A_22, %dma_wait3A, %dma_wait3A_59] : memref<2x128x128xf32, #tpu.memory_space<vmem>> -> memref<1x128x128xf32, #tpu.memory_space<vmem>>
      %dma_wait3A_61 = tpu.memref_squeeze %dma_wait3A_60 : memref<1x128x128xf32, #tpu.memory_space<vmem>> -> memref<128x128xf32, #tpu.memory_space<vmem>>
      %dma_wait3A_62 = arith.constant 0 : i32
      %dma_wait3A_63 = tpu.memref_slice %arg9[%add3A_21, %dma_wait3A_62] : memref<10240x128xf32, #tpu.memory_space<vmem_shared>> -> memref<128x128xf32, #tpu.memory_space<vmem_shared>>
      %dma_wait3A_64 = arith.constant 0 : i32
      %dma_wait3A_65 = tpu.memref_slice %arg9[%add3A_21, %dma_wait3A_64] : memref<10240x128xf32, #tpu.memory_space<vmem_shared>> -> memref<128x128xf32, #tpu.memory_space<vmem_shared>>
      %dma_wait3A_66 = arith.constant 0 : i32
      %dma_wait3A_67 = arith.constant 0 : i32
      %dma_wait3A_68 = tpu.memref_slice %arg8[%run_scoped3A_22, %dma_wait3A_66, %dma_wait3A_67] : memref<2x128x128xf32, #tpu.memory_space<vmem>> -> memref<1x128x128xf32, #tpu.memory_space<vmem>>
      %dma_wait3A_69 = tpu.memref_squeeze %dma_wait3A_68 : memref<1x128x128xf32, #tpu.memory_space<vmem>> -> memref<128x128xf32, #tpu.memory_space<vmem>>
      tpu.wait_dma2 semaphore(%run_scoped3A_47 : memref<!tpu.dma_semaphore, #tpu.memory_space<semaphore_mem>>) src(%dma_wait3A_69 : memref<128x128xf32, #tpu.memory_space<vmem>>) dst(%dma_wait3A_65 : memref<128x128xf32, #tpu.memory_space<vmem_shared>>)
      tpu.yield
    }) : () -> ()
    %mul3A_23 = arith.constant 640 : i32
    %mul3A_24 = arith.muli %arg1, %mul3A_23 : i32
    %add3A_25 = arith.constant 256 : i32
    %add3A_26 = arith.addi %mul3A_24, %add3A_25 : i32
    %run_scoped3A_27 = arith.constant 0 : i32
    "tpu.region"() ({
      %run_scoped3A_47 = tpu.sem_alloc : memref<!tpu.dma_semaphore, #tpu.memory_space<semaphore_mem>>
      %dma_start3A = arith.constant 0 : i32
      %dma_start3A_48 = arith.constant 0 : i32
      %dma_start3A_49 = tpu.memref_slice %arg8[%run_scoped3A_27, %dma_start3A, %dma_start3A_48] : memref<2x128x128xf32, #tpu.memory_space<vmem>> -> memref<1x128x128xf32, #tpu.memory_space<vmem>>
      %dma_start3A_50 = tpu.memref_squeeze %dma_start3A_49 : memref<1x128x128xf32, #tpu.memory_space<vmem>> -> memref<128x128xf32, #tpu.memory_space<vmem>>
      %dma_start3A_51 = arith.constant 0 : i32
      %dma_start3A_52 = tpu.memref_slice %arg9[%add3A_26, %dma_start3A_51] : memref<10240x128xf32, #tpu.memory_space<vmem_shared>> -> memref<128x128xf32, #tpu.memory_space<vmem_shared>>
      %dma_start3A_53 = arith.constant 0 : i32
      %dma_start3A_54 = tpu.memref_slice %arg9[%add3A_26, %dma_start3A_53] : memref<10240x128xf32, #tpu.memory_space<vmem_shared>> -> memref<128x128xf32, #tpu.memory_space<vmem_shared>>
      %dma_start3A_55 = arith.constant 0 : i32
      %dma_start3A_56 = arith.constant 0 : i32
      %dma_start3A_57 = tpu.memref_slice %arg8[%run_scoped3A_27, %dma_start3A_55, %dma_start3A_56] : memref<2x128x128xf32, #tpu.memory_space<vmem>> -> memref<1x128x128xf32, #tpu.memory_space<vmem>>
      %dma_start3A_58 = tpu.memref_squeeze %dma_start3A_57 : memref<1x128x128xf32, #tpu.memory_space<vmem>> -> memref<128x128xf32, #tpu.memory_space<vmem>>
      tpu.enqueue_dma source(%dma_start3A_58 : memref<128x128xf32, #tpu.memory_space<vmem>>) target(%dma_start3A_54 : memref<128x128xf32, #tpu.memory_space<vmem_shared>>) target_semaphore(%run_scoped3A_47 : memref<!tpu.dma_semaphore, #tpu.memory_space<semaphore_mem>>)
      %dma_wait3A = arith.constant 0 : i32
      %dma_wait3A_59 = arith.constant 0 : i32
      %dma_wait3A_60 = tpu.memref_slice %arg8[%run_scoped3A_27, %dma_wait3A, %dma_wait3A_59] : memref<2x128x128xf32, #tpu.memory_space<vmem>> -> memref<1x128x128xf32, #tpu.memory_space<vmem>>
      %dma_wait3A_61 = tpu.memref_squeeze %dma_wait3A_60 : memref<1x128x128xf32, #tpu.memory_space<vmem>> -> memref<128x128xf32, #tpu.memory_space<vmem>>
      %dma_wait3A_62 = arith.constant 0 : i32
      %dma_wait3A_63 = tpu.memref_slice %arg9[%add3A_26, %dma_wait3A_62] : memref<10240x128xf32, #tpu.memory_space<vmem_shared>> -> memref<128x128xf32, #tpu.memory_space<vmem_shared>>
      %dma_wait3A_64 = arith.constant 0 : i32
      %dma_wait3A_65 = tpu.memref_slice %arg9[%add3A_26, %dma_wait3A_64] : memref<10240x128xf32, #tpu.memory_space<vmem_shared>> -> memref<128x128xf32, #tpu.memory_space<vmem_shared>>
      %dma_wait3A_66 = arith.constant 0 : i32
      %dma_wait3A_67 = arith.constant 0 : i32
      %dma_wait3A_68 = tpu.memref_slice %arg8[%run_scoped3A_27, %dma_wait3A_66, %dma_wait3A_67] : memref<2x128x128xf32, #tpu.memory_space<vmem>> -> memref<1x128x128xf32, #tpu.memory_space<vmem>>
      %dma_wait3A_69 = tpu.memref_squeeze %dma_wait3A_68 : memref<1x128x128xf32, #tpu.memory_space<vmem>> -> memref<128x128xf32, #tpu.memory_space<vmem>>
      tpu.wait_dma2 semaphore(%run_scoped3A_47 : memref<!tpu.dma_semaphore, #tpu.memory_space<semaphore_mem>>) src(%dma_wait3A_69 : memref<128x128xf32, #tpu.memory_space<vmem>>) dst(%dma_wait3A_65 : memref<128x128xf32, #tpu.memory_space<vmem_shared>>)
      tpu.yield
    }) : () -> ()
    %mul3A_28 = arith.constant 640 : i32
    %mul3A_29 = arith.muli %arg1, %mul3A_28 : i32
    %add3A_30 = arith.constant 384 : i32
    %add3A_31 = arith.addi %mul3A_29, %add3A_30 : i32
    %run_scoped3A_32 = arith.constant 0 : i32
    "tpu.region"() ({
      %run_scoped3A_47 = tpu.sem_alloc : memref<!tpu.dma_semaphore, #tpu.memory_space<semaphore_mem>>
      %dma_start3A = arith.constant 0 : i32
      %dma_start3A_48 = arith.constant 0 : i32
      %dma_start3A_49 = tpu.memref_slice %arg8[%run_scoped3A_32, %dma_start3A, %dma_start3A_48] : memref<2x128x128xf32, #tpu.memory_space<vmem>> -> memref<1x128x128xf32, #tpu.memory_space<vmem>>
      %dma_start3A_50 = tpu.memref_squeeze %dma_start3A_49 : memref<1x128x128xf32, #tpu.memory_space<vmem>> -> memref<128x128xf32, #tpu.memory_space<vmem>>
      %dma_start3A_51 = arith.constant 0 : i32
      %dma_start3A_52 = tpu.memref_slice %arg9[%add3A_31, %dma_start3A_51] : memref<10240x128xf32, #tpu.memory_space<vmem_shared>> -> memref<128x128xf32, #tpu.memory_space<vmem_shared>>
      %dma_start3A_53 = arith.constant 0 : i32
      %dma_start3A_54 = tpu.memref_slice %arg9[%add3A_31, %dma_start3A_53] : memref<10240x128xf32, #tpu.memory_space<vmem_shared>> -> memref<128x128xf32, #tpu.memory_space<vmem_shared>>
      %dma_start3A_55 = arith.constant 0 : i32
      %dma_start3A_56 = arith.constant 0 : i32
      %dma_start3A_57 = tpu.memref_slice %arg8[%run_scoped3A_32, %dma_start3A_55, %dma_start3A_56] : memref<2x128x128xf32, #tpu.memory_space<vmem>> -> memref<1x128x128xf32, #tpu.memory_space<vmem>>
      %dma_start3A_58 = tpu.memref_squeeze %dma_start3A_57 : memref<1x128x128xf32, #tpu.memory_space<vmem>> -> memref<128x128xf32, #tpu.memory_space<vmem>>
      tpu.enqueue_dma source(%dma_start3A_58 : memref<128x128xf32, #tpu.memory_space<vmem>>) target(%dma_start3A_54 : memref<128x128xf32, #tpu.memory_space<vmem_shared>>) target_semaphore(%run_scoped3A_47 : memref<!tpu.dma_semaphore, #tpu.memory_space<semaphore_mem>>)
      %dma_wait3A = arith.constant 0 : i32
      %dma_wait3A_59 = arith.constant 0 : i32
      %dma_wait3A_60 = tpu.memref_slice %arg8[%run_scoped3A_32, %dma_wait3A, %dma_wait3A_59] : memref<2x128x128xf32, #tpu.memory_space<vmem>> -> memref<1x128x128xf32, #tpu.memory_space<vmem>>
      %dma_wait3A_61 = tpu.memref_squeeze %dma_wait3A_60 : memref<1x128x128xf32, #tpu.memory_space<vmem>> -> memref<128x128xf32, #tpu.memory_space<vmem>>
      %dma_wait3A_62 = arith.constant 0 : i32
      %dma_wait3A_63 = tpu.memref_slice %arg9[%add3A_31, %dma_wait3A_62] : memref<10240x128xf32, #tpu.memory_space<vmem_shared>> -> memref<128x128xf32, #tpu.memory_space<vmem_shared>>
      %dma_wait3A_64 = arith.constant 0 : i32
      %dma_wait3A_65 = tpu.memref_slice %arg9[%add3A_31, %dma_wait3A_64] : memref<10240x128xf32, #tpu.memory_space<vmem_shared>> -> memref<128x128xf32, #tpu.memory_space<vmem_shared>>
      %dma_wait3A_66 = arith.constant 0 : i32
      %dma_wait3A_67 = arith.constant 0 : i32
      %dma_wait3A_68 = tpu.memref_slice %arg8[%run_scoped3A_32, %dma_wait3A_66, %dma_wait3A_67] : memref<2x128x128xf32, #tpu.memory_space<vmem>> -> memref<1x128x128xf32, #tpu.memory_space<vmem>>
      %dma_wait3A_69 = tpu.memref_squeeze %dma_wait3A_68 : memref<1x128x128xf32, #tpu.memory_space<vmem>> -> memref<128x128xf32, #tpu.memory_space<vmem>>
      tpu.wait_dma2 semaphore(%run_scoped3A_47 : memref<!tpu.dma_semaphore, #tpu.memory_space<semaphore_mem>>) src(%dma_wait3A_69 : memref<128x128xf32, #tpu.memory_space<vmem>>) dst(%dma_wait3A_65 : memref<128x128xf32, #tpu.memory_space<vmem_shared>>)
      tpu.yield
    }) : () -> ()
    %mul3A_33 = arith.constant 640 : i32
    %mul3A_34 = arith.muli %arg1, %mul3A_33 : i32
    %add3A_35 = arith.constant 512 : i32
    %add3A_36 = arith.addi %mul3A_34, %add3A_35 : i32
    %run_scoped3A_37 = arith.constant 0 : i32
    "tpu.region"() ({
      %run_scoped3A_47 = tpu.sem_alloc : memref<!tpu.dma_semaphore, #tpu.memory_space<semaphore_mem>>
      %dma_start3A = arith.constant 0 : i32
      %dma_start3A_48 = arith.constant 0 : i32
      %dma_start3A_49 = tpu.memref_slice %arg8[%run_scoped3A_37, %dma_start3A, %dma_start3A_48] : memref<2x128x128xf32, #tpu.memory_space<vmem>> -> memref<1x128x128xf32, #tpu.memory_space<vmem>>
      %dma_start3A_50 = tpu.memref_squeeze %dma_start3A_49 : memref<1x128x128xf32, #tpu.memory_space<vmem>> -> memref<128x128xf32, #tpu.memory_space<vmem>>
      %dma_start3A_51 = arith.constant 0 : i32
      %dma_start3A_52 = tpu.memref_slice %arg9[%add3A_36, %dma_start3A_51] : memref<10240x128xf32, #tpu.memory_space<vmem_shared>> -> memref<128x128xf32, #tpu.memory_space<vmem_shared>>
      %dma_start3A_53 = arith.constant 0 : i32
      %dma_start3A_54 = tpu.memref_slice %arg9[%add3A_36, %dma_start3A_53] : memref<10240x128xf32, #tpu.memory_space<vmem_shared>> -> memref<128x128xf32, #tpu.memory_space<vmem_shared>>
      %dma_start3A_55 = arith.constant 0 : i32
      %dma_start3A_56 = arith.constant 0 : i32
      %dma_start3A_57 = tpu.memref_slice %arg8[%run_scoped3A_37, %dma_start3A_55, %dma_start3A_56] : memref<2x128x128xf32, #tpu.memory_space<vmem>> -> memref<1x128x128xf32, #tpu.memory_space<vmem>>
      %dma_start3A_58 = tpu.memref_squeeze %dma_start3A_57 : memref<1x128x128xf32, #tpu.memory_space<vmem>> -> memref<128x128xf32, #tpu.memory_space<vmem>>
      tpu.enqueue_dma source(%dma_start3A_58 : memref<128x128xf32, #tpu.memory_space<vmem>>) target(%dma_start3A_54 : memref<128x128xf32, #tpu.memory_space<vmem_shared>>) target_semaphore(%run_scoped3A_47 : memref<!tpu.dma_semaphore, #tpu.memory_space<semaphore_mem>>)
      %dma_wait3A = arith.constant 0 : i32
      %dma_wait3A_59 = arith.constant 0 : i32
      %dma_wait3A_60 = tpu.memref_slice %arg8[%run_scoped3A_37, %dma_wait3A, %dma_wait3A_59] : memref<2x128x128xf32, #tpu.memory_space<vmem>> -> memref<1x128x128xf32, #tpu.memory_space<vmem>>
      %dma_wait3A_61 = tpu.memref_squeeze %dma_wait3A_60 : memref<1x128x128xf32, #tpu.memory_space<vmem>> -> memref<128x128xf32, #tpu.memory_space<vmem>>
      %dma_wait3A_62 = arith.constant 0 : i32
      %dma_wait3A_63 = tpu.memref_slice %arg9[%add3A_36, %dma_wait3A_62] : memref<10240x128xf32, #tpu.memory_space<vmem_shared>> -> memref<128x128xf32, #tpu.memory_space<vmem_shared>>
      %dma_wait3A_64 = arith.constant 0 : i32
      %dma_wait3A_65 = tpu.memref_slice %arg9[%add3A_36, %dma_wait3A_64] : memref<10240x128xf32, #tpu.memory_space<vmem_shared>> -> memref<128x128xf32, #tpu.memory_space<vmem_shared>>
      %dma_wait3A_66 = arith.constant 0 : i32
      %dma_wait3A_67 = arith.constant 0 : i32
      %dma_wait3A_68 = tpu.memref_slice %arg8[%run_scoped3A_37, %dma_wait3A_66, %dma_wait3A_67] : memref<2x128x128xf32, #tpu.memory_space<vmem>> -> memref<1x128x128xf32, #tpu.memory_space<vmem>>
      %dma_wait3A_69 = tpu.memref_squeeze %dma_wait3A_68 : memref<1x128x128xf32, #tpu.memory_space<vmem>> -> memref<128x128xf32, #tpu.memory_space<vmem>>
      tpu.wait_dma2 semaphore(%run_scoped3A_47 : memref<!tpu.dma_semaphore, #tpu.memory_space<semaphore_mem>>) src(%dma_wait3A_69 : memref<128x128xf32, #tpu.memory_space<vmem>>) dst(%dma_wait3A_65 : memref<128x128xf32, #tpu.memory_space<vmem_shared>>)
      tpu.yield
    }) : () -> ()
    %barrier3A = arith.constant 0 : index
    tpu.barrier barrier_id(%barrier3A)
    %scan3A_38 = arith.constant 0 : i32
    %scan3A_39 = arith.constant 0 : i32
    %scan3A_40 = arith.constant 20 : i32
    %scan3A_41 = arith.addi %scan3A_39, %scan3A_40 : i32
    %scan3A_42 = arith.constant 1 : i32
    %scan3A_43 = scf.for %scan3A_47 = %scan3A_39 to %scan3A_41 step %scan3A_42 iter_args(%scan3A_48 = %scan3A_38) -> (i32)  : i32 {
      %mul3A_49 = arith.constant 2 : i32
      %mul3A_50 = arith.muli %scan3A_47, %mul3A_49 : i32
      %add3A_51 = arith.constant 0 : i32
      %add3A_52 = arith.addi %mul3A_50, %add3A_51 : i32
      %dma_start3A = arith.constant 0 : i32
      %dma_start3A_53 = arith.constant 0 : i32
      %dma_start3A_54 = arith.constant 0 : i32
      %dma_start3A_55 = arith.constant 0 : i32
      %dma_start3A_56 = arith.constant 0 : i32
      %dma_start3A_57 = tpu.memref_slice %arg8[%dma_start3A_53, %dma_start3A_55, %dma_start3A_56] : memref<2x128x128xf32, #tpu.memory_space<vmem>> -> memref<1x128x128xf32, #tpu.memory_space<vmem>>
      %dma_start3A_58 = tpu.memref_squeeze %dma_start3A_57 : memref<1x128x128xf32, #tpu.memory_space<vmem>> -> memref<128x128xf32, #tpu.memory_space<vmem>>
      %dma_start3A_59 = arith.constant 0 : i32
      %dma_start3A_60 = tpu.memref_slice %arg6[%add3A_52, %dma_start3A_59] : memref<40x128xi32, #tpu.memory_space<vmem>> -> memref<1x128xi32, #tpu.memory_space<vmem>>
      %dma_start3A_61 = tpu.memref_squeeze %dma_start3A_60 : memref<1x128xi32, #tpu.memory_space<vmem>> -> memref<128xi32, #tpu.memory_space<vmem>>
      %dma_start3A_62 = arith.constant 0 : i32
      %dma_start3A_63 = arith.constant 0 : i32
      %dma_start3A_64 = tpu.memref_slice %arg2[%dma_start3A, %dma_start3A_62, %dma_start3A_63] : memref<1x10000x128xf32, #tpu.memory_space<hbm>> -> memref<1x10000x128xf32, #tpu.memory_space<hbm>>
      %dma_start3A_65 = tpu.memref_squeeze %dma_start3A_64 : memref<1x10000x128xf32, #tpu.memory_space<hbm>> -> memref<10000x128xf32, #tpu.memory_space<hbm>>
      %dma_start3A_66 = arith.constant 0 : i32
      %dma_start3A_67 = arith.constant 0 : i32
      %dma_start3A_68 = tpu.memref_slice %dma_start3A_65[%dma_start3A_66, %dma_start3A_67] : memref<10000x128xf32, #tpu.memory_space<hbm>> -> memref<10000x128xf32, #tpu.memory_space<hbm>>
      %dma_start3A_69 = tpu.memref_slice %arg10[%dma_start3A_54] : memref<2x!tpu.dma_semaphore, #tpu.memory_space<semaphore_mem>> -> memref<1x!tpu.dma_semaphore, #tpu.memory_space<semaphore_mem>>
      %dma_start3A_70 = tpu.memref_squeeze %dma_start3A_69 : memref<1x!tpu.dma_semaphore, #tpu.memory_space<semaphore_mem>> -> memref<!tpu.dma_semaphore, #tpu.memory_space<semaphore_mem>>
      tpu.enqueue_indirect_dma source(%dma_start3A_68 : memref<10000x128xf32, #tpu.memory_space<hbm>>) target(%dma_start3A_58 : memref<128x128xf32, #tpu.memory_space<vmem>>) offsets(%dma_start3A_61 : memref<128xi32, #tpu.memory_space<vmem>>) semaphore(%dma_start3A_70 : memref<!tpu.dma_semaphore, #tpu.memory_space<semaphore_mem>>)
      %add3A_71 = arith.constant 1 : i32
      %add3A_72 = arith.addi %mul3A_50, %add3A_71 : i32
      %dma_start3A_73 = arith.constant 0 : i32
      %dma_start3A_74 = arith.constant 1 : i32
      %dma_start3A_75 = arith.constant 1 : i32
      %dma_start3A_76 = arith.constant 0 : i32
      %dma_start3A_77 = arith.constant 0 : i32
      %dma_start3A_78 = tpu.memref_slice %arg8[%dma_start3A_74, %dma_start3A_76, %dma_start3A_77] : memref<2x128x128xf32, #tpu.memory_space<vmem>> -> memref<1x128x128xf32, #tpu.memory_space<vmem>>
      %dma_start3A_79 = tpu.memref_squeeze %dma_start3A_78 : memref<1x128x128xf32, #tpu.memory_space<vmem>> -> memref<128x128xf32, #tpu.memory_space<vmem>>
      %dma_start3A_80 = arith.constant 0 : i32
      %dma_start3A_81 = tpu.memref_slice %arg6[%add3A_72, %dma_start3A_80] : memref<40x128xi32, #tpu.memory_space<vmem>> -> memref<1x128xi32, #tpu.memory_space<vmem>>
      %dma_start3A_82 = tpu.memref_squeeze %dma_start3A_81 : memref<1x128xi32, #tpu.memory_space<vmem>> -> memref<128xi32, #tpu.memory_space<vmem>>
      %dma_start3A_83 = arith.constant 0 : i32
      %dma_start3A_84 = arith.constant 0 : i32
      %dma_start3A_85 = tpu.memref_slice %arg2[%dma_start3A_73, %dma_start3A_83, %dma_start3A_84] : memref<1x10000x128xf32, #tpu.memory_space<hbm>> -> memref<1x10000x128xf32, #tpu.memory_space<hbm>>
      %dma_start3A_86 = tpu.memref_squeeze %dma_start3A_85 : memref<1x10000x128xf32, #tpu.memory_space<hbm>> -> memref<10000x128xf32, #tpu.memory_space<hbm>>
      %dma_start3A_87 = arith.constant 0 : i32
      %dma_start3A_88 = arith.constant 0 : i32
      %dma_start3A_89 = tpu.memref_slice %dma_start3A_86[%dma_start3A_87, %dma_start3A_88] : memref<10000x128xf32, #tpu.memory_space<hbm>> -> memref<10000x128xf32, #tpu.memory_space<hbm>>
      %dma_start3A_90 = tpu.memref_slice %arg10[%dma_start3A_75] : memref<2x!tpu.dma_semaphore, #tpu.memory_space<semaphore_mem>> -> memref<1x!tpu.dma_semaphore, #tpu.memory_space<semaphore_mem>>
      %dma_start3A_91 = tpu.memref_squeeze %dma_start3A_90 : memref<1x!tpu.dma_semaphore, #tpu.memory_space<semaphore_mem>> -> memref<!tpu.dma_semaphore, #tpu.memory_space<semaphore_mem>>
      tpu.enqueue_indirect_dma source(%dma_start3A_89 : memref<10000x128xf32, #tpu.memory_space<hbm>>) target(%dma_start3A_79 : memref<128x128xf32, #tpu.memory_space<vmem>>) offsets(%dma_start3A_82 : memref<128xi32, #tpu.memory_space<vmem>>) semaphore(%dma_start3A_91 : memref<!tpu.dma_semaphore, #tpu.memory_space<semaphore_mem>>)
      %dma_wait3A = arith.constant 0 : i32
      %dma_wait3A_92 = arith.constant 0 : i32
      %dma_wait3A_93 = arith.constant 0 : i32
      %dma_wait3A_94 = arith.constant 0 : i32
      %dma_wait3A_95 = arith.constant 0 : i32
      %dma_wait3A_96 = tpu.memref_slice %arg8[%dma_wait3A_92, %dma_wait3A_94, %dma_wait3A_95] : memref<2x128x128xf32, #tpu.memory_space<vmem>> -> memref<1x128x128xf32, #tpu.memory_space<vmem>>
      %dma_wait3A_97 = tpu.memref_squeeze %dma_wait3A_96 : memref<1x128x128xf32, #tpu.memory_space<vmem>> -> memref<128x128xf32, #tpu.memory_space<vmem>>
      %dma_wait3A_98 = arith.constant 0 : i32
      %dma_wait3A_99 = tpu.memref_slice %arg6[%add3A_52, %dma_wait3A_98] : memref<40x128xi32, #tpu.memory_space<vmem>> -> memref<1x128xi32, #tpu.memory_space<vmem>>
      %dma_wait3A_100 = tpu.memref_squeeze %dma_wait3A_99 : memref<1x128xi32, #tpu.memory_space<vmem>> -> memref<128xi32, #tpu.memory_space<vmem>>
      %dma_wait3A_101 = arith.constant 0 : i32
      %dma_wait3A_102 = arith.constant 0 : i32
      %dma_wait3A_103 = tpu.memref_slice %arg2[%dma_wait3A, %dma_wait3A_101, %dma_wait3A_102] : memref<1x10000x128xf32, #tpu.memory_space<hbm>> -> memref<1x10000x128xf32, #tpu.memory_space<hbm>>
      %dma_wait3A_104 = tpu.memref_squeeze %dma_wait3A_103 : memref<1x10000x128xf32, #tpu.memory_space<hbm>> -> memref<10000x128xf32, #tpu.memory_space<hbm>>
      %dma_wait3A_105 = arith.constant 0 : i32
      %dma_wait3A_106 = arith.constant 0 : i32
      %dma_wait3A_107 = tpu.memref_slice %dma_wait3A_104[%dma_wait3A_105, %dma_wait3A_106] : memref<10000x128xf32, #tpu.memory_space<hbm>> -> memref<10000x128xf32, #tpu.memory_space<hbm>>
      %dma_wait3A_108 = tpu.memref_slice %arg10[%dma_wait3A_93] : memref<2x!tpu.dma_semaphore, #tpu.memory_space<semaphore_mem>> -> memref<1x!tpu.dma_semaphore, #tpu.memory_space<semaphore_mem>>
      %dma_wait3A_109 = tpu.memref_squeeze %dma_wait3A_108 : memref<1x!tpu.dma_semaphore, #tpu.memory_space<semaphore_mem>> -> memref<!tpu.dma_semaphore, #tpu.memory_space<semaphore_mem>>
      tpu.wait_indirect_dma semaphore(%dma_wait3A_109 : memref<!tpu.dma_semaphore, #tpu.memory_space<semaphore_mem>>) src(%dma_wait3A_107 : memref<10000x128xf32, #tpu.memory_space<hbm>>) dst(%dma_wait3A_97 : memref<128x128xf32, #tpu.memory_space<vmem>>)
      %add3A_110 = arith.constant 0 : i32
      %add3A_111 = arith.addi %mul3A_50, %add3A_110 : i32
      %dma_start3A_112 = arith.constant 0 : i32
      %dma_start3A_113 = arith.constant 0 : i32
      %dma_start3A_114 = arith.constant 0 : i32
      %dma_start3A_115 = arith.constant 0 : i32
      %dma_start3A_116 = tpu.memref_slice %arg8[%dma_start3A_112, %dma_start3A_114, %dma_start3A_115] : memref<2x128x128xf32, #tpu.memory_space<vmem>> -> memref<1x128x128xf32, #tpu.memory_space<vmem>>
      %dma_start3A_117 = tpu.memref_squeeze %dma_start3A_116 : memref<1x128x128xf32, #tpu.memory_space<vmem>> -> memref<128x128xf32, #tpu.memory_space<vmem>>
      %dma_start3A_118 = arith.constant 0 : i32
      %dma_start3A_119 = tpu.memref_slice %arg7[%add3A_111, %dma_start3A_118] : memref<40x128xi32, #tpu.memory_space<vmem>> -> memref<1x128xi32, #tpu.memory_space<vmem>>
      %dma_start3A_120 = tpu.memref_squeeze %dma_start3A_119 : memref<1x128xi32, #tpu.memory_space<vmem>> -> memref<128xi32, #tpu.memory_space<vmem>>
      %dma_start3A_121 = arith.constant 0 : i32
      %dma_start3A_122 = arith.constant 0 : i32
      %dma_start3A_123 = tpu.memref_slice %arg9[%dma_start3A_121, %dma_start3A_122] : memref<10240x128xf32, #tpu.memory_space<vmem_shared>> -> memref<10240x128xf32, #tpu.memory_space<vmem_shared>>
      %dma_start3A_124 = tpu.memref_slice %arg11[%dma_start3A_113] : memref<2x!tpu.dma_semaphore, #tpu.memory_space<semaphore_mem>> -> memref<1x!tpu.dma_semaphore, #tpu.memory_space<semaphore_mem>>
      %dma_start3A_125 = tpu.memref_squeeze %dma_start3A_124 : memref<1x!tpu.dma_semaphore, #tpu.memory_space<semaphore_mem>> -> memref<!tpu.dma_semaphore, #tpu.memory_space<semaphore_mem>>
      tpu.enqueue_indirect_dma source(%dma_start3A_117 : memref<128x128xf32, #tpu.memory_space<vmem>>) target(%dma_start3A_123 : memref<10240x128xf32, #tpu.memory_space<vmem_shared>>) offsets(%dma_start3A_120 : memref<128xi32, #tpu.memory_space<vmem>>) semaphore(%dma_start3A_125 : memref<!tpu.dma_semaphore, #tpu.memory_space<semaphore_mem>>) {add = true}
      %dma_wait3A_126 = arith.constant 0 : i32
      %dma_wait3A_127 = arith.constant 1 : i32
      %dma_wait3A_128 = arith.constant 1 : i32
      %dma_wait3A_129 = arith.constant 0 : i32
      %dma_wait3A_130 = arith.constant 0 : i32
      %dma_wait3A_131 = tpu.memref_slice %arg8[%dma_wait3A_127, %dma_wait3A_129, %dma_wait3A_130] : memref<2x128x128xf32, #tpu.memory_space<vmem>> -> memref<1x128x128xf32, #tpu.memory_space<vmem>>
      %dma_wait3A_132 = tpu.memref_squeeze %dma_wait3A_131 : memref<1x128x128xf32, #tpu.memory_space<vmem>> -> memref<128x128xf32, #tpu.memory_space<vmem>>
      %dma_wait3A_133 = arith.constant 0 : i32
      %dma_wait3A_134 = tpu.memref_slice %arg6[%add3A_72, %dma_wait3A_133] : memref<40x128xi32, #tpu.memory_space<vmem>> -> memref<1x128xi32, #tpu.memory_space<vmem>>
      %dma_wait3A_135 = tpu.memref_squeeze %dma_wait3A_134 : memref<1x128xi32, #tpu.memory_space<vmem>> -> memref<128xi32, #tpu.memory_space<vmem>>
      %dma_wait3A_136 = arith.constant 0 : i32
      %dma_wait3A_137 = arith.constant 0 : i32
      %dma_wait3A_138 = tpu.memref_slice %arg2[%dma_wait3A_126, %dma_wait3A_136, %dma_wait3A_137] : memref<1x10000x128xf32, #tpu.memory_space<hbm>> -> memref<1x10000x128xf32, #tpu.memory_space<hbm>>
      %dma_wait3A_139 = tpu.memref_squeeze %dma_wait3A_138 : memref<1x10000x128xf32, #tpu.memory_space<hbm>> -> memref<10000x128xf32, #tpu.memory_space<hbm>>
      %dma_wait3A_140 = arith.constant 0 : i32
      %dma_wait3A_141 = arith.constant 0 : i32
      %dma_wait3A_142 = tpu.memref_slice %dma_wait3A_139[%dma_wait3A_140, %dma_wait3A_141] : memref<10000x128xf32, #tpu.memory_space<hbm>> -> memref<10000x128xf32, #tpu.memory_space<hbm>>
      %dma_wait3A_143 = tpu.memref_slice %arg10[%dma_wait3A_128] : memref<2x!tpu.dma_semaphore, #tpu.memory_space<semaphore_mem>> -> memref<1x!tpu.dma_semaphore, #tpu.memory_space<semaphore_mem>>
      %dma_wait3A_144 = tpu.memref_squeeze %dma_wait3A_143 : memref<1x!tpu.dma_semaphore, #tpu.memory_space<semaphore_mem>> -> memref<!tpu.dma_semaphore, #tpu.memory_space<semaphore_mem>>
      tpu.wait_indirect_dma semaphore(%dma_wait3A_144 : memref<!tpu.dma_semaphore, #tpu.memory_space<semaphore_mem>>) src(%dma_wait3A_142 : memref<10000x128xf32, #tpu.memory_space<hbm>>) dst(%dma_wait3A_132 : memref<128x128xf32, #tpu.memory_space<vmem>>)
      %add3A_145 = arith.constant 1 : i32
      %add3A_146 = arith.addi %mul3A_50, %add3A_145 : i32
      %dma_start3A_147 = arith.constant 1 : i32
      %dma_start3A_148 = arith.constant 1 : i32
      %dma_start3A_149 = arith.constant 0 : i32
      %dma_start3A_150 = arith.constant 0 : i32
      %dma_start3A_151 = tpu.memref_slice %arg8[%dma_start3A_147, %dma_start3A_149, %dma_start3A_150] : memref<2x128x128xf32, #tpu.memory_space<vmem>> -> memref<1x128x128xf32, #tpu.memory_space<vmem>>
      %dma_start3A_152 = tpu.memref_squeeze %dma_start3A_151 : memref<1x128x128xf32, #tpu.memory_space<vmem>> -> memref<128x128xf32, #tpu.memory_space<vmem>>
      %dma_start3A_153 = arith.constant 0 : i32
      %dma_start3A_154 = tpu.memref_slice %arg7[%add3A_146, %dma_start3A_153] : memref<40x128xi32, #tpu.memory_space<vmem>> -> memref<1x128xi32, #tpu.memory_space<vmem>>
      %dma_start3A_155 = tpu.memref_squeeze %dma_start3A_154 : memref<1x128xi32, #tpu.memory_space<vmem>> -> memref<128xi32, #tpu.memory_space<vmem>>
      %dma_start3A_156 = arith.constant 0 : i32
      %dma_start3A_157 = arith.constant 0 : i32
      %dma_start3A_158 = tpu.memref_slice %arg9[%dma_start3A_156, %dma_start3A_157] : memref<10240x128xf32, #tpu.memory_space<vmem_shared>> -> memref<10240x128xf32, #tpu.memory_space<vmem_shared>>
      %dma_start3A_159 = tpu.memref_slice %arg11[%dma_start3A_148] : memref<2x!tpu.dma_semaphore, #tpu.memory_space<semaphore_mem>> -> memref<1x!tpu.dma_semaphore, #tpu.memory_space<semaphore_mem>>
      %dma_start3A_160 = tpu.memref_squeeze %dma_start3A_159 : memref<1x!tpu.dma_semaphore, #tpu.memory_space<semaphore_mem>> -> memref<!tpu.dma_semaphore, #tpu.memory_space<semaphore_mem>>
      tpu.enqueue_indirect_dma source(%dma_start3A_152 : memref<128x128xf32, #tpu.memory_space<vmem>>) target(%dma_start3A_158 : memref<10240x128xf32, #tpu.memory_space<vmem_shared>>) offsets(%dma_start3A_155 : memref<128xi32, #tpu.memory_space<vmem>>) semaphore(%dma_start3A_160 : memref<!tpu.dma_semaphore, #tpu.memory_space<semaphore_mem>>) {add = true}
      %dma_wait3A_161 = arith.constant 0 : i32
      %dma_wait3A_162 = arith.constant 0 : i32
      %dma_wait3A_163 = arith.constant 0 : i32
      %dma_wait3A_164 = arith.constant 0 : i32
      %dma_wait3A_165 = tpu.memref_slice %arg8[%dma_wait3A_161, %dma_wait3A_163, %dma_wait3A_164] : memref<2x128x128xf32, #tpu.memory_space<vmem>> -> memref<1x128x128xf32, #tpu.memory_space<vmem>>
      %dma_wait3A_166 = tpu.memref_squeeze %dma_wait3A_165 : memref<1x128x128xf32, #tpu.memory_space<vmem>> -> memref<128x128xf32, #tpu.memory_space<vmem>>
      %dma_wait3A_167 = arith.constant 0 : i32
      %dma_wait3A_168 = tpu.memref_slice %arg7[%add3A_111, %dma_wait3A_167] : memref<40x128xi32, #tpu.memory_space<vmem>> -> memref<1x128xi32, #tpu.memory_space<vmem>>
      %dma_wait3A_169 = tpu.memref_squeeze %dma_wait3A_168 : memref<1x128xi32, #tpu.memory_space<vmem>> -> memref<128xi32, #tpu.memory_space<vmem>>
      %dma_wait3A_170 = arith.constant 0 : i32
      %dma_wait3A_171 = arith.constant 0 : i32
      %dma_wait3A_172 = tpu.memref_slice %arg9[%dma_wait3A_170, %dma_wait3A_171] : memref<10240x128xf32, #tpu.memory_space<vmem_shared>> -> memref<10240x128xf32, #tpu.memory_space<vmem_shared>>
      %dma_wait3A_173 = tpu.memref_slice %arg11[%dma_wait3A_162] : memref<2x!tpu.dma_semaphore, #tpu.memory_space<semaphore_mem>> -> memref<1x!tpu.dma_semaphore, #tpu.memory_space<semaphore_mem>>
      %dma_wait3A_174 = tpu.memref_squeeze %dma_wait3A_173 : memref<1x!tpu.dma_semaphore, #tpu.memory_space<semaphore_mem>> -> memref<!tpu.dma_semaphore, #tpu.memory_space<semaphore_mem>>
      tpu.wait_indirect_dma semaphore(%dma_wait3A_174 : memref<!tpu.dma_semaphore, #tpu.memory_space<semaphore_mem>>) src(%dma_wait3A_166 : memref<128x128xf32, #tpu.memory_space<vmem>>) dst(%dma_wait3A_172 : memref<10240x128xf32, #tpu.memory_space<vmem_shared>>)
      %dma_wait3A_175 = arith.constant 1 : i32
      %dma_wait3A_176 = arith.constant 1 : i32
      %dma_wait3A_177 = arith.constant 0 : i32
      %dma_wait3A_178 = arith.constant 0 : i32
      %dma_wait3A_179 = tpu.memref_slice %arg8[%dma_wait3A_175, %dma_wait3A_177, %dma_wait3A_178] : memref<2x128x128xf32, #tpu.memory_space<vmem>> -> memref<1x128x128xf32, #tpu.memory_space<vmem>>
      %dma_wait3A_180 = tpu.memref_squeeze %dma_wait3A_179 : memref<1x128x128xf32, #tpu.memory_space<vmem>> -> memref<128x128xf32, #tpu.memory_space<vmem>>
      %dma_wait3A_181 = arith.constant 0 : i32
      %dma_wait3A_182 = tpu.memref_slice %arg7[%add3A_146, %dma_wait3A_181] : memref<40x128xi32, #tpu.memory_space<vmem>> -> memref<1x128xi32, #tpu.memory_space<vmem>>
      %dma_wait3A_183 = tpu.memref_squeeze %dma_wait3A_182 : memref<1x128xi32, #tpu.memory_space<vmem>> -> memref<128xi32, #tpu.memory_space<vmem>>
      %dma_wait3A_184 = arith.constant 0 : i32
      %dma_wait3A_185 = arith.constant 0 : i32
      %dma_wait3A_186 = tpu.memref_slice %arg9[%dma_wait3A_184, %dma_wait3A_185] : memref<10240x128xf32, #tpu.memory_space<vmem_shared>> -> memref<10240x128xf32, #tpu.memory_space<vmem_shared>>
      %dma_wait3A_187 = tpu.memref_slice %arg11[%dma_wait3A_176] : memref<2x!tpu.dma_semaphore, #tpu.memory_space<semaphore_mem>> -> memref<1x!tpu.dma_semaphore, #tpu.memory_space<semaphore_mem>>
      %dma_wait3A_188 = tpu.memref_squeeze %dma_wait3A_187 : memref<1x!tpu.dma_semaphore, #tpu.memory_space<semaphore_mem>> -> memref<!tpu.dma_semaphore, #tpu.memory_space<semaphore_mem>>
      tpu.wait_indirect_dma semaphore(%dma_wait3A_188 : memref<!tpu.dma_semaphore, #tpu.memory_space<semaphore_mem>>) src(%dma_wait3A_180 : memref<128x128xf32, #tpu.memory_space<vmem>>) dst(%dma_wait3A_186 : memref<10240x128xf32, #tpu.memory_space<vmem_shared>>)
      %scan3A_189 = arith.constant 0 : i32
      scf.yield %scan3A_189 : i32
    }
    %scan3A_44 = arith.constant 20 : i32
    %barrier3A_45 = arith.constant 0 : index
    tpu.barrier barrier_id(%barrier3A_45)
    %run_scoped3A_46 = arith.constant 0 : i32
    "tpu.region"() ({
      %run_scoped3A_47 = tpu.sem_alloc : memref<!tpu.dma_semaphore, #tpu.memory_space<semaphore_mem>>
      %dma_start3A = arith.constant 0 : i32
      %dma_start3A_48 = tpu.memref_slice %arg5[%run_scoped3A_46, %arg0, %mul3A_13, %dma_start3A] : memref<1x2x10240x128xf32, #tpu.memory_space<hbm>> -> memref<1x1x640x128xf32, #tpu.memory_space<hbm>>
      %dma_start3A_49 = tpu.memref_squeeze %dma_start3A_48 : memref<1x1x640x128xf32, #tpu.memory_space<hbm>> -> memref<640x128xf32, #tpu.memory_space<hbm>>
      %dma_start3A_50 = arith.constant 0 : i32
      %dma_start3A_51 = tpu.memref_slice %arg9[%mul3A_13, %dma_start3A_50] : memref<10240x128xf32, #tpu.memory_space<vmem_shared>> -> memref<640x128xf32, #tpu.memory_space<vmem_shared>>
      tpu.enqueue_dma source(%dma_start3A_51 : memref<640x128xf32, #tpu.memory_space<vmem_shared>>) target(%dma_start3A_49 : memref<640x128xf32, #tpu.memory_space<hbm>>) target_semaphore(%run_scoped3A_47 : memref<!tpu.dma_semaphore, #tpu.memory_space<semaphore_mem>>)
      %dma_wait3A = arith.constant 0 : i32
      %dma_wait3A_52 = tpu.memref_slice %arg5[%run_scoped3A_46, %arg0, %mul3A_13, %dma_wait3A] : memref<1x2x10240x128xf32, #tpu.memory_space<hbm>> -> memref<1x1x640x128xf32, #tpu.memory_space<hbm>>
      %dma_wait3A_53 = tpu.memref_squeeze %dma_wait3A_52 : memref<1x1x640x128xf32, #tpu.memory_space<hbm>> -> memref<640x128xf32, #tpu.memory_space<hbm>>
      %dma_wait3A_54 = arith.constant 0 : i32
      %dma_wait3A_55 = tpu.memref_slice %arg9[%mul3A_13, %dma_wait3A_54] : memref<10240x128xf32, #tpu.memory_space<vmem_shared>> -> memref<640x128xf32, #tpu.memory_space<vmem_shared>>
      tpu.wait_dma2 semaphore(%run_scoped3A_47 : memref<!tpu.dma_semaphore, #tpu.memory_space<semaphore_mem>>) src(%dma_wait3A_55 : memref<640x128xf32, #tpu.memory_space<vmem_shared>>) dst(%dma_wait3A_53 : memref<640x128xf32, #tpu.memory_space<hbm>>)
      tpu.yield
    }) : () -> ()
    return
  }
}

module attributes {stable_mosaic.version = 14 : i64} {
  func.func @_tc0_body(%arg0: i32, %arg1: memref<1000x128xf32, #tpu.memory_space<vmem>>, %arg2: memref<2x1000x1xf32, #tpu.memory_space<vmem>>, %arg3: memref<2x1000x1xf32, #tpu.memory_space<vmem>>, %arg4: memref<128x128xf32, #tpu.memory_space<vmem>>, %arg5: memref<128xf32, #tpu.memory_space<vmem>>, %arg6: memref<1000x1xf32, #tpu.memory_space<vmem>>, %arg7: memref<1000x1xf32, #tpu.memory_space<vmem>>, %arg8: memref<1x1000x128xf32, #tpu.memory_space<vmem>>, %arg9: memref<1000x128xf32, #tpu.memory_space<vmem>>) attributes {dimension_semantics = [#tpu.dimension_semantics<arbitrary>], iteration_bounds = array<i64: 10>, scalar_prefetch = 0 : i64, scratch_operands = 0 : i64, tpu.core_type = #tpu.core_type<tc>, window_params = [{transform_indices = @transform_0, window_bounds = array<i64: 1000, 128>}, {transform_indices = @transform_1, window_bounds = array<i64: 2, 1000, 1>}, {transform_indices = @transform_2, window_bounds = array<i64: 2, 1000, 1>}, {pipeline_mode = #tpu.pipeline_mode<synchronous>, transform_indices = @transform_3, window_bounds = array<i64: 128, 128>}, {pipeline_mode = #tpu.pipeline_mode<synchronous>, transform_indices = @transform_4, window_bounds = array<i64: 128>}, {transform_indices = @transform_5, window_bounds = array<i64: 1000, 1>}, {transform_indices = @transform_6, window_bounds = array<i64: 1000, 1>}, {transform_indices = @transform_7, window_bounds = array<i64: 1, 1000, 128>}, {transform_indices = @transform_8, window_bounds = array<i64: 1000, 128>}]} {
    %get3A = arith.constant 0 : index
    %get3A_0 = arith.constant 0 : index
    %get3A_1 = arith.constant 0 : index
    %get3A_2 = vector.load %arg2[%get3A, %get3A_0, %get3A_1] : memref<2x1000x1xf32, #tpu.memory_space<vmem>>, vector<1x1000x1xf32>
    %get3A_3 = vector.shape_cast %get3A_2 : vector<1x1000x1xf32> to vector<1000x1xf32>
    %get3A_4 = arith.constant 1 : index
    %get3A_5 = arith.constant 0 : index
    %get3A_6 = arith.constant 0 : index
    %get3A_7 = vector.load %arg2[%get3A_4, %get3A_5, %get3A_6] : memref<2x1000x1xf32, #tpu.memory_space<vmem>>, vector<1x1000x1xf32>
    %get3A_8 = vector.shape_cast %get3A_7 : vector<1x1000x1xf32> to vector<1000x1xf32>
    %add3A = arith.addf %get3A_3, %get3A_8 : vector<1000x1xf32>
    %get3A_9 = arith.constant 0 : index
    %get3A_10 = arith.constant 0 : index
    %get3A_11 = arith.constant 0 : index
    %get3A_12 = vector.load %arg3[%get3A_9, %get3A_10, %get3A_11] : memref<2x1000x1xf32, #tpu.memory_space<vmem>>, vector<1x1000x1xf32>
    %get3A_13 = vector.shape_cast %get3A_12 : vector<1x1000x1xf32> to vector<1000x1xf32>
    %get3A_14 = arith.constant 1 : index
    %get3A_15 = arith.constant 0 : index
    %get3A_16 = arith.constant 0 : index
    %get3A_17 = vector.load %arg3[%get3A_14, %get3A_15, %get3A_16] : memref<2x1000x1xf32, #tpu.memory_space<vmem>>, vector<1x1000x1xf32>
    %get3A_18 = vector.shape_cast %get3A_17 : vector<1x1000x1xf32> to vector<1000x1xf32>
    %add3A_19 = arith.addf %get3A_13, %get3A_18 : vector<1000x1xf32>
    %gt3A = arith.constant 0.000000e+00 : f32
    %gt3A_20 = vector.broadcast %gt3A : f32 to vector<1000x1xf32>
    %gt3A_21 = arith.cmpf ogt, %add3A, %gt3A_20 : vector<1000x1xf32>
    %jit3A = arith.constant 1.000000e+00 : f32
    %broadcast_in_dim3A = vector.broadcast %jit3A : f32 to vector<1000x1xf32>
    %select_n3A = arith.select %gt3A_21, %add3A, %broadcast_in_dim3A : vector<1000x1xi1>, vector<1000x1xf32>
    %rsqrt3A = math.rsqrt %select_n3A : vector<1000x1xf32>
    %gt3A_22 = arith.constant 0.000000e+00 : f32
    %gt3A_23 = vector.broadcast %gt3A_22 : f32 to vector<1000x1xf32>
    %gt3A_24 = arith.cmpf ogt, %add3A_19, %gt3A_23 : vector<1000x1xf32>
    %jit3A_25 = arith.constant 1.000000e+00 : f32
    %broadcast_in_dim3A_26 = vector.broadcast %jit3A_25 : f32 to vector<1000x1xf32>
    %select_n3A_27 = arith.select %gt3A_24, %add3A_19, %broadcast_in_dim3A_26 : vector<1000x1xi1>, vector<1000x1xf32>
    %rsqrt3A_28 = math.rsqrt %select_n3A_27 : vector<1000x1xf32>
    %swap3A = arith.constant 0 : index
    %swap3A_29 = arith.constant 0 : index
    %swap3A_30 = vector.load %arg6[%swap3A, %swap3A_29] : memref<1000x1xf32, #tpu.memory_space<vmem>>, vector<1000x1xf32>
    tpu.vector_store %arg6[%swap3A, %swap3A_29], %rsqrt3A {strides = array<i32>} : memref<1000x1xf32, #tpu.memory_space<vmem>>, vector<1000x1xf32>,
    %swap3A_31 = arith.constant 0 : index
    %swap3A_32 = arith.constant 0 : index
    %swap3A_33 = vector.load %arg7[%swap3A_31, %swap3A_32] : memref<1000x1xf32, #tpu.memory_space<vmem>>, vector<1000x1xf32>
    tpu.vector_store %arg7[%swap3A_31, %swap3A_32], %rsqrt3A_28 {strides = array<i32>} : memref<1000x1xf32, #tpu.memory_space<vmem>>, vector<1000x1xf32>,
    %get3A_34 = arith.constant 0 : index
    %get3A_35 = arith.constant 0 : index
    %get3A_36 = vector.load %arg1[%get3A_34, %get3A_35] : memref<1000x128xf32, #tpu.memory_space<vmem>>, vector<1000x128xf32>
    %mul3A = vector.broadcast %rsqrt3A : vector<1000x1xf32> to vector<1000x128xf32>
    %mul3A_37 = arith.mulf %get3A_36, %mul3A : vector<1000x128xf32>
    %swap3A_38 = arith.constant 0 : index
    %swap3A_39 = arith.constant 0 : index
    %swap3A_40 = arith.constant 0 : index
    %swap3A_41 = vector.load %arg8[%swap3A_38, %swap3A_39, %swap3A_40] : memref<1x1000x128xf32, #tpu.memory_space<vmem>>, vector<1x1000x128xf32>
    %swap3A_42 = vector.shape_cast %swap3A_41 : vector<1x1000x128xf32> to vector<1000x128xf32>
    %swap3A_43 = vector.shape_cast %mul3A_37 : vector<1000x128xf32> to vector<1x1000x128xf32>
    tpu.vector_store %arg8[%swap3A_38, %swap3A_39, %swap3A_40], %swap3A_43 {strides = array<i32>} : memref<1x1000x128xf32, #tpu.memory_space<vmem>>, vector<1x1000x128xf32>,
    %get3A_44 = arith.constant 0 : index
    %get3A_45 = arith.constant 0 : index
    %get3A_46 = vector.load %arg4[%get3A_44, %get3A_45] : memref<128x128xf32, #tpu.memory_space<vmem>>, vector<128x128xf32>
    %dot_general3A = arith.constant dense<0.000000e+00> : vector<1000x128xf32>
    %dot_general3A_47 = tpu.matmul %get3A_36, %get3A_46, %dot_general3A {dimension_numbers = #tpu.dot_dimension_numbers<[1], [0], [0], [1], [0, 0, 1, 1], [], []>, transpose_lhs_hint = false} : vector<1000x128xf32>, vector<128x128xf32>, vector<1000x128xf32> -> vector<1000x128xf32>
    %get3A_48 = arith.constant 0 : index
    %get3A_49 = vector.load %arg5[%get3A_48] : memref<128xf32, #tpu.memory_space<vmem>>, vector<128xf32>
    %broadcast_in_dim3A_50 = vector.shape_cast %get3A_49 : vector<128xf32> to vector<1x128xf32>
    %add3A_51 = vector.broadcast %broadcast_in_dim3A_50 : vector<1x128xf32> to vector<1000x128xf32>
    %add3A_52 = arith.addf %dot_general3A_47, %add3A_51 : vector<1000x128xf32>
    %gt3A_53 = arith.constant 0.000000e+00 : f32
    %gt3A_54 = vector.broadcast %gt3A_53 : f32 to vector<1000x128xf32>
    %gt3A_55 = arith.cmpf ogt, %add3A_52, %gt3A_54 : vector<1000x128xf32>
    %exp3A = math.exp %add3A_52 : vector<1000x128xf32>
    %sub3A = arith.constant 1.000000e+00 : f32
    %sub3A_56 = vector.broadcast %sub3A : f32 to vector<1000x128xf32>
    %sub3A_57 = arith.subf %exp3A, %sub3A_56 : vector<1000x128xf32>
    %select_n3A_58 = arith.select %gt3A_55, %add3A_52, %sub3A_57 : vector<1000x128xi1>, vector<1000x128xf32>
    %swap3A_59 = arith.constant 0 : index
    %swap3A_60 = arith.constant 0 : index
    %swap3A_61 = vector.load %arg9[%swap3A_59, %swap3A_60] : memref<1000x128xf32, #tpu.memory_space<vmem>>, vector<1000x128xf32>
    tpu.vector_store %arg9[%swap3A_59, %swap3A_60], %select_n3A_58 {strides = array<i32>} : memref<1000x128xf32, #tpu.memory_space<vmem>>, vector<1000x128xf32>,
    return
  }
  func.func @transform_0(%arg0: i32) -> (i32, i32) {
    %c0_i32 = arith.constant 0 : i32
    %c0_i32_0 = arith.constant 0 : i32
    return %arg0, %c0_i32 : i32, i32
  }
  func.func @transform_1(%arg0: i32) -> (i32, i32, i32) {
    %c0_i32 = arith.constant 0 : i32
    %c0_i32_0 = arith.constant 0 : i32
    %c0_i32_1 = arith.constant 0 : i32
    return %c0_i32, %arg0, %c0_i32_0 : i32, i32, i32
  }
  func.func @transform_2(%arg0: i32) -> (i32, i32, i32) {
    %c0_i32 = arith.constant 0 : i32
    %c0_i32_0 = arith.constant 0 : i32
    %c0_i32_1 = arith.constant 0 : i32
    return %c0_i32, %arg0, %c0_i32_0 : i32, i32, i32
  }
  func.func @transform_3(%arg0: i32) -> (i32, i32) {
    %c0_i32 = arith.constant 0 : i32
    %c0_i32_0 = arith.constant 0 : i32
    %c0_i32_1 = arith.constant 0 : i32
    return %c0_i32, %c0_i32_0 : i32, i32
  }
  func.func @transform_4(%arg0: i32) -> i32 {
    %c0_i32 = arith.constant 0 : i32
    %c0_i32_0 = arith.constant 0 : i32
    return %c0_i32 : i32
  }
  func.func @transform_5(%arg0: i32) -> (i32, i32) {
    %c0_i32 = arith.constant 0 : i32
    %c0_i32_0 = arith.constant 0 : i32
    return %arg0, %c0_i32 : i32, i32
  }
  func.func @transform_6(%arg0: i32) -> (i32, i32) {
    %c0_i32 = arith.constant 0 : i32
    %c0_i32_0 = arith.constant 0 : i32
    return %arg0, %c0_i32 : i32, i32
  }
  func.func @transform_7(%arg0: i32) -> (i32, i32, i32) {
    %c0_i32 = arith.constant 0 : i32
    %c0_i32_0 = arith.constant 0 : i32
    %c0_i32_1 = arith.constant 0 : i32
    return %c0_i32, %arg0, %c0_i32_0 : i32, i32, i32
  }
  func.func @transform_8(%arg0: i32) -> (i32, i32) {
    %c0_i32 = arith.constant 0 : i32
    %c0_i32_0 = arith.constant 0 : i32
    return %arg0, %c0_i32 : i32, i32
  }
}

module attributes {stable_mosaic.version = 14 : i64} {
  func.func @_tc1_body(%arg0: i32, %arg1: memref<2x1000x128xf32, #tpu.memory_space<vmem>>, %arg2: memref<1000x1xf32, #tpu.memory_space<vmem>>, %arg3: memref<1000x1xf32, #tpu.memory_space<vmem>>, %arg4: memref<128x640xf32, #tpu.memory_space<vmem>>, %arg5: memref<640xf32, #tpu.memory_space<vmem>>, %arg6: memref<2x640x128xf32, #tpu.memory_space<vmem>>, %arg7: memref<640x64xf32, #tpu.memory_space<vmem>>, %arg8: memref<2x1000x128xf32, #tpu.memory_space<vmem>>, %arg9: memref<1x1000x64xf32, #tpu.memory_space<vmem>>) attributes {dimension_semantics = [#tpu.dimension_semantics<arbitrary>], iteration_bounds = array<i64: 10>, scalar_prefetch = 0 : i64, scratch_operands = 0 : i64, tpu.core_type = #tpu.core_type<tc>, window_params = [{transform_indices = @transform_0, window_bounds = array<i64: 2, 1000, 128>}, {transform_indices = @transform_1, window_bounds = array<i64: 1000, 1>}, {transform_indices = @transform_2, window_bounds = array<i64: 1000, 1>}, {pipeline_mode = #tpu.pipeline_mode<synchronous>, transform_indices = @transform_3, window_bounds = array<i64: 128, 640>}, {pipeline_mode = #tpu.pipeline_mode<synchronous>, transform_indices = @transform_4, window_bounds = array<i64: 640>}, {pipeline_mode = #tpu.pipeline_mode<synchronous>, transform_indices = @transform_5, window_bounds = array<i64: 2, 640, 128>}, {pipeline_mode = #tpu.pipeline_mode<synchronous>, transform_indices = @transform_6, window_bounds = array<i64: 640, 64>}, {transform_indices = @transform_7, window_bounds = array<i64: 2, 1000, 128>}, {transform_indices = @transform_8, window_bounds = array<i64: 1, 1000, 64>}]} {
    %get3A = arith.constant 0 : index
    %get3A_0 = arith.constant 0 : index
    %get3A_1 = arith.constant 0 : index
    %get3A_2 = vector.load %arg1[%get3A, %get3A_0, %get3A_1] : memref<2x1000x128xf32, #tpu.memory_space<vmem>>, vector<1x1000x128xf32>
    %get3A_3 = vector.shape_cast %get3A_2 : vector<1x1000x128xf32> to vector<1000x128xf32>
    %get3A_4 = arith.constant 1 : index
    %get3A_5 = arith.constant 0 : index
    %get3A_6 = arith.constant 0 : index
    %get3A_7 = vector.load %arg1[%get3A_4, %get3A_5, %get3A_6] : memref<2x1000x128xf32, #tpu.memory_space<vmem>>, vector<1x1000x128xf32>
    %get3A_8 = vector.shape_cast %get3A_7 : vector<1x1000x128xf32> to vector<1000x128xf32>
    %add3A = arith.addf %get3A_3, %get3A_8 : vector<1000x128xf32>
    %get3A_9 = arith.constant 0 : index
    %get3A_10 = arith.constant 0 : index
    %get3A_11 = vector.load %arg2[%get3A_9, %get3A_10] : memref<1000x1xf32, #tpu.memory_space<vmem>>, vector<1000x1xf32>
    %mul3A = vector.broadcast %get3A_11 : vector<1000x1xf32> to vector<1000x128xf32>
    %mul3A_12 = arith.mulf %add3A, %mul3A : vector<1000x128xf32>
    %get3A_13 = arith.constant 0 : index
    %get3A_14 = arith.constant 0 : index
    %get3A_15 = vector.load %arg4[%get3A_13, %get3A_14] : memref<128x640xf32, #tpu.memory_space<vmem>>, vector<128x640xf32>
    %dot_general3A = arith.constant dense<0.000000e+00> : vector<1000x640xf32>
    %dot_general3A_16 = tpu.matmul %mul3A_12, %get3A_15, %dot_general3A {dimension_numbers = #tpu.dot_dimension_numbers<[1], [0], [0], [1], [0, 0, 1, 1], [], []>, transpose_lhs_hint = false} : vector<1000x128xf32>, vector<128x640xf32>, vector<1000x640xf32> -> vector<1000x640xf32>
    %get3A_17 = arith.constant 0 : index
    %get3A_18 = vector.load %arg5[%get3A_17] : memref<640xf32, #tpu.memory_space<vmem>>, vector<640xf32>
    %broadcast_in_dim3A = vector.shape_cast %get3A_18 : vector<640xf32> to vector<1x640xf32>
    %add3A_19 = vector.broadcast %broadcast_in_dim3A : vector<1x640xf32> to vector<1000x640xf32>
    %add3A_20 = arith.addf %dot_general3A_16, %add3A_19 : vector<1000x640xf32>
    %gt3A = arith.constant 0.000000e+00 : f32
    %gt3A_21 = vector.broadcast %gt3A : f32 to vector<1000x640xf32>
    %gt3A_22 = arith.cmpf ogt, %add3A_20, %gt3A_21 : vector<1000x640xf32>
    %exp3A = math.exp %add3A_20 : vector<1000x640xf32>
    %sub3A = arith.constant 1.000000e+00 : f32
    %sub3A_23 = vector.broadcast %sub3A : f32 to vector<1000x640xf32>
    %sub3A_24 = arith.subf %exp3A, %sub3A_23 : vector<1000x640xf32>
    %select_n3A = arith.select %gt3A_22, %add3A_20, %sub3A_24 : vector<1000x640xi1>, vector<1000x640xf32>
    %get3A_25 = arith.constant 0 : index
    %get3A_26 = arith.constant 0 : index
    %get3A_27 = vector.load %arg3[%get3A_25, %get3A_26] : memref<1000x1xf32, #tpu.memory_space<vmem>>, vector<1000x1xf32>
    %mul3A_28 = vector.broadcast %get3A_27 : vector<1000x1xf32> to vector<1000x640xf32>
    %mul3A_29 = arith.mulf %select_n3A, %mul3A_28 : vector<1000x640xf32>
    %get3A_30 = arith.constant 0 : index
    %get3A_31 = arith.constant 0 : index
    %get3A_32 = arith.constant 0 : index
    %get3A_33 = vector.load %arg6[%get3A_30, %get3A_31, %get3A_32] : memref<2x640x128xf32, #tpu.memory_space<vmem>>, vector<1x640x128xf32>
    %get3A_34 = vector.shape_cast %get3A_33 : vector<1x640x128xf32> to vector<640x128xf32>
    %dot_general3A_35 = arith.constant dense<0.000000e+00> : vector<1000x128xf32>
    %dot_general3A_36 = tpu.matmul %mul3A_29, %get3A_34, %dot_general3A_35 {dimension_numbers = #tpu.dot_dimension_numbers<[1], [0], [0], [1], [0, 0, 1, 1], [], []>, transpose_lhs_hint = false} : vector<1000x640xf32>, vector<640x128xf32>, vector<1000x128xf32> -> vector<1000x128xf32>
    %swap3A = arith.constant 0 : index
    %swap3A_37 = arith.constant 0 : index
    %swap3A_38 = arith.constant 0 : index
    %swap3A_39 = vector.load %arg8[%swap3A, %swap3A_37, %swap3A_38] : memref<2x1000x128xf32, #tpu.memory_space<vmem>>, vector<1x1000x128xf32>
    %swap3A_40 = vector.shape_cast %swap3A_39 : vector<1x1000x128xf32> to vector<1000x128xf32>
    %swap3A_41 = vector.shape_cast %dot_general3A_36 : vector<1000x128xf32> to vector<1x1000x128xf32>
    tpu.vector_store %arg8[%swap3A, %swap3A_37, %swap3A_38], %swap3A_41 {strides = array<i32>} : memref<2x1000x128xf32, #tpu.memory_space<vmem>>, vector<1x1000x128xf32>,
    %get3A_42 = arith.constant 1 : index
    %get3A_43 = arith.constant 0 : index
    %get3A_44 = arith.constant 0 : index
    %get3A_45 = vector.load %arg6[%get3A_42, %get3A_43, %get3A_44] : memref<2x640x128xf32, #tpu.memory_space<vmem>>, vector<1x640x128xf32>
    %get3A_46 = vector.shape_cast %get3A_45 : vector<1x640x128xf32> to vector<640x128xf32>
    %dot_general3A_47 = arith.constant dense<0.000000e+00> : vector<1000x128xf32>
    %dot_general3A_48 = tpu.matmul %mul3A_29, %get3A_46, %dot_general3A_47 {dimension_numbers = #tpu.dot_dimension_numbers<[1], [0], [0], [1], [0, 0, 1, 1], [], []>, transpose_lhs_hint = false} : vector<1000x640xf32>, vector<640x128xf32>, vector<1000x128xf32> -> vector<1000x128xf32>
    %swap3A_49 = arith.constant 1 : index
    %swap3A_50 = arith.constant 0 : index
    %swap3A_51 = arith.constant 0 : index
    %swap3A_52 = vector.load %arg8[%swap3A_49, %swap3A_50, %swap3A_51] : memref<2x1000x128xf32, #tpu.memory_space<vmem>>, vector<1x1000x128xf32>
    %swap3A_53 = vector.shape_cast %swap3A_52 : vector<1x1000x128xf32> to vector<1000x128xf32>
    %swap3A_54 = vector.shape_cast %dot_general3A_48 : vector<1000x128xf32> to vector<1x1000x128xf32>
    tpu.vector_store %arg8[%swap3A_49, %swap3A_50, %swap3A_51], %swap3A_54 {strides = array<i32>} : memref<2x1000x128xf32, #tpu.memory_space<vmem>>, vector<1x1000x128xf32>,
    %get3A_55 = arith.constant 0 : index
    %get3A_56 = arith.constant 0 : index
    %get3A_57 = vector.load %arg7[%get3A_55, %get3A_56] : memref<640x64xf32, #tpu.memory_space<vmem>>, vector<640x64xf32>
    %dot_general3A_58 = arith.constant dense<0.000000e+00> : vector<1000x64xf32>
    %dot_general3A_59 = tpu.matmul %mul3A_29, %get3A_57, %dot_general3A_58 {dimension_numbers = #tpu.dot_dimension_numbers<[1], [0], [0], [1], [0, 0, 1, 1], [], []>, transpose_lhs_hint = false} : vector<1000x640xf32>, vector<640x64xf32>, vector<1000x64xf32> -> vector<1000x64xf32>
    %swap3A_60 = arith.constant 0 : index
    %swap3A_61 = arith.constant 0 : index
    %swap3A_62 = arith.constant 0 : index
    %swap3A_63 = vector.load %arg9[%swap3A_60, %swap3A_61, %swap3A_62] : memref<1x1000x64xf32, #tpu.memory_space<vmem>>, vector<1x1000x64xf32>
    %swap3A_64 = vector.shape_cast %swap3A_63 : vector<1x1000x64xf32> to vector<1000x64xf32>
    %swap3A_65 = vector.shape_cast %dot_general3A_59 : vector<1000x64xf32> to vector<1x1000x64xf32>
    tpu.vector_store %arg9[%swap3A_60, %swap3A_61, %swap3A_62], %swap3A_65 {strides = array<i32>} : memref<1x1000x64xf32, #tpu.memory_space<vmem>>, vector<1x1000x64xf32>,
    return
  }
  func.func @transform_0(%arg0: i32) -> (i32, i32, i32) {
    %c0_i32 = arith.constant 0 : i32
    %c0_i32_0 = arith.constant 0 : i32
    %c0_i32_1 = arith.constant 0 : i32
    return %c0_i32, %arg0, %c0_i32_0 : i32, i32, i32
  }
  func.func @transform_1(%arg0: i32) -> (i32, i32) {
    %c0_i32 = arith.constant 0 : i32
    %c0_i32_0 = arith.constant 0 : i32
    return %arg0, %c0_i32 : i32, i32
  }
  func.func @transform_2(%arg0: i32) -> (i32, i32) {
    %c0_i32 = arith.constant 0 : i32
    %c0_i32_0 = arith.constant 0 : i32
    return %arg0, %c0_i32 : i32, i32
  }
  func.func @transform_3(%arg0: i32) -> (i32, i32) {
    %c0_i32 = arith.constant 0 : i32
    %c0_i32_0 = arith.constant 0 : i32
    %c0_i32_1 = arith.constant 0 : i32
    return %c0_i32, %c0_i32_0 : i32, i32
  }
  func.func @transform_4(%arg0: i32) -> i32 {
    %c0_i32 = arith.constant 0 : i32
    %c0_i32_0 = arith.constant 0 : i32
    return %c0_i32 : i32
  }
  func.func @transform_5(%arg0: i32) -> (i32, i32, i32) {
    %c0_i32 = arith.constant 0 : i32
    %c0_i32_0 = arith.constant 0 : i32
    %c0_i32_1 = arith.constant 0 : i32
    %c0_i32_2 = arith.constant 0 : i32
    return %c0_i32, %c0_i32_0, %c0_i32_1 : i32, i32, i32
  }
  func.func @transform_6(%arg0: i32) -> (i32, i32) {
    %c0_i32 = arith.constant 0 : i32
    %c0_i32_0 = arith.constant 0 : i32
    %c0_i32_1 = arith.constant 0 : i32
    return %c0_i32, %c0_i32_0 : i32, i32
  }
  func.func @transform_7(%arg0: i32) -> (i32, i32, i32) {
    %c0_i32 = arith.constant 0 : i32
    %c0_i32_0 = arith.constant 0 : i32
    %c0_i32_1 = arith.constant 0 : i32
    return %c0_i32, %arg0, %c0_i32_0 : i32, i32, i32
  }
  func.func @transform_8(%arg0: i32) -> (i32, i32, i32) {
    %c0_i32 = arith.constant 0 : i32
    %c0_i32_0 = arith.constant 0 : i32
    %c0_i32_1 = arith.constant 0 : i32
    return %c0_i32, %arg0, %c0_i32_0 : i32, i32, i32
  }
}

module attributes {stable_mosaic.version = 14 : i64} {
  func.func @_tc2_body(%arg0: i32, %arg1: memref<2x2x1000x128xf32, #tpu.memory_space<vmem>>, %arg2: memref<2x1000x64xf32, #tpu.memory_space<vmem>>, %arg3: memref<1000x1xf32, #tpu.memory_space<vmem>>, %arg4: memref<1000x1xf32, #tpu.memory_space<vmem>>, %arg5: memref<2x128xf32, #tpu.memory_space<vmem>>, %arg6: memref<64xf32, #tpu.memory_space<vmem>>, %arg7: memref<2x128x128xf32, #tpu.memory_space<vmem>>, %arg8: memref<64x128xf32, #tpu.memory_space<vmem>>, %arg9: memref<1x1000x128xf32, #tpu.memory_space<vmem>>) attributes {dimension_semantics = [#tpu.dimension_semantics<arbitrary>], iteration_bounds = array<i64: 10>, scalar_prefetch = 0 : i64, scratch_operands = 0 : i64, tpu.core_type = #tpu.core_type<tc>, window_params = [{transform_indices = @transform_0, window_bounds = array<i64: 2, 2, 1000, 128>}, {transform_indices = @transform_1, window_bounds = array<i64: 2, 1000, 64>}, {transform_indices = @transform_2, window_bounds = array<i64: 1000, 1>}, {transform_indices = @transform_3, window_bounds = array<i64: 1000, 1>}, {pipeline_mode = #tpu.pipeline_mode<synchronous>, transform_indices = @transform_4, window_bounds = array<i64: 2, 128>}, {pipeline_mode = #tpu.pipeline_mode<synchronous>, transform_indices = @transform_5, window_bounds = array<i64: 64>}, {pipeline_mode = #tpu.pipeline_mode<synchronous>, transform_indices = @transform_6, window_bounds = array<i64: 2, 128, 128>}, {pipeline_mode = #tpu.pipeline_mode<synchronous>, transform_indices = @transform_7, window_bounds = array<i64: 64, 128>}, {transform_indices = @transform_8, window_bounds = array<i64: 1, 1000, 128>}]} {
    %get3A = arith.constant 0 : index
    %get3A_0 = arith.constant 0 : index
    %get3A_1 = vector.load %arg3[%get3A, %get3A_0] : memref<1000x1xf32, #tpu.memory_space<vmem>>, vector<1000x1xf32>
    %get3A_2 = arith.constant 0 : index
    %get3A_3 = arith.constant 0 : index
    %get3A_4 = vector.load %arg4[%get3A_2, %get3A_3] : memref<1000x1xf32, #tpu.memory_space<vmem>>, vector<1000x1xf32>
    %get3A_5 = arith.constant 0 : index
    %get3A_6 = arith.constant 0 : index
    %get3A_7 = arith.constant 0 : index
    %get3A_8 = arith.constant 0 : index
    %get3A_9 = vector.load %arg1[%get3A_5, %get3A_6, %get3A_7, %get3A_8] : memref<2x2x1000x128xf32, #tpu.memory_space<vmem>>, vector<1x1x1000x128xf32>
    %get3A_10 = vector.shape_cast %get3A_9 : vector<1x1x1000x128xf32> to vector<1000x128xf32>
    %get3A_11 = arith.constant 0 : index
    %get3A_12 = arith.constant 1 : index
    %get3A_13 = arith.constant 0 : index
    %get3A_14 = arith.constant 0 : index
    %get3A_15 = vector.load %arg1[%get3A_11, %get3A_12, %get3A_13, %get3A_14] : memref<2x2x1000x128xf32, #tpu.memory_space<vmem>>, vector<1x1x1000x128xf32>
    %get3A_16 = vector.shape_cast %get3A_15 : vector<1x1x1000x128xf32> to vector<1000x128xf32>
    %add3A = arith.addf %get3A_10, %get3A_16 : vector<1000x128xf32>
    %mul3A = vector.broadcast %get3A_1 : vector<1000x1xf32> to vector<1000x128xf32>
    %mul3A_17 = arith.mulf %add3A, %mul3A : vector<1000x128xf32>
    %get3A_18 = arith.constant 0 : index
    %get3A_19 = arith.constant 0 : index
    %get3A_20 = vector.load %arg5[%get3A_18, %get3A_19] : memref<2x128xf32, #tpu.memory_space<vmem>>, vector<1x128xf32>
    %get3A_21 = vector.shape_cast %get3A_20 : vector<1x128xf32> to vector<128xf32>
    %broadcast_in_dim3A = vector.shape_cast %get3A_21 : vector<128xf32> to vector<1x128xf32>
    %add3A_22 = vector.broadcast %broadcast_in_dim3A : vector<1x128xf32> to vector<1000x128xf32>
    %add3A_23 = arith.addf %mul3A_17, %add3A_22 : vector<1000x128xf32>
    %gt3A = arith.constant 0.000000e+00 : f32
    %gt3A_24 = vector.broadcast %gt3A : f32 to vector<1000x128xf32>
    %gt3A_25 = arith.cmpf ogt, %add3A_23, %gt3A_24 : vector<1000x128xf32>
    %exp3A = math.exp %add3A_23 : vector<1000x128xf32>
    %sub3A = arith.constant 1.000000e+00 : f32
    %sub3A_26 = vector.broadcast %sub3A : f32 to vector<1000x128xf32>
    %sub3A_27 = arith.subf %exp3A, %sub3A_26 : vector<1000x128xf32>
    %select_n3A = arith.select %gt3A_25, %add3A_23, %sub3A_27 : vector<1000x128xi1>, vector<1000x128xf32>
    %mul3A_28 = vector.broadcast %get3A_4 : vector<1000x1xf32> to vector<1000x128xf32>
    %mul3A_29 = arith.mulf %select_n3A, %mul3A_28 : vector<1000x128xf32>
    %get3A_30 = arith.constant 0 : index
    %get3A_31 = arith.constant 0 : index
    %get3A_32 = arith.constant 0 : index
    %get3A_33 = vector.load %arg7[%get3A_30, %get3A_31, %get3A_32] : memref<2x128x128xf32, #tpu.memory_space<vmem>>, vector<1x128x128xf32>
    %get3A_34 = vector.shape_cast %get3A_33 : vector<1x128x128xf32> to vector<128x128xf32>
    %dot_general3A = arith.constant dense<0.000000e+00> : vector<1000x128xf32>
    %dot_general3A_35 = tpu.matmul %mul3A_29, %get3A_34, %dot_general3A {dimension_numbers = #tpu.dot_dimension_numbers<[1], [0], [0], [1], [0, 0, 1, 1], [], []>, transpose_lhs_hint = false} : vector<1000x128xf32>, vector<128x128xf32>, vector<1000x128xf32> -> vector<1000x128xf32>
    %get3A_36 = arith.constant 1 : index
    %get3A_37 = arith.constant 0 : index
    %get3A_38 = arith.constant 0 : index
    %get3A_39 = arith.constant 0 : index
    %get3A_40 = vector.load %arg1[%get3A_36, %get3A_37, %get3A_38, %get3A_39] : memref<2x2x1000x128xf32, #tpu.memory_space<vmem>>, vector<1x1x1000x128xf32>
    %get3A_41 = vector.shape_cast %get3A_40 : vector<1x1x1000x128xf32> to vector<1000x128xf32>
    %get3A_42 = arith.constant 1 : index
    %get3A_43 = arith.constant 1 : index
    %get3A_44 = arith.constant 0 : index
    %get3A_45 = arith.constant 0 : index
    %get3A_46 = vector.load %arg1[%get3A_42, %get3A_43, %get3A_44, %get3A_45] : memref<2x2x1000x128xf32, #tpu.memory_space<vmem>>, vector<1x1x1000x128xf32>
    %get3A_47 = vector.shape_cast %get3A_46 : vector<1x1x1000x128xf32> to vector<1000x128xf32>
    %add3A_48 = arith.addf %get3A_41, %get3A_47 : vector<1000x128xf32>
    %mul3A_49 = vector.broadcast %get3A_1 : vector<1000x1xf32> to vector<1000x128xf32>
    %mul3A_50 = arith.mulf %add3A_48, %mul3A_49 : vector<1000x128xf32>
    %get3A_51 = arith.constant 1 : index
    %get3A_52 = arith.constant 0 : index
    %get3A_53 = vector.load %arg5[%get3A_51, %get3A_52] : memref<2x128xf32, #tpu.memory_space<vmem>>, vector<1x128xf32>
    %get3A_54 = vector.shape_cast %get3A_53 : vector<1x128xf32> to vector<128xf32>
    %broadcast_in_dim3A_55 = vector.shape_cast %get3A_54 : vector<128xf32> to vector<1x128xf32>
    %add3A_56 = vector.broadcast %broadcast_in_dim3A_55 : vector<1x128xf32> to vector<1000x128xf32>
    %add3A_57 = arith.addf %mul3A_50, %add3A_56 : vector<1000x128xf32>
    %gt3A_58 = arith.constant 0.000000e+00 : f32
    %gt3A_59 = vector.broadcast %gt3A_58 : f32 to vector<1000x128xf32>
    %gt3A_60 = arith.cmpf ogt, %add3A_57, %gt3A_59 : vector<1000x128xf32>
    %exp3A_61 = math.exp %add3A_57 : vector<1000x128xf32>
    %sub3A_62 = arith.constant 1.000000e+00 : f32
    %sub3A_63 = vector.broadcast %sub3A_62 : f32 to vector<1000x128xf32>
    %sub3A_64 = arith.subf %exp3A_61, %sub3A_63 : vector<1000x128xf32>
    %select_n3A_65 = arith.select %gt3A_60, %add3A_57, %sub3A_64 : vector<1000x128xi1>, vector<1000x128xf32>
    %mul3A_66 = vector.broadcast %get3A_4 : vector<1000x1xf32> to vector<1000x128xf32>
    %mul3A_67 = arith.mulf %select_n3A_65, %mul3A_66 : vector<1000x128xf32>
    %get3A_68 = arith.constant 1 : index
    %get3A_69 = arith.constant 0 : index
    %get3A_70 = arith.constant 0 : index
    %get3A_71 = vector.load %arg7[%get3A_68, %get3A_69, %get3A_70] : memref<2x128x128xf32, #tpu.memory_space<vmem>>, vector<1x128x128xf32>
    %get3A_72 = vector.shape_cast %get3A_71 : vector<1x128x128xf32> to vector<128x128xf32>
    %dot_general3A_73 = arith.constant dense<0.000000e+00> : vector<1000x128xf32>
    %dot_general3A_74 = tpu.matmul %mul3A_67, %get3A_72, %dot_general3A_73 {dimension_numbers = #tpu.dot_dimension_numbers<[1], [0], [0], [1], [0, 0, 1, 1], [], []>, transpose_lhs_hint = false} : vector<1000x128xf32>, vector<128x128xf32>, vector<1000x128xf32> -> vector<1000x128xf32>
    %add3A_75 = arith.addf %dot_general3A_35, %dot_general3A_74 : vector<1000x128xf32>
    %get3A_76 = arith.constant 0 : index
    %get3A_77 = arith.constant 0 : index
    %get3A_78 = arith.constant 0 : index
    %get3A_79 = vector.load %arg2[%get3A_76, %get3A_77, %get3A_78] : memref<2x1000x64xf32, #tpu.memory_space<vmem>>, vector<1x1000x64xf32>
    %get3A_80 = vector.shape_cast %get3A_79 : vector<1x1000x64xf32> to vector<1000x64xf32>
    %get3A_81 = arith.constant 1 : index
    %get3A_82 = arith.constant 0 : index
    %get3A_83 = arith.constant 0 : index
    %get3A_84 = vector.load %arg2[%get3A_81, %get3A_82, %get3A_83] : memref<2x1000x64xf32, #tpu.memory_space<vmem>>, vector<1x1000x64xf32>
    %get3A_85 = vector.shape_cast %get3A_84 : vector<1x1000x64xf32> to vector<1000x64xf32>
    %add3A_86 = arith.addf %get3A_80, %get3A_85 : vector<1000x64xf32>
    %mul3A_87 = vector.broadcast %get3A_1 : vector<1000x1xf32> to vector<1000x64xf32>
    %mul3A_88 = arith.mulf %add3A_86, %mul3A_87 : vector<1000x64xf32>
    %get3A_89 = arith.constant 0 : index
    %get3A_90 = vector.load %arg6[%get3A_89] : memref<64xf32, #tpu.memory_space<vmem>>, vector<64xf32>
    %broadcast_in_dim3A_91 = vector.shape_cast %get3A_90 : vector<64xf32> to vector<1x64xf32>
    %add3A_92 = vector.broadcast %broadcast_in_dim3A_91 : vector<1x64xf32> to vector<1000x64xf32>
    %add3A_93 = arith.addf %mul3A_88, %add3A_92 : vector<1000x64xf32>
    %gt3A_94 = arith.constant 0.000000e+00 : f32
    %gt3A_95 = vector.broadcast %gt3A_94 : f32 to vector<1000x64xf32>
    %gt3A_96 = arith.cmpf ogt, %add3A_93, %gt3A_95 : vector<1000x64xf32>
    %exp3A_97 = math.exp %add3A_93 : vector<1000x64xf32>
    %sub3A_98 = arith.constant 1.000000e+00 : f32
    %sub3A_99 = vector.broadcast %sub3A_98 : f32 to vector<1000x64xf32>
    %sub3A_100 = arith.subf %exp3A_97, %sub3A_99 : vector<1000x64xf32>
    %select_n3A_101 = arith.select %gt3A_96, %add3A_93, %sub3A_100 : vector<1000x64xi1>, vector<1000x64xf32>
    %mul3A_102 = vector.broadcast %get3A_4 : vector<1000x1xf32> to vector<1000x64xf32>
    %mul3A_103 = arith.mulf %select_n3A_101, %mul3A_102 : vector<1000x64xf32>
    %get3A_104 = arith.constant 0 : index
    %get3A_105 = arith.constant 0 : index
    %get3A_106 = vector.load %arg8[%get3A_104, %get3A_105] : memref<64x128xf32, #tpu.memory_space<vmem>>, vector<64x128xf32>
    %dot_general3A_107 = arith.constant dense<0.000000e+00> : vector<1000x128xf32>
    %dot_general3A_108 = tpu.matmul %mul3A_103, %get3A_106, %dot_general3A_107 {dimension_numbers = #tpu.dot_dimension_numbers<[1], [0], [0], [1], [0, 0, 1, 1], [], []>, transpose_lhs_hint = false} : vector<1000x64xf32>, vector<64x128xf32>, vector<1000x128xf32> -> vector<1000x128xf32>
    %add3A_109 = arith.addf %add3A_75, %dot_general3A_108 : vector<1000x128xf32>
    %swap3A = arith.constant 0 : index
    %swap3A_110 = arith.constant 0 : index
    %swap3A_111 = arith.constant 0 : index
    %swap3A_112 = vector.load %arg9[%swap3A, %swap3A_110, %swap3A_111] : memref<1x1000x128xf32, #tpu.memory_space<vmem>>, vector<1x1000x128xf32>
    %swap3A_113 = vector.shape_cast %swap3A_112 : vector<1x1000x128xf32> to vector<1000x128xf32>
    %swap3A_114 = vector.shape_cast %add3A_109 : vector<1000x128xf32> to vector<1x1000x128xf32>
    tpu.vector_store %arg9[%swap3A, %swap3A_110, %swap3A_111], %swap3A_114 {strides = array<i32>} : memref<1x1000x128xf32, #tpu.memory_space<vmem>>, vector<1x1000x128xf32>,
    return
  }
  func.func @transform_0(%arg0: i32) -> (i32, i32, i32, i32) {
    %c0_i32 = arith.constant 0 : i32
    %c0_i32_0 = arith.constant 0 : i32
    %c0_i32_1 = arith.constant 0 : i32
    %c0_i32_2 = arith.constant 0 : i32
    return %c0_i32, %c0_i32_0, %arg0, %c0_i32_1 : i32, i32, i32, i32
  }
  func.func @transform_1(%arg0: i32) -> (i32, i32, i32) {
    %c0_i32 = arith.constant 0 : i32
    %c0_i32_0 = arith.constant 0 : i32
    %c0_i32_1 = arith.constant 0 : i32
    return %c0_i32, %arg0, %c0_i32_0 : i32, i32, i32
  }
  func.func @transform_2(%arg0: i32) -> (i32, i32) {
    %c0_i32 = arith.constant 0 : i32
    %c0_i32_0 = arith.constant 0 : i32
    return %arg0, %c0_i32 : i32, i32
  }
  func.func @transform_3(%arg0: i32) -> (i32, i32) {
    %c0_i32 = arith.constant 0 : i32
    %c0_i32_0 = arith.constant 0 : i32
    return %arg0, %c0_i32 : i32, i32
  }
  func.func @transform_4(%arg0: i32) -> (i32, i32) {
    %c0_i32 = arith.constant 0 : i32
    %c0_i32_0 = arith.constant 0 : i32
    %c0_i32_1 = arith.constant 0 : i32
    return %c0_i32, %c0_i32_0 : i32, i32
  }
  func.func @transform_5(%arg0: i32) -> i32 {
    %c0_i32 = arith.constant 0 : i32
    %c0_i32_0 = arith.constant 0 : i32
    return %c0_i32 : i32
  }
  func.func @transform_6(%arg0: i32) -> (i32, i32, i32) {
    %c0_i32 = arith.constant 0 : i32
    %c0_i32_0 = arith.constant 0 : i32
    %c0_i32_1 = arith.constant 0 : i32
    %c0_i32_2 = arith.constant 0 : i32
    return %c0_i32, %c0_i32_0, %c0_i32_1 : i32, i32, i32
  }
  func.func @transform_7(%arg0: i32) -> (i32, i32) {
    %c0_i32 = arith.constant 0 : i32
    %c0_i32_0 = arith.constant 0 : i32
    %c0_i32_1 = arith.constant 0 : i32
    return %c0_i32, %c0_i32_0 : i32, i32
  }
  func.func @transform_8(%arg0: i32) -> (i32, i32, i32) {
    %c0_i32 = arith.constant 0 : i32
    %c0_i32_0 = arith.constant 0 : i32
    %c0_i32_1 = arith.constant 0 : i32
    return %c0_i32, %arg0, %c0_i32_0 : i32, i32, i32
  }
}

module attributes {stable_mosaic.version = 14 : i64} {
  func.func @_tc3_body(%arg0: i32, %arg1: memref<2x1000x128xf32, #tpu.memory_space<vmem>>, %arg2: memref<1000x1xf32, #tpu.memory_space<vmem>>, %arg3: memref<128xf32, #tpu.memory_space<vmem>>, %arg4: memref<1000x128xf32, #tpu.memory_space<vmem>>) attributes {dimension_semantics = [#tpu.dimension_semantics<arbitrary>], iteration_bounds = array<i64: 10>, scalar_prefetch = 0 : i64, scratch_operands = 0 : i64, tpu.core_type = #tpu.core_type<tc>, window_params = [{transform_indices = @transform_0, window_bounds = array<i64: 2, 1000, 128>}, {transform_indices = @transform_1, window_bounds = array<i64: 1000, 1>}, {pipeline_mode = #tpu.pipeline_mode<synchronous>, transform_indices = @transform_2, window_bounds = array<i64: 128>}, {transform_indices = @transform_3, window_bounds = array<i64: 1000, 128>}]} {
    %get3A = arith.constant 0 : index
    %get3A_0 = arith.constant 0 : index
    %get3A_1 = arith.constant 0 : index
    %get3A_2 = vector.load %arg1[%get3A, %get3A_0, %get3A_1] : memref<2x1000x128xf32, #tpu.memory_space<vmem>>, vector<1x1000x128xf32>
    %get3A_3 = vector.shape_cast %get3A_2 : vector<1x1000x128xf32> to vector<1000x128xf32>
    %get3A_4 = arith.constant 1 : index
    %get3A_5 = arith.constant 0 : index
    %get3A_6 = arith.constant 0 : index
    %get3A_7 = vector.load %arg1[%get3A_4, %get3A_5, %get3A_6] : memref<2x1000x128xf32, #tpu.memory_space<vmem>>, vector<1x1000x128xf32>
    %get3A_8 = vector.shape_cast %get3A_7 : vector<1x1000x128xf32> to vector<1000x128xf32>
    %add3A = arith.addf %get3A_3, %get3A_8 : vector<1000x128xf32>
    %get3A_9 = arith.constant 0 : index
    %get3A_10 = arith.constant 0 : index
    %get3A_11 = vector.load %arg2[%get3A_9, %get3A_10] : memref<1000x1xf32, #tpu.memory_space<vmem>>, vector<1000x1xf32>
    %mul3A = vector.broadcast %get3A_11 : vector<1000x1xf32> to vector<1000x128xf32>
    %mul3A_12 = arith.mulf %add3A, %mul3A : vector<1000x128xf32>
    %get3A_13 = arith.constant 0 : index
    %get3A_14 = vector.load %arg3[%get3A_13] : memref<128xf32, #tpu.memory_space<vmem>>, vector<128xf32>
    %broadcast_in_dim3A = vector.shape_cast %get3A_14 : vector<128xf32> to vector<1x128xf32>
    %add3A_15 = vector.broadcast %broadcast_in_dim3A : vector<1x128xf32> to vector<1000x128xf32>
    %add3A_16 = arith.addf %mul3A_12, %add3A_15 : vector<1000x128xf32>
    %swap3A = arith.constant 0 : index
    %swap3A_17 = arith.constant 0 : index
    %swap3A_18 = vector.load %arg4[%swap3A, %swap3A_17] : memref<1000x128xf32, #tpu.memory_space<vmem>>, vector<1000x128xf32>
    tpu.vector_store %arg4[%swap3A, %swap3A_17], %add3A_16 {strides = array<i32>} : memref<1000x128xf32, #tpu.memory_space<vmem>>, vector<1000x128xf32>,
    return
  }
  func.func @transform_0(%arg0: i32) -> (i32, i32, i32) {
    %c0_i32 = arith.constant 0 : i32
    %c0_i32_0 = arith.constant 0 : i32
    %c0_i32_1 = arith.constant 0 : i32
    return %c0_i32, %arg0, %c0_i32_0 : i32, i32, i32
  }
  func.func @transform_1(%arg0: i32) -> (i32, i32) {
    %c0_i32 = arith.constant 0 : i32
    %c0_i32_0 = arith.constant 0 : i32
    return %arg0, %c0_i32 : i32, i32
  }
  func.func @transform_2(%arg0: i32) -> i32 {
    %c0_i32 = arith.constant 0 : i32
    %c0_i32_0 = arith.constant 0 : i32
    return %c0_i32 : i32
  }
  func.func @transform_3(%arg0: i32) -> (i32, i32) {
    %c0_i32 = arith.constant 0 : i32
    %c0_i32_0 = arith.constant 0 : i32
    return %arg0, %c0_i32 : i32, i32
  }
}

</mosaic_0001>

<sc_bundles>
// kernel: kernel.11.cloned.1.call-start
scs
__scs_entry_jumppad:
0x0: {  	(pc) =	sbr.rel $0x88, $3  }
0x1: {  	(tag) =	ssettag $0x0;
	lr =	simm.s32 $0x1  }
0x2: {  	[smem:$0x3F97] =	sst lr;
	_ =	strace $0xD0000000  }
0x3: {  	_ = 	snop  }
0x4: {  	_ = 	snop  }
0x5: {  	_ = 	snop  }
0x6: {  	_ = 	snop  }
0x7: {  	_ = 	snop  }
__scs_overlays_trampoline_lowered:
0x8: {  	[smem:$0x3FA6] =	sst s0  }
0x9: {  	[smem:$0x3FA7] =	sst s1  }
0xa: {  	[smem:$0x3FA8] =	sst s2  }
0xb: {  	[smem:$0x3FA9] =	sst s3  }
0xc: {  	[smem:$0x3FAA] =	sst s4  }
0xd: {  	[smem:$0x3FAB] =	sst s5  }
0xe: {  	[smem:$0x3FAC] =	sst s6  }
0xf: {  	[smem:$0x3FAD] =	sst s7  }
0x10: {  	[smem:$0x3FAE] =	sst s8  }
0x11: {  	[smem:$0x3FAF] =	sst s9;
	s0 =	simm.s32 @!p0 $0x0  }
0x12: {  	s1 =	sld [smem:$0x3F95];
	s0 =	simm.s32 @p0 $0x1  }
0x13: {  	[smem:$0x3FB0] =	sst s0;
	s0 =	simm.s32 @!p1 $0x0  }
0x14: {  	s2 =	sld [smem:$0x3F94];
	s0 =	simm.s32 @p1 $0x1  }
0x15: {  	[smem:$0x3FB1] =	sst s0;
	s0 =	simm.s32 @!p2 $0x0  }
0x16: {  	s3 =	sld [smem:$0x3FDB];
	s0 =	simm.s32 @p2 $0x1  }
0x17: {  	s4 =	simm.s32 $0x1BF5;
	[smem:$0x3FB3] =	sst s0  }
0x18: {  	s0 =	sld [smem:$0x3F96];
	_ =	swait.ge [sflag:s4], $0x0  }
0x19: {  	s7 =	sld [smem:$0x3F97]  }
0x1a: {  	s8 =	sadd.s32 $0xFFFFE003, lr  }
0x1b: {  	s9 =	sadd.s32 $0xFFFFFEF7, lr;
	s5 =	simm.s32 $0xFFFFFFFF;
	p2 =	slt.u32 s8, $0xFFFFF086  }
0x1c: {  	p1 =	slt.u32 s9, $0xF7A;
	s5 =	simm.s32 @!p2 $0x0  }
0x1d: {  	s5 =	simm.s32 @p1 $0x1;
	p0 =	seq.s32 s7, s2  }
0x1e: {  	s7 =	smul.u32 @!p0 $0xF7A, s2;
	p2 =	seq.s32 @!p0 s5, $0x0  }
0x1f: {  	s9 =	smul.u32 $0xF7A, s1;
	s8 =	simm.s32 @!p0 $0x1BF5;
	p2 =	por !p2, p0  }
0x20: {  	[sflag:s8] =	ssyncset.s32 @!p0 $0xFFFFF086;
	s6 =	sadd.s32 @!p0 s3, s7;
	s7 =	simm.s32 @!p0 $0x108  }
0x21: {  	s3 =	sadd.s32 s3, s9;
	s6 =	sadd.s32 @!p0 $0x88, s6;
	s7 =	simm.s32 @p2 $0x1082  }
0x22: {  	[simem:s7], [sflag:s8] =	dma.local @!p0 [hbm:s6], $0xF7A  }
0x23: {  	s9 =	sor.u32 $0xD0000000, s2;
	s6 =	simm.s32 $0x108;
	_ =	swait.ge @!p0 [sflag:s8], $0x0  }
0x24: {  	s3 =	sadd.s32 $0x88, s3;
	s6 =	simm.s32 @!p1 $0x1082;
	[sflag:s4] =	ssyncset.s32 $0xFFFFF086  }
0x25: {  	[simem:s6], [sflag:s4] =	dma.local [hbm:s3], $0xF7A  }
0x26: {  	[smem:$0x3F97] =	sst s1;
	(tag) =	ssettag s2;
	_ =	strace s9  }
0x27: {  	s1 =	sld [smem:$0x3FA7]  }
0x28: {  	s2 =	sld [smem:$0x3FA8]  }
0x29: {  	s4 =	sld [smem:$0x3FAA]  }
0x2a: {  	p0 =	seq.s32 s5, $0x0;
	s5 =	sld [smem:$0x3FAB]  }
0x2b: {  	s6 =	sld [smem:$0x3FAC]  }
0x2c: {  	s7 =	sld [smem:$0x3FAD]  }
0x2d: {  	s3 =	simm.s32 $0x108;
	s8 =	sld [smem:$0x3FAE]  }
0x2e: {  	s3 =	simm.s32 @!p0 $0x1082;
	s9 =	sld [smem:$0x3FAF]  }
0x2f: {  	lr =	sadd.s32 s0, s3;
	s0 =	sld [smem:$0x3FA6]  }
0x30: {  	s3 =	sld [smem:$0x3FA9]  }
0x31: {  	[smem:$0x3FB2] =	sst s10  }
0x32: {  	s10 =	sld [smem:$0x3FB0];
	_ =	sdelay $0x3  }
0x33: {  	p0 =	seq.s32 s10, $0x1;
	s10 =	sld [smem:$0x3FB2];
	_ =	sdelay $0x3  }
0x34: {  	[smem:$0x3FB2] =	sst s10  }
0x35: {  	s10 =	sld [smem:$0x3FB1];
	_ =	sdelay $0x3  }
0x36: {  	p1 =	seq.s32 s10, $0x1;
	s10 =	sld [smem:$0x3FB2];
	_ =	sdelay $0x3  }
0x37: {  	[smem:$0x3FB2] =	sst s10  }
0x38: {  	s10 =	sld [smem:$0x3FB3]  }
0x39: {  	_ = 	snop;
	(pc) =	sbr.ind lr, $3  }
0x3a: {  	_ = 	snop  }
0x3b: {  	_ = 	snop  }
0x3c: {  	p2 =	seq.s32 s10, $0x1;
	s10 =	sld [smem:$0x3FB2]  }
0x3d: {  	_ =	shalt  }
0x3e: {  	_ =	shalt  }
0x3f: {  	_ =	shalt  }
0x40: {  	_ =	shalt  }
0x41: {  	_ =	shalt  }
0x42: {  	_ =	shalt  }
0x43: {  	_ =	shalt  }
0x44: {  	_ =	shalt  }
0x45: {  	_ =	shalt  }
0x46: {  	_ =	shalt  }
0x47: {  	_ =	shalt  }
0x48: {  	_ =	shalt  }
0x49: {  	_ =	shalt  }
0x4a: {  	_ =	shalt  }
0x4b: {  	_ =	shalt  }
0x4c: {  	_ =	shalt  }
0x4d: {  	_ =	shalt  }
0x4e: {  	_ =	shalt  }
0x4f: {  	_ =	shalt  }
0x50: {  	_ =	shalt  }
0x51: {  	_ =	shalt  }
0x52: {  	_ =	shalt  }
0x53: {  	_ =	shalt  }
0x54: {  	_ =	shalt  }
0x55: {  	_ =	shalt  }
0x56: {  	_ =	shalt  }
0x57: {  	_ =	shalt  }
0x58: {  	_ =	shalt  }
0x59: {  	_ =	shalt  }
0x5a: {  	_ =	shalt  }
0x5b: {  	_ =	shalt  }
0x5c: {  	_ =	shalt  }
0x5d: {  	_ =	shalt  }
0x5e: {  	_ =	shalt  }
0x5f: {  	_ =	shalt  }
0x60: {  	_ =	shalt  }
0x61: {  	_ =	shalt  }
0x62: {  	_ =	shalt  }
0x63: {  	_ =	shalt  }
0x64: {  	_ =	shalt  }
0x65: {  	_ =	shalt  }
0x66: {  	_ =	shalt  }
0x67: {  	_ =	shalt  }
0x68: {  	_ =	shalt  }
0x69: {  	_ =	shalt  }
0x6a: {  	_ =	shalt  }
0x6b: {  	_ =	shalt  }
0x6c: {  	_ =	shalt  }
0x6d: {  	_ =	shalt  }
0x6e: {  	_ =	shalt  }
0x6f: {  	_ =	shalt  }
0x70: {  	_ =	shalt  }
0x71: {  	_ =	shalt  }
0x72: {  	_ =	shalt  }
0x73: {  	_ =	shalt  }
0x74: {  	_ =	shalt  }
0x75: {  	_ =	shalt  }
0x76: {  	_ =	shalt  }
0x77: {  	_ =	shalt  }
0x78: {  	_ =	shalt  }
0x79: {  	_ =	shalt  }
0x7a: {  	_ =	shalt  }
0x7b: {  	_ =	shalt  }
0x7c: {  	_ =	shalt  }
0x7d: {  	_ =	shalt  }
0x7e: {  	_ =	shalt  }
0x7f: {  	_ =	shalt  }
0x80: {  	_ =	shalt  }
0x81: {  	_ =	shalt  }
0x82: {  	_ =	shalt  }
0x83: {  	_ =	shalt  }
0x84: {  	_ =	shalt  }
0x85: {  	_ =	shalt  }
0x86: {  	_ =	shalt  }
0x87: {  	_ =	shalt  }
.Lfunc_end0:
.L_simem_size_0:
called_computation_lowered:
.L_overlay_start_0:
0x88: {  	s2 =	sld [smem:$0x3FD9]  }
0x89: {  	s3 =	sld [smem:$0x3FFE];
	_ =	sdelay $0x1  }
0x8a: {  	s1 =	srdreg.scid  }
0x8b: {  	s0 =	sand.u32 $0x1, s1  }
0x8c: {  	s14 =	sshll.u32 s0, $0xA;
	s2 =	sadd.s32 s3, s2  }
0x8d: {  	s2 =	sadd.s32 s2, s14  }
0x8e: {  	[smem:$0x3FBE] =	sst s2  }
0x8f: {  	_ = 	snop  }
0x90: {  	s2 =	sld [smem:$0x3FD0];
	_ =	sdelay $0x2  }
0x91: {  	s15 =	simm.s32 $0xB;
	s4 =	simm.s32 $0x10  }
0x92: {  	[smem:s4], [sflag:s15] =	dma.local [hbm:s2], $0x1  }
0x93: {  	_ =	swait.eq [sflag:s15], $0x1  }
0x94: {  	[sflag:s15] =	ssyncset.done $0x0  }
0x95: {  	s16 =	sld [smem:$0x10];
	[sflag:s15] =	ssyncadd.s32 $0xFFFFFFFF  }
0x96: {  	s17 =	sld [smem:$0x11];
	(tm) =	ssettm $0x1  }
0x97: {  	s18 =	sld [smem:$0x3FFB];
	_ =	sdelay $0x3  }
0x98: {  	_ =	strace s18  }
0x99: {  	s4 =	sld [smem:$0x3FFC];
	_ =	sdelay $0x3  }
0x9a: {  	_ =	strace s4  }
0x9b: {  	s4 =	sld [smem:$0x3FFD];
	_ =	sdelay $0x3  }
0x9c: {  	_ =	strace s4  }
0x9d: {  	_ =	strace $0x8FFFFFFF  }
0x9e: {  	s19 =	sld [smem:$0x3FDB];
	_ =	sdelay $0x1  }
0x9f: {  	s5 =	simm.s32 $_scs_section_size  }
0xa0: {  	s6 =	simm.s32 $_size__tile_overlayer_lowered;
	s7 =	simm.s32 $_tile_overlayer_lowered  }
0xa1: {  	s22 =	simm.s32 $0x1BFF;
	s21 =	sshll.u32 s7, $0x1;
	s4 =	sadd.s32 s5, s19  }
0xa2: {  	s8 =	simm.s32 $0x0;
	s20 =	sshll.u32 s6, $0x1;
	s6 =	sadd.s32 s21, s4  }
0xa3: {  	[timem:s8], [sflag:s22] =	dma.local [hbm:s6], s20  }
0xa4: {  	_ =	swait.ge [sflag:s22], s20  }
0xa5: {  	s5 =	ssub.s32 $0x0, s20;
	[sflag:s22] =	ssyncset.done $0x0  }
0xa6: {  	[sflag:s22] =	ssyncadd.s32 s5;
	_ =	sdelay $0x1  }
0xa7: {  	s23 =	simm.s32 $0x1B8B  }
0xa8: {  	_ =	swait.ge [sflag:s23], $0x1  }
0xa9: {  	[sflag:s23] =	ssyncset.done $0x0  }
0xaa: {  	s25 =	simm.s32 $0x1B8E;
	s24 =	sld [smem:$0x3FFE];
	[sflag:s23] =	ssyncadd.s32 $0xFFFFFFFF  }
0xab: {  	s26 =	simm.s32 $execute0_lowered;
	[smem:$0x3FD2] =	sst s25  }
0xac: {  	s6 =	sshll.u32 s26, $0x1;
	_ =	strace $0x80000046;
	[dreg:$0x1] =	wrdreg $0xFFFFFFFF  }
0xad: {  	s28 =	simm.s32 $_size_execute0_lowered;
	s4 =	sadd.s32 s4, s6;
	[dreg:$0x0] =	wrdreg $0x0  }
0xae: {  	s6 =	sshll.u32 s28, $0x1;
	[dreg:$0x2] =	wrdreg s4  }
0xaf: {  	[dreg:$0x3] =	wrdreg s6  }
0xb0: {  	[dreg:$0x4] =	wrdreg $0xC0  }
0xb1: {  	_ =	task [dreg:s8], $0x5FFFF  }
0xb2: {  	[dreg:$0x1] =	wrdreg $0xFFFFFFFF  }
0xb3: {  	[dreg:$0x0] =	wrdreg $0x60  }
0xb4: {  	[dreg:$0x2] =	wrdreg s17  }
0xb5: {  	[dreg:$0x3] =	wrdreg s24  }
0xb6: {  	[dreg:$0x4] =	wrdreg s16  }
0xb7: {  	[dreg:$0x5] =	wrdreg $0x30000  }
0xb8: {  	[dreg:$0x6] =	wrdreg $0x58000  }
0xb9: {  	[dreg:$0x7] =	wrdreg $0x9  }
0xba: {  	_ =	task.clear_ibuf [dreg:s8], $0x8FFFF;
	_ =	strace $0x90000046  }
0xbb: {  	s29 =	simm.s32 $0x9;
	_ =	strace $0x80000048  }
0xbc: {  	_ =	swait.ge [sflag:s29], $0x1  }
0xbd: {  	[sflag:s29] =	ssyncadd.s32 $0xFFFFFFFF  }
0xbe: {  	_ =	strace $0x90000048  }
0xbf: {  	_ =	sfence  }
0xc0: {  	s30 =	sld [smem:$0x0];
	_ =	sdelay $0x2  }
0xc1: {  	s31 =	sshll.u32 s1, $0xD;
	s1 =	sshrl.u32 s1, $0x2  }
0xc2: {  	s3 =	sand.u32 $0x4000, s31;
	s1 =	sadd.s32 s1, s30  }
0xc3: {  	s0 =	sor.u32 s3, s0;
	s1 =	sshll.u32 s1, $0x11  }
0xc4: {  	s0 =	sor.u32 s1, s0  }
0xc5: {  	s0 =	sadd.s32 $0x8F2B, s0  }
0xc6: {  	[sflag:s0] =	ssyncadd.remote.s32 $0x1  }
0xc7: {  	_ =	sfence.sel $0xFFFF  }
0xc8: {  	[dreg:$0x0] =	wrdreg $0xFFFFFFFF;
	(pc) =	sbr.abs _section_cstart, $3  }
0xc9: {  	[dreg:$0x1] =	wrdreg $0xFFFFFFFF  }
0xca: {  	_ =	task.clear_ibuf [dreg:s8], $0x2FFFF;
	_ =	strace $0x9FFFFFFF  }
0xcb: {  	(tm) =	ssettm $0x7FFFFFFF  }
tec
execute0_lowered:
.L_overlay_start_1:
0x0: {  	(tag) =	ssettag $0x1  }
0x1: {  	s5 =	rddreg [dreg:$0x0]  }
0x2: {  	s6 =	rddreg [dreg:$0x1]  }
0x3: {  	s15 =	rddreg [dreg:$0x2]  }
0x4: {  	s0 =	srdreg.scid;
	s2 =	rddreg [dreg:$0x3]  }
0x5: {  	s3 =	rddreg [dreg:$0x4];
	s1 =	stileid.u32;
	s20 =	simm.s32 $0x1  }
0x6: {  	s21 =	simm.s32 $0x1400;
	s22 =	simm.s32 $0x2800;
	s23 =	simm.s32 $0x80  }
0x7: {  	s24 =	simm.s32 $0x0;
	s9 =	sand.u32 $0x1, s0;
	s0 =	rddreg [dreg:$0x5]  }
0x8: {  	s16 =	smul.u32 $0x2800, s1;
	s4 =	sshll.u32 s9, $0x4;
	s8 =	ssub.s32 $0x2, s9  }
0x9: {  	s12 =	smul.u32 $0x50000, s9;
	s7 =	sor.u32 s1, s4;
	s4 =	simm.s32 $0x0  }
0xa: {  	s10 =	sshrl.u32 s8, $0x1;
	s31 =	sadd.s32 $0x800, s16;
	s13 =	sadd.s32 $0x1000, s16  }
0xb: {  	s14 =	sadd.s32 $0x1800, s16;
	s18 =	sadd.s32 $0x2000, s16;
	s7 =	smul.u32 $0x280, s7  }
0xc: {  	[smem:$0x7FF] =	sst s4;
	s19 =	ssub.s32 s8, s10;
	s8 =	sadd.s32 s16, s3  }
0xd: {  	s9 =	sadd.s32 s31, s2;
	s10 =	sadd.s32 s31, s3;
	s11 =	sadd.s32 s13, s2  }
0xe: {  	s17 =	sadd.s32 s16, s12;
	s12 =	sadd.s32 s13, s3;
	s13 =	sadd.s32 s14, s2  }
0xf: {  	s14 =	sadd.s32 s14, s3;
	_ =	strace $0x80000047;
	s17 =	sshrl.u32 s17, $0x3  }
0x10: {  	s19 =	smax.u32 s19, $0x1;
	s6 =	sadd.s32 s7, s6;
	s5 =	sadd.s32 s5, s7  }
0x11: {  	s7 =	sadd.s32 s16, s2;
	s15 =	sadd.s32 s15, s17;
	s16 =	sadd.s32 s18, s2  }
0x12: {  	v0 =	vimm.f32 $0.0e+00;
	v1 =	vimm.f32 $1.000000000e+00;
	s17 =	sadd.s32 s18, s3;
	s6 =	sadd.s32 $0x8C00, s6;
	s18 =	sadd.s32 $0x5000, s15  }
.LBB2_1:
0x13: {  	[tilespmem:s4], [sflag:$0x1] =	stream.linear.gather [hbm4b:s5+s4], $0x1400, $0x38;
	[tilespmem:$0x8000] =	vst v63  }
0x14: {  	_ =	swait.ge [sflag:s20], $0x1400  }
0x15: {  	[sflag:s20] =	ssyncset.done $0x0  }
0x16: {  	[sflag:s20] =	ssyncadd.s32 $0xFFFFEC00  }
0x17: {  	[tilespmem:s21], [sflag:$0x1] =	stream.linear.gather [hbm4b:s6+s4], $0x1400, $0x38;
	[tilespmem:$0x8000] =	vst v63  }
0x18: {  	_ =	swait.ge [sflag:s20], $0x1400  }
0x19: {  	[sflag:s20] =	ssyncset.done $0x0  }
0x1a: {  	s25 =	simm.s32 $0x40;
	s26 =	simm.s32 $0x0;
	[sflag:s20] =	ssyncadd.s32 $0xFFFFEC00  }
.LBB2_2:
0x1b: {  	p0 =	sne.s32 s25, $0x1FC0;
	[tilespmem:s26+$0x2800] =	vst v0;
	s26 =	smov.u32 s25;
	s25 =	sadd.s32 $0x40, s25  }
.Ltmp0:
0x1c: {  	(pc) =	sbr.rel @p0 .LBB2_2-.Ltmp0, $2  }
0x1d: {  	_ =	sdelay $0x2  }
0x1e: {  	s26 =	sshra.s32 s26, $0x2  }
0x1f: {  	[tilespmem:s26+$0x2800] =	vst v0  }
0x20: {  	[spmem:s7] =	stream.linear.scatter [tilespmem:s22], [sflag:$0x1], $0x800, $0x38;
	[tilespmem:$0x8000] =	vst v63  }
0x21: {  	_ =	swait.ge [sflag:s20], $0x800  }
0x22: {  	[sflag:s20] =	ssyncset.done $0x0  }
0x23: {  	[sflag:s20] =	ssyncadd.s32 $0xFFFFF800  }
0x24: {  	[spmem:s8] =	stream.linear.scatter [tilespmem:s22], [sflag:$0x1], $0x800, $0x38;
	[tilespmem:$0x8000] =	vst v63  }
0x25: {  	_ =	swait.ge [sflag:s20], $0x800  }
0x26: {  	[sflag:s20] =	ssyncset.done $0x0  }
0x27: {  	[sflag:s20] =	ssyncadd.s32 $0xFFFFF800  }
0x28: {  	[spmem:s9] =	stream.linear.scatter [tilespmem:s22], [sflag:$0x1], $0x800, $0x38;
	[tilespmem:$0x8000] =	vst v63  }
0x29: {  	_ =	swait.ge [sflag:s20], $0x800  }
0x2a: {  	[sflag:s20] =	ssyncset.done $0x0  }
0x2b: {  	[sflag:s20] =	ssyncadd.s32 $0xFFFFF800  }
0x2c: {  	[spmem:s10] =	stream.linear.scatter [tilespmem:s22], [sflag:$0x1], $0x800, $0x38;
	[tilespmem:$0x8000] =	vst v63  }
0x2d: {  	_ =	swait.ge [sflag:s20], $0x800  }
0x2e: {  	[sflag:s20] =	ssyncset.done $0x0  }
0x2f: {  	[sflag:s20] =	ssyncadd.s32 $0xFFFFF800  }
0x30: {  	[spmem:s11] =	stream.linear.scatter [tilespmem:s22], [sflag:$0x1], $0x800, $0x38;
	[tilespmem:$0x8000] =	vst v63  }
0x31: {  	_ =	swait.ge [sflag:s20], $0x800  }
0x32: {  	[sflag:s20] =	ssyncset.done $0x0  }
0x33: {  	[sflag:s20] =	ssyncadd.s32 $0xFFFFF800  }
0x34: {  	[spmem:s12] =	stream.linear.scatter [tilespmem:s22], [sflag:$0x1], $0x800, $0x38;
	[tilespmem:$0x8000] =	vst v63  }
0x35: {  	_ =	swait.ge [sflag:s20], $0x800  }
0x36: {  	[sflag:s20] =	ssyncset.done $0x0  }
0x37: {  	[sflag:s20] =	ssyncadd.s32 $0xFFFFF800  }
0x38: {  	[spmem:s13] =	stream.linear.scatter [tilespmem:s22], [sflag:$0x1], $0x800, $0x38;
	[tilespmem:$0x8000] =	vst v63  }
0x39: {  	_ =	swait.ge [sflag:s20], $0x800  }
0x3a: {  	[sflag:s20] =	ssyncset.done $0x0  }
0x3b: {  	[sflag:s20] =	ssyncadd.s32 $0xFFFFF800  }
0x3c: {  	[spmem:s14] =	stream.linear.scatter [tilespmem:s22], [sflag:$0x1], $0x800, $0x38;
	[tilespmem:$0x8000] =	vst v63  }
0x3d: {  	_ =	swait.ge [sflag:s20], $0x800  }
0x3e: {  	[sflag:s20] =	ssyncset.done $0x0  }
0x3f: {  	[sflag:s20] =	ssyncadd.s32 $0xFFFFF800  }
0x40: {  	[spmem:s16] =	stream.linear.scatter [tilespmem:s22], [sflag:$0x1], $0x800, $0x38;
	[tilespmem:$0x8000] =	vst v63  }
0x41: {  	_ =	swait.ge [sflag:s20], $0x800  }
0x42: {  	[sflag:s20] =	ssyncset.done $0x0  }
0x43: {  	[sflag:s20] =	ssyncadd.s32 $0xFFFFF800  }
0x44: {  	[spmem:s17] =	stream.linear.scatter [tilespmem:s22], [sflag:$0x1], $0x800, $0x38;
	[tilespmem:$0x8000] =	vst v63  }
0x45: {  	_ =	swait.ge [sflag:s20], $0x800  }
0x46: {  	[sflag:s20] =	ssyncset.done $0x0  }
0x47: {  	s25 =	simm.s32 $0x40;
	s26 =	simm.s32 $0x0;
	[sflag:s20] =	ssyncadd.s32 $0xFFFFF800  }
.LBB2_4:
0x48: {  	p0 =	sne.s32 s25, $0x1FC0;
	[tilespmem:s26+$0x2800] =	vst v1;
	s26 =	smov.u32 s25;
	s25 =	sadd.s32 $0x40, s25  }
.Ltmp1:
0x49: {  	(pc) =	sbr.rel @p0 .LBB2_4-.Ltmp1, $2  }
0x4a: {  	_ =	sdelay $0x2  }
0x4b: {  	s26 =	sshra.s32 s26, $0x2  }
0x4c: {  	[tilespmem:s26+$0x2800] =	vst v1  }
0x4d: {  	s25 =	simm.s32 $0x0;
	[bflag:$0x0] =	sbarrier.arrive $0xFFFF  }
0x4e: {  	[spmem:s2] =	stream.indirect.scatter.add.f32 [tilespmem:s22], [sflag:$0x1], $0x10, s25, s23, $0xb8;
	[tilespmem:$0x8000] =	vst v63  }
0x4f: {  	_ =	swait.ge [sflag:s20], $0x800  }
0x50: {  	[sflag:s20] =	ssyncset.done $0x0  }
0x51: {  	s31 =	simm.s32 $0x1400;
	[sflag:s20] =	ssyncadd.s32 $0xFFFFF800  }
0x52: {  	[spmem:s3] =	stream.indirect.scatter.add.f32 [tilespmem:s22], [sflag:$0x1], $0x10, s31, s23, $0xb8;
	[tilespmem:$0x8000] =	vst v63  }
0x53: {  	_ =	swait.ge [sflag:s20], $0x800  }
0x54: {  	s26 =	simm.s32 $0x400;
	s25 =	simm.s32 $0x200;
	[sflag:s20] =	ssyncset.done $0x0  }
.LBB2_6:
0x55: {  	s28 =	sshra.s32 s25, $0x2  }
0x56: {  	[sflag:s20] =	ssyncadd.s32 $0xFFFFF800;
	s25 =	smov.u32 s26;
	s29 =	sadd.s32 $0x200, s26  }
0x57: {  	[spmem:s2] =	stream.indirect.scatter.add.f32 [tilespmem:s22], [sflag:$0x1], $0x10, s28, s23, $0xb8;
	[tilespmem:$0x8000] =	vst v63  }
0x58: {  	p0 =	sne.s32 s26, $0x4E00;
	_ =	swait.ge [sflag:s20], $0x800  }
.Ltmp2:
0x59: {  	[sflag:s20] =	ssyncset.done $0x0;
	(pc) =	sbr.rel @p0 .LBB2_6-.Ltmp2, $4  }
0x5a: {  	s26 =	sadd.s32 $0x1400, s28;
	[sflag:s20] =	ssyncadd.s32 $0xFFFFF800  }
0x5b: {  	[spmem:s3] =	stream.indirect.scatter.add.f32 [tilespmem:s22], [sflag:$0x1], $0x10, s26, s23, $0xb8;
	[tilespmem:$0x8000] =	vst v63  }
0x5c: {  	_ =	swait.ge [sflag:s20], $0x800  }
0x5d: {  	s26 =	smov.u32 s29;
	[sflag:s20] =	ssyncset.done $0x0  }
0x5e: {  	s25 =	sshra.s32 s25, $0x2;
	[sflag:s20] =	ssyncadd.s32 $0xFFFFF800  }
0x5f: {  	[spmem:s2] =	stream.indirect.scatter.add.f32 [tilespmem:s22], [sflag:$0x1], $0x10, s25, s23, $0xb8;
	[tilespmem:$0x8000] =	vst v63  }
0x60: {  	_ =	swait.ge [sflag:s20], $0x800  }
0x61: {  	[sflag:s20] =	ssyncset.done $0x0  }
0x62: {  	s25 =	sadd.s32 $0x1400, s25;
	[sflag:s20] =	ssyncadd.s32 $0xFFFFF800  }
0x63: {  	[spmem:s3] =	stream.indirect.scatter.add.f32 [tilespmem:s22], [sflag:$0x1], $0x10, s25, s23, $0xb8;
	[tilespmem:$0x8000] =	vst v63  }
0x64: {  	_ =	swait.ge [sflag:s20], $0x800  }
0x65: {  	[sflag:s20] =	ssyncset.done $0x0  }
0x66: {  	s30 =	sshll.u32 s1, $0x6;
	[sflag:s20] =	ssyncadd.s32 $0xFFFFF800  }
0x67: {  	s26 =	sshrl.u32 s7, $0x3;
	s25 =	sor.u32 $0x1C01, s30;
	[bflag:$0x0] =	sbarrier.arrive $0xFFFF  }
0x68: {  	[hbm:s15], [sflag:s25] =	dma.local [spmem:s26], $0x500  }
0x69: {  	s24 =	sadd.s32 $0x1, s24;
	_ =	swait.ge [sflag:s20], $0x500  }
0x6a: {  	p0 =	sne.s32 s24, s19;
	[sflag:s20] =	ssyncset.done $0x0  }
.Ltmp3:
0x6b: {  	s31 =	sshrl.u32 s8, $0x3;
	[sflag:s20] =	ssyncadd.s32 $0xFFFFFB00;
	(pc) =	sbr.rel @p0 .LBB2_1-.Ltmp3, $4  }
0x6c: {  	[hbm:s18], [sflag:s25] =	dma.local [spmem:s31], $0x500  }
0x6d: {  	_ =	swait.ge [sflag:s20], $0x500  }
0x6e: {  	[sflag:s20] =	ssyncset.done $0x0  }
0x6f: {  	[sflag:s20] =	ssyncadd.s32 $0xFFFFFB00  }
0x70: {  	_ =	sfence.sel $0x180000  }
0x71: {  	[bflag:$0x0] =	sbarrier.arrive $0xFFFF  }
0x72: {  	p0 =	sne.s32 s1, $0x0;
	_ =	strace $0x90000047  }
0x73: {  	s0 =	sadd.s32 @!p0 $0x100000, s0;
	[bflag:$0x2] =	sbarrier.arrive $0xFFFF  }
0x74: {  	[sflag:s0] =	ssyncadd.tile.s32 @!p0 $0x1;
	_ =	shalt  }
.Lfunc_end2:
_tile_overlayer_lowered:
.L_overlay_start_2:
0x75: {  	(tag) =	ssettag $0x2  }
0x76: {  	s0 =	rddreg [dreg:$0x0];
	s2 =	stileid.u32  }
0x77: {  	s1 =	rddreg [dreg:$0x1];
	p0 =	sne.s32 s2, $0x0  }
0x78: {  	s3 =	rddreg [dreg:$0x2];
	[bflag:$0x3] =	sbarrier.arrive $0xFFFF;
	s2 =	simm.s32 @!p0 $0x1C01  }
0x79: {  	[timem:s3], [sflag:s2] =	dma.local @!p0 [hbm:s0], s1  }
0x7a: {  	s0 =	simm.s32 @!p0 $0x1  }
0x7b: {  	_ =	swait.ge @!p0 [sflag:s0], s1  }
0x7c: {  	s1 =	ssub.s32 @!p0 $0x0, s1;
	[sflag:s0] =	ssyncset.done @!p0 $0x0  }
0x7d: {  	[sflag:s0] =	ssyncadd.s32 @!p0 s1  }
0x7e: {  	[bflag:$0x3] =	sbarrier.arrive $0xFFFF  }
0x7f: {  	_ =	shalt  }

// kernel: kernel.14.cloned.1.call-start
scs
__scs_entry_jumppad:
0x0: {  	(pc) =	sbr.rel $0x88, $3  }
0x1: {  	(tag) =	ssettag $0x0;
	lr =	simm.s32 $0x1  }
0x2: {  	[smem:$0x3F97] =	sst lr;
	_ =	strace $0xD0000000  }
0x3: {  	_ = 	snop  }
0x4: {  	_ = 	snop  }
0x5: {  	_ = 	snop  }
0x6: {  	_ = 	snop  }
0x7: {  	_ = 	snop  }
__scs_overlays_trampoline_lowered:
0x8: {  	[smem:$0x3FA6] =	sst s0  }
0x9: {  	[smem:$0x3FA7] =	sst s1  }
0xa: {  	[smem:$0x3FA8] =	sst s2  }
0xb: {  	[smem:$0x3FA9] =	sst s3  }
0xc: {  	[smem:$0x3FAA] =	sst s4  }
0xd: {  	[smem:$0x3FAB] =	sst s5  }
0xe: {  	[smem:$0x3FAC] =	sst s6  }
0xf: {  	[smem:$0x3FAD] =	sst s7  }
0x10: {  	[smem:$0x3FAE] =	sst s8  }
0x11: {  	[smem:$0x3FAF] =	sst s9;
	s0 =	simm.s32 @!p0 $0x0  }
0x12: {  	s1 =	sld [smem:$0x3F95];
	s0 =	simm.s32 @p0 $0x1  }
0x13: {  	[smem:$0x3FB0] =	sst s0;
	s0 =	simm.s32 @!p1 $0x0  }
0x14: {  	s2 =	sld [smem:$0x3F94];
	s0 =	simm.s32 @p1 $0x1  }
0x15: {  	[smem:$0x3FB1] =	sst s0;
	s0 =	simm.s32 @!p2 $0x0  }
0x16: {  	s3 =	sld [smem:$0x3FDB];
	s0 =	simm.s32 @p2 $0x1  }
0x17: {  	s4 =	simm.s32 $0x1BF5;
	[smem:$0x3FB3] =	sst s0  }
0x18: {  	s0 =	sld [smem:$0x3F96];
	_ =	swait.ge [sflag:s4], $0x0  }
0x19: {  	s7 =	sld [smem:$0x3F97]  }
0x1a: {  	s8 =	sadd.s32 $0xFFFFE003, lr  }
0x1b: {  	s9 =	sadd.s32 $0xFFFFFEF7, lr;
	s5 =	simm.s32 $0xFFFFFFFF;
	p2 =	slt.u32 s8, $0xFFFFF086  }
0x1c: {  	p1 =	slt.u32 s9, $0xF7A;
	s5 =	simm.s32 @!p2 $0x0  }
0x1d: {  	s5 =	simm.s32 @p1 $0x1;
	p0 =	seq.s32 s7, s2  }
0x1e: {  	s7 =	smul.u32 @!p0 $0xF7A, s2;
	p2 =	seq.s32 @!p0 s5, $0x0  }
0x1f: {  	s9 =	smul.u32 $0xF7A, s1;
	s8 =	simm.s32 @!p0 $0x1BF5;
	p2 =	por !p2, p0  }
0x20: {  	[sflag:s8] =	ssyncset.s32 @!p0 $0xFFFFF086;
	s6 =	sadd.s32 @!p0 s3, s7;
	s7 =	simm.s32 @!p0 $0x108  }
0x21: {  	s3 =	sadd.s32 s3, s9;
	s6 =	sadd.s32 @!p0 $0x88, s6;
	s7 =	simm.s32 @p2 $0x1082  }
0x22: {  	[simem:s7], [sflag:s8] =	dma.local @!p0 [hbm:s6], $0xF7A  }
0x23: {  	s9 =	sor.u32 $0xD0000000, s2;
	s6 =	simm.s32 $0x108;
	_ =	swait.ge @!p0 [sflag:s8], $0x0  }
0x24: {  	s3 =	sadd.s32 $0x88, s3;
	s6 =	simm.s32 @!p1 $0x1082;
	[sflag:s4] =	ssyncset.s32 $0xFFFFF086  }
0x25: {  	[simem:s6], [sflag:s4] =	dma.local [hbm:s3], $0xF7A  }
0x26: {  	[smem:$0x3F97] =	sst s1;
	(tag) =	ssettag s2;
	_ =	strace s9  }
0x27: {  	s1 =	sld [smem:$0x3FA7]  }
0x28: {  	s2 =	sld [smem:$0x3FA8]  }
0x29: {  	s4 =	sld [smem:$0x3FAA]  }
0x2a: {  	p0 =	seq.s32 s5, $0x0;
	s5 =	sld [smem:$0x3FAB]  }
0x2b: {  	s6 =	sld [smem:$0x3FAC]  }
0x2c: {  	s7 =	sld [smem:$0x3FAD]  }
0x2d: {  	s3 =	simm.s32 $0x108;
	s8 =	sld [smem:$0x3FAE]  }
0x2e: {  	s3 =	simm.s32 @!p0 $0x1082;
	s9 =	sld [smem:$0x3FAF]  }
0x2f: {  	lr =	sadd.s32 s0, s3;
	s0 =	sld [smem:$0x3FA6]  }
0x30: {  	s3 =	sld [smem:$0x3FA9]  }
0x31: {  	[smem:$0x3FB2] =	sst s10  }
0x32: {  	s10 =	sld [smem:$0x3FB0];
	_ =	sdelay $0x3  }
0x33: {  	p0 =	seq.s32 s10, $0x1;
	s10 =	sld [smem:$0x3FB2];
	_ =	sdelay $0x3  }
0x34: {  	[smem:$0x3FB2] =	sst s10  }
0x35: {  	s10 =	sld [smem:$0x3FB1];
	_ =	sdelay $0x3  }
0x36: {  	p1 =	seq.s32 s10, $0x1;
	s10 =	sld [smem:$0x3FB2];
	_ =	sdelay $0x3  }
0x37: {  	[smem:$0x3FB2] =	sst s10  }
0x38: {  	s10 =	sld [smem:$0x3FB3]  }
0x39: {  	_ = 	snop;
	(pc) =	sbr.ind lr, $3  }
0x3a: {  	_ = 	snop  }
0x3b: {  	_ = 	snop  }
0x3c: {  	p2 =	seq.s32 s10, $0x1;
	s10 =	sld [smem:$0x3FB2]  }
0x3d: {  	_ =	shalt  }
0x3e: {  	_ =	shalt  }
0x3f: {  	_ =	shalt  }
0x40: {  	_ =	shalt  }
0x41: {  	_ =	shalt  }
0x42: {  	_ =	shalt  }
0x43: {  	_ =	shalt  }
0x44: {  	_ =	shalt  }
0x45: {  	_ =	shalt  }
0x46: {  	_ =	shalt  }
0x47: {  	_ =	shalt  }
0x48: {  	_ =	shalt  }
0x49: {  	_ =	shalt  }
0x4a: {  	_ =	shalt  }
0x4b: {  	_ =	shalt  }
0x4c: {  	_ =	shalt  }
0x4d: {  	_ =	shalt  }
0x4e: {  	_ =	shalt  }
0x4f: {  	_ =	shalt  }
0x50: {  	_ =	shalt  }
0x51: {  	_ =	shalt  }
0x52: {  	_ =	shalt  }
0x53: {  	_ =	shalt  }
0x54: {  	_ =	shalt  }
0x55: {  	_ =	shalt  }
0x56: {  	_ =	shalt  }
0x57: {  	_ =	shalt  }
0x58: {  	_ =	shalt  }
0x59: {  	_ =	shalt  }
0x5a: {  	_ =	shalt  }
0x5b: {  	_ =	shalt  }
0x5c: {  	_ =	shalt  }
0x5d: {  	_ =	shalt  }
0x5e: {  	_ =	shalt  }
0x5f: {  	_ =	shalt  }
0x60: {  	_ =	shalt  }
0x61: {  	_ =	shalt  }
0x62: {  	_ =	shalt  }
0x63: {  	_ =	shalt  }
0x64: {  	_ =	shalt  }
0x65: {  	_ =	shalt  }
0x66: {  	_ =	shalt  }
0x67: {  	_ =	shalt  }
0x68: {  	_ =	shalt  }
0x69: {  	_ =	shalt  }
0x6a: {  	_ =	shalt  }
0x6b: {  	_ =	shalt  }
0x6c: {  	_ =	shalt  }
0x6d: {  	_ =	shalt  }
0x6e: {  	_ =	shalt  }
0x6f: {  	_ =	shalt  }
0x70: {  	_ =	shalt  }
0x71: {  	_ =	shalt  }
0x72: {  	_ =	shalt  }
0x73: {  	_ =	shalt  }
0x74: {  	_ =	shalt  }
0x75: {  	_ =	shalt  }
0x76: {  	_ =	shalt  }
0x77: {  	_ =	shalt  }
0x78: {  	_ =	shalt  }
0x79: {  	_ =	shalt  }
0x7a: {  	_ =	shalt  }
0x7b: {  	_ =	shalt  }
0x7c: {  	_ =	shalt  }
0x7d: {  	_ =	shalt  }
0x7e: {  	_ =	shalt  }
0x7f: {  	_ =	shalt  }
0x80: {  	_ =	shalt  }
0x81: {  	_ =	shalt  }
0x82: {  	_ =	shalt  }
0x83: {  	_ =	shalt  }
0x84: {  	_ =	shalt  }
0x85: {  	_ =	shalt  }
0x86: {  	_ =	shalt  }
0x87: {  	_ =	shalt  }
.Lfunc_end0:
.L_simem_size_0:
called_computation.1_lowered:
.L_overlay_start_0:
0x88: {  	s2 =	sld [smem:$0x3FD9]  }
0x89: {  	s3 =	sld [smem:$0x3FFE];
	_ =	sdelay $0x1  }
0x8a: {  	s1 =	srdreg.scid  }
0x8b: {  	s0 =	sand.u32 $0x1, s1  }
0x8c: {  	s14 =	sshll.u32 s0, $0xA;
	s2 =	sadd.s32 s3, s2  }
0x8d: {  	s2 =	sadd.s32 s2, s14  }
0x8e: {  	[smem:$0x3FBE] =	sst s2  }
0x8f: {  	_ = 	snop  }
0x90: {  	s2 =	sld [smem:$0x3FD0];
	_ =	sdelay $0x2  }
0x91: {  	s15 =	simm.s32 $0xB;
	s4 =	simm.s32 $0x10  }
0x92: {  	[smem:s4], [sflag:s15] =	dma.local [hbm:s2], $0x1  }
0x93: {  	_ =	swait.eq [sflag:s15], $0x1  }
0x94: {  	[sflag:s15] =	ssyncset.done $0x0  }
0x95: {  	[sflag:s15] =	ssyncadd.s32 $0xFFFFFFFF  }
0x96: {  	s16 =	sld [smem:$0x10];
	(tm) =	ssettm $0x1  }
0x97: {  	s17 =	sld [smem:$0x3FFB];
	_ =	sdelay $0x3  }
0x98: {  	_ =	strace s17  }
0x99: {  	s3 =	sld [smem:$0x3FFC];
	_ =	sdelay $0x3  }
0x9a: {  	_ =	strace s3  }
0x9b: {  	s3 =	sld [smem:$0x3FFD];
	_ =	sdelay $0x3  }
0x9c: {  	_ =	strace s3  }
0x9d: {  	_ =	strace $0x8FFFFFFF  }
0x9e: {  	s18 =	sld [smem:$0x3FDB];
	_ =	sdelay $0x1  }
0x9f: {  	s19 =	simm.s32 $_scs_section_size  }
0xa0: {  	s5 =	simm.s32 $_size__tile_overlayer_lowered;
	s6 =	simm.s32 $_tile_overlayer_lowered  }
0xa1: {  	s22 =	simm.s32 $0x1BFF;
	s21 =	sshll.u32 s6, $0x1;
	s3 =	sadd.s32 s19, s18  }
0xa2: {  	s7 =	simm.s32 $0x0;
	s20 =	sshll.u32 s5, $0x1;
	s5 =	sadd.s32 s21, s3  }
0xa3: {  	[timem:s7], [sflag:s22] =	dma.local [hbm:s5], s20  }
0xa4: {  	_ =	swait.ge [sflag:s22], s20  }
0xa5: {  	s4 =	ssub.s32 $0x0, s20;
	[sflag:s22] =	ssyncset.done $0x0  }
0xa6: {  	[sflag:s22] =	ssyncadd.s32 s4;
	_ =	sdelay $0x1  }
0xa7: {  	s23 =	simm.s32 $0x1B8B  }
0xa8: {  	_ =	swait.ge [sflag:s23], $0x1  }
0xa9: {  	[sflag:s23] =	ssyncset.done $0x0  }
0xaa: {  	s25 =	simm.s32 $0x1B8E;
	s24 =	sld [smem:$0x3FFE];
	[sflag:s23] =	ssyncadd.s32 $0xFFFFFFFF  }
0xab: {  	s26 =	simm.s32 $execute0_lowered;
	[smem:$0x3FD2] =	sst s25  }
0xac: {  	s5 =	sshll.u32 s26, $0x1;
	_ =	strace $0x80000049;
	[dreg:$0x1] =	wrdreg $0xFFFFFFFF  }
0xad: {  	s28 =	simm.s32 $_size_execute0_lowered;
	s3 =	sadd.s32 s3, s5;
	[dreg:$0x0] =	wrdreg $0x0  }
0xae: {  	s5 =	sshll.u32 s28, $0x1;
	[dreg:$0x2] =	wrdreg s3  }
0xaf: {  	[dreg:$0x3] =	wrdreg s5  }
0xb0: {  	[dreg:$0x4] =	wrdreg $0xC0  }
0xb1: {  	_ =	task [dreg:s7], $0x5FFFF  }
0xb2: {  	[dreg:$0x1] =	wrdreg $0xFFFFFFFF  }
0xb3: {  	[dreg:$0x0] =	wrdreg $0x60  }
0xb4: {  	[dreg:$0x2] =	wrdreg s16  }
0xb5: {  	[dreg:$0x3] =	wrdreg s24  }
0xb6: {  	[dreg:$0x4] =	wrdreg $0xA8000  }
0xb7: {  	[dreg:$0x5] =	wrdreg $0x9  }
0xb8: {  	_ =	task.clear_ibuf [dreg:s7], $0x6FFFF;
	_ =	strace $0x90000049  }
0xb9: {  	s29 =	simm.s32 $0x9;
	_ =	strace $0x8000004B  }
0xba: {  	_ =	swait.ge [sflag:s29], $0x1  }
0xbb: {  	[sflag:s29] =	ssyncadd.s32 $0xFFFFFFFF  }
0xbc: {  	_ =	strace $0x9000004B  }
0xbd: {  	_ =	sfence  }
0xbe: {  	s30 =	sld [smem:$0x0];
	_ =	sdelay $0x2  }
0xbf: {  	s31 =	sshll.u32 s1, $0xD;
	s1 =	sshrl.u32 s1, $0x2  }
0xc0: {  	s3 =	sand.u32 $0x4000, s31;
	s1 =	sadd.s32 s1, s30  }
0xc1: {  	s0 =	sor.u32 s3, s0;
	s1 =	sshll.u32 s1, $0x11  }
0xc2: {  	s0 =	sor.u32 s1, s0  }
0xc3: {  	s0 =	sadd.s32 $0x8F2B, s0  }
0xc4: {  	[sflag:s0] =	ssyncadd.remote.s32 $0x1  }
0xc5: {  	_ =	sfence.sel $0xFFFF  }
0xc6: {  	[dreg:$0x0] =	wrdreg $0xFFFFFFFF;
	(pc) =	sbr.abs _section_cstart, $3  }
0xc7: {  	[dreg:$0x1] =	wrdreg $0xFFFFFFFF  }
0xc8: {  	_ =	task.clear_ibuf [dreg:s7], $0x2FFFF;
	_ =	strace $0x9FFFFFFF  }
0xc9: {  	(tm) =	ssettm $0x7FFFFFFF  }
tec
execute0_lowered:
.L_overlay_start_1:
0x0: {  	(tag) =	ssettag $0x1  }
0x1: {  	s1 =	rddreg [dreg:$0x0]  }
0x2: {  	s6 =	rddreg [dreg:$0x1]  }
0x3: {  	s0 =	srdreg.scid;
	s3 =	rddreg [dreg:$0x2]  }
0x4: {  	s4 =	simm.s32 $0x0;
	s14 =	simm.s32 $0x5;
	s15 =	simm.s32 $0x1400  }
0x5: {  	s16 =	simm.s32 $0x2800;
	s17 =	simm.s32 $0x80;
	s18 =	simm.s32 $0x6800  }
0x6: {  	s19 =	simm.s32 $0x1;
	s20 =	simm.s32 $0x2;
	s5 =	sand.u32 $0x1, s0  }
0x7: {  	s21 =	simm.s32 $0x3;
	s0 =	stileid.u32;
	s8 =	smul.u32 $0x140000, s5  }
0x8: {  	s22 =	simm.s32 $0x4;
	s25 =	simm.s32 $0x0;
	s9 =	smul.u32 $0x14000, s0  }
0x9: {  	[smem:$0x7FF] =	sst s4;
	s2 =	sshll.u32 s5, $0x4;
	s10 =	smul.u32 $0x50000, s0  }
0xa: {  	s5 =	ssub.s32 $0x2, s5;
	s23 =	sshll.u32 s0, $0x6;
	s2 =	sor.u32 s0, s2  }
0xb: {  	s31 =	sshrl.u32 s5, $0x1;
	s23 =	sor.u32 $0x1C05, s23;
	s7 =	smul.u32 $0x280, s2  }
0xc: {  	s2 =	rddreg [dreg:$0x3];
	_ =	strace $0x8000004A;
	s8 =	sadd.s32 s9, s8  }
0xd: {  	s10 =	sshrl.u32 s10, $0x2;
	s13 =	ssub.s32 s5, s31;
	s8 =	sshrl.u32 s8, $0x3  }
0xe: {  	s5 =	sadd.s32 s10, s3;
	s13 =	smax.u32 s13, $0x1;
	s7 =	sadd.s32 s7, s6  }
0xf: {  	s12 =	sadd.s32 s8, s6;
	s8 =	sadd.s32 $0x4000, s5;
	s9 =	sadd.s32 $0x8000, s5  }
0x10: {  	s10 =	sadd.s32 $0xC000, s5;
	s11 =	sadd.s32 $0x10000, s5;
	s24 =	sshrl.u32 s5, $0x3  }
0x11: {  	v0 =	vimm.f32 $0.0e+00;
	s6 =	sadd.s32 $0x3C00, s7;
	s7 =	sadd.s32 $0x8C00, s7;
	s12 =	sadd.s32 $0xDC00, s12  }
.LBB2_1:
0x12: {  	[tilespmem:s4], [sflag:$0x5] =	stream.linear.gather [hbm4b:s6+s4], $0x1400, $0x38;
	[tilespmem:$0x1E800] =	vst v63  }
0x13: {  	_ =	swait.ge [sflag:s14], $0x1400  }
0x14: {  	[sflag:s14] =	ssyncset.done $0x0  }
0x15: {  	[sflag:s14] =	ssyncadd.s32 $0xFFFFEC00  }
0x16: {  	[tilespmem:s15], [sflag:$0x5] =	stream.linear.gather [hbm4b:s7+s4], $0x1400, $0x38;
	[tilespmem:$0x1E800] =	vst v63  }
0x17: {  	_ =	swait.ge [sflag:s14], $0x1400  }
0x18: {  	[sflag:s14] =	ssyncset.done $0x0  }
0x19: {  	s26 =	simm.s32 $0x0;
	s28 =	simm.s32 $0x200;
	[sflag:s14] =	ssyncadd.s32 $0xFFFFEC00  }
.LBB2_2:
0x1a: {  	p0 =	sne.s32 s28, $0xFE00;
	[tilespmem:s26+$0x2870] =	vst v0  }
0x1b: {  	[tilespmem:s26+$0x2800] =	vst v0  }
0x1c: {  	[tilespmem:s26+$0x2810] =	vst v0  }
.Ltmp0:
0x1d: {  	[tilespmem:s26+$0x2820] =	vst v0;
	(pc) =	sbr.rel @p0 .LBB2_2-.Ltmp0, $4  }
0x1e: {  	[tilespmem:s26+$0x2830] =	vst v0  }
0x1f: {  	[tilespmem:s26+$0x2840] =	vst v0  }
0x20: {  	[tilespmem:s26+$0x2850] =	vst v0  }
0x21: {  	[tilespmem:s26+$0x2860] =	vst v0;
	s26 =	sshra.s32 s28, $0x2;
	s28 =	sadd.s32 $0x200, s28  }
0x22: {  	[tilespmem:s26+$0x2870] =	vst v0  }
0x23: {  	[tilespmem:s26+$0x2800] =	vst v0  }
0x24: {  	[tilespmem:s26+$0x2810] =	vst v0  }
0x25: {  	[tilespmem:s26+$0x2820] =	vst v0  }
0x26: {  	[tilespmem:s26+$0x2830] =	vst v0  }
0x27: {  	[tilespmem:s26+$0x2840] =	vst v0  }
0x28: {  	[tilespmem:s26+$0x2850] =	vst v0  }
0x29: {  	[tilespmem:s26+$0x2860] =	vst v0  }
0x2a: {  	[spmem:s5] =	stream.linear.scatter [tilespmem:s16], [sflag:$0x5], $0x4000, $0x38;
	[tilespmem:$0x1E800] =	vst v63  }
0x2b: {  	_ =	swait.ge [sflag:s14], $0x4000  }
0x2c: {  	[sflag:s14] =	ssyncset.done $0x0  }
0x2d: {  	[sflag:s14] =	ssyncadd.s32 $0xFFFFC000  }
0x2e: {  	[spmem:s8] =	stream.linear.scatter [tilespmem:s16], [sflag:$0x5], $0x4000, $0x38;
	[tilespmem:$0x1E800] =	vst v63  }
0x2f: {  	_ =	swait.ge [sflag:s14], $0x4000  }
0x30: {  	[sflag:s14] =	ssyncset.done $0x0  }
0x31: {  	[sflag:s14] =	ssyncadd.s32 $0xFFFFC000  }
0x32: {  	[spmem:s9] =	stream.linear.scatter [tilespmem:s16], [sflag:$0x5], $0x4000, $0x38;
	[tilespmem:$0x1E800] =	vst v63  }
0x33: {  	_ =	swait.ge [sflag:s14], $0x4000  }
0x34: {  	[sflag:s14] =	ssyncset.done $0x0  }
0x35: {  	[sflag:s14] =	ssyncadd.s32 $0xFFFFC000  }
0x36: {  	[spmem:s10] =	stream.linear.scatter [tilespmem:s16], [sflag:$0x5], $0x4000, $0x38;
	[tilespmem:$0x1E800] =	vst v63  }
0x37: {  	_ =	swait.ge [sflag:s14], $0x4000  }
0x38: {  	[sflag:s14] =	ssyncset.done $0x0  }
0x39: {  	[sflag:s14] =	ssyncadd.s32 $0xFFFFC000  }
0x3a: {  	[spmem:s11] =	stream.linear.scatter [tilespmem:s16], [sflag:$0x5], $0x4000, $0x38;
	[tilespmem:$0x1E800] =	vst v63  }
0x3b: {  	_ =	swait.ge [sflag:s14], $0x4000  }
0x3c: {  	[sflag:s14] =	ssyncset.done $0x0  }
0x3d: {  	[sflag:s14] =	ssyncadd.s32 $0xFFFFC000  }
0x3e: {  	s31 =	simm.s32 $0x0;
	[bflag:$0x0] =	sbarrier.arrive $0xFFFF  }
0x3f: {  	[tilespmem:s16], [sflag:$0x1] =	stream.indirect.gather [hbm4b:s1+s17], $0x80, s31, s17, $0xb8;
	[tilespmem:$0x1E800] =	vst v63  }
0x40: {  	s29 =	simm.s32 $0x80  }
0x41: {  	[tilespmem:s18], [sflag:$0x2] =	stream.indirect.gather [hbm4b:s1+s17], $0x80, s29, s17, $0xb8;
	[tilespmem:$0x1E800] =	vst v63  }
0x42: {  	_ =	swait.ge [sflag:s19], $0x4000  }
0x43: {  	[sflag:s19] =	ssyncset.done $0x0  }
0x44: {  	s30 =	simm.s32 $0x1400;
	[sflag:s19] =	ssyncadd.s32 $0xFFFFC000  }
0x45: {  	[spmem:s3] =	stream.indirect.scatter.add.f32 [tilespmem:s16], [sflag:$0x3], $0x80, s30, s17, $0xb8;
	[tilespmem:$0x1E800] =	vst v63  }
0x46: {  	_ =	swait.ge [sflag:s20], $0x4000  }
0x47: {  	[sflag:s20] =	ssyncset.done $0x0  }
0x48: {  	s31 =	simm.s32 $0x1480;
	[sflag:s20] =	ssyncadd.s32 $0xFFFFC000  }
0x49: {  	[spmem:s3] =	stream.indirect.scatter.add.f32 [tilespmem:s18], [sflag:$0x4], $0x80, s31, s17, $0xb8;
	[tilespmem:$0x1E800] =	vst v63  }
0x4a: {  	_ =	swait.ge [sflag:s21], $0x4000  }
0x4b: {  	[sflag:s21] =	ssyncset.done $0x0  }
0x4c: {  	[sflag:s21] =	ssyncadd.s32 $0xFFFFC000  }
0x4d: {  	_ =	swait.ge [sflag:s22], $0x4000  }
0x4e: {  	s26 =	simm.s32 $0x400;
	s28 =	simm.s32 $0x800;
	[sflag:s22] =	ssyncset.done $0x0  }
.LBB2_4:
0x4f: {  	s29 =	sshra.s32 s26, $0x2  }
0x50: {  	[sflag:s22] =	ssyncadd.s32 $0xFFFFC000;
	s26 =	smov.u32 s28;
	s30 =	sadd.s32 $0x400, s28  }
0x51: {  	[tilespmem:s16], [sflag:$0x1] =	stream.indirect.gather [hbm4b:s1+s17], $0x80, s29, s17, $0xb8;
	[tilespmem:$0x1E800] =	vst v63  }
0x52: {  	p0 =	sne.s32 s28, $0x4C00;
	s28 =	sadd.s32 $0x80, s29  }
0x53: {  	[tilespmem:s18], [sflag:$0x2] =	stream.indirect.gather [hbm4b:s1+s17], $0x80, s28, s17, $0xb8;
	[tilespmem:$0x1E800] =	vst v63  }
0x54: {  	_ =	swait.ge [sflag:s19], $0x4000  }
0x55: {  	[sflag:s19] =	ssyncset.done $0x0  }
0x56: {  	s28 =	sadd.s32 $0x1400, s29;
	[sflag:s19] =	ssyncadd.s32 $0xFFFFC000  }
0x57: {  	[spmem:s3] =	stream.indirect.scatter.add.f32 [tilespmem:s16], [sflag:$0x3], $0x80, s28, s17, $0xb8;
	[tilespmem:$0x1E800] =	vst v63  }
0x58: {  	_ =	swait.ge [sflag:s20], $0x4000  }
0x59: {  	[sflag:s20] =	ssyncset.done $0x0  }
0x5a: {  	s28 =	sadd.s32 $0x1480, s29;
	[sflag:s20] =	ssyncadd.s32 $0xFFFFC000  }
0x5b: {  	[spmem:s3] =	stream.indirect.scatter.add.f32 [tilespmem:s18], [sflag:$0x4], $0x80, s28, s17, $0xb8;
	[tilespmem:$0x1E800] =	vst v63  }
.Ltmp1:
0x5c: {  	_ =	swait.ge [sflag:s21], $0x4000;
	(pc) =	sbr.rel @p0 .LBB2_4-.Ltmp1, $4  }
0x5d: {  	[sflag:s21] =	ssyncset.done $0x0  }
0x5e: {  	[sflag:s21] =	ssyncadd.s32 $0xFFFFC000  }
0x5f: {  	_ =	swait.ge [sflag:s22], $0x4000  }
0x60: {  	s28 =	smov.u32 s30;
	[sflag:s22] =	ssyncset.done $0x0  }
0x61: {  	s26 =	sshra.s32 s26, $0x2;
	[sflag:s22] =	ssyncadd.s32 $0xFFFFC000  }
0x62: {  	[tilespmem:s16], [sflag:$0x1] =	stream.indirect.gather [hbm4b:s1+s17], $0x80, s26, s17, $0xb8;
	[tilespmem:$0x1E800] =	vst v63  }
0x63: {  	s28 =	sadd.s32 $0x80, s26  }
0x64: {  	[tilespmem:s18], [sflag:$0x2] =	stream.indirect.gather [hbm4b:s1+s17], $0x80, s28, s17, $0xb8;
	[tilespmem:$0x1E800] =	vst v63  }
0x65: {  	_ =	swait.ge [sflag:s19], $0x4000  }
0x66: {  	[sflag:s19] =	ssyncset.done $0x0  }
0x67: {  	s31 =	sadd.s32 $0x1400, s26;
	[sflag:s19] =	ssyncadd.s32 $0xFFFFC000  }
0x68: {  	[spmem:s3] =	stream.indirect.scatter.add.f32 [tilespmem:s16], [sflag:$0x3], $0x80, s31, s17, $0xb8;
	[tilespmem:$0x1E800] =	vst v63  }
0x69: {  	_ =	swait.ge [sflag:s20], $0x4000  }
0x6a: {  	[sflag:s20] =	ssyncset.done $0x0  }
0x6b: {  	s26 =	sadd.s32 $0x1480, s26;
	[sflag:s20] =	ssyncadd.s32 $0xFFFFC000  }
0x6c: {  	[spmem:s3] =	stream.indirect.scatter.add.f32 [tilespmem:s18], [sflag:$0x4], $0x80, s26, s17, $0xb8;
	[tilespmem:$0x1E800] =	vst v63  }
0x6d: {  	_ =	swait.ge [sflag:s21], $0x4000  }
0x6e: {  	[sflag:s21] =	ssyncset.done $0x0  }
0x6f: {  	[sflag:s21] =	ssyncadd.s32 $0xFFFFC000  }
0x70: {  	_ =	swait.ge [sflag:s22], $0x4000  }
0x71: {  	s25 =	sadd.s32 $0x1, s25;
	[sflag:s22] =	ssyncset.done $0x0  }
0x72: {  	p0 =	sne.s32 s25, s13;
	[sflag:s22] =	ssyncadd.s32 $0xFFFFC000  }
.Ltmp2:
0x73: {  	[bflag:$0x0] =	sbarrier.arrive $0xFFFF;
	(pc) =	sbr.rel @p0 .LBB2_1-.Ltmp2, $4  }
0x74: {  	[hbm:s12], [sflag:s23] =	dma.local [spmem:s24], $0x2800  }
0x75: {  	_ =	swait.ge [sflag:s14], $0x2800  }
0x76: {  	[sflag:s14] =	ssyncset.done $0x0  }
0x77: {  	[sflag:s14] =	ssyncadd.s32 $0xFFFFD800  }
0x78: {  	_ =	sfence.sel $0x180000  }
0x79: {  	[bflag:$0x0] =	sbarrier.arrive $0xFFFF  }
0x7a: {  	p0 =	sne.s32 s0, $0x0;
	_ =	strace $0x9000004A  }
0x7b: {  	s0 =	sadd.s32 @!p0 $0x100000, s2;
	[bflag:$0x2] =	sbarrier.arrive $0xFFFF  }
0x7c: {  	[sflag:s0] =	ssyncadd.tile.s32 @!p0 $0x1;
	_ =	shalt  }
.Lfunc_end2:
_tile_overlayer_lowered:
.L_overlay_start_2:
0x7d: {  	(tag) =	ssettag $0x2  }
0x7e: {  	s0 =	rddreg [dreg:$0x0];
	s2 =	stileid.u32  }
0x7f: {  	s1 =	rddreg [dreg:$0x1];
	p0 =	sne.s32 s2, $0x0  }
0x80: {  	s3 =	rddreg [dreg:$0x2];
	[bflag:$0x3] =	sbarrier.arrive $0xFFFF;
	s2 =	simm.s32 @!p0 $0x1C05  }
0x81: {  	[timem:s3], [sflag:s2] =	dma.local @!p0 [hbm:s0], s1  }
0x82: {  	s0 =	simm.s32 @!p0 $0x5  }
0x83: {  	_ =	swait.ge @!p0 [sflag:s0], s1  }
0x84: {  	s1 =	ssub.s32 @!p0 $0x0, s1;
	[sflag:s0] =	ssyncset.done @!p0 $0x0  }
0x85: {  	[sflag:s0] =	ssyncadd.s32 @!p0 s1  }
0x86: {  	[bflag:$0x3] =	sbarrier.arrive $0xFFFF  }
0x87: {  	_ =	shalt  }

// kernel: kernel.17.cloned.1.call-start
scs
__scs_entry_jumppad:
0x0: {  	(pc) =	sbr.rel $0x88, $3  }
0x1: {  	(tag) =	ssettag $0x0;
	lr =	simm.s32 $0x1  }
0x2: {  	[smem:$0x3F97] =	sst lr;
	_ =	strace $0xD0000000  }
0x3: {  	_ = 	snop  }
0x4: {  	_ = 	snop  }
0x5: {  	_ = 	snop  }
0x6: {  	_ = 	snop  }
0x7: {  	_ = 	snop  }
__scs_overlays_trampoline_lowered:
0x8: {  	[smem:$0x3FA6] =	sst s0  }
0x9: {  	[smem:$0x3FA7] =	sst s1  }
0xa: {  	[smem:$0x3FA8] =	sst s2  }
0xb: {  	[smem:$0x3FA9] =	sst s3  }
0xc: {  	[smem:$0x3FAA] =	sst s4  }
0xd: {  	[smem:$0x3FAB] =	sst s5  }
0xe: {  	[smem:$0x3FAC] =	sst s6  }
0xf: {  	[smem:$0x3FAD] =	sst s7  }
0x10: {  	[smem:$0x3FAE] =	sst s8  }
0x11: {  	[smem:$0x3FAF] =	sst s9;
	s0 =	simm.s32 @!p0 $0x0  }
0x12: {  	s1 =	sld [smem:$0x3F95];
	s0 =	simm.s32 @p0 $0x1  }
0x13: {  	[smem:$0x3FB0] =	sst s0;
	s0 =	simm.s32 @!p1 $0x0  }
0x14: {  	s2 =	sld [smem:$0x3F94];
	s0 =	simm.s32 @p1 $0x1  }
0x15: {  	[smem:$0x3FB1] =	sst s0;
	s0 =	simm.s32 @!p2 $0x0  }
0x16: {  	s3 =	sld [smem:$0x3FDB];
	s0 =	simm.s32 @p2 $0x1  }
0x17: {  	s4 =	simm.s32 $0x1BF5;
	[smem:$0x3FB3] =	sst s0  }
0x18: {  	s0 =	sld [smem:$0x3F96];
	_ =	swait.ge [sflag:s4], $0x0  }
0x19: {  	s7 =	sld [smem:$0x3F97]  }
0x1a: {  	s8 =	sadd.s32 $0xFFFFE003, lr  }
0x1b: {  	s9 =	sadd.s32 $0xFFFFFEF7, lr;
	s5 =	simm.s32 $0xFFFFFFFF;
	p2 =	slt.u32 s8, $0xFFFFF086  }
0x1c: {  	p1 =	slt.u32 s9, $0xF7A;
	s5 =	simm.s32 @!p2 $0x0  }
0x1d: {  	s5 =	simm.s32 @p1 $0x1;
	p0 =	seq.s32 s7, s2  }
0x1e: {  	s7 =	smul.u32 @!p0 $0xF7A, s2;
	p2 =	seq.s32 @!p0 s5, $0x0  }
0x1f: {  	s9 =	smul.u32 $0xF7A, s1;
	s8 =	simm.s32 @!p0 $0x1BF5;
	p2 =	por !p2, p0  }
0x20: {  	[sflag:s8] =	ssyncset.s32 @!p0 $0xFFFFF086;
	s6 =	sadd.s32 @!p0 s3, s7;
	s7 =	simm.s32 @!p0 $0x108  }
0x21: {  	s3 =	sadd.s32 s3, s9;
	s6 =	sadd.s32 @!p0 $0x88, s6;
	s7 =	simm.s32 @p2 $0x1082  }
0x22: {  	[simem:s7], [sflag:s8] =	dma.local @!p0 [hbm:s6], $0xF7A  }
0x23: {  	s9 =	sor.u32 $0xD0000000, s2;
	s6 =	simm.s32 $0x108;
	_ =	swait.ge @!p0 [sflag:s8], $0x0  }
0x24: {  	s3 =	sadd.s32 $0x88, s3;
	s6 =	simm.s32 @!p1 $0x1082;
	[sflag:s4] =	ssyncset.s32 $0xFFFFF086  }
0x25: {  	[simem:s6], [sflag:s4] =	dma.local [hbm:s3], $0xF7A  }
0x26: {  	[smem:$0x3F97] =	sst s1;
	(tag) =	ssettag s2;
	_ =	strace s9  }
0x27: {  	s1 =	sld [smem:$0x3FA7]  }
0x28: {  	s2 =	sld [smem:$0x3FA8]  }
0x29: {  	s4 =	sld [smem:$0x3FAA]  }
0x2a: {  	p0 =	seq.s32 s5, $0x0;
	s5 =	sld [smem:$0x3FAB]  }
0x2b: {  	s6 =	sld [smem:$0x3FAC]  }
0x2c: {  	s7 =	sld [smem:$0x3FAD]  }
0x2d: {  	s3 =	simm.s32 $0x108;
	s8 =	sld [smem:$0x3FAE]  }
0x2e: {  	s3 =	simm.s32 @!p0 $0x1082;
	s9 =	sld [smem:$0x3FAF]  }
0x2f: {  	lr =	sadd.s32 s0, s3;
	s0 =	sld [smem:$0x3FA6]  }
0x30: {  	s3 =	sld [smem:$0x3FA9]  }
0x31: {  	[smem:$0x3FB2] =	sst s10  }
0x32: {  	s10 =	sld [smem:$0x3FB0];
	_ =	sdelay $0x3  }
0x33: {  	p0 =	seq.s32 s10, $0x1;
	s10 =	sld [smem:$0x3FB2];
	_ =	sdelay $0x3  }
0x34: {  	[smem:$0x3FB2] =	sst s10  }
0x35: {  	s10 =	sld [smem:$0x3FB1];
	_ =	sdelay $0x3  }
0x36: {  	p1 =	seq.s32 s10, $0x1;
	s10 =	sld [smem:$0x3FB2];
	_ =	sdelay $0x3  }
0x37: {  	[smem:$0x3FB2] =	sst s10  }
0x38: {  	s10 =	sld [smem:$0x3FB3]  }
0x39: {  	_ = 	snop;
	(pc) =	sbr.ind lr, $3  }
0x3a: {  	_ = 	snop  }
0x3b: {  	_ = 	snop  }
0x3c: {  	p2 =	seq.s32 s10, $0x1;
	s10 =	sld [smem:$0x3FB2]  }
0x3d: {  	_ =	shalt  }
0x3e: {  	_ =	shalt  }
0x3f: {  	_ =	shalt  }
0x40: {  	_ =	shalt  }
0x41: {  	_ =	shalt  }
0x42: {  	_ =	shalt  }
0x43: {  	_ =	shalt  }
0x44: {  	_ =	shalt  }
0x45: {  	_ =	shalt  }
0x46: {  	_ =	shalt  }
0x47: {  	_ =	shalt  }
0x48: {  	_ =	shalt  }
0x49: {  	_ =	shalt  }
0x4a: {  	_ =	shalt  }
0x4b: {  	_ =	shalt  }
0x4c: {  	_ =	shalt  }
0x4d: {  	_ =	shalt  }
0x4e: {  	_ =	shalt  }
0x4f: {  	_ =	shalt  }
0x50: {  	_ =	shalt  }
0x51: {  	_ =	shalt  }
0x52: {  	_ =	shalt  }
0x53: {  	_ =	shalt  }
0x54: {  	_ =	shalt  }
0x55: {  	_ =	shalt  }
0x56: {  	_ =	shalt  }
0x57: {  	_ =	shalt  }
0x58: {  	_ =	shalt  }
0x59: {  	_ =	shalt  }
0x5a: {  	_ =	shalt  }
0x5b: {  	_ =	shalt  }
0x5c: {  	_ =	shalt  }
0x5d: {  	_ =	shalt  }
0x5e: {  	_ =	shalt  }
0x5f: {  	_ =	shalt  }
0x60: {  	_ =	shalt  }
0x61: {  	_ =	shalt  }
0x62: {  	_ =	shalt  }
0x63: {  	_ =	shalt  }
0x64: {  	_ =	shalt  }
0x65: {  	_ =	shalt  }
0x66: {  	_ =	shalt  }
0x67: {  	_ =	shalt  }
0x68: {  	_ =	shalt  }
0x69: {  	_ =	shalt  }
0x6a: {  	_ =	shalt  }
0x6b: {  	_ =	shalt  }
0x6c: {  	_ =	shalt  }
0x6d: {  	_ =	shalt  }
0x6e: {  	_ =	shalt  }
0x6f: {  	_ =	shalt  }
0x70: {  	_ =	shalt  }
0x71: {  	_ =	shalt  }
0x72: {  	_ =	shalt  }
0x73: {  	_ =	shalt  }
0x74: {  	_ =	shalt  }
0x75: {  	_ =	shalt  }
0x76: {  	_ =	shalt  }
0x77: {  	_ =	shalt  }
0x78: {  	_ =	shalt  }
0x79: {  	_ =	shalt  }
0x7a: {  	_ =	shalt  }
0x7b: {  	_ =	shalt  }
0x7c: {  	_ =	shalt  }
0x7d: {  	_ =	shalt  }
0x7e: {  	_ =	shalt  }
0x7f: {  	_ =	shalt  }
0x80: {  	_ =	shalt  }
0x81: {  	_ =	shalt  }
0x82: {  	_ =	shalt  }
0x83: {  	_ =	shalt  }
0x84: {  	_ =	shalt  }
0x85: {  	_ =	shalt  }
0x86: {  	_ =	shalt  }
0x87: {  	_ =	shalt  }
.Lfunc_end0:
.L_simem_size_0:
called_computation.2_lowered:
.L_overlay_start_0:
0x88: {  	s2 =	sld [smem:$0x3FD9]  }
0x89: {  	s3 =	sld [smem:$0x3FFE];
	_ =	sdelay $0x1  }
0x8a: {  	s1 =	srdreg.scid  }
0x8b: {  	s0 =	sand.u32 $0x1, s1  }
0x8c: {  	s17 =	sshll.u32 s0, $0xA;
	s2 =	sadd.s32 s3, s2  }
0x8d: {  	s2 =	sadd.s32 s2, s17  }
0x8e: {  	[smem:$0x3FBE] =	sst s2  }
0x8f: {  	_ = 	snop  }
0x90: {  	(tm) =	ssettm $0x1  }
0x91: {  	s18 =	sld [smem:$0x3FFB];
	_ =	sdelay $0x3  }
0x92: {  	_ =	strace s18  }
0x93: {  	s2 =	sld [smem:$0x3FFC];
	_ =	sdelay $0x3  }
0x94: {  	_ =	strace s2  }
0x95: {  	s2 =	sld [smem:$0x3FFD];
	_ =	sdelay $0x3  }
0x96: {  	_ =	strace s2  }
0x97: {  	_ =	strace $0x8FFFFFFF  }
0x98: {  	s19 =	sld [smem:$0x3FDB];
	_ =	sdelay $0x1  }
0x99: {  	s20 =	simm.s32 $_scs_section_size  }
0x9a: {  	s4 =	simm.s32 $_size__tile_overlayer_lowered;
	s5 =	simm.s32 $_tile_overlayer_lowered  }
0x9b: {  	s6 =	simm.s32 $0x1BFF;
	s21 =	sshll.u32 s5, $0x1;
	s3 =	sadd.s32 s20, s19  }
0x9c: {  	s22 =	simm.s32 $0x0;
	s4 =	sshll.u32 s4, $0x1;
	s5 =	sadd.s32 s21, s3  }
0x9d: {  	[timem:s22], [sflag:s6] =	dma.local [hbm:s5], s4  }
0x9e: {  	_ =	swait.ge [sflag:s6], s4  }
0x9f: {  	s4 =	ssub.s32 $0x0, s4;
	[sflag:s6] =	ssyncset.done $0x0  }
0xa0: {  	[sflag:s6] =	ssyncadd.s32 s4;
	_ =	sdelay $0x1  }
0xa1: {  	s23 =	simm.s32 $0x1B8B  }
0xa2: {  	_ =	swait.ge [sflag:s23], $0x1  }
0xa3: {  	[sflag:s23] =	ssyncset.done $0x0  }
0xa4: {  	[sflag:s23] =	ssyncadd.s32 $0xFFFFFFFF  }
0xa5: {  	s4 =	sld [smem:$0x0]  }
0xa6: {  	s5 =	sand.u32 $0xFFFFFFFE, s1  }
0xa7: {  	p0 =	sne.s32 s1, s5  }
0xa8: {  	s5 =	sshll.u32 @p0 s5, $0xE  }
0xa9: {  	s5 =	sadd.s32 @p0 $0x11B8D, s5;
	s6 =	sshll.u32 @p0 s4, $0x11  }
0xaa: {  	s5 =	sor.u32 @p0 s6, s5  }
0xab: {  	[sflag:s5] =	ssyncadd.remote.s32 @p0 $0x1;
	_ =	sdelay $0x1  }
0xac: {  	s5 =	simm.s32 @p0 $0x1B8D  }
0xad: {  	_ =	swait.eq @p0 [sflag:s5], $0x1  }
0xae: {  	[sflag:s5] =	ssyncadd.s32 @p0 $0xFFFFFFFF  }
0xaf: {  	s6 =	sshll.u32 @!p0 s1, $0xE  }
0xb0: {  	s6 =	sor.u32 @!p0 $0x4000, s6;
	s5 =	simm.s32 @!p0 $0x1B8D  }
0xb1: {  	s4 =	sshll.u32 @!p0 s4, $0x11;
	s6 =	sadd.s32 @!p0 $0x11B8D, s6;
	_ =	swait.eq @!p0 [sflag:s5], $0x1  }
0xb2: {  	s4 =	sor.u32 @!p0 s4, s6;
	[sflag:s5] =	ssyncadd.s32 @!p0 $0xFFFFFFFF  }
0xb3: {  	s25 =	simm.s32 $0x1B8E;
	s24 =	sld [smem:$0x3FFE];
	[sflag:s4] =	ssyncadd.remote.s32 @!p0 $0x1  }
0xb4: {  	s26 =	simm.s32 $execute0_lowered;
	[smem:$0x3FD2] =	sst s25  }
0xb5: {  	s5 =	sshll.u32 s26, $0x1;
	_ =	strace $0x8000004F;
	[dreg:$0x1] =	wrdreg $0xFFFFFFFF  }
0xb6: {  	s28 =	simm.s32 $_size_execute0_lowered;
	s3 =	sadd.s32 s3, s5;
	[dreg:$0x0] =	wrdreg $0x0  }
0xb7: {  	s5 =	sshll.u32 s28, $0x1;
	[dreg:$0x2] =	wrdreg s3  }
0xb8: {  	[dreg:$0x3] =	wrdreg s5  }
0xb9: {  	[dreg:$0x4] =	wrdreg $0xC0  }
0xba: {  	_ =	task [dreg:s22], $0x5FFFF  }
0xbb: {  	[dreg:$0x1] =	wrdreg $0xFFFFFFFF  }
0xbc: {  	[dreg:$0x0] =	wrdreg $0x60  }
0xbd: {  	[dreg:$0x2] =	wrdreg s24  }
0xbe: {  	[dreg:$0x3] =	wrdreg $0xA8000  }
0xbf: {  	[dreg:$0x4] =	wrdreg $0x9  }
0xc0: {  	_ =	task.clear_ibuf [dreg:s22], $0x5FFFF;
	_ =	strace $0x9000004F  }
0xc1: {  	s29 =	simm.s32 $0x9;
	_ =	strace $0x80000051  }
0xc2: {  	_ =	swait.ge [sflag:s29], $0x1  }
0xc3: {  	[sflag:s29] =	ssyncadd.s32 $0xFFFFFFFF  }
0xc4: {  	_ =	strace $0x90000051  }
0xc5: {  	_ =	sfence  }
0xc6: {  	s30 =	sld [smem:$0x0];
	_ =	sdelay $0x2  }
0xc7: {  	s31 =	sshll.u32 s1, $0xD;
	s1 =	sshrl.u32 s1, $0x2  }
0xc8: {  	s4 =	sand.u32 $0x4000, s31;
	s1 =	sadd.s32 s1, s30  }
0xc9: {  	s0 =	sor.u32 s4, s0;
	s1 =	sshll.u32 s1, $0x11  }
0xca: {  	s0 =	sor.u32 s1, s0  }
0xcb: {  	s0 =	sadd.s32 $0x8F2B, s0  }
0xcc: {  	[sflag:s0] =	ssyncadd.remote.s32 $0x1  }
0xcd: {  	_ =	sfence.sel $0xFFFF  }
0xce: {  	[dreg:$0x0] =	wrdreg $0xFFFFFFFF;
	(pc) =	sbr.abs _section_cstart, $3  }
0xcf: {  	[dreg:$0x1] =	wrdreg $0xFFFFFFFF  }
0xd0: {  	_ =	task.clear_ibuf [dreg:s22], $0x2FFFF;
	_ =	strace $0x9FFFFFFF  }
0xd1: {  	(tm) =	ssettm $0x7FFFFFFF  }
tec
execute0_lowered:
.L_overlay_start_1:
0x0: {  	(tag) =	ssettag $0x1  }
0x1: {  	s13 =	rddreg [dreg:$0x0]  }
0x2: {  	s1 =	rddreg [dreg:$0x1]  }
0x3: {  	s2 =	srdreg.scid;
	s3 =	simm.s32 $0x0;
	s16 =	simm.s32 $0x5  }
0x4: {  	s17 =	simm.s32 $0x1400;
	s18 =	simm.s32 $0x2800;
	s19 =	simm.s32 $0x80  }
0x5: {  	s20 =	simm.s32 $0x6800;
	s21 =	simm.s32 $0x1;
	s22 =	simm.s32 $0x2  }
0x6: {  	s23 =	simm.s32 $0x3;
	s24 =	simm.s32 $0x4;
	s5 =	sand.u32 $0x1, s2  }
0x7: {  	s25 =	simm.s32 $0x0;
	s2 =	stileid.u32;
	s6 =	smul.u32 $0x140000, s5  }
0x8: {  	[smem:$0x7FF] =	sst s3;
	s4 =	sshll.u32 s5, $0x4;
	s8 =	smul.u32 $0x14000, s2  }
0x9: {  	_ =	strace $0x80000050;
	s5 =	ssub.s32 $0x2, s5;
	s31 =	smul.u32 $0x50000, s2  }
0xa: {  	s7 =	sor.u32 s2, s4;
	s4 =	sadd.s32 $0x5DC00, s13;
	s9 =	sshrl.u32 s5, $0x1  }
0xb: {  	s7 =	smul.u32 $0x280, s7;
	s6 =	sadd.s32 s8, s6;
	s15 =	ssub.s32 s5, s9  }
0xc: {  	s8 =	sshrl.u32 s31, $0x2;
	s6 =	sshrl.u32 s6, $0x3;
	s15 =	smax.u32 s15, $0x1  }
0xd: {  	s7 =	sadd.s32 s7, s13;
	s14 =	sadd.s32 s6, s13;
	s13 =	sadd.s32 $0x84D00, s13  }
0xe: {  	s5 =	sadd.s32 $0x3C00, s7;
	s6 =	sadd.s32 $0x8C00, s7;
	s7 =	sadd.s32 s8, s1  }
0xf: {  	s12 =	sadd.s32 $0xABE00, s14;
	s14 =	sadd.s32 $0xFBE00, s14;
	s8 =	sadd.s32 $0x4000, s7  }
0x10: {  	v0 =	vimm.f32 $0.0e+00;
	s9 =	sadd.s32 $0x8000, s7;
	s10 =	sadd.s32 $0xC000, s7;
	s11 =	sadd.s32 $0x10000, s7  }
.LBB2_1:
0x11: {  	[tilespmem:s3], [sflag:$0x5] =	stream.linear.gather [hbm4b:s5+s3], $0x1400, $0x38;
	[tilespmem:$0x1E800] =	vst v63  }
0x12: {  	_ =	swait.ge [sflag:s16], $0x1400  }
0x13: {  	[sflag:s16] =	ssyncset.done $0x0  }
0x14: {  	[sflag:s16] =	ssyncadd.s32 $0xFFFFEC00  }
0x15: {  	[tilespmem:s17], [sflag:$0x5] =	stream.linear.gather [hbm4b:s6+s3], $0x1400, $0x38;
	[tilespmem:$0x1E800] =	vst v63  }
0x16: {  	_ =	swait.ge [sflag:s16], $0x1400  }
0x17: {  	[sflag:s16] =	ssyncset.done $0x0  }
0x18: {  	s26 =	simm.s32 $0x0;
	s28 =	simm.s32 $0x200;
	[sflag:s16] =	ssyncadd.s32 $0xFFFFEC00  }
.LBB2_2:
0x19: {  	p0 =	sne.s32 s28, $0xFE00;
	[tilespmem:s26+$0x2870] =	vst v0  }
0x1a: {  	[tilespmem:s26+$0x2800] =	vst v0  }
0x1b: {  	[tilespmem:s26+$0x2810] =	vst v0  }
.Ltmp0:
0x1c: {  	[tilespmem:s26+$0x2820] =	vst v0;
	(pc) =	sbr.rel @p0 .LBB2_2-.Ltmp0, $4  }
0x1d: {  	[tilespmem:s26+$0x2830] =	vst v0  }
0x1e: {  	[tilespmem:s26+$0x2840] =	vst v0  }
0x1f: {  	[tilespmem:s26+$0x2850] =	vst v0  }
0x20: {  	[tilespmem:s26+$0x2860] =	vst v0;
	s26 =	sshra.s32 s28, $0x2;
	s28 =	sadd.s32 $0x200, s28  }
0x21: {  	[tilespmem:s26+$0x2870] =	vst v0  }
0x22: {  	[tilespmem:s26+$0x2800] =	vst v0  }
0x23: {  	[tilespmem:s26+$0x2810] =	vst v0  }
0x24: {  	[tilespmem:s26+$0x2820] =	vst v0  }
0x25: {  	[tilespmem:s26+$0x2830] =	vst v0  }
0x26: {  	[tilespmem:s26+$0x2840] =	vst v0  }
0x27: {  	[tilespmem:s26+$0x2850] =	vst v0  }
0x28: {  	[tilespmem:s26+$0x2860] =	vst v0  }
0x29: {  	[spmem:s7] =	stream.linear.scatter [tilespmem:s18], [sflag:$0x5], $0x4000, $0x38;
	[tilespmem:$0x1E800] =	vst v63  }
0x2a: {  	_ =	swait.ge [sflag:s16], $0x4000  }
0x2b: {  	[sflag:s16] =	ssyncset.done $0x0  }
0x2c: {  	[sflag:s16] =	ssyncadd.s32 $0xFFFFC000  }
0x2d: {  	[spmem:s8] =	stream.linear.scatter [tilespmem:s18], [sflag:$0x5], $0x4000, $0x38;
	[tilespmem:$0x1E800] =	vst v63  }
0x2e: {  	_ =	swait.ge [sflag:s16], $0x4000  }
0x2f: {  	[sflag:s16] =	ssyncset.done $0x0  }
0x30: {  	[sflag:s16] =	ssyncadd.s32 $0xFFFFC000  }
0x31: {  	[spmem:s9] =	stream.linear.scatter [tilespmem:s18], [sflag:$0x5], $0x4000, $0x38;
	[tilespmem:$0x1E800] =	vst v63  }
0x32: {  	_ =	swait.ge [sflag:s16], $0x4000  }
0x33: {  	[sflag:s16] =	ssyncset.done $0x0  }
0x34: {  	[sflag:s16] =	ssyncadd.s32 $0xFFFFC000  }
0x35: {  	[spmem:s10] =	stream.linear.scatter [tilespmem:s18], [sflag:$0x5], $0x4000, $0x38;
	[tilespmem:$0x1E800] =	vst v63  }
0x36: {  	_ =	swait.ge [sflag:s16], $0x4000  }
0x37: {  	[sflag:s16] =	ssyncset.done $0x0  }
0x38: {  	[sflag:s16] =	ssyncadd.s32 $0xFFFFC000  }
0x39: {  	[spmem:s11] =	stream.linear.scatter [tilespmem:s18], [sflag:$0x5], $0x4000, $0x38;
	[tilespmem:$0x1E800] =	vst v63  }
0x3a: {  	_ =	swait.ge [sflag:s16], $0x4000  }
0x3b: {  	[sflag:s16] =	ssyncset.done $0x0  }
0x3c: {  	[sflag:s16] =	ssyncadd.s32 $0xFFFFC000  }
0x3d: {  	s0 =	simm.s32 $0x0;
	[bflag:$0x0] =	sbarrier.arrive $0xFFFF  }
0x3e: {  	[tilespmem:s18], [sflag:$0x1] =	stream.indirect.gather [hbm4b:s4+s19], $0x80, s0, s19, $0xb8;
	[tilespmem:$0x1E800] =	vst v63  }
0x3f: {  	s29 =	simm.s32 $0x80  }
0x40: {  	[tilespmem:s20], [sflag:$0x2] =	stream.indirect.gather [hbm4b:s4+s19], $0x80, s29, s19, $0xb8;
	[tilespmem:$0x1E800] =	vst v63  }
0x41: {  	_ =	swait.ge [sflag:s21], $0x4000  }
0x42: {  	[sflag:s21] =	ssyncset.done $0x0  }
0x43: {  	s30 =	simm.s32 $0x1400;
	[sflag:s21] =	ssyncadd.s32 $0xFFFFC000  }
0x44: {  	[spmem:s1] =	stream.indirect.scatter.add.f32 [tilespmem:s18], [sflag:$0x3], $0x80, s30, s19, $0xb8;
	[tilespmem:$0x1E800] =	vst v63  }
0x45: {  	_ =	swait.ge [sflag:s22], $0x4000  }
0x46: {  	[sflag:s22] =	ssyncset.done $0x0  }
0x47: {  	s31 =	simm.s32 $0x1480;
	[sflag:s22] =	ssyncadd.s32 $0xFFFFC000  }
0x48: {  	[spmem:s1] =	stream.indirect.scatter.add.f32 [tilespmem:s20], [sflag:$0x4], $0x80, s31, s19, $0xb8;
	[tilespmem:$0x1E800] =	vst v63  }
0x49: {  	_ =	swait.ge [sflag:s23], $0x4000  }
0x4a: {  	[sflag:s23] =	ssyncset.done $0x0  }
0x4b: {  	[sflag:s23] =	ssyncadd.s32 $0xFFFFC000  }
0x4c: {  	_ =	swait.ge [sflag:s24], $0x4000  }
0x4d: {  	s26 =	simm.s32 $0x400;
	s28 =	simm.s32 $0x800;
	[sflag:s24] =	ssyncset.done $0x0  }
.LBB2_4:
0x4e: {  	s29 =	sshra.s32 s26, $0x2  }
0x4f: {  	[sflag:s24] =	ssyncadd.s32 $0xFFFFC000;
	s26 =	smov.u32 s28;
	s30 =	sadd.s32 $0x400, s28  }
0x50: {  	[tilespmem:s18], [sflag:$0x1] =	stream.indirect.gather [hbm4b:s4+s19], $0x80, s29, s19, $0xb8;
	[tilespmem:$0x1E800] =	vst v63  }
0x51: {  	p0 =	sne.s32 s28, $0x4C00;
	s28 =	sadd.s32 $0x80, s29  }
0x52: {  	[tilespmem:s20], [sflag:$0x2] =	stream.indirect.gather [hbm4b:s4+s19], $0x80, s28, s19, $0xb8;
	[tilespmem:$0x1E800] =	vst v63  }
0x53: {  	_ =	swait.ge [sflag:s21], $0x4000  }
0x54: {  	[sflag:s21] =	ssyncset.done $0x0  }
0x55: {  	s28 =	sadd.s32 $0x1400, s29;
	[sflag:s21] =	ssyncadd.s32 $0xFFFFC000  }
0x56: {  	[spmem:s1] =	stream.indirect.scatter.add.f32 [tilespmem:s18], [sflag:$0x3], $0x80, s28, s19, $0xb8;
	[tilespmem:$0x1E800] =	vst v63  }
0x57: {  	_ =	swait.ge [sflag:s22], $0x4000  }
0x58: {  	[sflag:s22] =	ssyncset.done $0x0  }
0x59: {  	s28 =	sadd.s32 $0x1480, s29;
	[sflag:s22] =	ssyncadd.s32 $0xFFFFC000  }
0x5a: {  	[spmem:s1] =	stream.indirect.scatter.add.f32 [tilespmem:s20], [sflag:$0x4], $0x80, s28, s19, $0xb8;
	[tilespmem:$0x1E800] =	vst v63  }
.Ltmp1:
0x5b: {  	_ =	swait.ge [sflag:s23], $0x4000;
	(pc) =	sbr.rel @p0 .LBB2_4-.Ltmp1, $4  }
0x5c: {  	[sflag:s23] =	ssyncset.done $0x0  }
0x5d: {  	[sflag:s23] =	ssyncadd.s32 $0xFFFFC000  }
0x5e: {  	_ =	swait.ge [sflag:s24], $0x4000  }
0x5f: {  	s28 =	smov.u32 s30;
	[sflag:s24] =	ssyncset.done $0x0  }
0x60: {  	s26 =	sshra.s32 s26, $0x2;
	[sflag:s24] =	ssyncadd.s32 $0xFFFFC000  }
0x61: {  	[tilespmem:s18], [sflag:$0x1] =	stream.indirect.gather [hbm4b:s4+s19], $0x80, s26, s19, $0xb8;
	[tilespmem:$0x1E800] =	vst v63  }
0x62: {  	s28 =	sadd.s32 $0x80, s26  }
0x63: {  	[tilespmem:s20], [sflag:$0x2] =	stream.indirect.gather [hbm4b:s4+s19], $0x80, s28, s19, $0xb8;
	[tilespmem:$0x1E800] =	vst v63  }
0x64: {  	_ =	swait.ge [sflag:s21], $0x4000  }
0x65: {  	[sflag:s21] =	ssyncset.done $0x0  }
0x66: {  	s28 =	sadd.s32 $0x1400, s26;
	[sflag:s21] =	ssyncadd.s32 $0xFFFFC000  }
0x67: {  	[spmem:s1] =	stream.indirect.scatter.add.f32 [tilespmem:s18], [sflag:$0x3], $0x80, s28, s19, $0xb8;
	[tilespmem:$0x1E800] =	vst v63  }
0x68: {  	_ =	swait.ge [sflag:s22], $0x4000  }
0x69: {  	[sflag:s22] =	ssyncset.done $0x0  }
0x6a: {  	s26 =	sadd.s32 $0x1480, s26;
	[sflag:s22] =	ssyncadd.s32 $0xFFFFC000  }
0x6b: {  	[spmem:s1] =	stream.indirect.scatter.add.f32 [tilespmem:s20], [sflag:$0x4], $0x80, s26, s19, $0xb8;
	[tilespmem:$0x1E800] =	vst v63  }
0x6c: {  	_ =	swait.ge [sflag:s23], $0x4000  }
0x6d: {  	[sflag:s23] =	ssyncset.done $0x0  }
0x6e: {  	[sflag:s23] =	ssyncadd.s32 $0xFFFFC000  }
0x6f: {  	_ =	swait.ge [sflag:s24], $0x4000  }
0x70: {  	[sflag:s24] =	ssyncset.done $0x0  }
0x71: {  	s31 =	sshll.u32 s2, $0x6;
	[sflag:s24] =	ssyncadd.s32 $0xFFFFC000  }
0x72: {  	s28 =	sshrl.u32 s7, $0x3;
	s26 =	sor.u32 $0x1C05, s31;
	[bflag:$0x0] =	sbarrier.arrive $0xFFFF  }
0x73: {  	[hbm:s12], [sflag:s26] =	dma.local [spmem:s28], $0x2800  }
0x74: {  	_ =	swait.ge [sflag:s16], $0x2800  }
0x75: {  	[sflag:s16] =	ssyncset.done $0x0  }
0x76: {  	[sflag:s16] =	ssyncadd.s32 $0xFFFFD800  }
0x77: {  	s29 =	simm.s32 $0x0;
	s30 =	simm.s32 $0x200;
	[bflag:$0x0] =	sbarrier.arrive $0xFFFF  }
.LBB2_6:
0x78: {  	p0 =	sne.s32 s30, $0xFE00;
	[tilespmem:s29+$0x2870] =	vst v0  }
0x79: {  	[tilespmem:s29+$0x2800] =	vst v0  }
0x7a: {  	[tilespmem:s29+$0x2810] =	vst v0  }
.Ltmp2:
0x7b: {  	[tilespmem:s29+$0x2820] =	vst v0;
	(pc) =	sbr.rel @p0 .LBB2_6-.Ltmp2, $4  }
0x7c: {  	[tilespmem:s29+$0x2830] =	vst v0  }
0x7d: {  	[tilespmem:s29+$0x2840] =	vst v0  }
0x7e: {  	[tilespmem:s29+$0x2850] =	vst v0  }
0x7f: {  	[tilespmem:s29+$0x2860] =	vst v0;
	s29 =	sshra.s32 s30, $0x2;
	s30 =	sadd.s32 $0x200, s30  }
0x80: {  	[tilespmem:s29+$0x2870] =	vst v0  }
0x81: {  	[tilespmem:s29+$0x2800] =	vst v0  }
0x82: {  	[tilespmem:s29+$0x2810] =	vst v0  }
0x83: {  	[tilespmem:s29+$0x2820] =	vst v0  }
0x84: {  	[tilespmem:s29+$0x2830] =	vst v0  }
0x85: {  	[tilespmem:s29+$0x2840] =	vst v0  }
0x86: {  	[tilespmem:s29+$0x2850] =	vst v0  }
0x87: {  	[tilespmem:s29+$0x2860] =	vst v0  }
0x88: {  	[spmem:s7] =	stream.linear.scatter [tilespmem:s18], [sflag:$0x5], $0x4000, $0x38;
	[tilespmem:$0x1E800] =	vst v63  }
0x89: {  	_ =	swait.ge [sflag:s16], $0x4000  }
0x8a: {  	[sflag:s16] =	ssyncset.done $0x0  }
0x8b: {  	[sflag:s16] =	ssyncadd.s32 $0xFFFFC000  }
0x8c: {  	[spmem:s8] =	stream.linear.scatter [tilespmem:s18], [sflag:$0x5], $0x4000, $0x38;
	[tilespmem:$0x1E800] =	vst v63  }
0x8d: {  	_ =	swait.ge [sflag:s16], $0x4000  }
0x8e: {  	[sflag:s16] =	ssyncset.done $0x0  }
0x8f: {  	[sflag:s16] =	ssyncadd.s32 $0xFFFFC000  }
0x90: {  	[spmem:s9] =	stream.linear.scatter [tilespmem:s18], [sflag:$0x5], $0x4000, $0x38;
	[tilespmem:$0x1E800] =	vst v63  }
0x91: {  	_ =	swait.ge [sflag:s16], $0x4000  }
0x92: {  	[sflag:s16] =	ssyncset.done $0x0  }
0x93: {  	[sflag:s16] =	ssyncadd.s32 $0xFFFFC000  }
0x94: {  	[spmem:s10] =	stream.linear.scatter [tilespmem:s18], [sflag:$0x5], $0x4000, $0x38;
	[tilespmem:$0x1E800] =	vst v63  }
0x95: {  	_ =	swait.ge [sflag:s16], $0x4000  }
0x96: {  	[sflag:s16] =	ssyncset.done $0x0  }
0x97: {  	[sflag:s16] =	ssyncadd.s32 $0xFFFFC000  }
0x98: {  	[spmem:s11] =	stream.linear.scatter [tilespmem:s18], [sflag:$0x5], $0x4000, $0x38;
	[tilespmem:$0x1E800] =	vst v63  }
0x99: {  	_ =	swait.ge [sflag:s16], $0x4000  }
0x9a: {  	[sflag:s16] =	ssyncset.done $0x0  }
0x9b: {  	[sflag:s16] =	ssyncadd.s32 $0xFFFFC000  }
0x9c: {  	s29 =	simm.s32 $0x0;
	[bflag:$0x0] =	sbarrier.arrive $0xFFFF  }
0x9d: {  	[tilespmem:s18], [sflag:$0x1] =	stream.indirect.gather [hbm4b:s13+s19], $0x80, s29, s19, $0xb8;
	[tilespmem:$0x1E800] =	vst v63  }
0x9e: {  	s29 =	simm.s32 $0x80  }
0x9f: {  	[tilespmem:s20], [sflag:$0x2] =	stream.indirect.gather [hbm4b:s13+s19], $0x80, s29, s19, $0xb8;
	[tilespmem:$0x1E800] =	vst v63  }
0xa0: {  	_ =	swait.ge [sflag:s21], $0x4000  }
0xa1: {  	[sflag:s21] =	ssyncset.done $0x0  }
0xa2: {  	s29 =	simm.s32 $0x1400;
	[sflag:s21] =	ssyncadd.s32 $0xFFFFC000  }
0xa3: {  	[spmem:s1] =	stream.indirect.scatter.add.f32 [tilespmem:s18], [sflag:$0x3], $0x80, s29, s19, $0xb8;
	[tilespmem:$0x1E800] =	vst v63  }
0xa4: {  	_ =	swait.ge [sflag:s22], $0x4000  }
0xa5: {  	[sflag:s22] =	ssyncset.done $0x0  }
0xa6: {  	s29 =	simm.s32 $0x1480;
	[sflag:s22] =	ssyncadd.s32 $0xFFFFC000  }
0xa7: {  	[spmem:s1] =	stream.indirect.scatter.add.f32 [tilespmem:s20], [sflag:$0x4], $0x80, s29, s19, $0xb8;
	[tilespmem:$0x1E800] =	vst v63  }
0xa8: {  	_ =	swait.ge [sflag:s23], $0x4000  }
0xa9: {  	[sflag:s23] =	ssyncset.done $0x0  }
0xaa: {  	[sflag:s23] =	ssyncadd.s32 $0xFFFFC000  }
0xab: {  	_ =	swait.ge [sflag:s24], $0x4000  }
0xac: {  	s30 =	simm.s32 $0x800;
	s29 =	simm.s32 $0x400;
	[sflag:s24] =	ssyncset.done $0x0  }
.LBB2_8:
0xad: {  	s31 =	sshra.s32 s29, $0x2  }
0xae: {  	[sflag:s24] =	ssyncadd.s32 $0xFFFFC000;
	s29 =	smov.u32 s30;
	s0 =	sadd.s32 $0x400, s30  }
0xaf: {  	[tilespmem:s18], [sflag:$0x1] =	stream.indirect.gather [hbm4b:s13+s19], $0x80, s31, s19, $0xb8;
	[tilespmem:$0x1E800] =	vst v63  }
0xb0: {  	p0 =	sne.s32 s30, $0x4C00;
	s30 =	sadd.s32 $0x80, s31  }
0xb1: {  	[tilespmem:s20], [sflag:$0x2] =	stream.indirect.gather [hbm4b:s13+s19], $0x80, s30, s19, $0xb8;
	[tilespmem:$0x1E800] =	vst v63  }
0xb2: {  	_ =	swait.ge [sflag:s21], $0x4000  }
0xb3: {  	[sflag:s21] =	ssyncset.done $0x0  }
0xb4: {  	s30 =	sadd.s32 $0x1400, s31;
	[sflag:s21] =	ssyncadd.s32 $0xFFFFC000  }
0xb5: {  	[spmem:s1] =	stream.indirect.scatter.add.f32 [tilespmem:s18], [sflag:$0x3], $0x80, s30, s19, $0xb8;
	[tilespmem:$0x1E800] =	vst v63  }
0xb6: {  	_ =	swait.ge [sflag:s22], $0x4000  }
0xb7: {  	[sflag:s22] =	ssyncset.done $0x0  }
0xb8: {  	s30 =	sadd.s32 $0x1480, s31;
	[sflag:s22] =	ssyncadd.s32 $0xFFFFC000  }
0xb9: {  	[spmem:s1] =	stream.indirect.scatter.add.f32 [tilespmem:s20], [sflag:$0x4], $0x80, s30, s19, $0xb8;
	[tilespmem:$0x1E800] =	vst v63  }
.Ltmp3:
0xba: {  	_ =	swait.ge [sflag:s23], $0x4000;
	(pc) =	sbr.rel @p0 .LBB2_8-.Ltmp3, $4  }
0xbb: {  	[sflag:s23] =	ssyncset.done $0x0  }
0xbc: {  	[sflag:s23] =	ssyncadd.s32 $0xFFFFC000  }
0xbd: {  	_ =	swait.ge [sflag:s24], $0x4000  }
0xbe: {  	s30 =	smov.u32 s0;
	[sflag:s24] =	ssyncset.done $0x0  }
0xbf: {  	s0 =	sshra.s32 s29, $0x2;
	[sflag:s24] =	ssyncadd.s32 $0xFFFFC000  }
0xc0: {  	[tilespmem:s18], [sflag:$0x1] =	stream.indirect.gather [hbm4b:s13+s19], $0x80, s0, s19, $0xb8;
	[tilespmem:$0x1E800] =	vst v63  }
0xc1: {  	s29 =	sadd.s32 $0x80, s0  }
0xc2: {  	[tilespmem:s20], [sflag:$0x2] =	stream.indirect.gather [hbm4b:s13+s19], $0x80, s29, s19, $0xb8;
	[tilespmem:$0x1E800] =	vst v63  }
0xc3: {  	_ =	swait.ge [sflag:s21], $0x4000  }
0xc4: {  	[sflag:s21] =	ssyncset.done $0x0  }
0xc5: {  	s31 =	sadd.s32 $0x1400, s0;
	[sflag:s21] =	ssyncadd.s32 $0xFFFFC000  }
0xc6: {  	[spmem:s1] =	stream.indirect.scatter.add.f32 [tilespmem:s18], [sflag:$0x3], $0x80, s31, s19, $0xb8;
	[tilespmem:$0x1E800] =	vst v63  }
0xc7: {  	_ =	swait.ge [sflag:s22], $0x4000  }
0xc8: {  	[sflag:s22] =	ssyncset.done $0x0  }
0xc9: {  	s0 =	sadd.s32 $0x1480, s0;
	[sflag:s22] =	ssyncadd.s32 $0xFFFFC000  }
0xca: {  	[spmem:s1] =	stream.indirect.scatter.add.f32 [tilespmem:s20], [sflag:$0x4], $0x80, s0, s19, $0xb8;
	[tilespmem:$0x1E800] =	vst v63  }
0xcb: {  	_ =	swait.ge [sflag:s23], $0x4000  }
0xcc: {  	[sflag:s23] =	ssyncset.done $0x0  }
0xcd: {  	[sflag:s23] =	ssyncadd.s32 $0xFFFFC000  }
0xce: {  	_ =	swait.ge [sflag:s24], $0x4000  }
0xcf: {  	s25 =	sadd.s32 $0x1, s25;
	[sflag:s24] =	ssyncset.done $0x0  }
0xd0: {  	p0 =	sne.s32 s25, s15;
	[sflag:s24] =	ssyncadd.s32 $0xFFFFC000  }
.Ltmp4:
0xd1: {  	[bflag:$0x0] =	sbarrier.arrive $0xFFFF;
	(pc) =	sbr.rel @p0 .LBB2_1-.Ltmp4, $4  }
0xd2: {  	[hbm:s14], [sflag:s26] =	dma.local [spmem:s28], $0x2800  }
0xd3: {  	_ =	swait.ge [sflag:s16], $0x2800  }
0xd4: {  	[sflag:s16] =	ssyncset.done $0x0  }
0xd5: {  	[sflag:s16] =	ssyncadd.s32 $0xFFFFD800  }
0xd6: {  	_ =	sfence.sel $0x180000  }
0xd7: {  	[bflag:$0x0] =	sbarrier.arrive $0xFFFF  }
0xd8: {  	_ =	strace $0x90000050  }
0xd9: {  	[bflag:$0x2] =	sbarrier.arrive $0xFFFF  }
0xda: {  	p0 =	sne.s32 s2, $0x0;
	s0 =	rddreg [dreg:$0x2]  }
0xdb: {  	s0 =	sadd.s32 @!p0 $0x100000, s0  }
0xdc: {  	[sflag:s0] =	ssyncadd.tile.s32 @!p0 $0x1;
	_ =	shalt  }
.Lfunc_end2:
_tile_overlayer_lowered:
.L_overlay_start_2:
0xdd: {  	(tag) =	ssettag $0x2  }
0xde: {  	s0 =	rddreg [dreg:$0x0];
	s2 =	stileid.u32  }
0xdf: {  	s1 =	rddreg [dreg:$0x1];
	p0 =	sne.s32 s2, $0x0  }
0xe0: {  	s3 =	rddreg [dreg:$0x2];
	[bflag:$0x3] =	sbarrier.arrive $0xFFFF;
	s2 =	simm.s32 @!p0 $0x1C05  }
0xe1: {  	[timem:s3], [sflag:s2] =	dma.local @!p0 [hbm:s0], s1  }
0xe2: {  	s0 =	simm.s32 @!p0 $0x5  }
0xe3: {  	_ =	swait.ge @!p0 [sflag:s0], s1  }
0xe4: {  	s1 =	ssub.s32 @!p0 $0x0, s1;
	[sflag:s0] =	ssyncset.done @!p0 $0x0  }
0xe5: {  	[sflag:s0] =	ssyncadd.s32 @!p0 s1  }
0xe6: {  	[bflag:$0x3] =	sbarrier.arrive $0xFFFF  }
0xe7: {  	_ =	shalt  }

// kernel: kernel.20.cloned.1.call-start
scs
__scs_entry_jumppad:
0x0: {  	(pc) =	sbr.rel $0x88, $3  }
0x1: {  	(tag) =	ssettag $0x0;
	lr =	simm.s32 $0x1  }
0x2: {  	[smem:$0x3F97] =	sst lr;
	_ =	strace $0xD0000000  }
0x3: {  	_ = 	snop  }
0x4: {  	_ = 	snop  }
0x5: {  	_ = 	snop  }
0x6: {  	_ = 	snop  }
0x7: {  	_ = 	snop  }
__scs_overlays_trampoline_lowered:
0x8: {  	[smem:$0x3FA6] =	sst s0  }
0x9: {  	[smem:$0x3FA7] =	sst s1  }
0xa: {  	[smem:$0x3FA8] =	sst s2  }
0xb: {  	[smem:$0x3FA9] =	sst s3  }
0xc: {  	[smem:$0x3FAA] =	sst s4  }
0xd: {  	[smem:$0x3FAB] =	sst s5  }
0xe: {  	[smem:$0x3FAC] =	sst s6  }
0xf: {  	[smem:$0x3FAD] =	sst s7  }
0x10: {  	[smem:$0x3FAE] =	sst s8  }
0x11: {  	[smem:$0x3FAF] =	sst s9;
	s0 =	simm.s32 @!p0 $0x0  }
0x12: {  	s1 =	sld [smem:$0x3F95];
	s0 =	simm.s32 @p0 $0x1  }
0x13: {  	[smem:$0x3FB0] =	sst s0;
	s0 =	simm.s32 @!p1 $0x0  }
0x14: {  	s2 =	sld [smem:$0x3F94];
	s0 =	simm.s32 @p1 $0x1  }
0x15: {  	[smem:$0x3FB1] =	sst s0;
	s0 =	simm.s32 @!p2 $0x0  }
0x16: {  	s3 =	sld [smem:$0x3FDB];
	s0 =	simm.s32 @p2 $0x1  }
0x17: {  	s4 =	simm.s32 $0x1BF5;
	[smem:$0x3FB3] =	sst s0  }
0x18: {  	s0 =	sld [smem:$0x3F96];
	_ =	swait.ge [sflag:s4], $0x0  }
0x19: {  	s7 =	sld [smem:$0x3F97]  }
0x1a: {  	s8 =	sadd.s32 $0xFFFFE003, lr  }
0x1b: {  	s9 =	sadd.s32 $0xFFFFFEF7, lr;
	s5 =	simm.s32 $0xFFFFFFFF;
	p2 =	slt.u32 s8, $0xFFFFF086  }
0x1c: {  	p1 =	slt.u32 s9, $0xF7A;
	s5 =	simm.s32 @!p2 $0x0  }
0x1d: {  	s5 =	simm.s32 @p1 $0x1;
	p0 =	seq.s32 s7, s2  }
0x1e: {  	s7 =	smul.u32 @!p0 $0xF7A, s2;
	p2 =	seq.s32 @!p0 s5, $0x0  }
0x1f: {  	s9 =	smul.u32 $0xF7A, s1;
	s8 =	simm.s32 @!p0 $0x1BF5;
	p2 =	por !p2, p0  }
0x20: {  	[sflag:s8] =	ssyncset.s32 @!p0 $0xFFFFF086;
	s6 =	sadd.s32 @!p0 s3, s7;
	s7 =	simm.s32 @!p0 $0x108  }
0x21: {  	s3 =	sadd.s32 s3, s9;
	s6 =	sadd.s32 @!p0 $0x88, s6;
	s7 =	simm.s32 @p2 $0x1082  }
0x22: {  	[simem:s7], [sflag:s8] =	dma.local @!p0 [hbm:s6], $0xF7A  }
0x23: {  	s9 =	sor.u32 $0xD0000000, s2;
	s6 =	simm.s32 $0x108;
	_ =	swait.ge @!p0 [sflag:s8], $0x0  }
0x24: {  	s3 =	sadd.s32 $0x88, s3;
	s6 =	simm.s32 @!p1 $0x1082;
	[sflag:s4] =	ssyncset.s32 $0xFFFFF086  }
0x25: {  	[simem:s6], [sflag:s4] =	dma.local [hbm:s3], $0xF7A  }
0x26: {  	[smem:$0x3F97] =	sst s1;
	(tag) =	ssettag s2;
	_ =	strace s9  }
0x27: {  	s1 =	sld [smem:$0x3FA7]  }
0x28: {  	s2 =	sld [smem:$0x3FA8]  }
0x29: {  	s4 =	sld [smem:$0x3FAA]  }
0x2a: {  	p0 =	seq.s32 s5, $0x0;
	s5 =	sld [smem:$0x3FAB]  }
0x2b: {  	s6 =	sld [smem:$0x3FAC]  }
0x2c: {  	s7 =	sld [smem:$0x3FAD]  }
0x2d: {  	s3 =	simm.s32 $0x108;
	s8 =	sld [smem:$0x3FAE]  }
0x2e: {  	s3 =	simm.s32 @!p0 $0x1082;
	s9 =	sld [smem:$0x3FAF]  }
0x2f: {  	lr =	sadd.s32 s0, s3;
	s0 =	sld [smem:$0x3FA6]  }
0x30: {  	s3 =	sld [smem:$0x3FA9]  }
0x31: {  	[smem:$0x3FB2] =	sst s10  }
0x32: {  	s10 =	sld [smem:$0x3FB0];
	_ =	sdelay $0x3  }
0x33: {  	p0 =	seq.s32 s10, $0x1;
	s10 =	sld [smem:$0x3FB2];
	_ =	sdelay $0x3  }
0x34: {  	[smem:$0x3FB2] =	sst s10  }
0x35: {  	s10 =	sld [smem:$0x3FB1];
	_ =	sdelay $0x3  }
0x36: {  	p1 =	seq.s32 s10, $0x1;
	s10 =	sld [smem:$0x3FB2];
	_ =	sdelay $0x3  }
0x37: {  	[smem:$0x3FB2] =	sst s10  }
0x38: {  	s10 =	sld [smem:$0x3FB3]  }
0x39: {  	_ = 	snop;
	(pc) =	sbr.ind lr, $3  }
0x3a: {  	_ = 	snop  }
0x3b: {  	_ = 	snop  }
0x3c: {  	p2 =	seq.s32 s10, $0x1;
	s10 =	sld [smem:$0x3FB2]  }
0x3d: {  	_ =	shalt  }
0x3e: {  	_ =	shalt  }
0x3f: {  	_ =	shalt  }
0x40: {  	_ =	shalt  }
0x41: {  	_ =	shalt  }
0x42: {  	_ =	shalt  }
0x43: {  	_ =	shalt  }
0x44: {  	_ =	shalt  }
0x45: {  	_ =	shalt  }
0x46: {  	_ =	shalt  }
0x47: {  	_ =	shalt  }
0x48: {  	_ =	shalt  }
0x49: {  	_ =	shalt  }
0x4a: {  	_ =	shalt  }
0x4b: {  	_ =	shalt  }
0x4c: {  	_ =	shalt  }
0x4d: {  	_ =	shalt  }
0x4e: {  	_ =	shalt  }
0x4f: {  	_ =	shalt  }
0x50: {  	_ =	shalt  }
0x51: {  	_ =	shalt  }
0x52: {  	_ =	shalt  }
0x53: {  	_ =	shalt  }
0x54: {  	_ =	shalt  }
0x55: {  	_ =	shalt  }
0x56: {  	_ =	shalt  }
0x57: {  	_ =	shalt  }
0x58: {  	_ =	shalt  }
0x59: {  	_ =	shalt  }
0x5a: {  	_ =	shalt  }
0x5b: {  	_ =	shalt  }
0x5c: {  	_ =	shalt  }
0x5d: {  	_ =	shalt  }
0x5e: {  	_ =	shalt  }
0x5f: {  	_ =	shalt  }
0x60: {  	_ =	shalt  }
0x61: {  	_ =	shalt  }
0x62: {  	_ =	shalt  }
0x63: {  	_ =	shalt  }
0x64: {  	_ =	shalt  }
0x65: {  	_ =	shalt  }
0x66: {  	_ =	shalt  }
0x67: {  	_ =	shalt  }
0x68: {  	_ =	shalt  }
0x69: {  	_ =	shalt  }
0x6a: {  	_ =	shalt  }
0x6b: {  	_ =	shalt  }
0x6c: {  	_ =	shalt  }
0x6d: {  	_ =	shalt  }
0x6e: {  	_ =	shalt  }
0x6f: {  	_ =	shalt  }
0x70: {  	_ =	shalt  }
0x71: {  	_ =	shalt  }
0x72: {  	_ =	shalt  }
0x73: {  	_ =	shalt  }
0x74: {  	_ =	shalt  }
0x75: {  	_ =	shalt  }
0x76: {  	_ =	shalt  }
0x77: {  	_ =	shalt  }
0x78: {  	_ =	shalt  }
0x79: {  	_ =	shalt  }
0x7a: {  	_ =	shalt  }
0x7b: {  	_ =	shalt  }
0x7c: {  	_ =	shalt  }
0x7d: {  	_ =	shalt  }
0x7e: {  	_ =	shalt  }
0x7f: {  	_ =	shalt  }
0x80: {  	_ =	shalt  }
0x81: {  	_ =	shalt  }
0x82: {  	_ =	shalt  }
0x83: {  	_ =	shalt  }
0x84: {  	_ =	shalt  }
0x85: {  	_ =	shalt  }
0x86: {  	_ =	shalt  }
0x87: {  	_ =	shalt  }
.Lfunc_end0:
.L_simem_size_0:
called_computation.3_lowered:
.L_overlay_start_0:
0x88: {  	s2 =	sld [smem:$0x3FD9]  }
0x89: {  	s3 =	sld [smem:$0x3FFE];
	_ =	sdelay $0x1  }
0x8a: {  	s1 =	srdreg.scid  }
0x8b: {  	s0 =	sand.u32 $0x1, s1  }
0x8c: {  	s14 =	sshll.u32 s0, $0xA;
	s2 =	sadd.s32 s3, s2  }
0x8d: {  	s2 =	sadd.s32 s2, s14  }
0x8e: {  	[smem:$0x3FBE] =	sst s2  }
0x8f: {  	_ = 	snop  }
0x90: {  	s2 =	sld [smem:$0x3FD0];
	_ =	sdelay $0x2  }
0x91: {  	s15 =	simm.s32 $0xB;
	s4 =	simm.s32 $0x10  }
0x92: {  	[smem:s4], [sflag:s15] =	dma.local [hbm:s2], $0x1  }
0x93: {  	_ =	swait.eq [sflag:s15], $0x1  }
0x94: {  	[sflag:s15] =	ssyncset.done $0x0  }
0x95: {  	[sflag:s15] =	ssyncadd.s32 $0xFFFFFFFF  }
0x96: {  	s16 =	sld [smem:$0x10];
	(tm) =	ssettm $0x1  }
0x97: {  	s17 =	sld [smem:$0x3FFB];
	_ =	sdelay $0x3  }
0x98: {  	_ =	strace s17  }
0x99: {  	s3 =	sld [smem:$0x3FFC];
	_ =	sdelay $0x3  }
0x9a: {  	_ =	strace s3  }
0x9b: {  	s3 =	sld [smem:$0x3FFD];
	_ =	sdelay $0x3  }
0x9c: {  	_ =	strace s3  }
0x9d: {  	_ =	strace $0x8FFFFFFF  }
0x9e: {  	s18 =	sld [smem:$0x3FDB];
	_ =	sdelay $0x1  }
0x9f: {  	s19 =	simm.s32 $_scs_section_size  }
0xa0: {  	s5 =	simm.s32 $_size__tile_overlayer_lowered;
	s6 =	simm.s32 $_tile_overlayer_lowered  }
0xa1: {  	s22 =	simm.s32 $0x1BFF;
	s21 =	sshll.u32 s6, $0x1;
	s3 =	sadd.s32 s19, s18  }
0xa2: {  	s7 =	simm.s32 $0x0;
	s20 =	sshll.u32 s5, $0x1;
	s5 =	sadd.s32 s21, s3  }
0xa3: {  	[timem:s7], [sflag:s22] =	dma.local [hbm:s5], s20  }
0xa4: {  	_ =	swait.ge [sflag:s22], s20  }
0xa5: {  	s4 =	ssub.s32 $0x0, s20;
	[sflag:s22] =	ssyncset.done $0x0  }
0xa6: {  	[sflag:s22] =	ssyncadd.s32 s4;
	_ =	sdelay $0x1  }
0xa7: {  	s23 =	simm.s32 $0x1B8B  }
0xa8: {  	_ =	swait.ge [sflag:s23], $0x1  }
0xa9: {  	[sflag:s23] =	ssyncset.done $0x0  }
0xaa: {  	s25 =	simm.s32 $0x1B8E;
	s24 =	sld [smem:$0x3FFE];
	[sflag:s23] =	ssyncadd.s32 $0xFFFFFFFF  }
0xab: {  	s26 =	simm.s32 $execute0_lowered;
	[smem:$0x3FD2] =	sst s25  }
0xac: {  	s5 =	sshll.u32 s26, $0x1;
	_ =	strace $0x8000004C;
	[dreg:$0x1] =	wrdreg $0xFFFFFFFF  }
0xad: {  	s28 =	simm.s32 $_size_execute0_lowered;
	s3 =	sadd.s32 s3, s5;
	[dreg:$0x0] =	wrdreg $0x0  }
0xae: {  	s5 =	sshll.u32 s28, $0x1;
	[dreg:$0x2] =	wrdreg s3  }
0xaf: {  	[dreg:$0x3] =	wrdreg s5  }
0xb0: {  	[dreg:$0x4] =	wrdreg $0xC0  }
0xb1: {  	_ =	task [dreg:s7], $0x5FFFF  }
0xb2: {  	[dreg:$0x1] =	wrdreg $0xFFFFFFFF  }
0xb3: {  	[dreg:$0x0] =	wrdreg $0x60  }
0xb4: {  	[dreg:$0x2] =	wrdreg s16  }
0xb5: {  	[dreg:$0x3] =	wrdreg s24  }
0xb6: {  	[dreg:$0x4] =	wrdreg $0x68000  }
0xb7: {  	[dreg:$0x5] =	wrdreg $0xA  }
0xb8: {  	_ =	task.clear_ibuf [dreg:s7], $0x6FFFF;
	_ =	strace $0x9000004C  }
0xb9: {  	s29 =	simm.s32 $0xA;
	_ =	strace $0x8000004E  }
0xba: {  	_ =	swait.ge [sflag:s29], $0x1  }
0xbb: {  	[sflag:s29] =	ssyncadd.s32 $0xFFFFFFFF  }
0xbc: {  	_ =	strace $0x9000004E  }
0xbd: {  	_ =	sfence  }
0xbe: {  	s30 =	sld [smem:$0x0];
	_ =	sdelay $0x2  }
0xbf: {  	s31 =	sshll.u32 s1, $0xD;
	s1 =	sshrl.u32 s1, $0x2  }
0xc0: {  	s3 =	sand.u32 $0x4000, s31;
	s1 =	sadd.s32 s1, s30  }
0xc1: {  	s0 =	sor.u32 s3, s0;
	s1 =	sshll.u32 s1, $0x11  }
0xc2: {  	s0 =	sor.u32 s1, s0  }
0xc3: {  	s0 =	sadd.s32 $0x8F2B, s0  }
0xc4: {  	[sflag:s0] =	ssyncadd.remote.s32 $0x1  }
0xc5: {  	_ =	sfence.sel $0xFFFF  }
0xc6: {  	[dreg:$0x0] =	wrdreg $0xFFFFFFFF;
	(pc) =	sbr.abs _section_cstart, $3  }
0xc7: {  	[dreg:$0x1] =	wrdreg $0xFFFFFFFF  }
0xc8: {  	_ =	task.clear_ibuf [dreg:s7], $0x2FFFF;
	_ =	strace $0x9FFFFFFF  }
0xc9: {  	(tm) =	ssettm $0x7FFFFFFF  }
tec
execute0_lowered:
.L_overlay_start_1:
0x0: {  	(tag) =	ssettag $0x1  }
0x1: {  	s2 =	rddreg [dreg:$0x0]  }
0x2: {  	s5 =	rddreg [dreg:$0x1];
	s0 =	srdreg.scid  }
0x3: {  	s3 =	rddreg [dreg:$0x2];
	s1 =	stileid.u32  }
0x4: {  	s4 =	simm.s32 $0x0;
	s14 =	simm.s32 $0x5;
	s15 =	simm.s32 $0x1400  }
0x5: {  	s16 =	simm.s32 $0x2800;
	s17 =	simm.s32 $0x80;
	s18 =	simm.s32 $0x4800  }
0x6: {  	s19 =	simm.s32 $0x1;
	s20 =	simm.s32 $0x2;
	s21 =	simm.s32 $0x3  }
0x7: {  	s22 =	simm.s32 $0x4;
	s23 =	simm.s32 $0x0;
	s8 =	smul.u32 $0xA000, s1  }
0x8: {  	s6 =	sand.u32 $0x1, s0;
	s0 =	rddreg [dreg:$0x3];
	s10 =	smul.u32 $0x28000, s1  }
0x9: {  	[smem:$0x7FF] =	sst s4;
	s7 =	sshll.u32 s6, $0x4;
	s9 =	smul.u32 $0xA0000, s6  }
0xa: {  	_ =	strace $0x8000004D;
	s6 =	ssub.s32 $0x2, s6;
	s7 =	sor.u32 s1, s7  }
0xb: {  	s30 =	sshrl.u32 s6, $0x1;
	s31 =	sshrl.u32 s10, $0x2;
	s7 =	smul.u32 $0x280, s7  }
0xc: {  	s9 =	sadd.s32 s8, s9;
	s13 =	ssub.s32 s6, s30;
	s11 =	sadd.s32 s31, s3  }
0xd: {  	s9 =	sshrl.u32 s9, $0x3;
	s10 =	sadd.s32 $0x6000, s11;
	s13 =	smax.u32 s13, $0x1  }
0xe: {  	s7 =	sadd.s32 s7, s5;
	s12 =	sadd.s32 s9, s5;
	s9 =	sadd.s32 $0x4000, s11  }
0xf: {  	s5 =	sadd.s32 $0x3C00, s7;
	s6 =	sadd.s32 $0x8C00, s7;
	s7 =	sadd.s32 s8, s3  }
0x10: {  	v0 =	vimm.f32 $0.0e+00;
	s8 =	sadd.s32 $0x2000, s11;
	s11 =	sadd.s32 $0x8000, s11;
	s12 =	sadd.s32 $0xDC00, s12  }
.LBB2_1:
0x11: {  	[tilespmem:s4], [sflag:$0x5] =	stream.linear.gather [hbm4b:s5+s4], $0x1400, $0x38;
	[tilespmem:$0x10800] =	vst v63  }
0x12: {  	_ =	swait.ge [sflag:s14], $0x1400  }
0x13: {  	[sflag:s14] =	ssyncset.done $0x0  }
0x14: {  	[sflag:s14] =	ssyncadd.s32 $0xFFFFEC00  }
0x15: {  	[tilespmem:s15], [sflag:$0x5] =	stream.linear.gather [hbm4b:s6+s4], $0x1400, $0x38;
	[tilespmem:$0x10800] =	vst v63  }
0x16: {  	_ =	swait.ge [sflag:s14], $0x1400  }
0x17: {  	[sflag:s14] =	ssyncset.done $0x0  }
0x18: {  	s25 =	simm.s32 $0x100;
	s24 =	simm.s32 $0x0;
	[sflag:s14] =	ssyncadd.s32 $0xFFFFEC00  }
.LBB2_2:
0x19: {  	p0 =	sne.s32 s25, $0x7F00;
	[tilespmem:s24+$0x2830] =	vst v0;
	s26 =	smov.u32 s25;
	s25 =	sadd.s32 $0x100, s25  }
.Ltmp0:
0x1a: {  	[tilespmem:s24+$0x2820] =	vst v0;
	(pc) =	sbr.rel @p0 .LBB2_2-.Ltmp0, $3  }
0x1b: {  	[tilespmem:s24+$0x2800] =	vst v0  }
0x1c: {  	[tilespmem:s24+$0x2810] =	vst v0;
	_ =	sdelay $0x1  }
0x1d: {  	s24 =	sshra.s32 s26, $0x2  }
0x1e: {  	[tilespmem:s24+$0x2830] =	vst v0  }
0x1f: {  	[tilespmem:s24+$0x2820] =	vst v0  }
0x20: {  	[tilespmem:s24+$0x2800] =	vst v0  }
0x21: {  	[tilespmem:s24+$0x2810] =	vst v0  }
0x22: {  	[spmem:s7] =	stream.linear.scatter [tilespmem:s16], [sflag:$0x5], $0x2000, $0x38;
	[tilespmem:$0x10800] =	vst v63  }
0x23: {  	_ =	swait.ge [sflag:s14], $0x2000  }
0x24: {  	[sflag:s14] =	ssyncset.done $0x0  }
0x25: {  	[sflag:s14] =	ssyncadd.s32 $0xFFFFE000  }
0x26: {  	[spmem:s8] =	stream.linear.scatter [tilespmem:s16], [sflag:$0x5], $0x2000, $0x38;
	[tilespmem:$0x10800] =	vst v63  }
0x27: {  	_ =	swait.ge [sflag:s14], $0x2000  }
0x28: {  	[sflag:s14] =	ssyncset.done $0x0  }
0x29: {  	[sflag:s14] =	ssyncadd.s32 $0xFFFFE000  }
0x2a: {  	[spmem:s9] =	stream.linear.scatter [tilespmem:s16], [sflag:$0x5], $0x2000, $0x38;
	[tilespmem:$0x10800] =	vst v63  }
0x2b: {  	_ =	swait.ge [sflag:s14], $0x2000  }
0x2c: {  	[sflag:s14] =	ssyncset.done $0x0  }
0x2d: {  	[sflag:s14] =	ssyncadd.s32 $0xFFFFE000  }
0x2e: {  	[spmem:s10] =	stream.linear.scatter [tilespmem:s16], [sflag:$0x5], $0x2000, $0x38;
	[tilespmem:$0x10800] =	vst v63  }
0x2f: {  	_ =	swait.ge [sflag:s14], $0x2000  }
0x30: {  	[sflag:s14] =	ssyncset.done $0x0  }
0x31: {  	[sflag:s14] =	ssyncadd.s32 $0xFFFFE000  }
0x32: {  	[spmem:s11] =	stream.linear.scatter [tilespmem:s16], [sflag:$0x5], $0x2000, $0x38;
	[tilespmem:$0x10800] =	vst v63  }
0x33: {  	_ =	swait.ge [sflag:s14], $0x2000  }
0x34: {  	[sflag:s14] =	ssyncset.done $0x0  }
0x35: {  	[sflag:s14] =	ssyncadd.s32 $0xFFFFE000  }
0x36: {  	s28 =	simm.s32 $0x0;
	[bflag:$0x0] =	sbarrier.arrive $0xFFFF  }
0x37: {  	[tilespmem:s16], [sflag:$0x1] =	stream.indirect.gather [hbm4b:s2+s17], $0x40, s28, s17, $0xb8;
	[tilespmem:$0x10800] =	vst v63  }
0x38: {  	s29 =	simm.s32 $0x80  }
0x39: {  	[tilespmem:s18], [sflag:$0x2] =	stream.indirect.gather [hbm4b:s2+s17], $0x40, s29, s17, $0xb8;
	[tilespmem:$0x10800] =	vst v63  }
0x3a: {  	_ =	swait.ge [sflag:s19], $0x2000  }
0x3b: {  	[sflag:s19] =	ssyncset.done $0x0  }
0x3c: {  	s30 =	simm.s32 $0x1400;
	[sflag:s19] =	ssyncadd.s32 $0xFFFFE000  }
0x3d: {  	[spmem:s3] =	stream.indirect.scatter.add.f32 [tilespmem:s16], [sflag:$0x3], $0x40, s30, s17, $0xb8;
	[tilespmem:$0x10800] =	vst v63  }
0x3e: {  	_ =	swait.ge [sflag:s20], $0x2000  }
0x3f: {  	[sflag:s20] =	ssyncset.done $0x0  }
0x40: {  	s31 =	simm.s32 $0x1480;
	[sflag:s20] =	ssyncadd.s32 $0xFFFFE000  }
0x41: {  	[spmem:s3] =	stream.indirect.scatter.add.f32 [tilespmem:s18], [sflag:$0x4], $0x40, s31, s17, $0xb8;
	[tilespmem:$0x10800] =	vst v63  }
0x42: {  	_ =	swait.ge [sflag:s21], $0x2000  }
0x43: {  	[sflag:s21] =	ssyncset.done $0x0  }
0x44: {  	[sflag:s21] =	ssyncadd.s32 $0xFFFFE000  }
0x45: {  	_ =	swait.ge [sflag:s22], $0x2000  }
0x46: {  	s24 =	simm.s32 $0x400;
	s25 =	simm.s32 $0x800;
	[sflag:s22] =	ssyncset.done $0x0  }
.LBB2_4:
0x47: {  	s26 =	sshra.s32 s24, $0x2  }
0x48: {  	[sflag:s22] =	ssyncadd.s32 $0xFFFFE000;
	s24 =	smov.u32 s25;
	s28 =	sadd.s32 $0x400, s25  }
0x49: {  	[tilespmem:s16], [sflag:$0x1] =	stream.indirect.gather [hbm4b:s2+s17], $0x40, s26, s17, $0xb8;
	[tilespmem:$0x10800] =	vst v63  }
0x4a: {  	p0 =	sne.s32 s25, $0x4C00;
	s25 =	sadd.s32 $0x80, s26  }
0x4b: {  	[tilespmem:s18], [sflag:$0x2] =	stream.indirect.gather [hbm4b:s2+s17], $0x40, s25, s17, $0xb8;
	[tilespmem:$0x10800] =	vst v63  }
0x4c: {  	_ =	swait.ge [sflag:s19], $0x2000  }
0x4d: {  	[sflag:s19] =	ssyncset.done $0x0  }
0x4e: {  	s25 =	sadd.s32 $0x1400, s26;
	[sflag:s19] =	ssyncadd.s32 $0xFFFFE000  }
0x4f: {  	[spmem:s3] =	stream.indirect.scatter.add.f32 [tilespmem:s16], [sflag:$0x3], $0x40, s25, s17, $0xb8;
	[tilespmem:$0x10800] =	vst v63  }
0x50: {  	_ =	swait.ge [sflag:s20], $0x2000  }
0x51: {  	[sflag:s20] =	ssyncset.done $0x0  }
0x52: {  	s25 =	sadd.s32 $0x1480, s26;
	[sflag:s20] =	ssyncadd.s32 $0xFFFFE000  }
0x53: {  	[spmem:s3] =	stream.indirect.scatter.add.f32 [tilespmem:s18], [sflag:$0x4], $0x40, s25, s17, $0xb8;
	[tilespmem:$0x10800] =	vst v63  }
.Ltmp1:
0x54: {  	_ =	swait.ge [sflag:s21], $0x2000;
	(pc) =	sbr.rel @p0 .LBB2_4-.Ltmp1, $4  }
0x55: {  	[sflag:s21] =	ssyncset.done $0x0  }
0x56: {  	[sflag:s21] =	ssyncadd.s32 $0xFFFFE000  }
0x57: {  	_ =	swait.ge [sflag:s22], $0x2000  }
0x58: {  	s25 =	smov.u32 s28;
	[sflag:s22] =	ssyncset.done $0x0  }
0x59: {  	s24 =	sshra.s32 s24, $0x2;
	[sflag:s22] =	ssyncadd.s32 $0xFFFFE000  }
0x5a: {  	[tilespmem:s16], [sflag:$0x1] =	stream.indirect.gather [hbm4b:s2+s17], $0x40, s24, s17, $0xb8;
	[tilespmem:$0x10800] =	vst v63  }
0x5b: {  	s25 =	sadd.s32 $0x80, s24  }
0x5c: {  	[tilespmem:s18], [sflag:$0x2] =	stream.indirect.gather [hbm4b:s2+s17], $0x40, s25, s17, $0xb8;
	[tilespmem:$0x10800] =	vst v63  }
0x5d: {  	_ =	swait.ge [sflag:s19], $0x2000  }
0x5e: {  	[sflag:s19] =	ssyncset.done $0x0  }
0x5f: {  	s29 =	sadd.s32 $0x1400, s24;
	[sflag:s19] =	ssyncadd.s32 $0xFFFFE000  }
0x60: {  	[spmem:s3] =	stream.indirect.scatter.add.f32 [tilespmem:s16], [sflag:$0x3], $0x40, s29, s17, $0xb8;
	[tilespmem:$0x10800] =	vst v63  }
0x61: {  	_ =	swait.ge [sflag:s20], $0x2000  }
0x62: {  	[sflag:s20] =	ssyncset.done $0x0  }
0x63: {  	s24 =	sadd.s32 $0x1480, s24;
	[sflag:s20] =	ssyncadd.s32 $0xFFFFE000  }
0x64: {  	[spmem:s3] =	stream.indirect.scatter.add.f32 [tilespmem:s18], [sflag:$0x4], $0x40, s24, s17, $0xb8;
	[tilespmem:$0x10800] =	vst v63  }
0x65: {  	_ =	swait.ge [sflag:s21], $0x2000  }
0x66: {  	[sflag:s21] =	ssyncset.done $0x0  }
0x67: {  	[sflag:s21] =	ssyncadd.s32 $0xFFFFE000  }
0x68: {  	_ =	swait.ge [sflag:s22], $0x2000  }
0x69: {  	s30 =	sshll.u32 s1, $0x6;
	s23 =	sadd.s32 $0x1, s23;
	[sflag:s22] =	ssyncset.done $0x0  }
0x6a: {  	s31 =	sshrl.u32 s7, $0x3;
	p0 =	sne.s32 s23, s13;
	[sflag:s22] =	ssyncadd.s32 $0xFFFFE000  }
.Ltmp2:
0x6b: {  	s24 =	sor.u32 $0x1C05, s30;
	[bflag:$0x0] =	sbarrier.arrive $0xFFFF;
	(pc) =	sbr.rel @p0 .LBB2_1-.Ltmp2, $4  }
0x6c: {  	[hbm:s12], [sflag:s24] =	dma.local [spmem:s31], $0x1400  }
0x6d: {  	_ =	swait.ge [sflag:s14], $0x1400  }
0x6e: {  	[sflag:s14] =	ssyncset.done $0x0  }
0x6f: {  	[sflag:s14] =	ssyncadd.s32 $0xFFFFEC00  }
0x70: {  	_ =	sfence.sel $0x180000  }
0x71: {  	[bflag:$0x0] =	sbarrier.arrive $0xFFFF  }
0x72: {  	p0 =	sne.s32 s1, $0x0;
	_ =	strace $0x9000004D  }
0x73: {  	s0 =	sadd.s32 @!p0 $0x100000, s0;
	[bflag:$0x2] =	sbarrier.arrive $0xFFFF  }
0x74: {  	[sflag:s0] =	ssyncadd.tile.s32 @!p0 $0x1;
	_ =	shalt  }
.Lfunc_end2:
_tile_overlayer_lowered:
.L_overlay_start_2:
0x75: {  	(tag) =	ssettag $0x2  }
0x76: {  	s0 =	rddreg [dreg:$0x0];
	s2 =	stileid.u32  }
0x77: {  	s1 =	rddreg [dreg:$0x1];
	p0 =	sne.s32 s2, $0x0  }
0x78: {  	s3 =	rddreg [dreg:$0x2];
	[bflag:$0x3] =	sbarrier.arrive $0xFFFF;
	s2 =	simm.s32 @!p0 $0x1C05  }
0x79: {  	[timem:s3], [sflag:s2] =	dma.local @!p0 [hbm:s0], s1  }
0x7a: {  	s0 =	simm.s32 @!p0 $0x5  }
0x7b: {  	_ =	swait.ge @!p0 [sflag:s0], s1  }
0x7c: {  	s1 =	ssub.s32 @!p0 $0x0, s1;
	[sflag:s0] =	ssyncset.done @!p0 $0x0  }
0x7d: {  	[sflag:s0] =	ssyncadd.s32 @!p0 s1  }
0x7e: {  	[bflag:$0x3] =	sbarrier.arrive $0xFFFF  }
0x7f: {  	_ =	shalt  }

// kernel: kernel.23.cloned.1.call-start
scs
__scs_entry_jumppad:
0x0: {  	(pc) =	sbr.rel $0x88, $3  }
0x1: {  	(tag) =	ssettag $0x0;
	lr =	simm.s32 $0x1  }
0x2: {  	[smem:$0x3F97] =	sst lr;
	_ =	strace $0xD0000000  }
0x3: {  	_ = 	snop  }
0x4: {  	_ = 	snop  }
0x5: {  	_ = 	snop  }
0x6: {  	_ = 	snop  }
0x7: {  	_ = 	snop  }
__scs_overlays_trampoline_lowered:
0x8: {  	[smem:$0x3FA6] =	sst s0  }
0x9: {  	[smem:$0x3FA7] =	sst s1  }
0xa: {  	[smem:$0x3FA8] =	sst s2  }
0xb: {  	[smem:$0x3FA9] =	sst s3  }
0xc: {  	[smem:$0x3FAA] =	sst s4  }
0xd: {  	[smem:$0x3FAB] =	sst s5  }
0xe: {  	[smem:$0x3FAC] =	sst s6  }
0xf: {  	[smem:$0x3FAD] =	sst s7  }
0x10: {  	[smem:$0x3FAE] =	sst s8  }
0x11: {  	[smem:$0x3FAF] =	sst s9;
	s0 =	simm.s32 @!p0 $0x0  }
0x12: {  	s1 =	sld [smem:$0x3F95];
	s0 =	simm.s32 @p0 $0x1  }
0x13: {  	[smem:$0x3FB0] =	sst s0;
	s0 =	simm.s32 @!p1 $0x0  }
0x14: {  	s2 =	sld [smem:$0x3F94];
	s0 =	simm.s32 @p1 $0x1  }
0x15: {  	[smem:$0x3FB1] =	sst s0;
	s0 =	simm.s32 @!p2 $0x0  }
0x16: {  	s3 =	sld [smem:$0x3FDB];
	s0 =	simm.s32 @p2 $0x1  }
0x17: {  	s4 =	simm.s32 $0x1BF5;
	[smem:$0x3FB3] =	sst s0  }
0x18: {  	s0 =	sld [smem:$0x3F96];
	_ =	swait.ge [sflag:s4], $0x0  }
0x19: {  	s7 =	sld [smem:$0x3F97]  }
0x1a: {  	s8 =	sadd.s32 $0xFFFFE003, lr  }
0x1b: {  	s9 =	sadd.s32 $0xFFFFFEF7, lr;
	s5 =	simm.s32 $0xFFFFFFFF;
	p2 =	slt.u32 s8, $0xFFFFF086  }
0x1c: {  	p1 =	slt.u32 s9, $0xF7A;
	s5 =	simm.s32 @!p2 $0x0  }
0x1d: {  	s5 =	simm.s32 @p1 $0x1;
	p0 =	seq.s32 s7, s2  }
0x1e: {  	s7 =	smul.u32 @!p0 $0xF7A, s2;
	p2 =	seq.s32 @!p0 s5, $0x0  }
0x1f: {  	s9 =	smul.u32 $0xF7A, s1;
	s8 =	simm.s32 @!p0 $0x1BF5;
	p2 =	por !p2, p0  }
0x20: {  	[sflag:s8] =	ssyncset.s32 @!p0 $0xFFFFF086;
	s6 =	sadd.s32 @!p0 s3, s7;
	s7 =	simm.s32 @!p0 $0x108  }
0x21: {  	s3 =	sadd.s32 s3, s9;
	s6 =	sadd.s32 @!p0 $0x88, s6;
	s7 =	simm.s32 @p2 $0x1082  }
0x22: {  	[simem:s7], [sflag:s8] =	dma.local @!p0 [hbm:s6], $0xF7A  }
0x23: {  	s9 =	sor.u32 $0xD0000000, s2;
	s6 =	simm.s32 $0x108;
	_ =	swait.ge @!p0 [sflag:s8], $0x0  }
0x24: {  	s3 =	sadd.s32 $0x88, s3;
	s6 =	simm.s32 @!p1 $0x1082;
	[sflag:s4] =	ssyncset.s32 $0xFFFFF086  }
0x25: {  	[simem:s6], [sflag:s4] =	dma.local [hbm:s3], $0xF7A  }
0x26: {  	[smem:$0x3F97] =	sst s1;
	(tag) =	ssettag s2;
	_ =	strace s9  }
0x27: {  	s1 =	sld [smem:$0x3FA7]  }
0x28: {  	s2 =	sld [smem:$0x3FA8]  }
0x29: {  	s4 =	sld [smem:$0x3FAA]  }
0x2a: {  	p0 =	seq.s32 s5, $0x0;
	s5 =	sld [smem:$0x3FAB]  }
0x2b: {  	s6 =	sld [smem:$0x3FAC]  }
0x2c: {  	s7 =	sld [smem:$0x3FAD]  }
0x2d: {  	s3 =	simm.s32 $0x108;
	s8 =	sld [smem:$0x3FAE]  }
0x2e: {  	s3 =	simm.s32 @!p0 $0x1082;
	s9 =	sld [smem:$0x3FAF]  }
0x2f: {  	lr =	sadd.s32 s0, s3;
	s0 =	sld [smem:$0x3FA6]  }
0x30: {  	s3 =	sld [smem:$0x3FA9]  }
0x31: {  	[smem:$0x3FB2] =	sst s10  }
0x32: {  	s10 =	sld [smem:$0x3FB0];
	_ =	sdelay $0x3  }
0x33: {  	p0 =	seq.s32 s10, $0x1;
	s10 =	sld [smem:$0x3FB2];
	_ =	sdelay $0x3  }
0x34: {  	[smem:$0x3FB2] =	sst s10  }
0x35: {  	s10 =	sld [smem:$0x3FB1];
	_ =	sdelay $0x3  }
0x36: {  	p1 =	seq.s32 s10, $0x1;
	s10 =	sld [smem:$0x3FB2];
	_ =	sdelay $0x3  }
0x37: {  	[smem:$0x3FB2] =	sst s10  }
0x38: {  	s10 =	sld [smem:$0x3FB3]  }
0x39: {  	_ = 	snop;
	(pc) =	sbr.ind lr, $3  }
0x3a: {  	_ = 	snop  }
0x3b: {  	_ = 	snop  }
0x3c: {  	p2 =	seq.s32 s10, $0x1;
	s10 =	sld [smem:$0x3FB2]  }
0x3d: {  	_ =	shalt  }
0x3e: {  	_ =	shalt  }
0x3f: {  	_ =	shalt  }
0x40: {  	_ =	shalt  }
0x41: {  	_ =	shalt  }
0x42: {  	_ =	shalt  }
0x43: {  	_ =	shalt  }
0x44: {  	_ =	shalt  }
0x45: {  	_ =	shalt  }
0x46: {  	_ =	shalt  }
0x47: {  	_ =	shalt  }
0x48: {  	_ =	shalt  }
0x49: {  	_ =	shalt  }
0x4a: {  	_ =	shalt  }
0x4b: {  	_ =	shalt  }
0x4c: {  	_ =	shalt  }
0x4d: {  	_ =	shalt  }
0x4e: {  	_ =	shalt  }
0x4f: {  	_ =	shalt  }
0x50: {  	_ =	shalt  }
0x51: {  	_ =	shalt  }
0x52: {  	_ =	shalt  }
0x53: {  	_ =	shalt  }
0x54: {  	_ =	shalt  }
0x55: {  	_ =	shalt  }
0x56: {  	_ =	shalt  }
0x57: {  	_ =	shalt  }
0x58: {  	_ =	shalt  }
0x59: {  	_ =	shalt  }
0x5a: {  	_ =	shalt  }
0x5b: {  	_ =	shalt  }
0x5c: {  	_ =	shalt  }
0x5d: {  	_ =	shalt  }
0x5e: {  	_ =	shalt  }
0x5f: {  	_ =	shalt  }
0x60: {  	_ =	shalt  }
0x61: {  	_ =	shalt  }
0x62: {  	_ =	shalt  }
0x63: {  	_ =	shalt  }
0x64: {  	_ =	shalt  }
0x65: {  	_ =	shalt  }
0x66: {  	_ =	shalt  }
0x67: {  	_ =	shalt  }
0x68: {  	_ =	shalt  }
0x69: {  	_ =	shalt  }
0x6a: {  	_ =	shalt  }
0x6b: {  	_ =	shalt  }
0x6c: {  	_ =	shalt  }
0x6d: {  	_ =	shalt  }
0x6e: {  	_ =	shalt  }
0x6f: {  	_ =	shalt  }
0x70: {  	_ =	shalt  }
0x71: {  	_ =	shalt  }
0x72: {  	_ =	shalt  }
0x73: {  	_ =	shalt  }
0x74: {  	_ =	shalt  }
0x75: {  	_ =	shalt  }
0x76: {  	_ =	shalt  }
0x77: {  	_ =	shalt  }
0x78: {  	_ =	shalt  }
0x79: {  	_ =	shalt  }
0x7a: {  	_ =	shalt  }
0x7b: {  	_ =	shalt  }
0x7c: {  	_ =	shalt  }
0x7d: {  	_ =	shalt  }
0x7e: {  	_ =	shalt  }
0x7f: {  	_ =	shalt  }
0x80: {  	_ =	shalt  }
0x81: {  	_ =	shalt  }
0x82: {  	_ =	shalt  }
0x83: {  	_ =	shalt  }
0x84: {  	_ =	shalt  }
0x85: {  	_ =	shalt  }
0x86: {  	_ =	shalt  }
0x87: {  	_ =	shalt  }
.Lfunc_end0:
.L_simem_size_0:
called_computation.4_lowered:
.L_overlay_start_0:
0x88: {  	s2 =	sld [smem:$0x3FD9]  }
0x89: {  	s3 =	sld [smem:$0x3FFE];
	_ =	sdelay $0x1  }
0x8a: {  	s1 =	srdreg.scid  }
0x8b: {  	s0 =	sand.u32 $0x1, s1  }
0x8c: {  	s14 =	sshll.u32 s0, $0xA;
	s2 =	sadd.s32 s3, s2  }
0x8d: {  	s2 =	sadd.s32 s2, s14  }
0x8e: {  	[smem:$0x3FBE] =	sst s2  }
0x8f: {  	_ = 	snop  }
0x90: {  	s2 =	sld [smem:$0x3FD0];
	_ =	sdelay $0x2  }
0x91: {  	s15 =	simm.s32 $0xB;
	s4 =	simm.s32 $0x10  }
0x92: {  	[smem:s4], [sflag:s15] =	dma.local [hbm:s2], $0x1  }
0x93: {  	_ =	swait.eq [sflag:s15], $0x1  }
0x94: {  	[sflag:s15] =	ssyncset.done $0x0  }
0x95: {  	[sflag:s15] =	ssyncadd.s32 $0xFFFFFFFF  }
0x96: {  	s16 =	sld [smem:$0x10];
	(tm) =	ssettm $0x1  }
0x97: {  	s17 =	sld [smem:$0x3FFB];
	_ =	sdelay $0x3  }
0x98: {  	_ =	strace s17  }
0x99: {  	s3 =	sld [smem:$0x3FFC];
	_ =	sdelay $0x3  }
0x9a: {  	_ =	strace s3  }
0x9b: {  	s3 =	sld [smem:$0x3FFD];
	_ =	sdelay $0x3  }
0x9c: {  	_ =	strace s3  }
0x9d: {  	_ =	strace $0x8FFFFFFF  }
0x9e: {  	s18 =	sld [smem:$0x3FDB];
	_ =	sdelay $0x1  }
0x9f: {  	s19 =	simm.s32 $_scs_section_size  }
0xa0: {  	s5 =	simm.s32 $_size__tile_overlayer_lowered;
	s6 =	simm.s32 $_tile_overlayer_lowered  }
0xa1: {  	s22 =	simm.s32 $0x1BFF;
	s21 =	sshll.u32 s6, $0x1;
	s3 =	sadd.s32 s19, s18  }
0xa2: {  	s7 =	simm.s32 $0x0;
	s20 =	sshll.u32 s5, $0x1;
	s5 =	sadd.s32 s21, s3  }
0xa3: {  	[timem:s7], [sflag:s22] =	dma.local [hbm:s5], s20  }
0xa4: {  	_ =	swait.ge [sflag:s22], s20  }
0xa5: {  	s4 =	ssub.s32 $0x0, s20;
	[sflag:s22] =	ssyncset.done $0x0  }
0xa6: {  	[sflag:s22] =	ssyncadd.s32 s4;
	_ =	sdelay $0x1  }
0xa7: {  	s23 =	simm.s32 $0x1B8B  }
0xa8: {  	_ =	swait.ge [sflag:s23], $0x1  }
0xa9: {  	[sflag:s23] =	ssyncset.done $0x0  }
0xaa: {  	s25 =	simm.s32 $0x1B8E;
	s24 =	sld [smem:$0x3FFE];
	[sflag:s23] =	ssyncadd.s32 $0xFFFFFFFF  }
0xab: {  	s26 =	simm.s32 $execute0_lowered;
	[smem:$0x3FD2] =	sst s25  }
0xac: {  	s5 =	sshll.u32 s26, $0x1;
	_ =	strace $0x80000052;
	[dreg:$0x1] =	wrdreg $0xFFFFFFFF  }
0xad: {  	s28 =	simm.s32 $_size_execute0_lowered;
	s3 =	sadd.s32 s3, s5;
	[dreg:$0x0] =	wrdreg $0x0  }
0xae: {  	s5 =	sshll.u32 s28, $0x1;
	[dreg:$0x2] =	wrdreg s3  }
0xaf: {  	[dreg:$0x3] =	wrdreg s5  }
0xb0: {  	[dreg:$0x4] =	wrdreg $0xC0  }
0xb1: {  	_ =	task [dreg:s7], $0x5FFFF  }
0xb2: {  	[dreg:$0x1] =	wrdreg $0xFFFFFFFF  }
0xb3: {  	[dreg:$0x0] =	wrdreg $0x60  }
0xb4: {  	[dreg:$0x2] =	wrdreg s16  }
0xb5: {  	[dreg:$0x3] =	wrdreg s24  }
0xb6: {  	[dreg:$0x4] =	wrdreg $0xA8000  }
0xb7: {  	[dreg:$0x5] =	wrdreg $0x9  }
0xb8: {  	_ =	task.clear_ibuf [dreg:s7], $0x6FFFF;
	_ =	strace $0x90000052  }
0xb9: {  	s29 =	simm.s32 $0x9;
	_ =	strace $0x80000054  }
0xba: {  	_ =	swait.ge [sflag:s29], $0x1  }
0xbb: {  	[sflag:s29] =	ssyncadd.s32 $0xFFFFFFFF  }
0xbc: {  	_ =	strace $0x90000054  }
0xbd: {  	_ =	sfence  }
0xbe: {  	s30 =	sld [smem:$0x0];
	_ =	sdelay $0x2  }
0xbf: {  	s31 =	sshll.u32 s1, $0xD;
	s1 =	sshrl.u32 s1, $0x2  }
0xc0: {  	s3 =	sand.u32 $0x4000, s31;
	s1 =	sadd.s32 s1, s30  }
0xc1: {  	s0 =	sor.u32 s3, s0;
	s1 =	sshll.u32 s1, $0x11  }
0xc2: {  	s0 =	sor.u32 s1, s0  }
0xc3: {  	s0 =	sadd.s32 $0x8F2B, s0  }
0xc4: {  	[sflag:s0] =	ssyncadd.remote.s32 $0x1  }
0xc5: {  	_ =	sfence.sel $0xFFFF  }
0xc6: {  	[dreg:$0x0] =	wrdreg $0xFFFFFFFF;
	(pc) =	sbr.abs _section_cstart, $3  }
0xc7: {  	[dreg:$0x1] =	wrdreg $0xFFFFFFFF  }
0xc8: {  	_ =	task.clear_ibuf [dreg:s7], $0x2FFFF;
	_ =	strace $0x9FFFFFFF  }
0xc9: {  	(tm) =	ssettm $0x7FFFFFFF  }
tec
execute0_lowered:
.L_overlay_start_1:
0x0: {  	(tag) =	ssettag $0x1  }
0x1: {  	s1 =	rddreg [dreg:$0x0]  }
0x2: {  	s6 =	rddreg [dreg:$0x1]  }
0x3: {  	s0 =	srdreg.scid;
	s3 =	rddreg [dreg:$0x2]  }
0x4: {  	s4 =	simm.s32 $0x0;
	s14 =	simm.s32 $0x5;
	s15 =	simm.s32 $0x1400  }
0x5: {  	s16 =	simm.s32 $0x2800;
	s17 =	simm.s32 $0x80;
	s18 =	simm.s32 $0x6800  }
0x6: {  	s19 =	simm.s32 $0x1;
	s20 =	simm.s32 $0x2;
	s5 =	sand.u32 $0x1, s0  }
0x7: {  	s21 =	simm.s32 $0x3;
	s0 =	stileid.u32;
	s8 =	smul.u32 $0x140000, s5  }
0x8: {  	s22 =	simm.s32 $0x4;
	s25 =	simm.s32 $0x0;
	s9 =	smul.u32 $0x14000, s0  }
0x9: {  	[smem:$0x7FF] =	sst s4;
	s2 =	sshll.u32 s5, $0x4;
	s10 =	smul.u32 $0x50000, s0  }
0xa: {  	s5 =	ssub.s32 $0x2, s5;
	s23 =	sshll.u32 s0, $0x6;
	s2 =	sor.u32 s0, s2  }
0xb: {  	s31 =	sshrl.u32 s5, $0x1;
	s23 =	sor.u32 $0x1C05, s23;
	s7 =	smul.u32 $0x280, s2  }
0xc: {  	s2 =	rddreg [dreg:$0x3];
	_ =	strace $0x80000053;
	s8 =	sadd.s32 s9, s8  }
0xd: {  	s10 =	sshrl.u32 s10, $0x2;
	s13 =	ssub.s32 s5, s31;
	s8 =	sshrl.u32 s8, $0x3  }
0xe: {  	s5 =	sadd.s32 s10, s3;
	s13 =	smax.u32 s13, $0x1;
	s7 =	sadd.s32 s7, s6  }
0xf: {  	s12 =	sadd.s32 s8, s6;
	s8 =	sadd.s32 $0x4000, s5;
	s9 =	sadd.s32 $0x8000, s5  }
0x10: {  	s10 =	sadd.s32 $0xC000, s5;
	s11 =	sadd.s32 $0x10000, s5;
	s24 =	sshrl.u32 s5, $0x3  }
0x11: {  	v0 =	vimm.f32 $0.0e+00;
	s6 =	sadd.s32 $0x3C00, s7;
	s7 =	sadd.s32 $0x8C00, s7;
	s12 =	sadd.s32 $0xDC00, s12  }
.LBB2_1:
0x12: {  	[tilespmem:s4], [sflag:$0x5] =	stream.linear.gather [hbm4b:s6+s4], $0x1400, $0x38;
	[tilespmem:$0x1E800] =	vst v63  }
0x13: {  	_ =	swait.ge [sflag:s14], $0x1400  }
0x14: {  	[sflag:s14] =	ssyncset.done $0x0  }
0x15: {  	[sflag:s14] =	ssyncadd.s32 $0xFFFFEC00  }
0x16: {  	[tilespmem:s15], [sflag:$0x5] =	stream.linear.gather [hbm4b:s7+s4], $0x1400, $0x38;
	[tilespmem:$0x1E800] =	vst v63  }
0x17: {  	_ =	swait.ge [sflag:s14], $0x1400  }
0x18: {  	[sflag:s14] =	ssyncset.done $0x0  }
0x19: {  	s26 =	simm.s32 $0x0;
	s28 =	simm.s32 $0x200;
	[sflag:s14] =	ssyncadd.s32 $0xFFFFEC00  }
.LBB2_2:
0x1a: {  	p0 =	sne.s32 s28, $0xFE00;
	[tilespmem:s26+$0x2870] =	vst v0  }
0x1b: {  	[tilespmem:s26+$0x2800] =	vst v0  }
0x1c: {  	[tilespmem:s26+$0x2810] =	vst v0  }
.Ltmp0:
0x1d: {  	[tilespmem:s26+$0x2820] =	vst v0;
	(pc) =	sbr.rel @p0 .LBB2_2-.Ltmp0, $4  }
0x1e: {  	[tilespmem:s26+$0x2830] =	vst v0  }
0x1f: {  	[tilespmem:s26+$0x2840] =	vst v0  }
0x20: {  	[tilespmem:s26+$0x2850] =	vst v0  }
0x21: {  	[tilespmem:s26+$0x2860] =	vst v0;
	s26 =	sshra.s32 s28, $0x2;
	s28 =	sadd.s32 $0x200, s28  }
0x22: {  	[tilespmem:s26+$0x2870] =	vst v0  }
0x23: {  	[tilespmem:s26+$0x2800] =	vst v0  }
0x24: {  	[tilespmem:s26+$0x2810] =	vst v0  }
0x25: {  	[tilespmem:s26+$0x2820] =	vst v0  }
0x26: {  	[tilespmem:s26+$0x2830] =	vst v0  }
0x27: {  	[tilespmem:s26+$0x2840] =	vst v0  }
0x28: {  	[tilespmem:s26+$0x2850] =	vst v0  }
0x29: {  	[tilespmem:s26+$0x2860] =	vst v0  }
0x2a: {  	[spmem:s5] =	stream.linear.scatter [tilespmem:s16], [sflag:$0x5], $0x4000, $0x38;
	[tilespmem:$0x1E800] =	vst v63  }
0x2b: {  	_ =	swait.ge [sflag:s14], $0x4000  }
0x2c: {  	[sflag:s14] =	ssyncset.done $0x0  }
0x2d: {  	[sflag:s14] =	ssyncadd.s32 $0xFFFFC000  }
0x2e: {  	[spmem:s8] =	stream.linear.scatter [tilespmem:s16], [sflag:$0x5], $0x4000, $0x38;
	[tilespmem:$0x1E800] =	vst v63  }
0x2f: {  	_ =	swait.ge [sflag:s14], $0x4000  }
0x30: {  	[sflag:s14] =	ssyncset.done $0x0  }
0x31: {  	[sflag:s14] =	ssyncadd.s32 $0xFFFFC000  }
0x32: {  	[spmem:s9] =	stream.linear.scatter [tilespmem:s16], [sflag:$0x5], $0x4000, $0x38;
	[tilespmem:$0x1E800] =	vst v63  }
0x33: {  	_ =	swait.ge [sflag:s14], $0x4000  }
0x34: {  	[sflag:s14] =	ssyncset.done $0x0  }
0x35: {  	[sflag:s14] =	ssyncadd.s32 $0xFFFFC000  }
0x36: {  	[spmem:s10] =	stream.linear.scatter [tilespmem:s16], [sflag:$0x5], $0x4000, $0x38;
	[tilespmem:$0x1E800] =	vst v63  }
0x37: {  	_ =	swait.ge [sflag:s14], $0x4000  }
0x38: {  	[sflag:s14] =	ssyncset.done $0x0  }
0x39: {  	[sflag:s14] =	ssyncadd.s32 $0xFFFFC000  }
0x3a: {  	[spmem:s11] =	stream.linear.scatter [tilespmem:s16], [sflag:$0x5], $0x4000, $0x38;
	[tilespmem:$0x1E800] =	vst v63  }
0x3b: {  	_ =	swait.ge [sflag:s14], $0x4000  }
0x3c: {  	[sflag:s14] =	ssyncset.done $0x0  }
0x3d: {  	[sflag:s14] =	ssyncadd.s32 $0xFFFFC000  }
0x3e: {  	s31 =	simm.s32 $0x0;
	[bflag:$0x0] =	sbarrier.arrive $0xFFFF  }
0x3f: {  	[tilespmem:s16], [sflag:$0x1] =	stream.indirect.gather [hbm4b:s1+s17], $0x80, s31, s17, $0xb8;
	[tilespmem:$0x1E800] =	vst v63  }
0x40: {  	s29 =	simm.s32 $0x80  }
0x41: {  	[tilespmem:s18], [sflag:$0x2] =	stream.indirect.gather [hbm4b:s1+s17], $0x80, s29, s17, $0xb8;
	[tilespmem:$0x1E800] =	vst v63  }
0x42: {  	_ =	swait.ge [sflag:s19], $0x4000  }
0x43: {  	[sflag:s19] =	ssyncset.done $0x0  }
0x44: {  	s30 =	simm.s32 $0x1400;
	[sflag:s19] =	ssyncadd.s32 $0xFFFFC000  }
0x45: {  	[spmem:s3] =	stream.indirect.scatter.add.f32 [tilespmem:s16], [sflag:$0x3], $0x80, s30, s17, $0xb8;
	[tilespmem:$0x1E800] =	vst v63  }
0x46: {  	_ =	swait.ge [sflag:s20], $0x4000  }
0x47: {  	[sflag:s20] =	ssyncset.done $0x0  }
0x48: {  	s31 =	simm.s32 $0x1480;
	[sflag:s20] =	ssyncadd.s32 $0xFFFFC000  }
0x49: {  	[spmem:s3] =	stream.indirect.scatter.add.f32 [tilespmem:s18], [sflag:$0x4], $0x80, s31, s17, $0xb8;
	[tilespmem:$0x1E800] =	vst v63  }
0x4a: {  	_ =	swait.ge [sflag:s21], $0x4000  }
0x4b: {  	[sflag:s21] =	ssyncset.done $0x0  }
0x4c: {  	[sflag:s21] =	ssyncadd.s32 $0xFFFFC000  }
0x4d: {  	_ =	swait.ge [sflag:s22], $0x4000  }
0x4e: {  	s26 =	simm.s32 $0x400;
	s28 =	simm.s32 $0x800;
	[sflag:s22] =	ssyncset.done $0x0  }
.LBB2_4:
0x4f: {  	s29 =	sshra.s32 s26, $0x2  }
0x50: {  	[sflag:s22] =	ssyncadd.s32 $0xFFFFC000;
	s26 =	smov.u32 s28;
	s30 =	sadd.s32 $0x400, s28  }
0x51: {  	[tilespmem:s16], [sflag:$0x1] =	stream.indirect.gather [hbm4b:s1+s17], $0x80, s29, s17, $0xb8;
	[tilespmem:$0x1E800] =	vst v63  }
0x52: {  	p0 =	sne.s32 s28, $0x4C00;
	s28 =	sadd.s32 $0x80, s29  }
0x53: {  	[tilespmem:s18], [sflag:$0x2] =	stream.indirect.gather [hbm4b:s1+s17], $0x80, s28, s17, $0xb8;
	[tilespmem:$0x1E800] =	vst v63  }
0x54: {  	_ =	swait.ge [sflag:s19], $0x4000  }
0x55: {  	[sflag:s19] =	ssyncset.done $0x0  }
0x56: {  	s28 =	sadd.s32 $0x1400, s29;
	[sflag:s19] =	ssyncadd.s32 $0xFFFFC000  }
0x57: {  	[spmem:s3] =	stream.indirect.scatter.add.f32 [tilespmem:s16], [sflag:$0x3], $0x80, s28, s17, $0xb8;
	[tilespmem:$0x1E800] =	vst v63  }
0x58: {  	_ =	swait.ge [sflag:s20], $0x4000  }
0x59: {  	[sflag:s20] =	ssyncset.done $0x0  }
0x5a: {  	s28 =	sadd.s32 $0x1480, s29;
	[sflag:s20] =	ssyncadd.s32 $0xFFFFC000  }
0x5b: {  	[spmem:s3] =	stream.indirect.scatter.add.f32 [tilespmem:s18], [sflag:$0x4], $0x80, s28, s17, $0xb8;
	[tilespmem:$0x1E800] =	vst v63  }
.Ltmp1:
0x5c: {  	_ =	swait.ge [sflag:s21], $0x4000;
	(pc) =	sbr.rel @p0 .LBB2_4-.Ltmp1, $4  }
0x5d: {  	[sflag:s21] =	ssyncset.done $0x0  }
0x5e: {  	[sflag:s21] =	ssyncadd.s32 $0xFFFFC000  }
0x5f: {  	_ =	swait.ge [sflag:s22], $0x4000  }
0x60: {  	s28 =	smov.u32 s30;
	[sflag:s22] =	ssyncset.done $0x0  }
0x61: {  	s26 =	sshra.s32 s26, $0x2;
	[sflag:s22] =	ssyncadd.s32 $0xFFFFC000  }
0x62: {  	[tilespmem:s16], [sflag:$0x1] =	stream.indirect.gather [hbm4b:s1+s17], $0x80, s26, s17, $0xb8;
	[tilespmem:$0x1E800] =	vst v63  }
0x63: {  	s28 =	sadd.s32 $0x80, s26  }
0x64: {  	[tilespmem:s18], [sflag:$0x2] =	stream.indirect.gather [hbm4b:s1+s17], $0x80, s28, s17, $0xb8;
	[tilespmem:$0x1E800] =	vst v63  }
0x65: {  	_ =	swait.ge [sflag:s19], $0x4000  }
0x66: {  	[sflag:s19] =	ssyncset.done $0x0  }
0x67: {  	s31 =	sadd.s32 $0x1400, s26;
	[sflag:s19] =	ssyncadd.s32 $0xFFFFC000  }
0x68: {  	[spmem:s3] =	stream.indirect.scatter.add.f32 [tilespmem:s16], [sflag:$0x3], $0x80, s31, s17, $0xb8;
	[tilespmem:$0x1E800] =	vst v63  }
0x69: {  	_ =	swait.ge [sflag:s20], $0x4000  }
0x6a: {  	[sflag:s20] =	ssyncset.done $0x0  }
0x6b: {  	s26 =	sadd.s32 $0x1480, s26;
	[sflag:s20] =	ssyncadd.s32 $0xFFFFC000  }
0x6c: {  	[spmem:s3] =	stream.indirect.scatter.add.f32 [tilespmem:s18], [sflag:$0x4], $0x80, s26, s17, $0xb8;
	[tilespmem:$0x1E800] =	vst v63  }
0x6d: {  	_ =	swait.ge [sflag:s21], $0x4000  }
0x6e: {  	[sflag:s21] =	ssyncset.done $0x0  }
0x6f: {  	[sflag:s21] =	ssyncadd.s32 $0xFFFFC000  }
0x70: {  	_ =	swait.ge [sflag:s22], $0x4000  }
0x71: {  	s25 =	sadd.s32 $0x1, s25;
	[sflag:s22] =	ssyncset.done $0x0  }
0x72: {  	p0 =	sne.s32 s25, s13;
	[sflag:s22] =	ssyncadd.s32 $0xFFFFC000  }
.Ltmp2:
0x73: {  	[bflag:$0x0] =	sbarrier.arrive $0xFFFF;
	(pc) =	sbr.rel @p0 .LBB2_1-.Ltmp2, $4  }
0x74: {  	[hbm:s12], [sflag:s23] =	dma.local [spmem:s24], $0x2800  }
0x75: {  	_ =	swait.ge [sflag:s14], $0x2800  }
0x76: {  	[sflag:s14] =	ssyncset.done $0x0  }
0x77: {  	[sflag:s14] =	ssyncadd.s32 $0xFFFFD800  }
0x78: {  	_ =	sfence.sel $0x180000  }
0x79: {  	[bflag:$0x0] =	sbarrier.arrive $0xFFFF  }
0x7a: {  	p0 =	sne.s32 s0, $0x0;
	_ =	strace $0x90000053  }
0x7b: {  	s0 =	sadd.s32 @!p0 $0x100000, s2;
	[bflag:$0x2] =	sbarrier.arrive $0xFFFF  }
0x7c: {  	[sflag:s0] =	ssyncadd.tile.s32 @!p0 $0x1;
	_ =	shalt  }
.Lfunc_end2:
_tile_overlayer_lowered:
.L_overlay_start_2:
0x7d: {  	(tag) =	ssettag $0x2  }
0x7e: {  	s0 =	rddreg [dreg:$0x0];
	s2 =	stileid.u32  }
0x7f: {  	s1 =	rddreg [dreg:$0x1];
	p0 =	sne.s32 s2, $0x0  }
0x80: {  	s3 =	rddreg [dreg:$0x2];
	[bflag:$0x3] =	sbarrier.arrive $0xFFFF;
	s2 =	simm.s32 @!p0 $0x1C05  }
0x81: {  	[timem:s3], [sflag:s2] =	dma.local @!p0 [hbm:s0], s1  }
0x82: {  	s0 =	simm.s32 @!p0 $0x5  }
0x83: {  	_ =	swait.ge @!p0 [sflag:s0], s1  }
0x84: {  	s1 =	ssub.s32 @!p0 $0x0, s1;
	[sflag:s0] =	ssyncset.done @!p0 $0x0  }
0x85: {  	[sflag:s0] =	ssyncadd.s32 @!p0 s1  }
0x86: {  	[bflag:$0x3] =	sbarrier.arrive $0xFFFF  }
0x87: {  	_ =	shalt  }

</sc_bundles>
